<compile_context>
chip_gen: v7x
topology: tpu7x:2x2x1
jax: 0.10.2.dev20260603
libtpu: 0.0.44.dev20260713+nightly
codegen_flags: <defaults>
</compile_context>

<pallas_src>
import functools

import jax
import jax.numpy as jnp
from jax import lax
from jax.experimental import pallas as pl
from jax.experimental.pallas import tpu as pltpu
from jax.experimental.pallas import tpu_sc as plsc

_N = 4096
_BR = 128
_FS = _BR * _N
_FR = _FS // 128

_ROT = ((13, 15, 26, 6), (17, 29, 16, 24))


def _threefry_bits(cnt):
    ks = (jnp.uint32(0), jnp.uint32(42), jnp.uint32(0 ^ 42 ^ 0x1BD11BDA))
    x0 = jnp.full(cnt.shape, ks[0], jnp.uint32)
    x1 = cnt + ks[1]
    for i in range(5):
        for r in _ROT[i % 2]:
            x0 = x0 + x1
            x1 = (x1 << jnp.uint32(r)) | (x1 >> jnp.uint32(32 - r))
            x1 = x1 ^ x0
        x0 = x0 + ks[(i + 1) % 3]
        x1 = x1 + ks[(i + 2) % 3] + jnp.uint32(i + 1)
    return x0 ^ x1


_SCW = 32
_WPW = (_N * _N) // _SCW
_CHW = 16384
_NCH = _WPW // _CHW


def _make_ei_sc():
    mesh = plsc.VectorSubcoreMesh(core_axis_name="c", subcore_axis_name="s")

    @functools.partial(
        pl.kernel,
        mesh=mesh,
        out_type=jax.ShapeDtypeStruct((2, _N * _N), jnp.int32),
        scratch_types=[
            pltpu.VMEM((_CHW,), jnp.int32),
            pltpu.VMEM((_CHW,), jnp.int32),
            pltpu.VMEM((_CHW,), jnp.int32),
            pltpu.SemaphoreType.DMA,
            pltpu.SemaphoreType.DMA,
        ],
    )
    def _ei_sc(out_hbm, e1_v, e0a_v, e0b_v, sem1, sem0):
        wid = lax.axis_index("s") * 2 + lax.axis_index("c")
        f0 = wid * _WPW
        lanes = lax.iota(jnp.int32, 16)

        def fill1(t, _):
            e1_v[pl.ds(16 * t, 16)] = ((16 * t) & (_N - 1)) + lanes
            return 0

        lax.fori_loop(0, _CHW // 16, fill1, 0, unroll=4)
        d1 = []
        for ch in range(_NCH):
            d1.append(pltpu.async_copy(
                e1_v, out_hbm.at[1, pl.ds(f0 + ch * _CHW, _CHW)], sem1))

        def fill0(buf, ch):
            n0 = (f0 + ch * _CHW) >> 12

            def body(t, _):
                buf[pl.ds(16 * t, 16)] = jnp.full((16,), n0 + (t >> 8), jnp.int32)
                return 0

            lax.fori_loop(0, _CHW // 16, body, 0, unroll=4)

        d0 = []
        for ch in range(_NCH):
            buf = e0a_v if ch % 2 == 0 else e0b_v
            if ch >= 2:
                d0[ch - 2].wait()
            fill0(buf, ch)
            d0.append(pltpu.async_copy(
                buf, out_hbm.at[0, pl.ds(f0 + ch * _CHW, _CHW)], sem0))
        for d in d0[-2:]:
            d.wait()
        for d in d1:
            d.wait()

    return _ei_sc


def _samples_body(scale_ref, scores_ref, samples_ref):
    i = pl.program_id(0)
    row = jax.lax.broadcasted_iota(jnp.int32, (_BR, _N), 0) + i * _BR
    col = jax.lax.broadcasted_iota(jnp.int32, (_BR, _N), 1)
    cnt = (row * _N + col).astype(jnp.uint32)
    bits = _threefry_bits(cnt)
    mant = (bits >> jnp.uint32(9)) | jnp.uint32(0x3F800000)
    u = jax.lax.bitcast_convert_type(mant, jnp.float32) - jnp.float32(1.0)
    p = jax.nn.sigmoid(scores_ref[...])
    scale = scale_ref[0, 0]
    vals = jnp.where(u < p, scale, jnp.float32(0.0))
    samples_ref[...] = vals.reshape(_FR, 128)


def kernel(x, n_adjs, scores):
    del x
    scale = jnp.asarray(n_adjs, jnp.float32).reshape(1, 1)
    ei2 = _make_ei_sc()()
    samples = pl.pallas_call(
        _samples_body,
        grid=(_N // _BR,),
        in_specs=[
            pl.BlockSpec(memory_space=pltpu.SMEM),
            pl.BlockSpec((_BR, _N), lambda i: (i, 0)),
        ],
        out_specs=pl.BlockSpec((_FR, 128), lambda i: (i, 0)),
        out_shape=jax.ShapeDtypeStruct((_N * _N // 128, 128), jnp.float32),
        compiler_params=pltpu.CompilerParams(
            dimension_semantics=("parallel",),
        ),
    )(scale, scores)
    return (ei2, samples.reshape(_N * _N))

# --- scband reference (transcript-rebuilt; emitter-appended) ---
"""Pipeline reference for scband-parametrized-bernoulli-sampler-61314953117739 (READ-ONLY COPY).

The authoritative reference and input builder live on the scoring server;
editing this copy changes nothing except your own understanding.
"""

import jax, jax.numpy as jnp
import numpy as np

NUM_NODES = 4096


def _inverse_sigmoid(p):
    return jnp.log(p) - jnp.log1p(-p)


def setup_inputs(seed: int = 0) -> dict:
    key = jax.random.key(seed)
    k1, k2 = jax.random.split(key, 2)
    x = jax.random.normal(k1, (NUM_NODES, 128), dtype=jnp.float32)
    # learned parameter: scores = inverse_sigmoid(initial_probs) with
    # initial_probs = 0.05 * ones + (rand - 0.5) * 2 * 0.05  (matches torch __init__)
    initial_probs = 0.05 + (jax.random.uniform(k2, (NUM_NODES, NUM_NODES), dtype=jnp.float32) - 0.5) * 2.0 * 0.05
    initial_probs = jnp.clip(initial_probs, 1e-6, 1.0 - 1e-6)
    scores = _inverse_sigmoid(initial_probs)
    return {"x": x, "n_adjs": 1, "scores": scores}


def _compute_full_ei(num_nodes):
    ar = jnp.arange(num_nodes, dtype=jnp.int32)
    ei0 = jnp.repeat(ar, num_nodes)  # (n_nodes_0 n_nodes_1) with row index varying slowly
    ei1 = jnp.tile(ar, num_nodes)
    return jnp.stack([ei0, ei1])


def reference(x, n_adjs, scores):
    # straight-through ('st') gradient estimator path
    n_adjs_static = 1
    probs = jax.nn.sigmoid(scores)
    skey = jax.random.key(42)
    samples = jax.random.bernoulli(skey, probs, shape=(n_adjs_static,) + probs.shape).astype(jnp.float32)
    samples = jax.lax.stop_gradient(samples)
    st_samples = samples + (probs - jax.lax.stop_gradient(probs))[None, :, :]
    st_samples = st_samples.reshape(n_adjs_static, -1)  # n_adjs (n0 n1)
    adj_scale = jnp.asarray(n_adjs, dtype=st_samples.dtype) / n_adjs_static
    st_samples = st_samples * adj_scale
    dense_full_ed_idx = _compute_full_ei(probs.shape[0])
    # torch returns [((edge_index, st_samples[i]), None) for i in range(n_adjs)];
    # flatten for n_adjs samples into a tuple of arrays
    outs = []
    for i in range(n_adjs_static):
        outs.append(dense_full_ed_idx)
        outs.append(st_samples[i])
    return tuple(outs)

if __name__ == "__main__":
    import jax
    _d = setup_inputs()
    print(jax.jit(kernel)(*tuple(_d.values())))

</pallas_src>

<mosaic_0001>
#map = affine_map<(d0, d1) -> (0, 0)>
module attributes {stable_mosaic.version = 14 : i64} {
  func.func @_ei_sc(%arg0: i32, %arg1: i32, %arg2: memref<2x16777216xi32, #tpu.memory_space<hbm>>, %arg3: memref<16384xi32, #tpu.memory_space<vmem>>, %arg4: memref<16384xi32, #tpu.memory_space<vmem>>, %arg5: memref<16384xi32, #tpu.memory_space<vmem>>, %arg6: memref<!tpu.dma_semaphore, #tpu.memory_space<semaphore_mem>>, %arg7: memref<!tpu.dma_semaphore, #tpu.memory_space<semaphore_mem>>) attributes {dimension_semantics = [#tpu.dimension_semantics<core_parallel>, #tpu.dimension_semantics<subcore_parallel>], iteration_bounds = array<i64: 2, 16>, scalar_prefetch = 0 : i64, scratch_operands = 5 : i64, tpu.core_type = #tpu.core_type<sc_vector_subcore>, window_params = [{transform_indices = #map}]} {
    %mul3A = arith.constant 2 : i32
    %mul3A_0 = arith.muli %arg1, %mul3A : i32
    %add3A = arith.addi %mul3A_0, %arg0 : i32
    %mul3A_1 = arith.constant 524288 : i32
    %mul3A_2 = arith.muli %add3A, %mul3A_1 : i32
    %iota3A = tpu.iota {dimensions = array<i32: 0>} : vector<16xi32>
    %scan3A = arith.constant 0 : i32
    %scan3A_3 = arith.constant 0 : i32
    %scan3A_4 = arith.constant 1024 : i32
    %scan3A_5 = arith.addi %scan3A_3, %scan3A_4 : i32
    %scan3A_6 = arith.constant 4 : i32
    %scan3A_7 = scf.for %scan3A_1126 = %scan3A_3 to %scan3A_5 step %scan3A_6 iter_args(%scan3A_1127 = %scan3A) -> (i32)  : i32 {
      %mul3A_1128 = arith.constant 16 : i32
      %mul3A_1129 = arith.muli %mul3A_1128, %scan3A_1126 : i32
      %and3A = arith.constant 4095 : i32
      %and3A_1130 = arith.andi %mul3A_1129, %and3A : i32
      %add3A_1131 = vector.broadcast %and3A_1130 : i32 to vector<16xi32>
      %add3A_1132 = arith.addi %add3A_1131, %iota3A : vector<16xi32>
      %mul3A_1133 = arith.constant 16 : i32
      %mul3A_1134 = arith.muli %mul3A_1133, %scan3A_1126 : i32
      %swap3A = arith.index_cast %mul3A_1134 : i32 to index
      %swap3A_1135 = tpu.vector_load %arg3[%swap3A] {strides = array<i32>} : memref<16384xi32, #tpu.memory_space<vmem>>, vector<16xi32>,
      %swap3A_1136 = vector.shape_cast %swap3A_1135 : vector<16xi32> to vector<16xi32>
      %swap3A_1137 = vector.shape_cast %add3A_1132 : vector<16xi32> to vector<16xi32>
      tpu.vector_store %arg3[%swap3A], %swap3A_1137 {strides = array<i32>} : memref<16384xi32, #tpu.memory_space<vmem>>, vector<16xi32>,
      %scan3A_1138 = arith.constant 0 : i32
      %scan3A_1139 = arith.constant 1 : i32
      %scan3A_1140 = arith.addi %scan3A_1126, %scan3A_1139 : i32
      %mul3A_1141 = arith.constant 16 : i32
      %mul3A_1142 = arith.muli %mul3A_1141, %scan3A_1140 : i32
      %and3A_1143 = arith.constant 4095 : i32
      %and3A_1144 = arith.andi %mul3A_1142, %and3A_1143 : i32
      %add3A_1145 = vector.broadcast %and3A_1144 : i32 to vector<16xi32>
      %add3A_1146 = arith.addi %add3A_1145, %iota3A : vector<16xi32>
      %mul3A_1147 = arith.constant 16 : i32
      %mul3A_1148 = arith.muli %mul3A_1147, %scan3A_1140 : i32
      %swap3A_1149 = arith.index_cast %mul3A_1148 : i32 to index
      %swap3A_1150 = tpu.vector_load %arg3[%swap3A_1149] {strides = array<i32>} : memref<16384xi32, #tpu.memory_space<vmem>>, vector<16xi32>,
      %swap3A_1151 = vector.shape_cast %swap3A_1150 : vector<16xi32> to vector<16xi32>
      %swap3A_1152 = vector.shape_cast %add3A_1146 : vector<16xi32> to vector<16xi32>
      tpu.vector_store %arg3[%swap3A_1149], %swap3A_1152 {strides = array<i32>} : memref<16384xi32, #tpu.memory_space<vmem>>, vector<16xi32>,
      %scan3A_1153 = arith.constant 0 : i32
      %scan3A_1154 = arith.constant 2 : i32
      %scan3A_1155 = arith.addi %scan3A_1126, %scan3A_1154 : i32
      %mul3A_1156 = arith.constant 16 : i32
      %mul3A_1157 = arith.muli %mul3A_1156, %scan3A_1155 : i32
      %and3A_1158 = arith.constant 4095 : i32
      %and3A_1159 = arith.andi %mul3A_1157, %and3A_1158 : i32
      %add3A_1160 = vector.broadcast %and3A_1159 : i32 to vector<16xi32>
      %add3A_1161 = arith.addi %add3A_1160, %iota3A : vector<16xi32>
      %mul3A_1162 = arith.constant 16 : i32
      %mul3A_1163 = arith.muli %mul3A_1162, %scan3A_1155 : i32
      %swap3A_1164 = arith.index_cast %mul3A_1163 : i32 to index
      %swap3A_1165 = tpu.vector_load %arg3[%swap3A_1164] {strides = array<i32>} : memref<16384xi32, #tpu.memory_space<vmem>>, vector<16xi32>,
      %swap3A_1166 = vector.shape_cast %swap3A_1165 : vector<16xi32> to vector<16xi32>
      %swap3A_1167 = vector.shape_cast %add3A_1161 : vector<16xi32> to vector<16xi32>
      tpu.vector_store %arg3[%swap3A_1164], %swap3A_1167 {strides = array<i32>} : memref<16384xi32, #tpu.memory_space<vmem>>, vector<16xi32>,
      %scan3A_1168 = arith.constant 0 : i32
      %scan3A_1169 = arith.constant 3 : i32
      %scan3A_1170 = arith.addi %scan3A_1126, %scan3A_1169 : i32
      %mul3A_1171 = arith.constant 16 : i32
      %mul3A_1172 = arith.muli %mul3A_1171, %scan3A_1170 : i32
      %and3A_1173 = arith.constant 4095 : i32
      %and3A_1174 = arith.andi %mul3A_1172, %and3A_1173 : i32
      %add3A_1175 = vector.broadcast %and3A_1174 : i32 to vector<16xi32>
      %add3A_1176 = arith.addi %add3A_1175, %iota3A : vector<16xi32>
      %mul3A_1177 = arith.constant 16 : i32
      %mul3A_1178 = arith.muli %mul3A_1177, %scan3A_1170 : i32
      %swap3A_1179 = arith.index_cast %mul3A_1178 : i32 to index
      %swap3A_1180 = tpu.vector_load %arg3[%swap3A_1179] {strides = array<i32>} : memref<16384xi32, #tpu.memory_space<vmem>>, vector<16xi32>,
      %swap3A_1181 = vector.shape_cast %swap3A_1180 : vector<16xi32> to vector<16xi32>
      %swap3A_1182 = vector.shape_cast %add3A_1176 : vector<16xi32> to vector<16xi32>
      tpu.vector_store %arg3[%swap3A_1179], %swap3A_1182 {strides = array<i32>} : memref<16384xi32, #tpu.memory_space<vmem>>, vector<16xi32>,
      %scan3A_1183 = arith.constant 0 : i32
      scf.yield %scan3A_1183 : i32
    }
    %scan3A_8 = arith.constant 1024 : i32
    %add3A_9 = arith.constant 0 : i32
    %add3A_10 = arith.addi %mul3A_2, %add3A_9 : i32
    %dma_start3A = arith.constant 1 : i32
    %dma_start3A_11 = tpu.memref_slice %arg2[%dma_start3A, %add3A_10] : memref<2x16777216xi32, #tpu.memory_space<hbm>> -> memref<1x16384xi32, #tpu.memory_space<hbm>>
    %dma_start3A_12 = tpu.memref_squeeze %dma_start3A_11 : memref<1x16384xi32, #tpu.memory_space<hbm>> -> memref<16384xi32, #tpu.memory_space<hbm>>
    %dma_start3A_13 = tpu.memref_slice %arg2[%dma_start3A, %add3A_10] : memref<2x16777216xi32, #tpu.memory_space<hbm>> -> memref<1x16384xi32, #tpu.memory_space<hbm>>
    %dma_start3A_14 = tpu.memref_squeeze %dma_start3A_13 : memref<1x16384xi32, #tpu.memory_space<hbm>> -> memref<16384xi32, #tpu.memory_space<hbm>>
    tpu.enqueue_dma source(%arg3 : memref<16384xi32, #tpu.memory_space<vmem>>) target(%dma_start3A_14 : memref<16384xi32, #tpu.memory_space<hbm>>) target_semaphore(%arg6 : memref<!tpu.dma_semaphore, #tpu.memory_space<semaphore_mem>>)
    %add3A_15 = arith.constant 16384 : i32
    %add3A_16 = arith.addi %mul3A_2, %add3A_15 : i32
    %dma_start3A_17 = arith.constant 1 : i32
    %dma_start3A_18 = tpu.memref_slice %arg2[%dma_start3A_17, %add3A_16] : memref<2x16777216xi32, #tpu.memory_space<hbm>> -> memref<1x16384xi32, #tpu.memory_space<hbm>>
    %dma_start3A_19 = tpu.memref_squeeze %dma_start3A_18 : memref<1x16384xi32, #tpu.memory_space<hbm>> -> memref<16384xi32, #tpu.memory_space<hbm>>
    %dma_start3A_20 = tpu.memref_slice %arg2[%dma_start3A_17, %add3A_16] : memref<2x16777216xi32, #tpu.memory_space<hbm>> -> memref<1x16384xi32, #tpu.memory_space<hbm>>
    %dma_start3A_21 = tpu.memref_squeeze %dma_start3A_20 : memref<1x16384xi32, #tpu.memory_space<hbm>> -> memref<16384xi32, #tpu.memory_space<hbm>>
    tpu.enqueue_dma source(%arg3 : memref<16384xi32, #tpu.memory_space<vmem>>) target(%dma_start3A_21 : memref<16384xi32, #tpu.memory_space<hbm>>) target_semaphore(%arg6 : memref<!tpu.dma_semaphore, #tpu.memory_space<semaphore_mem>>)
    %add3A_22 = arith.constant 32768 : i32
    %add3A_23 = arith.addi %mul3A_2, %add3A_22 : i32
    %dma_start3A_24 = arith.constant 1 : i32
    %dma_start3A_25 = tpu.memref_slice %arg2[%dma_start3A_24, %add3A_23] : memref<2x16777216xi32, #tpu.memory_space<hbm>> -> memref<1x16384xi32, #tpu.memory_space<hbm>>
    %dma_start3A_26 = tpu.memref_squeeze %dma_start3A_25 : memref<1x16384xi32, #tpu.memory_space<hbm>> -> memref<16384xi32, #tpu.memory_space<hbm>>
    %dma_start3A_27 = tpu.memref_slice %arg2[%dma_start3A_24, %add3A_23] : memref<2x16777216xi32, #tpu.memory_space<hbm>> -> memref<1x16384xi32, #tpu.memory_space<hbm>>
    %dma_start3A_28 = tpu.memref_squeeze %dma_start3A_27 : memref<1x16384xi32, #tpu.memory_space<hbm>> -> memref<16384xi32, #tpu.memory_space<hbm>>
    tpu.enqueue_dma source(%arg3 : memref<16384xi32, #tpu.memory_space<vmem>>) target(%dma_start3A_28 : memref<16384xi32, #tpu.memory_space<hbm>>) target_semaphore(%arg6 : memref<!tpu.dma_semaphore, #tpu.memory_space<semaphore_mem>>)
    %add3A_29 = arith.constant 49152 : i32
    %add3A_30 = arith.addi %mul3A_2, %add3A_29 : i32
    %dma_start3A_31 = arith.constant 1 : i32
    %dma_start3A_32 = tpu.memref_slice %arg2[%dma_start3A_31, %add3A_30] : memref<2x16777216xi32, #tpu.memory_space<hbm>> -> memref<1x16384xi32, #tpu.memory_space<hbm>>
    %dma_start3A_33 = tpu.memref_squeeze %dma_start3A_32 : memref<1x16384xi32, #tpu.memory_space<hbm>> -> memref<16384xi32, #tpu.memory_space<hbm>>
    %dma_start3A_34 = tpu.memref_slice %arg2[%dma_start3A_31, %add3A_30] : memref<2x16777216xi32, #tpu.memory_space<hbm>> -> memref<1x16384xi32, #tpu.memory_space<hbm>>
    %dma_start3A_35 = tpu.memref_squeeze %dma_start3A_34 : memref<1x16384xi32, #tpu.memory_space<hbm>> -> memref<16384xi32, #tpu.memory_space<hbm>>
    tpu.enqueue_dma source(%arg3 : memref<16384xi32, #tpu.memory_space<vmem>>) target(%dma_start3A_35 : memref<16384xi32, #tpu.memory_space<hbm>>) target_semaphore(%arg6 : memref<!tpu.dma_semaphore, #tpu.memory_space<semaphore_mem>>)
    %add3A_36 = arith.constant 65536 : i32
    %add3A_37 = arith.addi %mul3A_2, %add3A_36 : i32
    %dma_start3A_38 = arith.constant 1 : i32
    %dma_start3A_39 = tpu.memref_slice %arg2[%dma_start3A_38, %add3A_37] : memref<2x16777216xi32, #tpu.memory_space<hbm>> -> memref<1x16384xi32, #tpu.memory_space<hbm>>
    %dma_start3A_40 = tpu.memref_squeeze %dma_start3A_39 : memref<1x16384xi32, #tpu.memory_space<hbm>> -> memref<16384xi32, #tpu.memory_space<hbm>>
    %dma_start3A_41 = tpu.memref_slice %arg2[%dma_start3A_38, %add3A_37] : memref<2x16777216xi32, #tpu.memory_space<hbm>> -> memref<1x16384xi32, #tpu.memory_space<hbm>>
    %dma_start3A_42 = tpu.memref_squeeze %dma_start3A_41 : memref<1x16384xi32, #tpu.memory_space<hbm>> -> memref<16384xi32, #tpu.memory_space<hbm>>
    tpu.enqueue_dma source(%arg3 : memref<16384xi32, #tpu.memory_space<vmem>>) target(%dma_start3A_42 : memref<16384xi32, #tpu.memory_space<hbm>>) target_semaphore(%arg6 : memref<!tpu.dma_semaphore, #tpu.memory_space<semaphore_mem>>)
    %add3A_43 = arith.constant 81920 : i32
    %add3A_44 = arith.addi %mul3A_2, %add3A_43 : i32
    %dma_start3A_45 = arith.constant 1 : i32
    %dma_start3A_46 = tpu.memref_slice %arg2[%dma_start3A_45, %add3A_44] : memref<2x16777216xi32, #tpu.memory_space<hbm>> -> memref<1x16384xi32, #tpu.memory_space<hbm>>
    %dma_start3A_47 = tpu.memref_squeeze %dma_start3A_46 : memref<1x16384xi32, #tpu.memory_space<hbm>> -> memref<16384xi32, #tpu.memory_space<hbm>>
    %dma_start3A_48 = tpu.memref_slice %arg2[%dma_start3A_45, %add3A_44] : memref<2x16777216xi32, #tpu.memory_space<hbm>> -> memref<1x16384xi32, #tpu.memory_space<hbm>>
    %dma_start3A_49 = tpu.memref_squeeze %dma_start3A_48 : memref<1x16384xi32, #tpu.memory_space<hbm>> -> memref<16384xi32, #tpu.memory_space<hbm>>
    tpu.enqueue_dma source(%arg3 : memref<16384xi32, #tpu.memory_space<vmem>>) target(%dma_start3A_49 : memref<16384xi32, #tpu.memory_space<hbm>>) target_semaphore(%arg6 : memref<!tpu.dma_semaphore, #tpu.memory_space<semaphore_mem>>)
    %add3A_50 = arith.constant 98304 : i32
    %add3A_51 = arith.addi %mul3A_2, %add3A_50 : i32
    %dma_start3A_52 = arith.constant 1 : i32
    %dma_start3A_53 = tpu.memref_slice %arg2[%dma_start3A_52, %add3A_51] : memref<2x16777216xi32, #tpu.memory_space<hbm>> -> memref<1x16384xi32, #tpu.memory_space<hbm>>
    %dma_start3A_54 = tpu.memref_squeeze %dma_start3A_53 : memref<1x16384xi32, #tpu.memory_space<hbm>> -> memref<16384xi32, #tpu.memory_space<hbm>>
    %dma_start3A_55 = tpu.memref_slice %arg2[%dma_start3A_52, %add3A_51] : memref<2x16777216xi32, #tpu.memory_space<hbm>> -> memref<1x16384xi32, #tpu.memory_space<hbm>>
    %dma_start3A_56 = tpu.memref_squeeze %dma_start3A_55 : memref<1x16384xi32, #tpu.memory_space<hbm>> -> memref<16384xi32, #tpu.memory_space<hbm>>
    tpu.enqueue_dma source(%arg3 : memref<16384xi32, #tpu.memory_space<vmem>>) target(%dma_start3A_56 : memref<16384xi32, #tpu.memory_space<hbm>>) target_semaphore(%arg6 : memref<!tpu.dma_semaphore, #tpu.memory_space<semaphore_mem>>)
    %add3A_57 = arith.constant 114688 : i32
    %add3A_58 = arith.addi %mul3A_2, %add3A_57 : i32
    %dma_start3A_59 = arith.constant 1 : i32
    %dma_start3A_60 = tpu.memref_slice %arg2[%dma_start3A_59, %add3A_58] : memref<2x16777216xi32, #tpu.memory_space<hbm>> -> memref<1x16384xi32, #tpu.memory_space<hbm>>
    %dma_start3A_61 = tpu.memref_squeeze %dma_start3A_60 : memref<1x16384xi32, #tpu.memory_space<hbm>> -> memref<16384xi32, #tpu.memory_space<hbm>>
    %dma_start3A_62 = tpu.memref_slice %arg2[%dma_start3A_59, %add3A_58] : memref<2x16777216xi32, #tpu.memory_space<hbm>> -> memref<1x16384xi32, #tpu.memory_space<hbm>>
    %dma_start3A_63 = tpu.memref_squeeze %dma_start3A_62 : memref<1x16384xi32, #tpu.memory_space<hbm>> -> memref<16384xi32, #tpu.memory_space<hbm>>
    tpu.enqueue_dma source(%arg3 : memref<16384xi32, #tpu.memory_space<vmem>>) target(%dma_start3A_63 : memref<16384xi32, #tpu.memory_space<hbm>>) target_semaphore(%arg6 : memref<!tpu.dma_semaphore, #tpu.memory_space<semaphore_mem>>)
    %add3A_64 = arith.constant 131072 : i32
    %add3A_65 = arith.addi %mul3A_2, %add3A_64 : i32
    %dma_start3A_66 = arith.constant 1 : i32
    %dma_start3A_67 = tpu.memref_slice %arg2[%dma_start3A_66, %add3A_65] : memref<2x16777216xi32, #tpu.memory_space<hbm>> -> memref<1x16384xi32, #tpu.memory_space<hbm>>
    %dma_start3A_68 = tpu.memref_squeeze %dma_start3A_67 : memref<1x16384xi32, #tpu.memory_space<hbm>> -> memref<16384xi32, #tpu.memory_space<hbm>>
    %dma_start3A_69 = tpu.memref_slice %arg2[%dma_start3A_66, %add3A_65] : memref<2x16777216xi32, #tpu.memory_space<hbm>> -> memref<1x16384xi32, #tpu.memory_space<hbm>>
    %dma_start3A_70 = tpu.memref_squeeze %dma_start3A_69 : memref<1x16384xi32, #tpu.memory_space<hbm>> -> memref<16384xi32, #tpu.memory_space<hbm>>
    tpu.enqueue_dma source(%arg3 : memref<16384xi32, #tpu.memory_space<vmem>>) target(%dma_start3A_70 : memref<16384xi32, #tpu.memory_space<hbm>>) target_semaphore(%arg6 : memref<!tpu.dma_semaphore, #tpu.memory_space<semaphore_mem>>)
    %add3A_71 = arith.constant 147456 : i32
    %add3A_72 = arith.addi %mul3A_2, %add3A_71 : i32
    %dma_start3A_73 = arith.constant 1 : i32
    %dma_start3A_74 = tpu.memref_slice %arg2[%dma_start3A_73, %add3A_72] : memref<2x16777216xi32, #tpu.memory_space<hbm>> -> memref<1x16384xi32, #tpu.memory_space<hbm>>
    %dma_start3A_75 = tpu.memref_squeeze %dma_start3A_74 : memref<1x16384xi32, #tpu.memory_space<hbm>> -> memref<16384xi32, #tpu.memory_space<hbm>>
    %dma_start3A_76 = tpu.memref_slice %arg2[%dma_start3A_73, %add3A_72] : memref<2x16777216xi32, #tpu.memory_space<hbm>> -> memref<1x16384xi32, #tpu.memory_space<hbm>>
    %dma_start3A_77 = tpu.memref_squeeze %dma_start3A_76 : memref<1x16384xi32, #tpu.memory_space<hbm>> -> memref<16384xi32, #tpu.memory_space<hbm>>
    tpu.enqueue_dma source(%arg3 : memref<16384xi32, #tpu.memory_space<vmem>>) target(%dma_start3A_77 : memref<16384xi32, #tpu.memory_space<hbm>>) target_semaphore(%arg6 : memref<!tpu.dma_semaphore, #tpu.memory_space<semaphore_mem>>)
    %add3A_78 = arith.constant 163840 : i32
    %add3A_79 = arith.addi %mul3A_2, %add3A_78 : i32
    %dma_start3A_80 = arith.constant 1 : i32
    %dma_start3A_81 = tpu.memref_slice %arg2[%dma_start3A_80, %add3A_79] : memref<2x16777216xi32, #tpu.memory_space<hbm>> -> memref<1x16384xi32, #tpu.memory_space<hbm>>
    %dma_start3A_82 = tpu.memref_squeeze %dma_start3A_81 : memref<1x16384xi32, #tpu.memory_space<hbm>> -> memref<16384xi32, #tpu.memory_space<hbm>>
    %dma_start3A_83 = tpu.memref_slice %arg2[%dma_start3A_80, %add3A_79] : memref<2x16777216xi32, #tpu.memory_space<hbm>> -> memref<1x16384xi32, #tpu.memory_space<hbm>>
    %dma_start3A_84 = tpu.memref_squeeze %dma_start3A_83 : memref<1x16384xi32, #tpu.memory_space<hbm>> -> memref<16384xi32, #tpu.memory_space<hbm>>
    tpu.enqueue_dma source(%arg3 : memref<16384xi32, #tpu.memory_space<vmem>>) target(%dma_start3A_84 : memref<16384xi32, #tpu.memory_space<hbm>>) target_semaphore(%arg6 : memref<!tpu.dma_semaphore, #tpu.memory_space<semaphore_mem>>)
    %add3A_85 = arith.constant 180224 : i32
    %add3A_86 = arith.addi %mul3A_2, %add3A_85 : i32
    %dma_start3A_87 = arith.constant 1 : i32
    %dma_start3A_88 = tpu.memref_slice %arg2[%dma_start3A_87, %add3A_86] : memref<2x16777216xi32, #tpu.memory_space<hbm>> -> memref<1x16384xi32, #tpu.memory_space<hbm>>
    %dma_start3A_89 = tpu.memref_squeeze %dma_start3A_88 : memref<1x16384xi32, #tpu.memory_space<hbm>> -> memref<16384xi32, #tpu.memory_space<hbm>>
    %dma_start3A_90 = tpu.memref_slice %arg2[%dma_start3A_87, %add3A_86] : memref<2x16777216xi32, #tpu.memory_space<hbm>> -> memref<1x16384xi32, #tpu.memory_space<hbm>>
    %dma_start3A_91 = tpu.memref_squeeze %dma_start3A_90 : memref<1x16384xi32, #tpu.memory_space<hbm>> -> memref<16384xi32, #tpu.memory_space<hbm>>
    tpu.enqueue_dma source(%arg3 : memref<16384xi32, #tpu.memory_space<vmem>>) target(%dma_start3A_91 : memref<16384xi32, #tpu.memory_space<hbm>>) target_semaphore(%arg6 : memref<!tpu.dma_semaphore, #tpu.memory_space<semaphore_mem>>)
    %add3A_92 = arith.constant 196608 : i32
    %add3A_93 = arith.addi %mul3A_2, %add3A_92 : i32
    %dma_start3A_94 = arith.constant 1 : i32
    %dma_start3A_95 = tpu.memref_slice %arg2[%dma_start3A_94, %add3A_93] : memref<2x16777216xi32, #tpu.memory_space<hbm>> -> memref<1x16384xi32, #tpu.memory_space<hbm>>
    %dma_start3A_96 = tpu.memref_squeeze %dma_start3A_95 : memref<1x16384xi32, #tpu.memory_space<hbm>> -> memref<16384xi32, #tpu.memory_space<hbm>>
    %dma_start3A_97 = tpu.memref_slice %arg2[%dma_start3A_94, %add3A_93] : memref<2x16777216xi32, #tpu.memory_space<hbm>> -> memref<1x16384xi32, #tpu.memory_space<hbm>>
    %dma_start3A_98 = tpu.memref_squeeze %dma_start3A_97 : memref<1x16384xi32, #tpu.memory_space<hbm>> -> memref<16384xi32, #tpu.memory_space<hbm>>
    tpu.enqueue_dma source(%arg3 : memref<16384xi32, #tpu.memory_space<vmem>>) target(%dma_start3A_98 : memref<16384xi32, #tpu.memory_space<hbm>>) target_semaphore(%arg6 : memref<!tpu.dma_semaphore, #tpu.memory_space<semaphore_mem>>)
    %add3A_99 = arith.constant 212992 : i32
    %add3A_100 = arith.addi %mul3A_2, %add3A_99 : i32
    %dma_start3A_101 = arith.constant 1 : i32
    %dma_start3A_102 = tpu.memref_slice %arg2[%dma_start3A_101, %add3A_100] : memref<2x16777216xi32, #tpu.memory_space<hbm>> -> memref<1x16384xi32, #tpu.memory_space<hbm>>
    %dma_start3A_103 = tpu.memref_squeeze %dma_start3A_102 : memref<1x16384xi32, #tpu.memory_space<hbm>> -> memref<16384xi32, #tpu.memory_space<hbm>>
    %dma_start3A_104 = tpu.memref_slice %arg2[%dma_start3A_101, %add3A_100] : memref<2x16777216xi32, #tpu.memory_space<hbm>> -> memref<1x16384xi32, #tpu.memory_space<hbm>>
    %dma_start3A_105 = tpu.memref_squeeze %dma_start3A_104 : memref<1x16384xi32, #tpu.memory_space<hbm>> -> memref<16384xi32, #tpu.memory_space<hbm>>
    tpu.enqueue_dma source(%arg3 : memref<16384xi32, #tpu.memory_space<vmem>>) target(%dma_start3A_105 : memref<16384xi32, #tpu.memory_space<hbm>>) target_semaphore(%arg6 : memref<!tpu.dma_semaphore, #tpu.memory_space<semaphore_mem>>)
    %add3A_106 = arith.constant 229376 : i32
    %add3A_107 = arith.addi %mul3A_2, %add3A_106 : i32
    %dma_start3A_108 = arith.constant 1 : i32
    %dma_start3A_109 = tpu.memref_slice %arg2[%dma_start3A_108, %add3A_107] : memref<2x16777216xi32, #tpu.memory_space<hbm>> -> memref<1x16384xi32, #tpu.memory_space<hbm>>
    %dma_start3A_110 = tpu.memref_squeeze %dma_start3A_109 : memref<1x16384xi32, #tpu.memory_space<hbm>> -> memref<16384xi32, #tpu.memory_space<hbm>>
    %dma_start3A_111 = tpu.memref_slice %arg2[%dma_start3A_108, %add3A_107] : memref<2x16777216xi32, #tpu.memory_space<hbm>> -> memref<1x16384xi32, #tpu.memory_space<hbm>>
    %dma_start3A_112 = tpu.memref_squeeze %dma_start3A_111 : memref<1x16384xi32, #tpu.memory_space<hbm>> -> memref<16384xi32, #tpu.memory_space<hbm>>
    tpu.enqueue_dma source(%arg3 : memref<16384xi32, #tpu.memory_space<vmem>>) target(%dma_start3A_112 : memref<16384xi32, #tpu.memory_space<hbm>>) target_semaphore(%arg6 : memref<!tpu.dma_semaphore, #tpu.memory_space<semaphore_mem>>)
    %add3A_113 = arith.constant 245760 : i32
    %add3A_114 = arith.addi %mul3A_2, %add3A_113 : i32
    %dma_start3A_115 = arith.constant 1 : i32
    %dma_start3A_116 = tpu.memref_slice %arg2[%dma_start3A_115, %add3A_114] : memref<2x16777216xi32, #tpu.memory_space<hbm>> -> memref<1x16384xi32, #tpu.memory_space<hbm>>
    %dma_start3A_117 = tpu.memref_squeeze %dma_start3A_116 : memref<1x16384xi32, #tpu.memory_space<hbm>> -> memref<16384xi32, #tpu.memory_space<hbm>>
    %dma_start3A_118 = tpu.memref_slice %arg2[%dma_start3A_115, %add3A_114] : memref<2x16777216xi32, #tpu.memory_space<hbm>> -> memref<1x16384xi32, #tpu.memory_space<hbm>>
    %dma_start3A_119 = tpu.memref_squeeze %dma_start3A_118 : memref<1x16384xi32, #tpu.memory_space<hbm>> -> memref<16384xi32, #tpu.memory_space<hbm>>
    tpu.enqueue_dma source(%arg3 : memref<16384xi32, #tpu.memory_space<vmem>>) target(%dma_start3A_119 : memref<16384xi32, #tpu.memory_space<hbm>>) target_semaphore(%arg6 : memref<!tpu.dma_semaphore, #tpu.memory_space<semaphore_mem>>)
    %add3A_120 = arith.constant 262144 : i32
    %add3A_121 = arith.addi %mul3A_2, %add3A_120 : i32
    %dma_start3A_122 = arith.constant 1 : i32
    %dma_start3A_123 = tpu.memref_slice %arg2[%dma_start3A_122, %add3A_121] : memref<2x16777216xi32, #tpu.memory_space<hbm>> -> memref<1x16384xi32, #tpu.memory_space<hbm>>
    %dma_start3A_124 = tpu.memref_squeeze %dma_start3A_123 : memref<1x16384xi32, #tpu.memory_space<hbm>> -> memref<16384xi32, #tpu.memory_space<hbm>>
    %dma_start3A_125 = tpu.memref_slice %arg2[%dma_start3A_122, %add3A_121] : memref<2x16777216xi32, #tpu.memory_space<hbm>> -> memref<1x16384xi32, #tpu.memory_space<hbm>>
    %dma_start3A_126 = tpu.memref_squeeze %dma_start3A_125 : memref<1x16384xi32, #tpu.memory_space<hbm>> -> memref<16384xi32, #tpu.memory_space<hbm>>
    tpu.enqueue_dma source(%arg3 : memref<16384xi32, #tpu.memory_space<vmem>>) target(%dma_start3A_126 : memref<16384xi32, #tpu.memory_space<hbm>>) target_semaphore(%arg6 : memref<!tpu.dma_semaphore, #tpu.memory_space<semaphore_mem>>)
    %add3A_127 = arith.constant 278528 : i32
    %add3A_128 = arith.addi %mul3A_2, %add3A_127 : i32
    %dma_start3A_129 = arith.constant 1 : i32
    %dma_start3A_130 = tpu.memref_slice %arg2[%dma_start3A_129, %add3A_128] : memref<2x16777216xi32, #tpu.memory_space<hbm>> -> memref<1x16384xi32, #tpu.memory_space<hbm>>
    %dma_start3A_131 = tpu.memref_squeeze %dma_start3A_130 : memref<1x16384xi32, #tpu.memory_space<hbm>> -> memref<16384xi32, #tpu.memory_space<hbm>>
    %dma_start3A_132 = tpu.memref_slice %arg2[%dma_start3A_129, %add3A_128] : memref<2x16777216xi32, #tpu.memory_space<hbm>> -> memref<1x16384xi32, #tpu.memory_space<hbm>>
    %dma_start3A_133 = tpu.memref_squeeze %dma_start3A_132 : memref<1x16384xi32, #tpu.memory_space<hbm>> -> memref<16384xi32, #tpu.memory_space<hbm>>
    tpu.enqueue_dma source(%arg3 : memref<16384xi32, #tpu.memory_space<vmem>>) target(%dma_start3A_133 : memref<16384xi32, #tpu.memory_space<hbm>>) target_semaphore(%arg6 : memref<!tpu.dma_semaphore, #tpu.memory_space<semaphore_mem>>)
    %add3A_134 = arith.constant 294912 : i32
    %add3A_135 = arith.addi %mul3A_2, %add3A_134 : i32
    %dma_start3A_136 = arith.constant 1 : i32
    %dma_start3A_137 = tpu.memref_slice %arg2[%dma_start3A_136, %add3A_135] : memref<2x16777216xi32, #tpu.memory_space<hbm>> -> memref<1x16384xi32, #tpu.memory_space<hbm>>
    %dma_start3A_138 = tpu.memref_squeeze %dma_start3A_137 : memref<1x16384xi32, #tpu.memory_space<hbm>> -> memref<16384xi32, #tpu.memory_space<hbm>>
    %dma_start3A_139 = tpu.memref_slice %arg2[%dma_start3A_136, %add3A_135] : memref<2x16777216xi32, #tpu.memory_space<hbm>> -> memref<1x16384xi32, #tpu.memory_space<hbm>>
    %dma_start3A_140 = tpu.memref_squeeze %dma_start3A_139 : memref<1x16384xi32, #tpu.memory_space<hbm>> -> memref<16384xi32, #tpu.memory_space<hbm>>
    tpu.enqueue_dma source(%arg3 : memref<16384xi32, #tpu.memory_space<vmem>>) target(%dma_start3A_140 : memref<16384xi32, #tpu.memory_space<hbm>>) target_semaphore(%arg6 : memref<!tpu.dma_semaphore, #tpu.memory_space<semaphore_mem>>)
    %add3A_141 = arith.constant 311296 : i32
    %add3A_142 = arith.addi %mul3A_2, %add3A_141 : i32
    %dma_start3A_143 = arith.constant 1 : i32
    %dma_start3A_144 = tpu.memref_slice %arg2[%dma_start3A_143, %add3A_142] : memref<2x16777216xi32, #tpu.memory_space<hbm>> -> memref<1x16384xi32, #tpu.memory_space<hbm>>
    %dma_start3A_145 = tpu.memref_squeeze %dma_start3A_144 : memref<1x16384xi32, #tpu.memory_space<hbm>> -> memref<16384xi32, #tpu.memory_space<hbm>>
    %dma_start3A_146 = tpu.memref_slice %arg2[%dma_start3A_143, %add3A_142] : memref<2x16777216xi32, #tpu.memory_space<hbm>> -> memref<1x16384xi32, #tpu.memory_space<hbm>>
    %dma_start3A_147 = tpu.memref_squeeze %dma_start3A_146 : memref<1x16384xi32, #tpu.memory_space<hbm>> -> memref<16384xi32, #tpu.memory_space<hbm>>
    tpu.enqueue_dma source(%arg3 : memref<16384xi32, #tpu.memory_space<vmem>>) target(%dma_start3A_147 : memref<16384xi32, #tpu.memory_space<hbm>>) target_semaphore(%arg6 : memref<!tpu.dma_semaphore, #tpu.memory_space<semaphore_mem>>)
    %add3A_148 = arith.constant 327680 : i32
    %add3A_149 = arith.addi %mul3A_2, %add3A_148 : i32
    %dma_start3A_150 = arith.constant 1 : i32
    %dma_start3A_151 = tpu.memref_slice %arg2[%dma_start3A_150, %add3A_149] : memref<2x16777216xi32, #tpu.memory_space<hbm>> -> memref<1x16384xi32, #tpu.memory_space<hbm>>
    %dma_start3A_152 = tpu.memref_squeeze %dma_start3A_151 : memref<1x16384xi32, #tpu.memory_space<hbm>> -> memref<16384xi32, #tpu.memory_space<hbm>>
    %dma_start3A_153 = tpu.memref_slice %arg2[%dma_start3A_150, %add3A_149] : memref<2x16777216xi32, #tpu.memory_space<hbm>> -> memref<1x16384xi32, #tpu.memory_space<hbm>>
    %dma_start3A_154 = tpu.memref_squeeze %dma_start3A_153 : memref<1x16384xi32, #tpu.memory_space<hbm>> -> memref<16384xi32, #tpu.memory_space<hbm>>
    tpu.enqueue_dma source(%arg3 : memref<16384xi32, #tpu.memory_space<vmem>>) target(%dma_start3A_154 : memref<16384xi32, #tpu.memory_space<hbm>>) target_semaphore(%arg6 : memref<!tpu.dma_semaphore, #tpu.memory_space<semaphore_mem>>)
    %add3A_155 = arith.constant 344064 : i32
    %add3A_156 = arith.addi %mul3A_2, %add3A_155 : i32
    %dma_start3A_157 = arith.constant 1 : i32
    %dma_start3A_158 = tpu.memref_slice %arg2[%dma_start3A_157, %add3A_156] : memref<2x16777216xi32, #tpu.memory_space<hbm>> -> memref<1x16384xi32, #tpu.memory_space<hbm>>
    %dma_start3A_159 = tpu.memref_squeeze %dma_start3A_158 : memref<1x16384xi32, #tpu.memory_space<hbm>> -> memref<16384xi32, #tpu.memory_space<hbm>>
    %dma_start3A_160 = tpu.memref_slice %arg2[%dma_start3A_157, %add3A_156] : memref<2x16777216xi32, #tpu.memory_space<hbm>> -> memref<1x16384xi32, #tpu.memory_space<hbm>>
    %dma_start3A_161 = tpu.memref_squeeze %dma_start3A_160 : memref<1x16384xi32, #tpu.memory_space<hbm>> -> memref<16384xi32, #tpu.memory_space<hbm>>
    tpu.enqueue_dma source(%arg3 : memref<16384xi32, #tpu.memory_space<vmem>>) target(%dma_start3A_161 : memref<16384xi32, #tpu.memory_space<hbm>>) target_semaphore(%arg6 : memref<!tpu.dma_semaphore, #tpu.memory_space<semaphore_mem>>)
    %add3A_162 = arith.constant 360448 : i32
    %add3A_163 = arith.addi %mul3A_2, %add3A_162 : i32
    %dma_start3A_164 = arith.constant 1 : i32
    %dma_start3A_165 = tpu.memref_slice %arg2[%dma_start3A_164, %add3A_163] : memref<2x16777216xi32, #tpu.memory_space<hbm>> -> memref<1x16384xi32, #tpu.memory_space<hbm>>
    %dma_start3A_166 = tpu.memref_squeeze %dma_start3A_165 : memref<1x16384xi32, #tpu.memory_space<hbm>> -> memref<16384xi32, #tpu.memory_space<hbm>>
    %dma_start3A_167 = tpu.memref_slice %arg2[%dma_start3A_164, %add3A_163] : memref<2x16777216xi32, #tpu.memory_space<hbm>> -> memref<1x16384xi32, #tpu.memory_space<hbm>>
    %dma_start3A_168 = tpu.memref_squeeze %dma_start3A_167 : memref<1x16384xi32, #tpu.memory_space<hbm>> -> memref<16384xi32, #tpu.memory_space<hbm>>
    tpu.enqueue_dma source(%arg3 : memref<16384xi32, #tpu.memory_space<vmem>>) target(%dma_start3A_168 : memref<16384xi32, #tpu.memory_space<hbm>>) target_semaphore(%arg6 : memref<!tpu.dma_semaphore, #tpu.memory_space<semaphore_mem>>)
    %add3A_169 = arith.constant 376832 : i32
    %add3A_170 = arith.addi %mul3A_2, %add3A_169 : i32
    %dma_start3A_171 = arith.constant 1 : i32
    %dma_start3A_172 = tpu.memref_slice %arg2[%dma_start3A_171, %add3A_170] : memref<2x16777216xi32, #tpu.memory_space<hbm>> -> memref<1x16384xi32, #tpu.memory_space<hbm>>
    %dma_start3A_173 = tpu.memref_squeeze %dma_start3A_172 : memref<1x16384xi32, #tpu.memory_space<hbm>> -> memref<16384xi32, #tpu.memory_space<hbm>>
    %dma_start3A_174 = tpu.memref_slice %arg2[%dma_start3A_171, %add3A_170] : memref<2x16777216xi32, #tpu.memory_space<hbm>> -> memref<1x16384xi32, #tpu.memory_space<hbm>>
    %dma_start3A_175 = tpu.memref_squeeze %dma_start3A_174 : memref<1x16384xi32, #tpu.memory_space<hbm>> -> memref<16384xi32, #tpu.memory_space<hbm>>
    tpu.enqueue_dma source(%arg3 : memref<16384xi32, #tpu.memory_space<vmem>>) target(%dma_start3A_175 : memref<16384xi32, #tpu.memory_space<hbm>>) target_semaphore(%arg6 : memref<!tpu.dma_semaphore, #tpu.memory_space<semaphore_mem>>)
    %add3A_176 = arith.constant 393216 : i32
    %add3A_177 = arith.addi %mul3A_2, %add3A_176 : i32
    %dma_start3A_178 = arith.constant 1 : i32
    %dma_start3A_179 = tpu.memref_slice %arg2[%dma_start3A_178, %add3A_177] : memref<2x16777216xi32, #tpu.memory_space<hbm>> -> memref<1x16384xi32, #tpu.memory_space<hbm>>
    %dma_start3A_180 = tpu.memref_squeeze %dma_start3A_179 : memref<1x16384xi32, #tpu.memory_space<hbm>> -> memref<16384xi32, #tpu.memory_space<hbm>>
    %dma_start3A_181 = tpu.memref_slice %arg2[%dma_start3A_178, %add3A_177] : memref<2x16777216xi32, #tpu.memory_space<hbm>> -> memref<1x16384xi32, #tpu.memory_space<hbm>>
    %dma_start3A_182 = tpu.memref_squeeze %dma_start3A_181 : memref<1x16384xi32, #tpu.memory_space<hbm>> -> memref<16384xi32, #tpu.memory_space<hbm>>
    tpu.enqueue_dma source(%arg3 : memref<16384xi32, #tpu.memory_space<vmem>>) target(%dma_start3A_182 : memref<16384xi32, #tpu.memory_space<hbm>>) target_semaphore(%arg6 : memref<!tpu.dma_semaphore, #tpu.memory_space<semaphore_mem>>)
    %add3A_183 = arith.constant 409600 : i32
    %add3A_184 = arith.addi %mul3A_2, %add3A_183 : i32
    %dma_start3A_185 = arith.constant 1 : i32
    %dma_start3A_186 = tpu.memref_slice %arg2[%dma_start3A_185, %add3A_184] : memref<2x16777216xi32, #tpu.memory_space<hbm>> -> memref<1x16384xi32, #tpu.memory_space<hbm>>
    %dma_start3A_187 = tpu.memref_squeeze %dma_start3A_186 : memref<1x16384xi32, #tpu.memory_space<hbm>> -> memref<16384xi32, #tpu.memory_space<hbm>>
    %dma_start3A_188 = tpu.memref_slice %arg2[%dma_start3A_185, %add3A_184] : memref<2x16777216xi32, #tpu.memory_space<hbm>> -> memref<1x16384xi32, #tpu.memory_space<hbm>>
    %dma_start3A_189 = tpu.memref_squeeze %dma_start3A_188 : memref<1x16384xi32, #tpu.memory_space<hbm>> -> memref<16384xi32, #tpu.memory_space<hbm>>
    tpu.enqueue_dma source(%arg3 : memref<16384xi32, #tpu.memory_space<vmem>>) target(%dma_start3A_189 : memref<16384xi32, #tpu.memory_space<hbm>>) target_semaphore(%arg6 : memref<!tpu.dma_semaphore, #tpu.memory_space<semaphore_mem>>)
    %add3A_190 = arith.constant 425984 : i32
    %add3A_191 = arith.addi %mul3A_2, %add3A_190 : i32
    %dma_start3A_192 = arith.constant 1 : i32
    %dma_start3A_193 = tpu.memref_slice %arg2[%dma_start3A_192, %add3A_191] : memref<2x16777216xi32, #tpu.memory_space<hbm>> -> memref<1x16384xi32, #tpu.memory_space<hbm>>
    %dma_start3A_194 = tpu.memref_squeeze %dma_start3A_193 : memref<1x16384xi32, #tpu.memory_space<hbm>> -> memref<16384xi32, #tpu.memory_space<hbm>>
    %dma_start3A_195 = tpu.memref_slice %arg2[%dma_start3A_192, %add3A_191] : memref<2x16777216xi32, #tpu.memory_space<hbm>> -> memref<1x16384xi32, #tpu.memory_space<hbm>>
    %dma_start3A_196 = tpu.memref_squeeze %dma_start3A_195 : memref<1x16384xi32, #tpu.memory_space<hbm>> -> memref<16384xi32, #tpu.memory_space<hbm>>
    tpu.enqueue_dma source(%arg3 : memref<16384xi32, #tpu.memory_space<vmem>>) target(%dma_start3A_196 : memref<16384xi32, #tpu.memory_space<hbm>>) target_semaphore(%arg6 : memref<!tpu.dma_semaphore, #tpu.memory_space<semaphore_mem>>)
    %add3A_197 = arith.constant 442368 : i32
    %add3A_198 = arith.addi %mul3A_2, %add3A_197 : i32
    %dma_start3A_199 = arith.constant 1 : i32
    %dma_start3A_200 = tpu.memref_slice %arg2[%dma_start3A_199, %add3A_198] : memref<2x16777216xi32, #tpu.memory_space<hbm>> -> memref<1x16384xi32, #tpu.memory_space<hbm>>
    %dma_start3A_201 = tpu.memref_squeeze %dma_start3A_200 : memref<1x16384xi32, #tpu.memory_space<hbm>> -> memref<16384xi32, #tpu.memory_space<hbm>>
    %dma_start3A_202 = tpu.memref_slice %arg2[%dma_start3A_199, %add3A_198] : memref<2x16777216xi32, #tpu.memory_space<hbm>> -> memref<1x16384xi32, #tpu.memory_space<hbm>>
    %dma_start3A_203 = tpu.memref_squeeze %dma_start3A_202 : memref<1x16384xi32, #tpu.memory_space<hbm>> -> memref<16384xi32, #tpu.memory_space<hbm>>
    tpu.enqueue_dma source(%arg3 : memref<16384xi32, #tpu.memory_space<vmem>>) target(%dma_start3A_203 : memref<16384xi32, #tpu.memory_space<hbm>>) target_semaphore(%arg6 : memref<!tpu.dma_semaphore, #tpu.memory_space<semaphore_mem>>)
    %add3A_204 = arith.constant 458752 : i32
    %add3A_205 = arith.addi %mul3A_2, %add3A_204 : i32
    %dma_start3A_206 = arith.constant 1 : i32
    %dma_start3A_207 = tpu.memref_slice %arg2[%dma_start3A_206, %add3A_205] : memref<2x16777216xi32, #tpu.memory_space<hbm>> -> memref<1x16384xi32, #tpu.memory_space<hbm>>
    %dma_start3A_208 = tpu.memref_squeeze %dma_start3A_207 : memref<1x16384xi32, #tpu.memory_space<hbm>> -> memref<16384xi32, #tpu.memory_space<hbm>>
    %dma_start3A_209 = tpu.memref_slice %arg2[%dma_start3A_206, %add3A_205] : memref<2x16777216xi32, #tpu.memory_space<hbm>> -> memref<1x16384xi32, #tpu.memory_space<hbm>>
    %dma_start3A_210 = tpu.memref_squeeze %dma_start3A_209 : memref<1x16384xi32, #tpu.memory_space<hbm>> -> memref<16384xi32, #tpu.memory_space<hbm>>
    tpu.enqueue_dma source(%arg3 : memref<16384xi32, #tpu.memory_space<vmem>>) target(%dma_start3A_210 : memref<16384xi32, #tpu.memory_space<hbm>>) target_semaphore(%arg6 : memref<!tpu.dma_semaphore, #tpu.memory_space<semaphore_mem>>)
    %add3A_211 = arith.constant 475136 : i32
    %add3A_212 = arith.addi %mul3A_2, %add3A_211 : i32
    %dma_start3A_213 = arith.constant 1 : i32
    %dma_start3A_214 = tpu.memref_slice %arg2[%dma_start3A_213, %add3A_212] : memref<2x16777216xi32, #tpu.memory_space<hbm>> -> memref<1x16384xi32, #tpu.memory_space<hbm>>
    %dma_start3A_215 = tpu.memref_squeeze %dma_start3A_214 : memref<1x16384xi32, #tpu.memory_space<hbm>> -> memref<16384xi32, #tpu.memory_space<hbm>>
    %dma_start3A_216 = tpu.memref_slice %arg2[%dma_start3A_213, %add3A_212] : memref<2x16777216xi32, #tpu.memory_space<hbm>> -> memref<1x16384xi32, #tpu.memory_space<hbm>>
    %dma_start3A_217 = tpu.memref_squeeze %dma_start3A_216 : memref<1x16384xi32, #tpu.memory_space<hbm>> -> memref<16384xi32, #tpu.memory_space<hbm>>
    tpu.enqueue_dma source(%arg3 : memref<16384xi32, #tpu.memory_space<vmem>>) target(%dma_start3A_217 : memref<16384xi32, #tpu.memory_space<hbm>>) target_semaphore(%arg6 : memref<!tpu.dma_semaphore, #tpu.memory_space<semaphore_mem>>)
    %add3A_218 = arith.constant 491520 : i32
    %add3A_219 = arith.addi %mul3A_2, %add3A_218 : i32
    %dma_start3A_220 = arith.constant 1 : i32
    %dma_start3A_221 = tpu.memref_slice %arg2[%dma_start3A_220, %add3A_219] : memref<2x16777216xi32, #tpu.memory_space<hbm>> -> memref<1x16384xi32, #tpu.memory_space<hbm>>
    %dma_start3A_222 = tpu.memref_squeeze %dma_start3A_221 : memref<1x16384xi32, #tpu.memory_space<hbm>> -> memref<16384xi32, #tpu.memory_space<hbm>>
    %dma_start3A_223 = tpu.memref_slice %arg2[%dma_start3A_220, %add3A_219] : memref<2x16777216xi32, #tpu.memory_space<hbm>> -> memref<1x16384xi32, #tpu.memory_space<hbm>>
    %dma_start3A_224 = tpu.memref_squeeze %dma_start3A_223 : memref<1x16384xi32, #tpu.memory_space<hbm>> -> memref<16384xi32, #tpu.memory_space<hbm>>
    tpu.enqueue_dma source(%arg3 : memref<16384xi32, #tpu.memory_space<vmem>>) target(%dma_start3A_224 : memref<16384xi32, #tpu.memory_space<hbm>>) target_semaphore(%arg6 : memref<!tpu.dma_semaphore, #tpu.memory_space<semaphore_mem>>)
    %add3A_225 = arith.constant 507904 : i32
    %add3A_226 = arith.addi %mul3A_2, %add3A_225 : i32
    %dma_start3A_227 = arith.constant 1 : i32
    %dma_start3A_228 = tpu.memref_slice %arg2[%dma_start3A_227, %add3A_226] : memref<2x16777216xi32, #tpu.memory_space<hbm>> -> memref<1x16384xi32, #tpu.memory_space<hbm>>
    %dma_start3A_229 = tpu.memref_squeeze %dma_start3A_228 : memref<1x16384xi32, #tpu.memory_space<hbm>> -> memref<16384xi32, #tpu.memory_space<hbm>>
    %dma_start3A_230 = tpu.memref_slice %arg2[%dma_start3A_227, %add3A_226] : memref<2x16777216xi32, #tpu.memory_space<hbm>> -> memref<1x16384xi32, #tpu.memory_space<hbm>>
    %dma_start3A_231 = tpu.memref_squeeze %dma_start3A_230 : memref<1x16384xi32, #tpu.memory_space<hbm>> -> memref<16384xi32, #tpu.memory_space<hbm>>
    tpu.enqueue_dma source(%arg3 : memref<16384xi32, #tpu.memory_space<vmem>>) target(%dma_start3A_231 : memref<16384xi32, #tpu.memory_space<hbm>>) target_semaphore(%arg6 : memref<!tpu.dma_semaphore, #tpu.memory_space<semaphore_mem>>)
    %add3A_232 = arith.constant 0 : i32
    %add3A_233 = arith.addi %mul3A_2, %add3A_232 : i32
    %shift_right_arithmetic3A = arith.constant 12 : i32
    %shift_right_arithmetic3A_234 = arith.shrsi %add3A_233, %shift_right_arithmetic3A : i32
    %scan3A_235 = arith.constant 0 : i32
    %scan3A_236 = arith.constant 0 : i32
    %scan3A_237 = arith.constant 1024 : i32
    %scan3A_238 = arith.addi %scan3A_236, %scan3A_237 : i32
    %scan3A_239 = arith.constant 4 : i32
    %scan3A_240 = scf.for %scan3A_1126 = %scan3A_236 to %scan3A_238 step %scan3A_239 iter_args(%scan3A_1127 = %scan3A_235) -> (i32)  : i32 {
      %shift_right_arithmetic3A_1128 = arith.constant 8 : i32
      %shift_right_arithmetic3A_1129 = arith.shrsi %scan3A_1126, %shift_right_arithmetic3A_1128 : i32
      %add3A_1130 = arith.addi %shift_right_arithmetic3A_234, %shift_right_arithmetic3A_1129 : i32
      %broadcast_in_dim3A = vector.broadcast %add3A_1130 : i32 to vector<16xi32>
      %mul3A_1131 = arith.constant 16 : i32
      %mul3A_1132 = arith.muli %mul3A_1131, %scan3A_1126 : i32
      %swap3A = arith.index_cast %mul3A_1132 : i32 to index
      %swap3A_1133 = tpu.vector_load %arg4[%swap3A] {strides = array<i32>} : memref<16384xi32, #tpu.memory_space<vmem>>, vector<16xi32>,
      %swap3A_1134 = vector.shape_cast %swap3A_1133 : vector<16xi32> to vector<16xi32>
      %swap3A_1135 = vector.shape_cast %broadcast_in_dim3A : vector<16xi32> to vector<16xi32>
      tpu.vector_store %arg4[%swap3A], %swap3A_1135 {strides = array<i32>} : memref<16384xi32, #tpu.memory_space<vmem>>, vector<16xi32>,
      %scan3A_1136 = arith.constant 0 : i32
      %scan3A_1137 = arith.constant 1 : i32
      %scan3A_1138 = arith.addi %scan3A_1126, %scan3A_1137 : i32
      %shift_right_arithmetic3A_1139 = arith.constant 8 : i32
      %shift_right_arithmetic3A_1140 = arith.shrsi %scan3A_1138, %shift_right_arithmetic3A_1139 : i32
      %add3A_1141 = arith.addi %shift_right_arithmetic3A_234, %shift_right_arithmetic3A_1140 : i32
      %broadcast_in_dim3A_1142 = vector.broadcast %add3A_1141 : i32 to vector<16xi32>
      %mul3A_1143 = arith.constant 16 : i32
      %mul3A_1144 = arith.muli %mul3A_1143, %scan3A_1138 : i32
      %swap3A_1145 = arith.index_cast %mul3A_1144 : i32 to index
      %swap3A_1146 = tpu.vector_load %arg4[%swap3A_1145] {strides = array<i32>} : memref<16384xi32, #tpu.memory_space<vmem>>, vector<16xi32>,
      %swap3A_1147 = vector.shape_cast %swap3A_1146 : vector<16xi32> to vector<16xi32>
      %swap3A_1148 = vector.shape_cast %broadcast_in_dim3A_1142 : vector<16xi32> to vector<16xi32>
      tpu.vector_store %arg4[%swap3A_1145], %swap3A_1148 {strides = array<i32>} : memref<16384xi32, #tpu.memory_space<vmem>>, vector<16xi32>,
      %scan3A_1149 = arith.constant 0 : i32
      %scan3A_1150 = arith.constant 2 : i32
      %scan3A_1151 = arith.addi %scan3A_1126, %scan3A_1150 : i32
      %shift_right_arithmetic3A_1152 = arith.constant 8 : i32
      %shift_right_arithmetic3A_1153 = arith.shrsi %scan3A_1151, %shift_right_arithmetic3A_1152 : i32
      %add3A_1154 = arith.addi %shift_right_arithmetic3A_234, %shift_right_arithmetic3A_1153 : i32
      %broadcast_in_dim3A_1155 = vector.broadcast %add3A_1154 : i32 to vector<16xi32>
      %mul3A_1156 = arith.constant 16 : i32
      %mul3A_1157 = arith.muli %mul3A_1156, %scan3A_1151 : i32
      %swap3A_1158 = arith.index_cast %mul3A_1157 : i32 to index
      %swap3A_1159 = tpu.vector_load %arg4[%swap3A_1158] {strides = array<i32>} : memref<16384xi32, #tpu.memory_space<vmem>>, vector<16xi32>,
      %swap3A_1160 = vector.shape_cast %swap3A_1159 : vector<16xi32> to vector<16xi32>
      %swap3A_1161 = vector.shape_cast %broadcast_in_dim3A_1155 : vector<16xi32> to vector<16xi32>
      tpu.vector_store %arg4[%swap3A_1158], %swap3A_1161 {strides = array<i32>} : memref<16384xi32, #tpu.memory_space<vmem>>, vector<16xi32>,
      %scan3A_1162 = arith.constant 0 : i32
      %scan3A_1163 = arith.constant 3 : i32
      %scan3A_1164 = arith.addi %scan3A_1126, %scan3A_1163 : i32
      %shift_right_arithmetic3A_1165 = arith.constant 8 : i32
      %shift_right_arithmetic3A_1166 = arith.shrsi %scan3A_1164, %shift_right_arithmetic3A_1165 : i32
      %add3A_1167 = arith.addi %shift_right_arithmetic3A_234, %shift_right_arithmetic3A_1166 : i32
      %broadcast_in_dim3A_1168 = vector.broadcast %add3A_1167 : i32 to vector<16xi32>
      %mul3A_1169 = arith.constant 16 : i32
      %mul3A_1170 = arith.muli %mul3A_1169, %scan3A_1164 : i32
      %swap3A_1171 = arith.index_cast %mul3A_1170 : i32 to index
      %swap3A_1172 = tpu.vector_load %arg4[%swap3A_1171] {strides = array<i32>} : memref<16384xi32, #tpu.memory_space<vmem>>, vector<16xi32>,
      %swap3A_1173 = vector.shape_cast %swap3A_1172 : vector<16xi32> to vector<16xi32>
      %swap3A_1174 = vector.shape_cast %broadcast_in_dim3A_1168 : vector<16xi32> to vector<16xi32>
      tpu.vector_store %arg4[%swap3A_1171], %swap3A_1174 {strides = array<i32>} : memref<16384xi32, #tpu.memory_space<vmem>>, vector<16xi32>,
      %scan3A_1175 = arith.constant 0 : i32
      scf.yield %scan3A_1175 : i32
    }
    %scan3A_241 = arith.constant 1024 : i32
    %add3A_242 = arith.constant 0 : i32
    %add3A_243 = arith.addi %mul3A_2, %add3A_242 : i32
    %dma_start3A_244 = arith.constant 0 : i32
    %dma_start3A_245 = tpu.memref_slice %arg2[%dma_start3A_244, %add3A_243] : memref<2x16777216xi32, #tpu.memory_space<hbm>> -> memref<1x16384xi32, #tpu.memory_space<hbm>>
    %dma_start3A_246 = tpu.memref_squeeze %dma_start3A_245 : memref<1x16384xi32, #tpu.memory_space<hbm>> -> memref<16384xi32, #tpu.memory_space<hbm>>
    %dma_start3A_247 = tpu.memref_slice %arg2[%dma_start3A_244, %add3A_243] : memref<2x16777216xi32, #tpu.memory_space<hbm>> -> memref<1x16384xi32, #tpu.memory_space<hbm>>
    %dma_start3A_248 = tpu.memref_squeeze %dma_start3A_247 : memref<1x16384xi32, #tpu.memory_space<hbm>> -> memref<16384xi32, #tpu.memory_space<hbm>>
    tpu.enqueue_dma source(%arg4 : memref<16384xi32, #tpu.memory_space<vmem>>) target(%dma_start3A_248 : memref<16384xi32, #tpu.memory_space<hbm>>) target_semaphore(%arg7 : memref<!tpu.dma_semaphore, #tpu.memory_space<semaphore_mem>>)
    %add3A_249 = arith.constant 16384 : i32
    %add3A_250 = arith.addi %mul3A_2, %add3A_249 : i32
    %shift_right_arithmetic3A_251 = arith.constant 12 : i32
    %shift_right_arithmetic3A_252 = arith.shrsi %add3A_250, %shift_right_arithmetic3A_251 : i32
    %scan3A_253 = arith.constant 0 : i32
    %scan3A_254 = arith.constant 0 : i32
    %scan3A_255 = arith.constant 1024 : i32
    %scan3A_256 = arith.addi %scan3A_254, %scan3A_255 : i32
    %scan3A_257 = arith.constant 4 : i32
    %scan3A_258 = scf.for %scan3A_1126 = %scan3A_254 to %scan3A_256 step %scan3A_257 iter_args(%scan3A_1127 = %scan3A_253) -> (i32)  : i32 {
      %shift_right_arithmetic3A_1128 = arith.constant 8 : i32
      %shift_right_arithmetic3A_1129 = arith.shrsi %scan3A_1126, %shift_right_arithmetic3A_1128 : i32
      %add3A_1130 = arith.addi %shift_right_arithmetic3A_252, %shift_right_arithmetic3A_1129 : i32
      %broadcast_in_dim3A = vector.broadcast %add3A_1130 : i32 to vector<16xi32>
      %mul3A_1131 = arith.constant 16 : i32
      %mul3A_1132 = arith.muli %mul3A_1131, %scan3A_1126 : i32
      %swap3A = arith.index_cast %mul3A_1132 : i32 to index
      %swap3A_1133 = tpu.vector_load %arg5[%swap3A] {strides = array<i32>} : memref<16384xi32, #tpu.memory_space<vmem>>, vector<16xi32>,
      %swap3A_1134 = vector.shape_cast %swap3A_1133 : vector<16xi32> to vector<16xi32>
      %swap3A_1135 = vector.shape_cast %broadcast_in_dim3A : vector<16xi32> to vector<16xi32>
      tpu.vector_store %arg5[%swap3A], %swap3A_1135 {strides = array<i32>} : memref<16384xi32, #tpu.memory_space<vmem>>, vector<16xi32>,
      %scan3A_1136 = arith.constant 0 : i32
      %scan3A_1137 = arith.constant 1 : i32
      %scan3A_1138 = arith.addi %scan3A_1126, %scan3A_1137 : i32
      %shift_right_arithmetic3A_1139 = arith.constant 8 : i32
      %shift_right_arithmetic3A_1140 = arith.shrsi %scan3A_1138, %shift_right_arithmetic3A_1139 : i32
      %add3A_1141 = arith.addi %shift_right_arithmetic3A_252, %shift_right_arithmetic3A_1140 : i32
      %broadcast_in_dim3A_1142 = vector.broadcast %add3A_1141 : i32 to vector<16xi32>
      %mul3A_1143 = arith.constant 16 : i32
      %mul3A_1144 = arith.muli %mul3A_1143, %scan3A_1138 : i32
      %swap3A_1145 = arith.index_cast %mul3A_1144 : i32 to index
      %swap3A_1146 = tpu.vector_load %arg5[%swap3A_1145] {strides = array<i32>} : memref<16384xi32, #tpu.memory_space<vmem>>, vector<16xi32>,
      %swap3A_1147 = vector.shape_cast %swap3A_1146 : vector<16xi32> to vector<16xi32>
      %swap3A_1148 = vector.shape_cast %broadcast_in_dim3A_1142 : vector<16xi32> to vector<16xi32>
      tpu.vector_store %arg5[%swap3A_1145], %swap3A_1148 {strides = array<i32>} : memref<16384xi32, #tpu.memory_space<vmem>>, vector<16xi32>,
      %scan3A_1149 = arith.constant 0 : i32
      %scan3A_1150 = arith.constant 2 : i32
      %scan3A_1151 = arith.addi %scan3A_1126, %scan3A_1150 : i32
      %shift_right_arithmetic3A_1152 = arith.constant 8 : i32
      %shift_right_arithmetic3A_1153 = arith.shrsi %scan3A_1151, %shift_right_arithmetic3A_1152 : i32
      %add3A_1154 = arith.addi %shift_right_arithmetic3A_252, %shift_right_arithmetic3A_1153 : i32
      %broadcast_in_dim3A_1155 = vector.broadcast %add3A_1154 : i32 to vector<16xi32>
      %mul3A_1156 = arith.constant 16 : i32
      %mul3A_1157 = arith.muli %mul3A_1156, %scan3A_1151 : i32
      %swap3A_1158 = arith.index_cast %mul3A_1157 : i32 to index
      %swap3A_1159 = tpu.vector_load %arg5[%swap3A_1158] {strides = array<i32>} : memref<16384xi32, #tpu.memory_space<vmem>>, vector<16xi32>,
      %swap3A_1160 = vector.shape_cast %swap3A_1159 : vector<16xi32> to vector<16xi32>
      %swap3A_1161 = vector.shape_cast %broadcast_in_dim3A_1155 : vector<16xi32> to vector<16xi32>
      tpu.vector_store %arg5[%swap3A_1158], %swap3A_1161 {strides = array<i32>} : memref<16384xi32, #tpu.memory_space<vmem>>, vector<16xi32>,
      %scan3A_1162 = arith.constant 0 : i32
      %scan3A_1163 = arith.constant 3 : i32
      %scan3A_1164 = arith.addi %scan3A_1126, %scan3A_1163 : i32
      %shift_right_arithmetic3A_1165 = arith.constant 8 : i32
      %shift_right_arithmetic3A_1166 = arith.shrsi %scan3A_1164, %shift_right_arithmetic3A_1165 : i32
      %add3A_1167 = arith.addi %shift_right_arithmetic3A_252, %shift_right_arithmetic3A_1166 : i32
      %broadcast_in_dim3A_1168 = vector.broadcast %add3A_1167 : i32 to vector<16xi32>
      %mul3A_1169 = arith.constant 16 : i32
      %mul3A_1170 = arith.muli %mul3A_1169, %scan3A_1164 : i32
      %swap3A_1171 = arith.index_cast %mul3A_1170 : i32 to index
      %swap3A_1172 = tpu.vector_load %arg5[%swap3A_1171] {strides = array<i32>} : memref<16384xi32, #tpu.memory_space<vmem>>, vector<16xi32>,
      %swap3A_1173 = vector.shape_cast %swap3A_1172 : vector<16xi32> to vector<16xi32>
      %swap3A_1174 = vector.shape_cast %broadcast_in_dim3A_1168 : vector<16xi32> to vector<16xi32>
      tpu.vector_store %arg5[%swap3A_1171], %swap3A_1174 {strides = array<i32>} : memref<16384xi32, #tpu.memory_space<vmem>>, vector<16xi32>,
      %scan3A_1175 = arith.constant 0 : i32
      scf.yield %scan3A_1175 : i32
    }
    %scan3A_259 = arith.constant 1024 : i32
    %add3A_260 = arith.constant 16384 : i32
    %add3A_261 = arith.addi %mul3A_2, %add3A_260 : i32
    %dma_start3A_262 = arith.constant 0 : i32
    %dma_start3A_263 = tpu.memref_slice %arg2[%dma_start3A_262, %add3A_261] : memref<2x16777216xi32, #tpu.memory_space<hbm>> -> memref<1x16384xi32, #tpu.memory_space<hbm>>
    %dma_start3A_264 = tpu.memref_squeeze %dma_start3A_263 : memref<1x16384xi32, #tpu.memory_space<hbm>> -> memref<16384xi32, #tpu.memory_space<hbm>>
    %dma_start3A_265 = tpu.memref_slice %arg2[%dma_start3A_262, %add3A_261] : memref<2x16777216xi32, #tpu.memory_space<hbm>> -> memref<1x16384xi32, #tpu.memory_space<hbm>>
    %dma_start3A_266 = tpu.memref_squeeze %dma_start3A_265 : memref<1x16384xi32, #tpu.memory_space<hbm>> -> memref<16384xi32, #tpu.memory_space<hbm>>
    tpu.enqueue_dma source(%arg5 : memref<16384xi32, #tpu.memory_space<vmem>>) target(%dma_start3A_266 : memref<16384xi32, #tpu.memory_space<hbm>>) target_semaphore(%arg7 : memref<!tpu.dma_semaphore, #tpu.memory_space<semaphore_mem>>)
    %dma_wait3A = arith.constant 0 : i32
    %dma_wait3A_267 = tpu.memref_slice %arg2[%dma_wait3A, %add3A_243] : memref<2x16777216xi32, #tpu.memory_space<hbm>> -> memref<1x16384xi32, #tpu.memory_space<hbm>>
    %dma_wait3A_268 = tpu.memref_squeeze %dma_wait3A_267 : memref<1x16384xi32, #tpu.memory_space<hbm>> -> memref<16384xi32, #tpu.memory_space<hbm>>
    %dma_wait3A_269 = tpu.memref_slice %arg2[%dma_wait3A, %add3A_243] : memref<2x16777216xi32, #tpu.memory_space<hbm>> -> memref<1x16384xi32, #tpu.memory_space<hbm>>
    %dma_wait3A_270 = tpu.memref_squeeze %dma_wait3A_269 : memref<1x16384xi32, #tpu.memory_space<hbm>> -> memref<16384xi32, #tpu.memory_space<hbm>>
    tpu.wait_dma2 semaphore(%arg7 : memref<!tpu.dma_semaphore, #tpu.memory_space<semaphore_mem>>) src(%arg4 : memref<16384xi32, #tpu.memory_space<vmem>>) dst(%dma_wait3A_270 : memref<16384xi32, #tpu.memory_space<hbm>>)
    %add3A_271 = arith.constant 32768 : i32
    %add3A_272 = arith.addi %mul3A_2, %add3A_271 : i32
    %shift_right_arithmetic3A_273 = arith.constant 12 : i32
    %shift_right_arithmetic3A_274 = arith.shrsi %add3A_272, %shift_right_arithmetic3A_273 : i32
    %scan3A_275 = arith.constant 0 : i32
    %scan3A_276 = arith.constant 0 : i32
    %scan3A_277 = arith.constant 1024 : i32
    %scan3A_278 = arith.addi %scan3A_276, %scan3A_277 : i32
    %scan3A_279 = arith.constant 4 : i32
    %scan3A_280 = scf.for %scan3A_1126 = %scan3A_276 to %scan3A_278 step %scan3A_279 iter_args(%scan3A_1127 = %scan3A_275) -> (i32)  : i32 {
      %shift_right_arithmetic3A_1128 = arith.constant 8 : i32
      %shift_right_arithmetic3A_1129 = arith.shrsi %scan3A_1126, %shift_right_arithmetic3A_1128 : i32
      %add3A_1130 = arith.addi %shift_right_arithmetic3A_274, %shift_right_arithmetic3A_1129 : i32
      %broadcast_in_dim3A = vector.broadcast %add3A_1130 : i32 to vector<16xi32>
      %mul3A_1131 = arith.constant 16 : i32
      %mul3A_1132 = arith.muli %mul3A_1131, %scan3A_1126 : i32
      %swap3A = arith.index_cast %mul3A_1132 : i32 to index
      %swap3A_1133 = tpu.vector_load %arg4[%swap3A] {strides = array<i32>} : memref<16384xi32, #tpu.memory_space<vmem>>, vector<16xi32>,
      %swap3A_1134 = vector.shape_cast %swap3A_1133 : vector<16xi32> to vector<16xi32>
      %swap3A_1135 = vector.shape_cast %broadcast_in_dim3A : vector<16xi32> to vector<16xi32>
      tpu.vector_store %arg4[%swap3A], %swap3A_1135 {strides = array<i32>} : memref<16384xi32, #tpu.memory_space<vmem>>, vector<16xi32>,
      %scan3A_1136 = arith.constant 0 : i32
      %scan3A_1137 = arith.constant 1 : i32
      %scan3A_1138 = arith.addi %scan3A_1126, %scan3A_1137 : i32
      %shift_right_arithmetic3A_1139 = arith.constant 8 : i32
      %shift_right_arithmetic3A_1140 = arith.shrsi %scan3A_1138, %shift_right_arithmetic3A_1139 : i32
      %add3A_1141 = arith.addi %shift_right_arithmetic3A_274, %shift_right_arithmetic3A_1140 : i32
      %broadcast_in_dim3A_1142 = vector.broadcast %add3A_1141 : i32 to vector<16xi32>
      %mul3A_1143 = arith.constant 16 : i32
      %mul3A_1144 = arith.muli %mul3A_1143, %scan3A_1138 : i32
      %swap3A_1145 = arith.index_cast %mul3A_1144 : i32 to index
      %swap3A_1146 = tpu.vector_load %arg4[%swap3A_1145] {strides = array<i32>} : memref<16384xi32, #tpu.memory_space<vmem>>, vector<16xi32>,
      %swap3A_1147 = vector.shape_cast %swap3A_1146 : vector<16xi32> to vector<16xi32>
      %swap3A_1148 = vector.shape_cast %broadcast_in_dim3A_1142 : vector<16xi32> to vector<16xi32>
      tpu.vector_store %arg4[%swap3A_1145], %swap3A_1148 {strides = array<i32>} : memref<16384xi32, #tpu.memory_space<vmem>>, vector<16xi32>,
      %scan3A_1149 = arith.constant 0 : i32
      %scan3A_1150 = arith.constant 2 : i32
      %scan3A_1151 = arith.addi %scan3A_1126, %scan3A_1150 : i32
      %shift_right_arithmetic3A_1152 = arith.constant 8 : i32
      %shift_right_arithmetic3A_1153 = arith.shrsi %scan3A_1151, %shift_right_arithmetic3A_1152 : i32
      %add3A_1154 = arith.addi %shift_right_arithmetic3A_274, %shift_right_arithmetic3A_1153 : i32
      %broadcast_in_dim3A_1155 = vector.broadcast %add3A_1154 : i32 to vector<16xi32>
      %mul3A_1156 = arith.constant 16 : i32
      %mul3A_1157 = arith.muli %mul3A_1156, %scan3A_1151 : i32
      %swap3A_1158 = arith.index_cast %mul3A_1157 : i32 to index
      %swap3A_1159 = tpu.vector_load %arg4[%swap3A_1158] {strides = array<i32>} : memref<16384xi32, #tpu.memory_space<vmem>>, vector<16xi32>,
      %swap3A_1160 = vector.shape_cast %swap3A_1159 : vector<16xi32> to vector<16xi32>
      %swap3A_1161 = vector.shape_cast %broadcast_in_dim3A_1155 : vector<16xi32> to vector<16xi32>
      tpu.vector_store %arg4[%swap3A_1158], %swap3A_1161 {strides = array<i32>} : memref<16384xi32, #tpu.memory_space<vmem>>, vector<16xi32>,
      %scan3A_1162 = arith.constant 0 : i32
      %scan3A_1163 = arith.constant 3 : i32
      %scan3A_1164 = arith.addi %scan3A_1126, %scan3A_1163 : i32
      %shift_right_arithmetic3A_1165 = arith.constant 8 : i32
      %shift_right_arithmetic3A_1166 = arith.shrsi %scan3A_1164, %shift_right_arithmetic3A_1165 : i32
      %add3A_1167 = arith.addi %shift_right_arithmetic3A_274, %shift_right_arithmetic3A_1166 : i32
      %broadcast_in_dim3A_1168 = vector.broadcast %add3A_1167 : i32 to vector<16xi32>
      %mul3A_1169 = arith.constant 16 : i32
      %mul3A_1170 = arith.muli %mul3A_1169, %scan3A_1164 : i32
      %swap3A_1171 = arith.index_cast %mul3A_1170 : i32 to index
      %swap3A_1172 = tpu.vector_load %arg4[%swap3A_1171] {strides = array<i32>} : memref<16384xi32, #tpu.memory_space<vmem>>, vector<16xi32>,
      %swap3A_1173 = vector.shape_cast %swap3A_1172 : vector<16xi32> to vector<16xi32>
      %swap3A_1174 = vector.shape_cast %broadcast_in_dim3A_1168 : vector<16xi32> to vector<16xi32>
      tpu.vector_store %arg4[%swap3A_1171], %swap3A_1174 {strides = array<i32>} : memref<16384xi32, #tpu.memory_space<vmem>>, vector<16xi32>,
      %scan3A_1175 = arith.constant 0 : i32
      scf.yield %scan3A_1175 : i32
    }
    %scan3A_281 = arith.constant 1024 : i32
    %add3A_282 = arith.constant 32768 : i32
    %add3A_283 = arith.addi %mul3A_2, %add3A_282 : i32
    %dma_start3A_284 = arith.constant 0 : i32
    %dma_start3A_285 = tpu.memref_slice %arg2[%dma_start3A_284, %add3A_283] : memref<2x16777216xi32, #tpu.memory_space<hbm>> -> memref<1x16384xi32, #tpu.memory_space<hbm>>
    %dma_start3A_286 = tpu.memref_squeeze %dma_start3A_285 : memref<1x16384xi32, #tpu.memory_space<hbm>> -> memref<16384xi32, #tpu.memory_space<hbm>>
    %dma_start3A_287 = tpu.memref_slice %arg2[%dma_start3A_284, %add3A_283] : memref<2x16777216xi32, #tpu.memory_space<hbm>> -> memref<1x16384xi32, #tpu.memory_space<hbm>>
    %dma_start3A_288 = tpu.memref_squeeze %dma_start3A_287 : memref<1x16384xi32, #tpu.memory_space<hbm>> -> memref<16384xi32, #tpu.memory_space<hbm>>
    tpu.enqueue_dma source(%arg4 : memref<16384xi32, #tpu.memory_space<vmem>>) target(%dma_start3A_288 : memref<16384xi32, #tpu.memory_space<hbm>>) target_semaphore(%arg7 : memref<!tpu.dma_semaphore, #tpu.memory_space<semaphore_mem>>)
    %dma_wait3A_289 = arith.constant 0 : i32
    %dma_wait3A_290 = tpu.memref_slice %arg2[%dma_wait3A_289, %add3A_261] : memref<2x16777216xi32, #tpu.memory_space<hbm>> -> memref<1x16384xi32, #tpu.memory_space<hbm>>
    %dma_wait3A_291 = tpu.memref_squeeze %dma_wait3A_290 : memref<1x16384xi32, #tpu.memory_space<hbm>> -> memref<16384xi32, #tpu.memory_space<hbm>>
    %dma_wait3A_292 = tpu.memref_slice %arg2[%dma_wait3A_289, %add3A_261] : memref<2x16777216xi32, #tpu.memory_space<hbm>> -> memref<1x16384xi32, #tpu.memory_space<hbm>>
    %dma_wait3A_293 = tpu.memref_squeeze %dma_wait3A_292 : memref<1x16384xi32, #tpu.memory_space<hbm>> -> memref<16384xi32, #tpu.memory_space<hbm>>
    tpu.wait_dma2 semaphore(%arg7 : memref<!tpu.dma_semaphore, #tpu.memory_space<semaphore_mem>>) src(%arg5 : memref<16384xi32, #tpu.memory_space<vmem>>) dst(%dma_wait3A_293 : memref<16384xi32, #tpu.memory_space<hbm>>)
    %add3A_294 = arith.constant 49152 : i32
    %add3A_295 = arith.addi %mul3A_2, %add3A_294 : i32
    %shift_right_arithmetic3A_296 = arith.constant 12 : i32
    %shift_right_arithmetic3A_297 = arith.shrsi %add3A_295, %shift_right_arithmetic3A_296 : i32
    %scan3A_298 = arith.constant 0 : i32
    %scan3A_299 = arith.constant 0 : i32
    %scan3A_300 = arith.constant 1024 : i32
    %scan3A_301 = arith.addi %scan3A_299, %scan3A_300 : i32
    %scan3A_302 = arith.constant 4 : i32
    %scan3A_303 = scf.for %scan3A_1126 = %scan3A_299 to %scan3A_301 step %scan3A_302 iter_args(%scan3A_1127 = %scan3A_298) -> (i32)  : i32 {
      %shift_right_arithmetic3A_1128 = arith.constant 8 : i32
      %shift_right_arithmetic3A_1129 = arith.shrsi %scan3A_1126, %shift_right_arithmetic3A_1128 : i32
      %add3A_1130 = arith.addi %shift_right_arithmetic3A_297, %shift_right_arithmetic3A_1129 : i32
      %broadcast_in_dim3A = vector.broadcast %add3A_1130 : i32 to vector<16xi32>
      %mul3A_1131 = arith.constant 16 : i32
      %mul3A_1132 = arith.muli %mul3A_1131, %scan3A_1126 : i32
      %swap3A = arith.index_cast %mul3A_1132 : i32 to index
      %swap3A_1133 = tpu.vector_load %arg5[%swap3A] {strides = array<i32>} : memref<16384xi32, #tpu.memory_space<vmem>>, vector<16xi32>,
      %swap3A_1134 = vector.shape_cast %swap3A_1133 : vector<16xi32> to vector<16xi32>
      %swap3A_1135 = vector.shape_cast %broadcast_in_dim3A : vector<16xi32> to vector<16xi32>
      tpu.vector_store %arg5[%swap3A], %swap3A_1135 {strides = array<i32>} : memref<16384xi32, #tpu.memory_space<vmem>>, vector<16xi32>,
      %scan3A_1136 = arith.constant 0 : i32
      %scan3A_1137 = arith.constant 1 : i32
      %scan3A_1138 = arith.addi %scan3A_1126, %scan3A_1137 : i32
      %shift_right_arithmetic3A_1139 = arith.constant 8 : i32
      %shift_right_arithmetic3A_1140 = arith.shrsi %scan3A_1138, %shift_right_arithmetic3A_1139 : i32
      %add3A_1141 = arith.addi %shift_right_arithmetic3A_297, %shift_right_arithmetic3A_1140 : i32
      %broadcast_in_dim3A_1142 = vector.broadcast %add3A_1141 : i32 to vector<16xi32>
      %mul3A_1143 = arith.constant 16 : i32
      %mul3A_1144 = arith.muli %mul3A_1143, %scan3A_1138 : i32
      %swap3A_1145 = arith.index_cast %mul3A_1144 : i32 to index
      %swap3A_1146 = tpu.vector_load %arg5[%swap3A_1145] {strides = array<i32>} : memref<16384xi32, #tpu.memory_space<vmem>>, vector<16xi32>,
      %swap3A_1147 = vector.shape_cast %swap3A_1146 : vector<16xi32> to vector<16xi32>
      %swap3A_1148 = vector.shape_cast %broadcast_in_dim3A_1142 : vector<16xi32> to vector<16xi32>
      tpu.vector_store %arg5[%swap3A_1145], %swap3A_1148 {strides = array<i32>} : memref<16384xi32, #tpu.memory_space<vmem>>, vector<16xi32>,
      %scan3A_1149 = arith.constant 0 : i32
      %scan3A_1150 = arith.constant 2 : i32
      %scan3A_1151 = arith.addi %scan3A_1126, %scan3A_1150 : i32
      %shift_right_arithmetic3A_1152 = arith.constant 8 : i32
      %shift_right_arithmetic3A_1153 = arith.shrsi %scan3A_1151, %shift_right_arithmetic3A_1152 : i32
      %add3A_1154 = arith.addi %shift_right_arithmetic3A_297, %shift_right_arithmetic3A_1153 : i32
      %broadcast_in_dim3A_1155 = vector.broadcast %add3A_1154 : i32 to vector<16xi32>
      %mul3A_1156 = arith.constant 16 : i32
      %mul3A_1157 = arith.muli %mul3A_1156, %scan3A_1151 : i32
      %swap3A_1158 = arith.index_cast %mul3A_1157 : i32 to index
      %swap3A_1159 = tpu.vector_load %arg5[%swap3A_1158] {strides = array<i32>} : memref<16384xi32, #tpu.memory_space<vmem>>, vector<16xi32>,
      %swap3A_1160 = vector.shape_cast %swap3A_1159 : vector<16xi32> to vector<16xi32>
      %swap3A_1161 = vector.shape_cast %broadcast_in_dim3A_1155 : vector<16xi32> to vector<16xi32>
      tpu.vector_store %arg5[%swap3A_1158], %swap3A_1161 {strides = array<i32>} : memref<16384xi32, #tpu.memory_space<vmem>>, vector<16xi32>,
      %scan3A_1162 = arith.constant 0 : i32
      %scan3A_1163 = arith.constant 3 : i32
      %scan3A_1164 = arith.addi %scan3A_1126, %scan3A_1163 : i32
      %shift_right_arithmetic3A_1165 = arith.constant 8 : i32
      %shift_right_arithmetic3A_1166 = arith.shrsi %scan3A_1164, %shift_right_arithmetic3A_1165 : i32
      %add3A_1167 = arith.addi %shift_right_arithmetic3A_297, %shift_right_arithmetic3A_1166 : i32
      %broadcast_in_dim3A_1168 = vector.broadcast %add3A_1167 : i32 to vector<16xi32>
      %mul3A_1169 = arith.constant 16 : i32
      %mul3A_1170 = arith.muli %mul3A_1169, %scan3A_1164 : i32
      %swap3A_1171 = arith.index_cast %mul3A_1170 : i32 to index
      %swap3A_1172 = tpu.vector_load %arg5[%swap3A_1171] {strides = array<i32>} : memref<16384xi32, #tpu.memory_space<vmem>>, vector<16xi32>,
      %swap3A_1173 = vector.shape_cast %swap3A_1172 : vector<16xi32> to vector<16xi32>
      %swap3A_1174 = vector.shape_cast %broadcast_in_dim3A_1168 : vector<16xi32> to vector<16xi32>
      tpu.vector_store %arg5[%swap3A_1171], %swap3A_1174 {strides = array<i32>} : memref<16384xi32, #tpu.memory_space<vmem>>, vector<16xi32>,
      %scan3A_1175 = arith.constant 0 : i32
      scf.yield %scan3A_1175 : i32
    }
    %scan3A_304 = arith.constant 1024 : i32
    %add3A_305 = arith.constant 49152 : i32
    %add3A_306 = arith.addi %mul3A_2, %add3A_305 : i32
    %dma_start3A_307 = arith.constant 0 : i32
    %dma_start3A_308 = tpu.memref_slice %arg2[%dma_start3A_307, %add3A_306] : memref<2x16777216xi32, #tpu.memory_space<hbm>> -> memref<1x16384xi32, #tpu.memory_space<hbm>>
    %dma_start3A_309 = tpu.memref_squeeze %dma_start3A_308 : memref<1x16384xi32, #tpu.memory_space<hbm>> -> memref<16384xi32, #tpu.memory_space<hbm>>
    %dma_start3A_310 = tpu.memref_slice %arg2[%dma_start3A_307, %add3A_306] : memref<2x16777216xi32, #tpu.memory_space<hbm>> -> memref<1x16384xi32, #tpu.memory_space<hbm>>
    %dma_start3A_311 = tpu.memref_squeeze %dma_start3A_310 : memref<1x16384xi32, #tpu.memory_space<hbm>> -> memref<16384xi32, #tpu.memory_space<hbm>>
    tpu.enqueue_dma source(%arg5 : memref<16384xi32, #tpu.memory_space<vmem>>) target(%dma_start3A_311 : memref<16384xi32, #tpu.memory_space<hbm>>) target_semaphore(%arg7 : memref<!tpu.dma_semaphore, #tpu.memory_space<semaphore_mem>>)
    %dma_wait3A_312 = arith.constant 0 : i32
    %dma_wait3A_313 = tpu.memref_slice %arg2[%dma_wait3A_312, %add3A_283] : memref<2x16777216xi32, #tpu.memory_space<hbm>> -> memref<1x16384xi32, #tpu.memory_space<hbm>>
    %dma_wait3A_314 = tpu.memref_squeeze %dma_wait3A_313 : memref<1x16384xi32, #tpu.memory_space<hbm>> -> memref<16384xi32, #tpu.memory_space<hbm>>
    %dma_wait3A_315 = tpu.memref_slice %arg2[%dma_wait3A_312, %add3A_283] : memref<2x16777216xi32, #tpu.memory_space<hbm>> -> memref<1x16384xi32, #tpu.memory_space<hbm>>
    %dma_wait3A_316 = tpu.memref_squeeze %dma_wait3A_315 : memref<1x16384xi32, #tpu.memory_space<hbm>> -> memref<16384xi32, #tpu.memory_space<hbm>>
    tpu.wait_dma2 semaphore(%arg7 : memref<!tpu.dma_semaphore, #tpu.memory_space<semaphore_mem>>) src(%arg4 : memref<16384xi32, #tpu.memory_space<vmem>>) dst(%dma_wait3A_316 : memref<16384xi32, #tpu.memory_space<hbm>>)
    %add3A_317 = arith.constant 65536 : i32
    %add3A_318 = arith.addi %mul3A_2, %add3A_317 : i32
    %shift_right_arithmetic3A_319 = arith.constant 12 : i32
    %shift_right_arithmetic3A_320 = arith.shrsi %add3A_318, %shift_right_arithmetic3A_319 : i32
    %scan3A_321 = arith.constant 0 : i32
    %scan3A_322 = arith.constant 0 : i32
    %scan3A_323 = arith.constant 1024 : i32
    %scan3A_324 = arith.addi %scan3A_322, %scan3A_323 : i32
    %scan3A_325 = arith.constant 4 : i32
    %scan3A_326 = scf.for %scan3A_1126 = %scan3A_322 to %scan3A_324 step %scan3A_325 iter_args(%scan3A_1127 = %scan3A_321) -> (i32)  : i32 {
      %shift_right_arithmetic3A_1128 = arith.constant 8 : i32
      %shift_right_arithmetic3A_1129 = arith.shrsi %scan3A_1126, %shift_right_arithmetic3A_1128 : i32
      %add3A_1130 = arith.addi %shift_right_arithmetic3A_320, %shift_right_arithmetic3A_1129 : i32
      %broadcast_in_dim3A = vector.broadcast %add3A_1130 : i32 to vector<16xi32>
      %mul3A_1131 = arith.constant 16 : i32
      %mul3A_1132 = arith.muli %mul3A_1131, %scan3A_1126 : i32
      %swap3A = arith.index_cast %mul3A_1132 : i32 to index
      %swap3A_1133 = tpu.vector_load %arg4[%swap3A] {strides = array<i32>} : memref<16384xi32, #tpu.memory_space<vmem>>, vector<16xi32>,
      %swap3A_1134 = vector.shape_cast %swap3A_1133 : vector<16xi32> to vector<16xi32>
      %swap3A_1135 = vector.shape_cast %broadcast_in_dim3A : vector<16xi32> to vector<16xi32>
      tpu.vector_store %arg4[%swap3A], %swap3A_1135 {strides = array<i32>} : memref<16384xi32, #tpu.memory_space<vmem>>, vector<16xi32>,
      %scan3A_1136 = arith.constant 0 : i32
      %scan3A_1137 = arith.constant 1 : i32
      %scan3A_1138 = arith.addi %scan3A_1126, %scan3A_1137 : i32
      %shift_right_arithmetic3A_1139 = arith.constant 8 : i32
      %shift_right_arithmetic3A_1140 = arith.shrsi %scan3A_1138, %shift_right_arithmetic3A_1139 : i32
      %add3A_1141 = arith.addi %shift_right_arithmetic3A_320, %shift_right_arithmetic3A_1140 : i32
      %broadcast_in_dim3A_1142 = vector.broadcast %add3A_1141 : i32 to vector<16xi32>
      %mul3A_1143 = arith.constant 16 : i32
      %mul3A_1144 = arith.muli %mul3A_1143, %scan3A_1138 : i32
      %swap3A_1145 = arith.index_cast %mul3A_1144 : i32 to index
      %swap3A_1146 = tpu.vector_load %arg4[%swap3A_1145] {strides = array<i32>} : memref<16384xi32, #tpu.memory_space<vmem>>, vector<16xi32>,
      %swap3A_1147 = vector.shape_cast %swap3A_1146 : vector<16xi32> to vector<16xi32>
      %swap3A_1148 = vector.shape_cast %broadcast_in_dim3A_1142 : vector<16xi32> to vector<16xi32>
      tpu.vector_store %arg4[%swap3A_1145], %swap3A_1148 {strides = array<i32>} : memref<16384xi32, #tpu.memory_space<vmem>>, vector<16xi32>,
      %scan3A_1149 = arith.constant 0 : i32
      %scan3A_1150 = arith.constant 2 : i32
      %scan3A_1151 = arith.addi %scan3A_1126, %scan3A_1150 : i32
      %shift_right_arithmetic3A_1152 = arith.constant 8 : i32
      %shift_right_arithmetic3A_1153 = arith.shrsi %scan3A_1151, %shift_right_arithmetic3A_1152 : i32
      %add3A_1154 = arith.addi %shift_right_arithmetic3A_320, %shift_right_arithmetic3A_1153 : i32
      %broadcast_in_dim3A_1155 = vector.broadcast %add3A_1154 : i32 to vector<16xi32>
      %mul3A_1156 = arith.constant 16 : i32
      %mul3A_1157 = arith.muli %mul3A_1156, %scan3A_1151 : i32
      %swap3A_1158 = arith.index_cast %mul3A_1157 : i32 to index
      %swap3A_1159 = tpu.vector_load %arg4[%swap3A_1158] {strides = array<i32>} : memref<16384xi32, #tpu.memory_space<vmem>>, vector<16xi32>,
      %swap3A_1160 = vector.shape_cast %swap3A_1159 : vector<16xi32> to vector<16xi32>
      %swap3A_1161 = vector.shape_cast %broadcast_in_dim3A_1155 : vector<16xi32> to vector<16xi32>
      tpu.vector_store %arg4[%swap3A_1158], %swap3A_1161 {strides = array<i32>} : memref<16384xi32, #tpu.memory_space<vmem>>, vector<16xi32>,
      %scan3A_1162 = arith.constant 0 : i32
      %scan3A_1163 = arith.constant 3 : i32
      %scan3A_1164 = arith.addi %scan3A_1126, %scan3A_1163 : i32
      %shift_right_arithmetic3A_1165 = arith.constant 8 : i32
      %shift_right_arithmetic3A_1166 = arith.shrsi %scan3A_1164, %shift_right_arithmetic3A_1165 : i32
      %add3A_1167 = arith.addi %shift_right_arithmetic3A_320, %shift_right_arithmetic3A_1166 : i32
      %broadcast_in_dim3A_1168 = vector.broadcast %add3A_1167 : i32 to vector<16xi32>
      %mul3A_1169 = arith.constant 16 : i32
      %mul3A_1170 = arith.muli %mul3A_1169, %scan3A_1164 : i32
      %swap3A_1171 = arith.index_cast %mul3A_1170 : i32 to index
      %swap3A_1172 = tpu.vector_load %arg4[%swap3A_1171] {strides = array<i32>} : memref<16384xi32, #tpu.memory_space<vmem>>, vector<16xi32>,
      %swap3A_1173 = vector.shape_cast %swap3A_1172 : vector<16xi32> to vector<16xi32>
      %swap3A_1174 = vector.shape_cast %broadcast_in_dim3A_1168 : vector<16xi32> to vector<16xi32>
      tpu.vector_store %arg4[%swap3A_1171], %swap3A_1174 {strides = array<i32>} : memref<16384xi32, #tpu.memory_space<vmem>>, vector<16xi32>,
      %scan3A_1175 = arith.constant 0 : i32
      scf.yield %scan3A_1175 : i32
    }
    %scan3A_327 = arith.constant 1024 : i32
    %add3A_328 = arith.constant 65536 : i32
    %add3A_329 = arith.addi %mul3A_2, %add3A_328 : i32
    %dma_start3A_330 = arith.constant 0 : i32
    %dma_start3A_331 = tpu.memref_slice %arg2[%dma_start3A_330, %add3A_329] : memref<2x16777216xi32, #tpu.memory_space<hbm>> -> memref<1x16384xi32, #tpu.memory_space<hbm>>
    %dma_start3A_332 = tpu.memref_squeeze %dma_start3A_331 : memref<1x16384xi32, #tpu.memory_space<hbm>> -> memref<16384xi32, #tpu.memory_space<hbm>>
    %dma_start3A_333 = tpu.memref_slice %arg2[%dma_start3A_330, %add3A_329] : memref<2x16777216xi32, #tpu.memory_space<hbm>> -> memref<1x16384xi32, #tpu.memory_space<hbm>>
    %dma_start3A_334 = tpu.memref_squeeze %dma_start3A_333 : memref<1x16384xi32, #tpu.memory_space<hbm>> -> memref<16384xi32, #tpu.memory_space<hbm>>
    tpu.enqueue_dma source(%arg4 : memref<16384xi32, #tpu.memory_space<vmem>>) target(%dma_start3A_334 : memref<16384xi32, #tpu.memory_space<hbm>>) target_semaphore(%arg7 : memref<!tpu.dma_semaphore, #tpu.memory_space<semaphore_mem>>)
    %dma_wait3A_335 = arith.constant 0 : i32
    %dma_wait3A_336 = tpu.memref_slice %arg2[%dma_wait3A_335, %add3A_306] : memref<2x16777216xi32, #tpu.memory_space<hbm>> -> memref<1x16384xi32, #tpu.memory_space<hbm>>
    %dma_wait3A_337 = tpu.memref_squeeze %dma_wait3A_336 : memref<1x16384xi32, #tpu.memory_space<hbm>> -> memref<16384xi32, #tpu.memory_space<hbm>>
    %dma_wait3A_338 = tpu.memref_slice %arg2[%dma_wait3A_335, %add3A_306] : memref<2x16777216xi32, #tpu.memory_space<hbm>> -> memref<1x16384xi32, #tpu.memory_space<hbm>>
    %dma_wait3A_339 = tpu.memref_squeeze %dma_wait3A_338 : memref<1x16384xi32, #tpu.memory_space<hbm>> -> memref<16384xi32, #tpu.memory_space<hbm>>
    tpu.wait_dma2 semaphore(%arg7 : memref<!tpu.dma_semaphore, #tpu.memory_space<semaphore_mem>>) src(%arg5 : memref<16384xi32, #tpu.memory_space<vmem>>) dst(%dma_wait3A_339 : memref<16384xi32, #tpu.memory_space<hbm>>)
    %add3A_340 = arith.constant 81920 : i32
    %add3A_341 = arith.addi %mul3A_2, %add3A_340 : i32
    %shift_right_arithmetic3A_342 = arith.constant 12 : i32
    %shift_right_arithmetic3A_343 = arith.shrsi %add3A_341, %shift_right_arithmetic3A_342 : i32
    %scan3A_344 = arith.constant 0 : i32
    %scan3A_345 = arith.constant 0 : i32
    %scan3A_346 = arith.constant 1024 : i32
    %scan3A_347 = arith.addi %scan3A_345, %scan3A_346 : i32
    %scan3A_348 = arith.constant 4 : i32
    %scan3A_349 = scf.for %scan3A_1126 = %scan3A_345 to %scan3A_347 step %scan3A_348 iter_args(%scan3A_1127 = %scan3A_344) -> (i32)  : i32 {
      %shift_right_arithmetic3A_1128 = arith.constant 8 : i32
      %shift_right_arithmetic3A_1129 = arith.shrsi %scan3A_1126, %shift_right_arithmetic3A_1128 : i32
      %add3A_1130 = arith.addi %shift_right_arithmetic3A_343, %shift_right_arithmetic3A_1129 : i32
      %broadcast_in_dim3A = vector.broadcast %add3A_1130 : i32 to vector<16xi32>
      %mul3A_1131 = arith.constant 16 : i32
      %mul3A_1132 = arith.muli %mul3A_1131, %scan3A_1126 : i32
      %swap3A = arith.index_cast %mul3A_1132 : i32 to index
      %swap3A_1133 = tpu.vector_load %arg5[%swap3A] {strides = array<i32>} : memref<16384xi32, #tpu.memory_space<vmem>>, vector<16xi32>,
      %swap3A_1134 = vector.shape_cast %swap3A_1133 : vector<16xi32> to vector<16xi32>
      %swap3A_1135 = vector.shape_cast %broadcast_in_dim3A : vector<16xi32> to vector<16xi32>
      tpu.vector_store %arg5[%swap3A], %swap3A_1135 {strides = array<i32>} : memref<16384xi32, #tpu.memory_space<vmem>>, vector<16xi32>,
      %scan3A_1136 = arith.constant 0 : i32
      %scan3A_1137 = arith.constant 1 : i32
      %scan3A_1138 = arith.addi %scan3A_1126, %scan3A_1137 : i32
      %shift_right_arithmetic3A_1139 = arith.constant 8 : i32
      %shift_right_arithmetic3A_1140 = arith.shrsi %scan3A_1138, %shift_right_arithmetic3A_1139 : i32
      %add3A_1141 = arith.addi %shift_right_arithmetic3A_343, %shift_right_arithmetic3A_1140 : i32
      %broadcast_in_dim3A_1142 = vector.broadcast %add3A_1141 : i32 to vector<16xi32>
      %mul3A_1143 = arith.constant 16 : i32
      %mul3A_1144 = arith.muli %mul3A_1143, %scan3A_1138 : i32
      %swap3A_1145 = arith.index_cast %mul3A_1144 : i32 to index
      %swap3A_1146 = tpu.vector_load %arg5[%swap3A_1145] {strides = array<i32>} : memref<16384xi32, #tpu.memory_space<vmem>>, vector<16xi32>,
      %swap3A_1147 = vector.shape_cast %swap3A_1146 : vector<16xi32> to vector<16xi32>
      %swap3A_1148 = vector.shape_cast %broadcast_in_dim3A_1142 : vector<16xi32> to vector<16xi32>
      tpu.vector_store %arg5[%swap3A_1145], %swap3A_1148 {strides = array<i32>} : memref<16384xi32, #tpu.memory_space<vmem>>, vector<16xi32>,
      %scan3A_1149 = arith.constant 0 : i32
      %scan3A_1150 = arith.constant 2 : i32
      %scan3A_1151 = arith.addi %scan3A_1126, %scan3A_1150 : i32
      %shift_right_arithmetic3A_1152 = arith.constant 8 : i32
      %shift_right_arithmetic3A_1153 = arith.shrsi %scan3A_1151, %shift_right_arithmetic3A_1152 : i32
      %add3A_1154 = arith.addi %shift_right_arithmetic3A_343, %shift_right_arithmetic3A_1153 : i32
      %broadcast_in_dim3A_1155 = vector.broadcast %add3A_1154 : i32 to vector<16xi32>
      %mul3A_1156 = arith.constant 16 : i32
      %mul3A_1157 = arith.muli %mul3A_1156, %scan3A_1151 : i32
      %swap3A_1158 = arith.index_cast %mul3A_1157 : i32 to index
      %swap3A_1159 = tpu.vector_load %arg5[%swap3A_1158] {strides = array<i32>} : memref<16384xi32, #tpu.memory_space<vmem>>, vector<16xi32>,
      %swap3A_1160 = vector.shape_cast %swap3A_1159 : vector<16xi32> to vector<16xi32>
      %swap3A_1161 = vector.shape_cast %broadcast_in_dim3A_1155 : vector<16xi32> to vector<16xi32>
      tpu.vector_store %arg5[%swap3A_1158], %swap3A_1161 {strides = array<i32>} : memref<16384xi32, #tpu.memory_space<vmem>>, vector<16xi32>,
      %scan3A_1162 = arith.constant 0 : i32
      %scan3A_1163 = arith.constant 3 : i32
      %scan3A_1164 = arith.addi %scan3A_1126, %scan3A_1163 : i32
      %shift_right_arithmetic3A_1165 = arith.constant 8 : i32
      %shift_right_arithmetic3A_1166 = arith.shrsi %scan3A_1164, %shift_right_arithmetic3A_1165 : i32
      %add3A_1167 = arith.addi %shift_right_arithmetic3A_343, %shift_right_arithmetic3A_1166 : i32
      %broadcast_in_dim3A_1168 = vector.broadcast %add3A_1167 : i32 to vector<16xi32>
      %mul3A_1169 = arith.constant 16 : i32
      %mul3A_1170 = arith.muli %mul3A_1169, %scan3A_1164 : i32
      %swap3A_1171 = arith.index_cast %mul3A_1170 : i32 to index
      %swap3A_1172 = tpu.vector_load %arg5[%swap3A_1171] {strides = array<i32>} : memref<16384xi32, #tpu.memory_space<vmem>>, vector<16xi32>,
      %swap3A_1173 = vector.shape_cast %swap3A_1172 : vector<16xi32> to vector<16xi32>
      %swap3A_1174 = vector.shape_cast %broadcast_in_dim3A_1168 : vector<16xi32> to vector<16xi32>
      tpu.vector_store %arg5[%swap3A_1171], %swap3A_1174 {strides = array<i32>} : memref<16384xi32, #tpu.memory_space<vmem>>, vector<16xi32>,
      %scan3A_1175 = arith.constant 0 : i32
      scf.yield %scan3A_1175 : i32
    }
    %scan3A_350 = arith.constant 1024 : i32
    %add3A_351 = arith.constant 81920 : i32
    %add3A_352 = arith.addi %mul3A_2, %add3A_351 : i32
    %dma_start3A_353 = arith.constant 0 : i32
    %dma_start3A_354 = tpu.memref_slice %arg2[%dma_start3A_353, %add3A_352] : memref<2x16777216xi32, #tpu.memory_space<hbm>> -> memref<1x16384xi32, #tpu.memory_space<hbm>>
    %dma_start3A_355 = tpu.memref_squeeze %dma_start3A_354 : memref<1x16384xi32, #tpu.memory_space<hbm>> -> memref<16384xi32, #tpu.memory_space<hbm>>
    %dma_start3A_356 = tpu.memref_slice %arg2[%dma_start3A_353, %add3A_352] : memref<2x16777216xi32, #tpu.memory_space<hbm>> -> memref<1x16384xi32, #tpu.memory_space<hbm>>
    %dma_start3A_357 = tpu.memref_squeeze %dma_start3A_356 : memref<1x16384xi32, #tpu.memory_space<hbm>> -> memref<16384xi32, #tpu.memory_space<hbm>>
    tpu.enqueue_dma source(%arg5 : memref<16384xi32, #tpu.memory_space<vmem>>) target(%dma_start3A_357 : memref<16384xi32, #tpu.memory_space<hbm>>) target_semaphore(%arg7 : memref<!tpu.dma_semaphore, #tpu.memory_space<semaphore_mem>>)
    %dma_wait3A_358 = arith.constant 0 : i32
    %dma_wait3A_359 = tpu.memref_slice %arg2[%dma_wait3A_358, %add3A_329] : memref<2x16777216xi32, #tpu.memory_space<hbm>> -> memref<1x16384xi32, #tpu.memory_space<hbm>>
    %dma_wait3A_360 = tpu.memref_squeeze %dma_wait3A_359 : memref<1x16384xi32, #tpu.memory_space<hbm>> -> memref<16384xi32, #tpu.memory_space<hbm>>
    %dma_wait3A_361 = tpu.memref_slice %arg2[%dma_wait3A_358, %add3A_329] : memref<2x16777216xi32, #tpu.memory_space<hbm>> -> memref<1x16384xi32, #tpu.memory_space<hbm>>
    %dma_wait3A_362 = tpu.memref_squeeze %dma_wait3A_361 : memref<1x16384xi32, #tpu.memory_space<hbm>> -> memref<16384xi32, #tpu.memory_space<hbm>>
    tpu.wait_dma2 semaphore(%arg7 : memref<!tpu.dma_semaphore, #tpu.memory_space<semaphore_mem>>) src(%arg4 : memref<16384xi32, #tpu.memory_space<vmem>>) dst(%dma_wait3A_362 : memref<16384xi32, #tpu.memory_space<hbm>>)
    %add3A_363 = arith.constant 98304 : i32
    %add3A_364 = arith.addi %mul3A_2, %add3A_363 : i32
    %shift_right_arithmetic3A_365 = arith.constant 12 : i32
    %shift_right_arithmetic3A_366 = arith.shrsi %add3A_364, %shift_right_arithmetic3A_365 : i32
    %scan3A_367 = arith.constant 0 : i32
    %scan3A_368 = arith.constant 0 : i32
    %scan3A_369 = arith.constant 1024 : i32
    %scan3A_370 = arith.addi %scan3A_368, %scan3A_369 : i32
    %scan3A_371 = arith.constant 4 : i32
    %scan3A_372 = scf.for %scan3A_1126 = %scan3A_368 to %scan3A_370 step %scan3A_371 iter_args(%scan3A_1127 = %scan3A_367) -> (i32)  : i32 {
      %shift_right_arithmetic3A_1128 = arith.constant 8 : i32
      %shift_right_arithmetic3A_1129 = arith.shrsi %scan3A_1126, %shift_right_arithmetic3A_1128 : i32
      %add3A_1130 = arith.addi %shift_right_arithmetic3A_366, %shift_right_arithmetic3A_1129 : i32
      %broadcast_in_dim3A = vector.broadcast %add3A_1130 : i32 to vector<16xi32>
      %mul3A_1131 = arith.constant 16 : i32
      %mul3A_1132 = arith.muli %mul3A_1131, %scan3A_1126 : i32
      %swap3A = arith.index_cast %mul3A_1132 : i32 to index
      %swap3A_1133 = tpu.vector_load %arg4[%swap3A] {strides = array<i32>} : memref<16384xi32, #tpu.memory_space<vmem>>, vector<16xi32>,
      %swap3A_1134 = vector.shape_cast %swap3A_1133 : vector<16xi32> to vector<16xi32>
      %swap3A_1135 = vector.shape_cast %broadcast_in_dim3A : vector<16xi32> to vector<16xi32>
      tpu.vector_store %arg4[%swap3A], %swap3A_1135 {strides = array<i32>} : memref<16384xi32, #tpu.memory_space<vmem>>, vector<16xi32>,
      %scan3A_1136 = arith.constant 0 : i32
      %scan3A_1137 = arith.constant 1 : i32
      %scan3A_1138 = arith.addi %scan3A_1126, %scan3A_1137 : i32
      %shift_right_arithmetic3A_1139 = arith.constant 8 : i32
      %shift_right_arithmetic3A_1140 = arith.shrsi %scan3A_1138, %shift_right_arithmetic3A_1139 : i32
      %add3A_1141 = arith.addi %shift_right_arithmetic3A_366, %shift_right_arithmetic3A_1140 : i32
      %broadcast_in_dim3A_1142 = vector.broadcast %add3A_1141 : i32 to vector<16xi32>
      %mul3A_1143 = arith.constant 16 : i32
      %mul3A_1144 = arith.muli %mul3A_1143, %scan3A_1138 : i32
      %swap3A_1145 = arith.index_cast %mul3A_1144 : i32 to index
      %swap3A_1146 = tpu.vector_load %arg4[%swap3A_1145] {strides = array<i32>} : memref<16384xi32, #tpu.memory_space<vmem>>, vector<16xi32>,
      %swap3A_1147 = vector.shape_cast %swap3A_1146 : vector<16xi32> to vector<16xi32>
      %swap3A_1148 = vector.shape_cast %broadcast_in_dim3A_1142 : vector<16xi32> to vector<16xi32>
      tpu.vector_store %arg4[%swap3A_1145], %swap3A_1148 {strides = array<i32>} : memref<16384xi32, #tpu.memory_space<vmem>>, vector<16xi32>,
      %scan3A_1149 = arith.constant 0 : i32
      %scan3A_1150 = arith.constant 2 : i32
      %scan3A_1151 = arith.addi %scan3A_1126, %scan3A_1150 : i32
      %shift_right_arithmetic3A_1152 = arith.constant 8 : i32
      %shift_right_arithmetic3A_1153 = arith.shrsi %scan3A_1151, %shift_right_arithmetic3A_1152 : i32
      %add3A_1154 = arith.addi %shift_right_arithmetic3A_366, %shift_right_arithmetic3A_1153 : i32
      %broadcast_in_dim3A_1155 = vector.broadcast %add3A_1154 : i32 to vector<16xi32>
      %mul3A_1156 = arith.constant 16 : i32
      %mul3A_1157 = arith.muli %mul3A_1156, %scan3A_1151 : i32
      %swap3A_1158 = arith.index_cast %mul3A_1157 : i32 to index
      %swap3A_1159 = tpu.vector_load %arg4[%swap3A_1158] {strides = array<i32>} : memref<16384xi32, #tpu.memory_space<vmem>>, vector<16xi32>,
      %swap3A_1160 = vector.shape_cast %swap3A_1159 : vector<16xi32> to vector<16xi32>
      %swap3A_1161 = vector.shape_cast %broadcast_in_dim3A_1155 : vector<16xi32> to vector<16xi32>
      tpu.vector_store %arg4[%swap3A_1158], %swap3A_1161 {strides = array<i32>} : memref<16384xi32, #tpu.memory_space<vmem>>, vector<16xi32>,
      %scan3A_1162 = arith.constant 0 : i32
      %scan3A_1163 = arith.constant 3 : i32
      %scan3A_1164 = arith.addi %scan3A_1126, %scan3A_1163 : i32
      %shift_right_arithmetic3A_1165 = arith.constant 8 : i32
      %shift_right_arithmetic3A_1166 = arith.shrsi %scan3A_1164, %shift_right_arithmetic3A_1165 : i32
      %add3A_1167 = arith.addi %shift_right_arithmetic3A_366, %shift_right_arithmetic3A_1166 : i32
      %broadcast_in_dim3A_1168 = vector.broadcast %add3A_1167 : i32 to vector<16xi32>
      %mul3A_1169 = arith.constant 16 : i32
      %mul3A_1170 = arith.muli %mul3A_1169, %scan3A_1164 : i32
      %swap3A_1171 = arith.index_cast %mul3A_1170 : i32 to index
      %swap3A_1172 = tpu.vector_load %arg4[%swap3A_1171] {strides = array<i32>} : memref<16384xi32, #tpu.memory_space<vmem>>, vector<16xi32>,
      %swap3A_1173 = vector.shape_cast %swap3A_1172 : vector<16xi32> to vector<16xi32>
      %swap3A_1174 = vector.shape_cast %broadcast_in_dim3A_1168 : vector<16xi32> to vector<16xi32>
      tpu.vector_store %arg4[%swap3A_1171], %swap3A_1174 {strides = array<i32>} : memref<16384xi32, #tpu.memory_space<vmem>>, vector<16xi32>,
      %scan3A_1175 = arith.constant 0 : i32
      scf.yield %scan3A_1175 : i32
    }
    %scan3A_373 = arith.constant 1024 : i32
    %add3A_374 = arith.constant 98304 : i32
    %add3A_375 = arith.addi %mul3A_2, %add3A_374 : i32
    %dma_start3A_376 = arith.constant 0 : i32
    %dma_start3A_377 = tpu.memref_slice %arg2[%dma_start3A_376, %add3A_375] : memref<2x16777216xi32, #tpu.memory_space<hbm>> -> memref<1x16384xi32, #tpu.memory_space<hbm>>
    %dma_start3A_378 = tpu.memref_squeeze %dma_start3A_377 : memref<1x16384xi32, #tpu.memory_space<hbm>> -> memref<16384xi32, #tpu.memory_space<hbm>>
    %dma_start3A_379 = tpu.memref_slice %arg2[%dma_start3A_376, %add3A_375] : memref<2x16777216xi32, #tpu.memory_space<hbm>> -> memref<1x16384xi32, #tpu.memory_space<hbm>>
    %dma_start3A_380 = tpu.memref_squeeze %dma_start3A_379 : memref<1x16384xi32, #tpu.memory_space<hbm>> -> memref<16384xi32, #tpu.memory_space<hbm>>
    tpu.enqueue_dma source(%arg4 : memref<16384xi32, #tpu.memory_space<vmem>>) target(%dma_start3A_380 : memref<16384xi32, #tpu.memory_space<hbm>>) target_semaphore(%arg7 : memref<!tpu.dma_semaphore, #tpu.memory_space<semaphore_mem>>)
    %dma_wait3A_381 = arith.constant 0 : i32
    %dma_wait3A_382 = tpu.memref_slice %arg2[%dma_wait3A_381, %add3A_352] : memref<2x16777216xi32, #tpu.memory_space<hbm>> -> memref<1x16384xi32, #tpu.memory_space<hbm>>
    %dma_wait3A_383 = tpu.memref_squeeze %dma_wait3A_382 : memref<1x16384xi32, #tpu.memory_space<hbm>> -> memref<16384xi32, #tpu.memory_space<hbm>>
    %dma_wait3A_384 = tpu.memref_slice %arg2[%dma_wait3A_381, %add3A_352] : memref<2x16777216xi32, #tpu.memory_space<hbm>> -> memref<1x16384xi32, #tpu.memory_space<hbm>>
    %dma_wait3A_385 = tpu.memref_squeeze %dma_wait3A_384 : memref<1x16384xi32, #tpu.memory_space<hbm>> -> memref<16384xi32, #tpu.memory_space<hbm>>
    tpu.wait_dma2 semaphore(%arg7 : memref<!tpu.dma_semaphore, #tpu.memory_space<semaphore_mem>>) src(%arg5 : memref<16384xi32, #tpu.memory_space<vmem>>) dst(%dma_wait3A_385 : memref<16384xi32, #tpu.memory_space<hbm>>)
    %add3A_386 = arith.constant 114688 : i32
    %add3A_387 = arith.addi %mul3A_2, %add3A_386 : i32
    %shift_right_arithmetic3A_388 = arith.constant 12 : i32
    %shift_right_arithmetic3A_389 = arith.shrsi %add3A_387, %shift_right_arithmetic3A_388 : i32
    %scan3A_390 = arith.constant 0 : i32
    %scan3A_391 = arith.constant 0 : i32
    %scan3A_392 = arith.constant 1024 : i32
    %scan3A_393 = arith.addi %scan3A_391, %scan3A_392 : i32
    %scan3A_394 = arith.constant 4 : i32
    %scan3A_395 = scf.for %scan3A_1126 = %scan3A_391 to %scan3A_393 step %scan3A_394 iter_args(%scan3A_1127 = %scan3A_390) -> (i32)  : i32 {
      %shift_right_arithmetic3A_1128 = arith.constant 8 : i32
      %shift_right_arithmetic3A_1129 = arith.shrsi %scan3A_1126, %shift_right_arithmetic3A_1128 : i32
      %add3A_1130 = arith.addi %shift_right_arithmetic3A_389, %shift_right_arithmetic3A_1129 : i32
      %broadcast_in_dim3A = vector.broadcast %add3A_1130 : i32 to vector<16xi32>
      %mul3A_1131 = arith.constant 16 : i32
      %mul3A_1132 = arith.muli %mul3A_1131, %scan3A_1126 : i32
      %swap3A = arith.index_cast %mul3A_1132 : i32 to index
      %swap3A_1133 = tpu.vector_load %arg5[%swap3A] {strides = array<i32>} : memref<16384xi32, #tpu.memory_space<vmem>>, vector<16xi32>,
      %swap3A_1134 = vector.shape_cast %swap3A_1133 : vector<16xi32> to vector<16xi32>
      %swap3A_1135 = vector.shape_cast %broadcast_in_dim3A : vector<16xi32> to vector<16xi32>
      tpu.vector_store %arg5[%swap3A], %swap3A_1135 {strides = array<i32>} : memref<16384xi32, #tpu.memory_space<vmem>>, vector<16xi32>,
      %scan3A_1136 = arith.constant 0 : i32
      %scan3A_1137 = arith.constant 1 : i32
      %scan3A_1138 = arith.addi %scan3A_1126, %scan3A_1137 : i32
      %shift_right_arithmetic3A_1139 = arith.constant 8 : i32
      %shift_right_arithmetic3A_1140 = arith.shrsi %scan3A_1138, %shift_right_arithmetic3A_1139 : i32
      %add3A_1141 = arith.addi %shift_right_arithmetic3A_389, %shift_right_arithmetic3A_1140 : i32
      %broadcast_in_dim3A_1142 = vector.broadcast %add3A_1141 : i32 to vector<16xi32>
      %mul3A_1143 = arith.constant 16 : i32
      %mul3A_1144 = arith.muli %mul3A_1143, %scan3A_1138 : i32
      %swap3A_1145 = arith.index_cast %mul3A_1144 : i32 to index
      %swap3A_1146 = tpu.vector_load %arg5[%swap3A_1145] {strides = array<i32>} : memref<16384xi32, #tpu.memory_space<vmem>>, vector<16xi32>,
      %swap3A_1147 = vector.shape_cast %swap3A_1146 : vector<16xi32> to vector<16xi32>
      %swap3A_1148 = vector.shape_cast %broadcast_in_dim3A_1142 : vector<16xi32> to vector<16xi32>
      tpu.vector_store %arg5[%swap3A_1145], %swap3A_1148 {strides = array<i32>} : memref<16384xi32, #tpu.memory_space<vmem>>, vector<16xi32>,
      %scan3A_1149 = arith.constant 0 : i32
      %scan3A_1150 = arith.constant 2 : i32
      %scan3A_1151 = arith.addi %scan3A_1126, %scan3A_1150 : i32
      %shift_right_arithmetic3A_1152 = arith.constant 8 : i32
      %shift_right_arithmetic3A_1153 = arith.shrsi %scan3A_1151, %shift_right_arithmetic3A_1152 : i32
      %add3A_1154 = arith.addi %shift_right_arithmetic3A_389, %shift_right_arithmetic3A_1153 : i32
      %broadcast_in_dim3A_1155 = vector.broadcast %add3A_1154 : i32 to vector<16xi32>
      %mul3A_1156 = arith.constant 16 : i32
      %mul3A_1157 = arith.muli %mul3A_1156, %scan3A_1151 : i32
      %swap3A_1158 = arith.index_cast %mul3A_1157 : i32 to index
      %swap3A_1159 = tpu.vector_load %arg5[%swap3A_1158] {strides = array<i32>} : memref<16384xi32, #tpu.memory_space<vmem>>, vector<16xi32>,
      %swap3A_1160 = vector.shape_cast %swap3A_1159 : vector<16xi32> to vector<16xi32>
      %swap3A_1161 = vector.shape_cast %broadcast_in_dim3A_1155 : vector<16xi32> to vector<16xi32>
      tpu.vector_store %arg5[%swap3A_1158], %swap3A_1161 {strides = array<i32>} : memref<16384xi32, #tpu.memory_space<vmem>>, vector<16xi32>,
      %scan3A_1162 = arith.constant 0 : i32
      %scan3A_1163 = arith.constant 3 : i32
      %scan3A_1164 = arith.addi %scan3A_1126, %scan3A_1163 : i32
      %shift_right_arithmetic3A_1165 = arith.constant 8 : i32
      %shift_right_arithmetic3A_1166 = arith.shrsi %scan3A_1164, %shift_right_arithmetic3A_1165 : i32
      %add3A_1167 = arith.addi %shift_right_arithmetic3A_389, %shift_right_arithmetic3A_1166 : i32
      %broadcast_in_dim3A_1168 = vector.broadcast %add3A_1167 : i32 to vector<16xi32>
      %mul3A_1169 = arith.constant 16 : i32
      %mul3A_1170 = arith.muli %mul3A_1169, %scan3A_1164 : i32
      %swap3A_1171 = arith.index_cast %mul3A_1170 : i32 to index
      %swap3A_1172 = tpu.vector_load %arg5[%swap3A_1171] {strides = array<i32>} : memref<16384xi32, #tpu.memory_space<vmem>>, vector<16xi32>,
      %swap3A_1173 = vector.shape_cast %swap3A_1172 : vector<16xi32> to vector<16xi32>
      %swap3A_1174 = vector.shape_cast %broadcast_in_dim3A_1168 : vector<16xi32> to vector<16xi32>
      tpu.vector_store %arg5[%swap3A_1171], %swap3A_1174 {strides = array<i32>} : memref<16384xi32, #tpu.memory_space<vmem>>, vector<16xi32>,
      %scan3A_1175 = arith.constant 0 : i32
      scf.yield %scan3A_1175 : i32
    }
    %scan3A_396 = arith.constant 1024 : i32
    %add3A_397 = arith.constant 114688 : i32
    %add3A_398 = arith.addi %mul3A_2, %add3A_397 : i32
    %dma_start3A_399 = arith.constant 0 : i32
    %dma_start3A_400 = tpu.memref_slice %arg2[%dma_start3A_399, %add3A_398] : memref<2x16777216xi32, #tpu.memory_space<hbm>> -> memref<1x16384xi32, #tpu.memory_space<hbm>>
    %dma_start3A_401 = tpu.memref_squeeze %dma_start3A_400 : memref<1x16384xi32, #tpu.memory_space<hbm>> -> memref<16384xi32, #tpu.memory_space<hbm>>
    %dma_start3A_402 = tpu.memref_slice %arg2[%dma_start3A_399, %add3A_398] : memref<2x16777216xi32, #tpu.memory_space<hbm>> -> memref<1x16384xi32, #tpu.memory_space<hbm>>
    %dma_start3A_403 = tpu.memref_squeeze %dma_start3A_402 : memref<1x16384xi32, #tpu.memory_space<hbm>> -> memref<16384xi32, #tpu.memory_space<hbm>>
    tpu.enqueue_dma source(%arg5 : memref<16384xi32, #tpu.memory_space<vmem>>) target(%dma_start3A_403 : memref<16384xi32, #tpu.memory_space<hbm>>) target_semaphore(%arg7 : memref<!tpu.dma_semaphore, #tpu.memory_space<semaphore_mem>>)
    %dma_wait3A_404 = arith.constant 0 : i32
    %dma_wait3A_405 = tpu.memref_slice %arg2[%dma_wait3A_404, %add3A_375] : memref<2x16777216xi32, #tpu.memory_space<hbm>> -> memref<1x16384xi32, #tpu.memory_space<hbm>>
    %dma_wait3A_406 = tpu.memref_squeeze %dma_wait3A_405 : memref<1x16384xi32, #tpu.memory_space<hbm>> -> memref<16384xi32, #tpu.memory_space<hbm>>
    %dma_wait3A_407 = tpu.memref_slice %arg2[%dma_wait3A_404, %add3A_375] : memref<2x16777216xi32, #tpu.memory_space<hbm>> -> memref<1x16384xi32, #tpu.memory_space<hbm>>
    %dma_wait3A_408 = tpu.memref_squeeze %dma_wait3A_407 : memref<1x16384xi32, #tpu.memory_space<hbm>> -> memref<16384xi32, #tpu.memory_space<hbm>>
    tpu.wait_dma2 semaphore(%arg7 : memref<!tpu.dma_semaphore, #tpu.memory_space<semaphore_mem>>) src(%arg4 : memref<16384xi32, #tpu.memory_space<vmem>>) dst(%dma_wait3A_408 : memref<16384xi32, #tpu.memory_space<hbm>>)
    %add3A_409 = arith.constant 131072 : i32
    %add3A_410 = arith.addi %mul3A_2, %add3A_409 : i32
    %shift_right_arithmetic3A_411 = arith.constant 12 : i32
    %shift_right_arithmetic3A_412 = arith.shrsi %add3A_410, %shift_right_arithmetic3A_411 : i32
    %scan3A_413 = arith.constant 0 : i32
    %scan3A_414 = arith.constant 0 : i32
    %scan3A_415 = arith.constant 1024 : i32
    %scan3A_416 = arith.addi %scan3A_414, %scan3A_415 : i32
    %scan3A_417 = arith.constant 4 : i32
    %scan3A_418 = scf.for %scan3A_1126 = %scan3A_414 to %scan3A_416 step %scan3A_417 iter_args(%scan3A_1127 = %scan3A_413) -> (i32)  : i32 {
      %shift_right_arithmetic3A_1128 = arith.constant 8 : i32
      %shift_right_arithmetic3A_1129 = arith.shrsi %scan3A_1126, %shift_right_arithmetic3A_1128 : i32
      %add3A_1130 = arith.addi %shift_right_arithmetic3A_412, %shift_right_arithmetic3A_1129 : i32
      %broadcast_in_dim3A = vector.broadcast %add3A_1130 : i32 to vector<16xi32>
      %mul3A_1131 = arith.constant 16 : i32
      %mul3A_1132 = arith.muli %mul3A_1131, %scan3A_1126 : i32
      %swap3A = arith.index_cast %mul3A_1132 : i32 to index
      %swap3A_1133 = tpu.vector_load %arg4[%swap3A] {strides = array<i32>} : memref<16384xi32, #tpu.memory_space<vmem>>, vector<16xi32>,
      %swap3A_1134 = vector.shape_cast %swap3A_1133 : vector<16xi32> to vector<16xi32>
      %swap3A_1135 = vector.shape_cast %broadcast_in_dim3A : vector<16xi32> to vector<16xi32>
      tpu.vector_store %arg4[%swap3A], %swap3A_1135 {strides = array<i32>} : memref<16384xi32, #tpu.memory_space<vmem>>, vector<16xi32>,
      %scan3A_1136 = arith.constant 0 : i32
      %scan3A_1137 = arith.constant 1 : i32
      %scan3A_1138 = arith.addi %scan3A_1126, %scan3A_1137 : i32
      %shift_right_arithmetic3A_1139 = arith.constant 8 : i32
      %shift_right_arithmetic3A_1140 = arith.shrsi %scan3A_1138, %shift_right_arithmetic3A_1139 : i32
      %add3A_1141 = arith.addi %shift_right_arithmetic3A_412, %shift_right_arithmetic3A_1140 : i32
      %broadcast_in_dim3A_1142 = vector.broadcast %add3A_1141 : i32 to vector<16xi32>
      %mul3A_1143 = arith.constant 16 : i32
      %mul3A_1144 = arith.muli %mul3A_1143, %scan3A_1138 : i32
      %swap3A_1145 = arith.index_cast %mul3A_1144 : i32 to index
      %swap3A_1146 = tpu.vector_load %arg4[%swap3A_1145] {strides = array<i32>} : memref<16384xi32, #tpu.memory_space<vmem>>, vector<16xi32>,
      %swap3A_1147 = vector.shape_cast %swap3A_1146 : vector<16xi32> to vector<16xi32>
      %swap3A_1148 = vector.shape_cast %broadcast_in_dim3A_1142 : vector<16xi32> to vector<16xi32>
      tpu.vector_store %arg4[%swap3A_1145], %swap3A_1148 {strides = array<i32>} : memref<16384xi32, #tpu.memory_space<vmem>>, vector<16xi32>,
      %scan3A_1149 = arith.constant 0 : i32
      %scan3A_1150 = arith.constant 2 : i32
      %scan3A_1151 = arith.addi %scan3A_1126, %scan3A_1150 : i32
      %shift_right_arithmetic3A_1152 = arith.constant 8 : i32
      %shift_right_arithmetic3A_1153 = arith.shrsi %scan3A_1151, %shift_right_arithmetic3A_1152 : i32
      %add3A_1154 = arith.addi %shift_right_arithmetic3A_412, %shift_right_arithmetic3A_1153 : i32
      %broadcast_in_dim3A_1155 = vector.broadcast %add3A_1154 : i32 to vector<16xi32>
      %mul3A_1156 = arith.constant 16 : i32
      %mul3A_1157 = arith.muli %mul3A_1156, %scan3A_1151 : i32
      %swap3A_1158 = arith.index_cast %mul3A_1157 : i32 to index
      %swap3A_1159 = tpu.vector_load %arg4[%swap3A_1158] {strides = array<i32>} : memref<16384xi32, #tpu.memory_space<vmem>>, vector<16xi32>,
      %swap3A_1160 = vector.shape_cast %swap3A_1159 : vector<16xi32> to vector<16xi32>
      %swap3A_1161 = vector.shape_cast %broadcast_in_dim3A_1155 : vector<16xi32> to vector<16xi32>
      tpu.vector_store %arg4[%swap3A_1158], %swap3A_1161 {strides = array<i32>} : memref<16384xi32, #tpu.memory_space<vmem>>, vector<16xi32>,
      %scan3A_1162 = arith.constant 0 : i32
      %scan3A_1163 = arith.constant 3 : i32
      %scan3A_1164 = arith.addi %scan3A_1126, %scan3A_1163 : i32
      %shift_right_arithmetic3A_1165 = arith.constant 8 : i32
      %shift_right_arithmetic3A_1166 = arith.shrsi %scan3A_1164, %shift_right_arithmetic3A_1165 : i32
      %add3A_1167 = arith.addi %shift_right_arithmetic3A_412, %shift_right_arithmetic3A_1166 : i32
      %broadcast_in_dim3A_1168 = vector.broadcast %add3A_1167 : i32 to vector<16xi32>
      %mul3A_1169 = arith.constant 16 : i32
      %mul3A_1170 = arith.muli %mul3A_1169, %scan3A_1164 : i32
      %swap3A_1171 = arith.index_cast %mul3A_1170 : i32 to index
      %swap3A_1172 = tpu.vector_load %arg4[%swap3A_1171] {strides = array<i32>} : memref<16384xi32, #tpu.memory_space<vmem>>, vector<16xi32>,
      %swap3A_1173 = vector.shape_cast %swap3A_1172 : vector<16xi32> to vector<16xi32>
      %swap3A_1174 = vector.shape_cast %broadcast_in_dim3A_1168 : vector<16xi32> to vector<16xi32>
      tpu.vector_store %arg4[%swap3A_1171], %swap3A_1174 {strides = array<i32>} : memref<16384xi32, #tpu.memory_space<vmem>>, vector<16xi32>,
      %scan3A_1175 = arith.constant 0 : i32
      scf.yield %scan3A_1175 : i32
    }
    %scan3A_419 = arith.constant 1024 : i32
    %add3A_420 = arith.constant 131072 : i32
    %add3A_421 = arith.addi %mul3A_2, %add3A_420 : i32
    %dma_start3A_422 = arith.constant 0 : i32
    %dma_start3A_423 = tpu.memref_slice %arg2[%dma_start3A_422, %add3A_421] : memref<2x16777216xi32, #tpu.memory_space<hbm>> -> memref<1x16384xi32, #tpu.memory_space<hbm>>
    %dma_start3A_424 = tpu.memref_squeeze %dma_start3A_423 : memref<1x16384xi32, #tpu.memory_space<hbm>> -> memref<16384xi32, #tpu.memory_space<hbm>>
    %dma_start3A_425 = tpu.memref_slice %arg2[%dma_start3A_422, %add3A_421] : memref<2x16777216xi32, #tpu.memory_space<hbm>> -> memref<1x16384xi32, #tpu.memory_space<hbm>>
    %dma_start3A_426 = tpu.memref_squeeze %dma_start3A_425 : memref<1x16384xi32, #tpu.memory_space<hbm>> -> memref<16384xi32, #tpu.memory_space<hbm>>
    tpu.enqueue_dma source(%arg4 : memref<16384xi32, #tpu.memory_space<vmem>>) target(%dma_start3A_426 : memref<16384xi32, #tpu.memory_space<hbm>>) target_semaphore(%arg7 : memref<!tpu.dma_semaphore, #tpu.memory_space<semaphore_mem>>)
    %dma_wait3A_427 = arith.constant 0 : i32
    %dma_wait3A_428 = tpu.memref_slice %arg2[%dma_wait3A_427, %add3A_398] : memref<2x16777216xi32, #tpu.memory_space<hbm>> -> memref<1x16384xi32, #tpu.memory_space<hbm>>
    %dma_wait3A_429 = tpu.memref_squeeze %dma_wait3A_428 : memref<1x16384xi32, #tpu.memory_space<hbm>> -> memref<16384xi32, #tpu.memory_space<hbm>>
    %dma_wait3A_430 = tpu.memref_slice %arg2[%dma_wait3A_427, %add3A_398] : memref<2x16777216xi32, #tpu.memory_space<hbm>> -> memref<1x16384xi32, #tpu.memory_space<hbm>>
    %dma_wait3A_431 = tpu.memref_squeeze %dma_wait3A_430 : memref<1x16384xi32, #tpu.memory_space<hbm>> -> memref<16384xi32, #tpu.memory_space<hbm>>
    tpu.wait_dma2 semaphore(%arg7 : memref<!tpu.dma_semaphore, #tpu.memory_space<semaphore_mem>>) src(%arg5 : memref<16384xi32, #tpu.memory_space<vmem>>) dst(%dma_wait3A_431 : memref<16384xi32, #tpu.memory_space<hbm>>)
    %add3A_432 = arith.constant 147456 : i32
    %add3A_433 = arith.addi %mul3A_2, %add3A_432 : i32
    %shift_right_arithmetic3A_434 = arith.constant 12 : i32
    %shift_right_arithmetic3A_435 = arith.shrsi %add3A_433, %shift_right_arithmetic3A_434 : i32
    %scan3A_436 = arith.constant 0 : i32
    %scan3A_437 = arith.constant 0 : i32
    %scan3A_438 = arith.constant 1024 : i32
    %scan3A_439 = arith.addi %scan3A_437, %scan3A_438 : i32
    %scan3A_440 = arith.constant 4 : i32
    %scan3A_441 = scf.for %scan3A_1126 = %scan3A_437 to %scan3A_439 step %scan3A_440 iter_args(%scan3A_1127 = %scan3A_436) -> (i32)  : i32 {
      %shift_right_arithmetic3A_1128 = arith.constant 8 : i32
      %shift_right_arithmetic3A_1129 = arith.shrsi %scan3A_1126, %shift_right_arithmetic3A_1128 : i32
      %add3A_1130 = arith.addi %shift_right_arithmetic3A_435, %shift_right_arithmetic3A_1129 : i32
      %broadcast_in_dim3A = vector.broadcast %add3A_1130 : i32 to vector<16xi32>
      %mul3A_1131 = arith.constant 16 : i32
      %mul3A_1132 = arith.muli %mul3A_1131, %scan3A_1126 : i32
      %swap3A = arith.index_cast %mul3A_1132 : i32 to index
      %swap3A_1133 = tpu.vector_load %arg5[%swap3A] {strides = array<i32>} : memref<16384xi32, #tpu.memory_space<vmem>>, vector<16xi32>,
      %swap3A_1134 = vector.shape_cast %swap3A_1133 : vector<16xi32> to vector<16xi32>
      %swap3A_1135 = vector.shape_cast %broadcast_in_dim3A : vector<16xi32> to vector<16xi32>
      tpu.vector_store %arg5[%swap3A], %swap3A_1135 {strides = array<i32>} : memref<16384xi32, #tpu.memory_space<vmem>>, vector<16xi32>,
      %scan3A_1136 = arith.constant 0 : i32
      %scan3A_1137 = arith.constant 1 : i32
      %scan3A_1138 = arith.addi %scan3A_1126, %scan3A_1137 : i32
      %shift_right_arithmetic3A_1139 = arith.constant 8 : i32
      %shift_right_arithmetic3A_1140 = arith.shrsi %scan3A_1138, %shift_right_arithmetic3A_1139 : i32
      %add3A_1141 = arith.addi %shift_right_arithmetic3A_435, %shift_right_arithmetic3A_1140 : i32
      %broadcast_in_dim3A_1142 = vector.broadcast %add3A_1141 : i32 to vector<16xi32>
      %mul3A_1143 = arith.constant 16 : i32
      %mul3A_1144 = arith.muli %mul3A_1143, %scan3A_1138 : i32
      %swap3A_1145 = arith.index_cast %mul3A_1144 : i32 to index
      %swap3A_1146 = tpu.vector_load %arg5[%swap3A_1145] {strides = array<i32>} : memref<16384xi32, #tpu.memory_space<vmem>>, vector<16xi32>,
      %swap3A_1147 = vector.shape_cast %swap3A_1146 : vector<16xi32> to vector<16xi32>
      %swap3A_1148 = vector.shape_cast %broadcast_in_dim3A_1142 : vector<16xi32> to vector<16xi32>
      tpu.vector_store %arg5[%swap3A_1145], %swap3A_1148 {strides = array<i32>} : memref<16384xi32, #tpu.memory_space<vmem>>, vector<16xi32>,
      %scan3A_1149 = arith.constant 0 : i32
      %scan3A_1150 = arith.constant 2 : i32
      %scan3A_1151 = arith.addi %scan3A_1126, %scan3A_1150 : i32
      %shift_right_arithmetic3A_1152 = arith.constant 8 : i32
      %shift_right_arithmetic3A_1153 = arith.shrsi %scan3A_1151, %shift_right_arithmetic3A_1152 : i32
      %add3A_1154 = arith.addi %shift_right_arithmetic3A_435, %shift_right_arithmetic3A_1153 : i32
      %broadcast_in_dim3A_1155 = vector.broadcast %add3A_1154 : i32 to vector<16xi32>
      %mul3A_1156 = arith.constant 16 : i32
      %mul3A_1157 = arith.muli %mul3A_1156, %scan3A_1151 : i32
      %swap3A_1158 = arith.index_cast %mul3A_1157 : i32 to index
      %swap3A_1159 = tpu.vector_load %arg5[%swap3A_1158] {strides = array<i32>} : memref<16384xi32, #tpu.memory_space<vmem>>, vector<16xi32>,
      %swap3A_1160 = vector.shape_cast %swap3A_1159 : vector<16xi32> to vector<16xi32>
      %swap3A_1161 = vector.shape_cast %broadcast_in_dim3A_1155 : vector<16xi32> to vector<16xi32>
      tpu.vector_store %arg5[%swap3A_1158], %swap3A_1161 {strides = array<i32>} : memref<16384xi32, #tpu.memory_space<vmem>>, vector<16xi32>,
      %scan3A_1162 = arith.constant 0 : i32
      %scan3A_1163 = arith.constant 3 : i32
      %scan3A_1164 = arith.addi %scan3A_1126, %scan3A_1163 : i32
      %shift_right_arithmetic3A_1165 = arith.constant 8 : i32
      %shift_right_arithmetic3A_1166 = arith.shrsi %scan3A_1164, %shift_right_arithmetic3A_1165 : i32
      %add3A_1167 = arith.addi %shift_right_arithmetic3A_435, %shift_right_arithmetic3A_1166 : i32
      %broadcast_in_dim3A_1168 = vector.broadcast %add3A_1167 : i32 to vector<16xi32>
      %mul3A_1169 = arith.constant 16 : i32
      %mul3A_1170 = arith.muli %mul3A_1169, %scan3A_1164 : i32
      %swap3A_1171 = arith.index_cast %mul3A_1170 : i32 to index
      %swap3A_1172 = tpu.vector_load %arg5[%swap3A_1171] {strides = array<i32>} : memref<16384xi32, #tpu.memory_space<vmem>>, vector<16xi32>,
      %swap3A_1173 = vector.shape_cast %swap3A_1172 : vector<16xi32> to vector<16xi32>
      %swap3A_1174 = vector.shape_cast %broadcast_in_dim3A_1168 : vector<16xi32> to vector<16xi32>
      tpu.vector_store %arg5[%swap3A_1171], %swap3A_1174 {strides = array<i32>} : memref<16384xi32, #tpu.memory_space<vmem>>, vector<16xi32>,
      %scan3A_1175 = arith.constant 0 : i32
      scf.yield %scan3A_1175 : i32
    }
    %scan3A_442 = arith.constant 1024 : i32
    %add3A_443 = arith.constant 147456 : i32
    %add3A_444 = arith.addi %mul3A_2, %add3A_443 : i32
    %dma_start3A_445 = arith.constant 0 : i32
    %dma_start3A_446 = tpu.memref_slice %arg2[%dma_start3A_445, %add3A_444] : memref<2x16777216xi32, #tpu.memory_space<hbm>> -> memref<1x16384xi32, #tpu.memory_space<hbm>>
    %dma_start3A_447 = tpu.memref_squeeze %dma_start3A_446 : memref<1x16384xi32, #tpu.memory_space<hbm>> -> memref<16384xi32, #tpu.memory_space<hbm>>
    %dma_start3A_448 = tpu.memref_slice %arg2[%dma_start3A_445, %add3A_444] : memref<2x16777216xi32, #tpu.memory_space<hbm>> -> memref<1x16384xi32, #tpu.memory_space<hbm>>
    %dma_start3A_449 = tpu.memref_squeeze %dma_start3A_448 : memref<1x16384xi32, #tpu.memory_space<hbm>> -> memref<16384xi32, #tpu.memory_space<hbm>>
    tpu.enqueue_dma source(%arg5 : memref<16384xi32, #tpu.memory_space<vmem>>) target(%dma_start3A_449 : memref<16384xi32, #tpu.memory_space<hbm>>) target_semaphore(%arg7 : memref<!tpu.dma_semaphore, #tpu.memory_space<semaphore_mem>>)
    %dma_wait3A_450 = arith.constant 0 : i32
    %dma_wait3A_451 = tpu.memref_slice %arg2[%dma_wait3A_450, %add3A_421] : memref<2x16777216xi32, #tpu.memory_space<hbm>> -> memref<1x16384xi32, #tpu.memory_space<hbm>>
    %dma_wait3A_452 = tpu.memref_squeeze %dma_wait3A_451 : memref<1x16384xi32, #tpu.memory_space<hbm>> -> memref<16384xi32, #tpu.memory_space<hbm>>
    %dma_wait3A_453 = tpu.memref_slice %arg2[%dma_wait3A_450, %add3A_421] : memref<2x16777216xi32, #tpu.memory_space<hbm>> -> memref<1x16384xi32, #tpu.memory_space<hbm>>
    %dma_wait3A_454 = tpu.memref_squeeze %dma_wait3A_453 : memref<1x16384xi32, #tpu.memory_space<hbm>> -> memref<16384xi32, #tpu.memory_space<hbm>>
    tpu.wait_dma2 semaphore(%arg7 : memref<!tpu.dma_semaphore, #tpu.memory_space<semaphore_mem>>) src(%arg4 : memref<16384xi32, #tpu.memory_space<vmem>>) dst(%dma_wait3A_454 : memref<16384xi32, #tpu.memory_space<hbm>>)
    %add3A_455 = arith.constant 163840 : i32
    %add3A_456 = arith.addi %mul3A_2, %add3A_455 : i32
    %shift_right_arithmetic3A_457 = arith.constant 12 : i32
    %shift_right_arithmetic3A_458 = arith.shrsi %add3A_456, %shift_right_arithmetic3A_457 : i32
    %scan3A_459 = arith.constant 0 : i32
    %scan3A_460 = arith.constant 0 : i32
    %scan3A_461 = arith.constant 1024 : i32
    %scan3A_462 = arith.addi %scan3A_460, %scan3A_461 : i32
    %scan3A_463 = arith.constant 4 : i32
    %scan3A_464 = scf.for %scan3A_1126 = %scan3A_460 to %scan3A_462 step %scan3A_463 iter_args(%scan3A_1127 = %scan3A_459) -> (i32)  : i32 {
      %shift_right_arithmetic3A_1128 = arith.constant 8 : i32
      %shift_right_arithmetic3A_1129 = arith.shrsi %scan3A_1126, %shift_right_arithmetic3A_1128 : i32
      %add3A_1130 = arith.addi %shift_right_arithmetic3A_458, %shift_right_arithmetic3A_1129 : i32
      %broadcast_in_dim3A = vector.broadcast %add3A_1130 : i32 to vector<16xi32>
      %mul3A_1131 = arith.constant 16 : i32
      %mul3A_1132 = arith.muli %mul3A_1131, %scan3A_1126 : i32
      %swap3A = arith.index_cast %mul3A_1132 : i32 to index
      %swap3A_1133 = tpu.vector_load %arg4[%swap3A] {strides = array<i32>} : memref<16384xi32, #tpu.memory_space<vmem>>, vector<16xi32>,
      %swap3A_1134 = vector.shape_cast %swap3A_1133 : vector<16xi32> to vector<16xi32>
      %swap3A_1135 = vector.shape_cast %broadcast_in_dim3A : vector<16xi32> to vector<16xi32>
      tpu.vector_store %arg4[%swap3A], %swap3A_1135 {strides = array<i32>} : memref<16384xi32, #tpu.memory_space<vmem>>, vector<16xi32>,
      %scan3A_1136 = arith.constant 0 : i32
      %scan3A_1137 = arith.constant 1 : i32
      %scan3A_1138 = arith.addi %scan3A_1126, %scan3A_1137 : i32
      %shift_right_arithmetic3A_1139 = arith.constant 8 : i32
      %shift_right_arithmetic3A_1140 = arith.shrsi %scan3A_1138, %shift_right_arithmetic3A_1139 : i32
      %add3A_1141 = arith.addi %shift_right_arithmetic3A_458, %shift_right_arithmetic3A_1140 : i32
      %broadcast_in_dim3A_1142 = vector.broadcast %add3A_1141 : i32 to vector<16xi32>
      %mul3A_1143 = arith.constant 16 : i32
      %mul3A_1144 = arith.muli %mul3A_1143, %scan3A_1138 : i32
      %swap3A_1145 = arith.index_cast %mul3A_1144 : i32 to index
      %swap3A_1146 = tpu.vector_load %arg4[%swap3A_1145] {strides = array<i32>} : memref<16384xi32, #tpu.memory_space<vmem>>, vector<16xi32>,
      %swap3A_1147 = vector.shape_cast %swap3A_1146 : vector<16xi32> to vector<16xi32>
      %swap3A_1148 = vector.shape_cast %broadcast_in_dim3A_1142 : vector<16xi32> to vector<16xi32>
      tpu.vector_store %arg4[%swap3A_1145], %swap3A_1148 {strides = array<i32>} : memref<16384xi32, #tpu.memory_space<vmem>>, vector<16xi32>,
      %scan3A_1149 = arith.constant 0 : i32
      %scan3A_1150 = arith.constant 2 : i32
      %scan3A_1151 = arith.addi %scan3A_1126, %scan3A_1150 : i32
      %shift_right_arithmetic3A_1152 = arith.constant 8 : i32
      %shift_right_arithmetic3A_1153 = arith.shrsi %scan3A_1151, %shift_right_arithmetic3A_1152 : i32
      %add3A_1154 = arith.addi %shift_right_arithmetic3A_458, %shift_right_arithmetic3A_1153 : i32
      %broadcast_in_dim3A_1155 = vector.broadcast %add3A_1154 : i32 to vector<16xi32>
      %mul3A_1156 = arith.constant 16 : i32
      %mul3A_1157 = arith.muli %mul3A_1156, %scan3A_1151 : i32
      %swap3A_1158 = arith.index_cast %mul3A_1157 : i32 to index
      %swap3A_1159 = tpu.vector_load %arg4[%swap3A_1158] {strides = array<i32>} : memref<16384xi32, #tpu.memory_space<vmem>>, vector<16xi32>,
      %swap3A_1160 = vector.shape_cast %swap3A_1159 : vector<16xi32> to vector<16xi32>
      %swap3A_1161 = vector.shape_cast %broadcast_in_dim3A_1155 : vector<16xi32> to vector<16xi32>
      tpu.vector_store %arg4[%swap3A_1158], %swap3A_1161 {strides = array<i32>} : memref<16384xi32, #tpu.memory_space<vmem>>, vector<16xi32>,
      %scan3A_1162 = arith.constant 0 : i32
      %scan3A_1163 = arith.constant 3 : i32
      %scan3A_1164 = arith.addi %scan3A_1126, %scan3A_1163 : i32
      %shift_right_arithmetic3A_1165 = arith.constant 8 : i32
      %shift_right_arithmetic3A_1166 = arith.shrsi %scan3A_1164, %shift_right_arithmetic3A_1165 : i32
      %add3A_1167 = arith.addi %shift_right_arithmetic3A_458, %shift_right_arithmetic3A_1166 : i32
      %broadcast_in_dim3A_1168 = vector.broadcast %add3A_1167 : i32 to vector<16xi32>
      %mul3A_1169 = arith.constant 16 : i32
      %mul3A_1170 = arith.muli %mul3A_1169, %scan3A_1164 : i32
      %swap3A_1171 = arith.index_cast %mul3A_1170 : i32 to index
      %swap3A_1172 = tpu.vector_load %arg4[%swap3A_1171] {strides = array<i32>} : memref<16384xi32, #tpu.memory_space<vmem>>, vector<16xi32>,
      %swap3A_1173 = vector.shape_cast %swap3A_1172 : vector<16xi32> to vector<16xi32>
      %swap3A_1174 = vector.shape_cast %broadcast_in_dim3A_1168 : vector<16xi32> to vector<16xi32>
      tpu.vector_store %arg4[%swap3A_1171], %swap3A_1174 {strides = array<i32>} : memref<16384xi32, #tpu.memory_space<vmem>>, vector<16xi32>,
      %scan3A_1175 = arith.constant 0 : i32
      scf.yield %scan3A_1175 : i32
    }
    %scan3A_465 = arith.constant 1024 : i32
    %add3A_466 = arith.constant 163840 : i32
    %add3A_467 = arith.addi %mul3A_2, %add3A_466 : i32
    %dma_start3A_468 = arith.constant 0 : i32
    %dma_start3A_469 = tpu.memref_slice %arg2[%dma_start3A_468, %add3A_467] : memref<2x16777216xi32, #tpu.memory_space<hbm>> -> memref<1x16384xi32, #tpu.memory_space<hbm>>
    %dma_start3A_470 = tpu.memref_squeeze %dma_start3A_469 : memref<1x16384xi32, #tpu.memory_space<hbm>> -> memref<16384xi32, #tpu.memory_space<hbm>>
    %dma_start3A_471 = tpu.memref_slice %arg2[%dma_start3A_468, %add3A_467] : memref<2x16777216xi32, #tpu.memory_space<hbm>> -> memref<1x16384xi32, #tpu.memory_space<hbm>>
    %dma_start3A_472 = tpu.memref_squeeze %dma_start3A_471 : memref<1x16384xi32, #tpu.memory_space<hbm>> -> memref<16384xi32, #tpu.memory_space<hbm>>
    tpu.enqueue_dma source(%arg4 : memref<16384xi32, #tpu.memory_space<vmem>>) target(%dma_start3A_472 : memref<16384xi32, #tpu.memory_space<hbm>>) target_semaphore(%arg7 : memref<!tpu.dma_semaphore, #tpu.memory_space<semaphore_mem>>)
    %dma_wait3A_473 = arith.constant 0 : i32
    %dma_wait3A_474 = tpu.memref_slice %arg2[%dma_wait3A_473, %add3A_444] : memref<2x16777216xi32, #tpu.memory_space<hbm>> -> memref<1x16384xi32, #tpu.memory_space<hbm>>
    %dma_wait3A_475 = tpu.memref_squeeze %dma_wait3A_474 : memref<1x16384xi32, #tpu.memory_space<hbm>> -> memref<16384xi32, #tpu.memory_space<hbm>>
    %dma_wait3A_476 = tpu.memref_slice %arg2[%dma_wait3A_473, %add3A_444] : memref<2x16777216xi32, #tpu.memory_space<hbm>> -> memref<1x16384xi32, #tpu.memory_space<hbm>>
    %dma_wait3A_477 = tpu.memref_squeeze %dma_wait3A_476 : memref<1x16384xi32, #tpu.memory_space<hbm>> -> memref<16384xi32, #tpu.memory_space<hbm>>
    tpu.wait_dma2 semaphore(%arg7 : memref<!tpu.dma_semaphore, #tpu.memory_space<semaphore_mem>>) src(%arg5 : memref<16384xi32, #tpu.memory_space<vmem>>) dst(%dma_wait3A_477 : memref<16384xi32, #tpu.memory_space<hbm>>)
    %add3A_478 = arith.constant 180224 : i32
    %add3A_479 = arith.addi %mul3A_2, %add3A_478 : i32
    %shift_right_arithmetic3A_480 = arith.constant 12 : i32
    %shift_right_arithmetic3A_481 = arith.shrsi %add3A_479, %shift_right_arithmetic3A_480 : i32
    %scan3A_482 = arith.constant 0 : i32
    %scan3A_483 = arith.constant 0 : i32
    %scan3A_484 = arith.constant 1024 : i32
    %scan3A_485 = arith.addi %scan3A_483, %scan3A_484 : i32
    %scan3A_486 = arith.constant 4 : i32
    %scan3A_487 = scf.for %scan3A_1126 = %scan3A_483 to %scan3A_485 step %scan3A_486 iter_args(%scan3A_1127 = %scan3A_482) -> (i32)  : i32 {
      %shift_right_arithmetic3A_1128 = arith.constant 8 : i32
      %shift_right_arithmetic3A_1129 = arith.shrsi %scan3A_1126, %shift_right_arithmetic3A_1128 : i32
      %add3A_1130 = arith.addi %shift_right_arithmetic3A_481, %shift_right_arithmetic3A_1129 : i32
      %broadcast_in_dim3A = vector.broadcast %add3A_1130 : i32 to vector<16xi32>
      %mul3A_1131 = arith.constant 16 : i32
      %mul3A_1132 = arith.muli %mul3A_1131, %scan3A_1126 : i32
      %swap3A = arith.index_cast %mul3A_1132 : i32 to index
      %swap3A_1133 = tpu.vector_load %arg5[%swap3A] {strides = array<i32>} : memref<16384xi32, #tpu.memory_space<vmem>>, vector<16xi32>,
      %swap3A_1134 = vector.shape_cast %swap3A_1133 : vector<16xi32> to vector<16xi32>
      %swap3A_1135 = vector.shape_cast %broadcast_in_dim3A : vector<16xi32> to vector<16xi32>
      tpu.vector_store %arg5[%swap3A], %swap3A_1135 {strides = array<i32>} : memref<16384xi32, #tpu.memory_space<vmem>>, vector<16xi32>,
      %scan3A_1136 = arith.constant 0 : i32
      %scan3A_1137 = arith.constant 1 : i32
      %scan3A_1138 = arith.addi %scan3A_1126, %scan3A_1137 : i32
      %shift_right_arithmetic3A_1139 = arith.constant 8 : i32
      %shift_right_arithmetic3A_1140 = arith.shrsi %scan3A_1138, %shift_right_arithmetic3A_1139 : i32
      %add3A_1141 = arith.addi %shift_right_arithmetic3A_481, %shift_right_arithmetic3A_1140 : i32
      %broadcast_in_dim3A_1142 = vector.broadcast %add3A_1141 : i32 to vector<16xi32>
      %mul3A_1143 = arith.constant 16 : i32
      %mul3A_1144 = arith.muli %mul3A_1143, %scan3A_1138 : i32
      %swap3A_1145 = arith.index_cast %mul3A_1144 : i32 to index
      %swap3A_1146 = tpu.vector_load %arg5[%swap3A_1145] {strides = array<i32>} : memref<16384xi32, #tpu.memory_space<vmem>>, vector<16xi32>,
      %swap3A_1147 = vector.shape_cast %swap3A_1146 : vector<16xi32> to vector<16xi32>
      %swap3A_1148 = vector.shape_cast %broadcast_in_dim3A_1142 : vector<16xi32> to vector<16xi32>
      tpu.vector_store %arg5[%swap3A_1145], %swap3A_1148 {strides = array<i32>} : memref<16384xi32, #tpu.memory_space<vmem>>, vector<16xi32>,
      %scan3A_1149 = arith.constant 0 : i32
      %scan3A_1150 = arith.constant 2 : i32
      %scan3A_1151 = arith.addi %scan3A_1126, %scan3A_1150 : i32
      %shift_right_arithmetic3A_1152 = arith.constant 8 : i32
      %shift_right_arithmetic3A_1153 = arith.shrsi %scan3A_1151, %shift_right_arithmetic3A_1152 : i32
      %add3A_1154 = arith.addi %shift_right_arithmetic3A_481, %shift_right_arithmetic3A_1153 : i32
      %broadcast_in_dim3A_1155 = vector.broadcast %add3A_1154 : i32 to vector<16xi32>
      %mul3A_1156 = arith.constant 16 : i32
      %mul3A_1157 = arith.muli %mul3A_1156, %scan3A_1151 : i32
      %swap3A_1158 = arith.index_cast %mul3A_1157 : i32 to index
      %swap3A_1159 = tpu.vector_load %arg5[%swap3A_1158] {strides = array<i32>} : memref<16384xi32, #tpu.memory_space<vmem>>, vector<16xi32>,
      %swap3A_1160 = vector.shape_cast %swap3A_1159 : vector<16xi32> to vector<16xi32>
      %swap3A_1161 = vector.shape_cast %broadcast_in_dim3A_1155 : vector<16xi32> to vector<16xi32>
      tpu.vector_store %arg5[%swap3A_1158], %swap3A_1161 {strides = array<i32>} : memref<16384xi32, #tpu.memory_space<vmem>>, vector<16xi32>,
      %scan3A_1162 = arith.constant 0 : i32
      %scan3A_1163 = arith.constant 3 : i32
      %scan3A_1164 = arith.addi %scan3A_1126, %scan3A_1163 : i32
      %shift_right_arithmetic3A_1165 = arith.constant 8 : i32
      %shift_right_arithmetic3A_1166 = arith.shrsi %scan3A_1164, %shift_right_arithmetic3A_1165 : i32
      %add3A_1167 = arith.addi %shift_right_arithmetic3A_481, %shift_right_arithmetic3A_1166 : i32
      %broadcast_in_dim3A_1168 = vector.broadcast %add3A_1167 : i32 to vector<16xi32>
      %mul3A_1169 = arith.constant 16 : i32
      %mul3A_1170 = arith.muli %mul3A_1169, %scan3A_1164 : i32
      %swap3A_1171 = arith.index_cast %mul3A_1170 : i32 to index
      %swap3A_1172 = tpu.vector_load %arg5[%swap3A_1171] {strides = array<i32>} : memref<16384xi32, #tpu.memory_space<vmem>>, vector<16xi32>,
      %swap3A_1173 = vector.shape_cast %swap3A_1172 : vector<16xi32> to vector<16xi32>
      %swap3A_1174 = vector.shape_cast %broadcast_in_dim3A_1168 : vector<16xi32> to vector<16xi32>
      tpu.vector_store %arg5[%swap3A_1171], %swap3A_1174 {strides = array<i32>} : memref<16384xi32, #tpu.memory_space<vmem>>, vector<16xi32>,
      %scan3A_1175 = arith.constant 0 : i32
      scf.yield %scan3A_1175 : i32
    }
    %scan3A_488 = arith.constant 1024 : i32
    %add3A_489 = arith.constant 180224 : i32
    %add3A_490 = arith.addi %mul3A_2, %add3A_489 : i32
    %dma_start3A_491 = arith.constant 0 : i32
    %dma_start3A_492 = tpu.memref_slice %arg2[%dma_start3A_491, %add3A_490] : memref<2x16777216xi32, #tpu.memory_space<hbm>> -> memref<1x16384xi32, #tpu.memory_space<hbm>>
    %dma_start3A_493 = tpu.memref_squeeze %dma_start3A_492 : memref<1x16384xi32, #tpu.memory_space<hbm>> -> memref<16384xi32, #tpu.memory_space<hbm>>
    %dma_start3A_494 = tpu.memref_slice %arg2[%dma_start3A_491, %add3A_490] : memref<2x16777216xi32, #tpu.memory_space<hbm>> -> memref<1x16384xi32, #tpu.memory_space<hbm>>
    %dma_start3A_495 = tpu.memref_squeeze %dma_start3A_494 : memref<1x16384xi32, #tpu.memory_space<hbm>> -> memref<16384xi32, #tpu.memory_space<hbm>>
    tpu.enqueue_dma source(%arg5 : memref<16384xi32, #tpu.memory_space<vmem>>) target(%dma_start3A_495 : memref<16384xi32, #tpu.memory_space<hbm>>) target_semaphore(%arg7 : memref<!tpu.dma_semaphore, #tpu.memory_space<semaphore_mem>>)
    %dma_wait3A_496 = arith.constant 0 : i32
    %dma_wait3A_497 = tpu.memref_slice %arg2[%dma_wait3A_496, %add3A_467] : memref<2x16777216xi32, #tpu.memory_space<hbm>> -> memref<1x16384xi32, #tpu.memory_space<hbm>>
    %dma_wait3A_498 = tpu.memref_squeeze %dma_wait3A_497 : memref<1x16384xi32, #tpu.memory_space<hbm>> -> memref<16384xi32, #tpu.memory_space<hbm>>
    %dma_wait3A_499 = tpu.memref_slice %arg2[%dma_wait3A_496, %add3A_467] : memref<2x16777216xi32, #tpu.memory_space<hbm>> -> memref<1x16384xi32, #tpu.memory_space<hbm>>
    %dma_wait3A_500 = tpu.memref_squeeze %dma_wait3A_499 : memref<1x16384xi32, #tpu.memory_space<hbm>> -> memref<16384xi32, #tpu.memory_space<hbm>>
    tpu.wait_dma2 semaphore(%arg7 : memref<!tpu.dma_semaphore, #tpu.memory_space<semaphore_mem>>) src(%arg4 : memref<16384xi32, #tpu.memory_space<vmem>>) dst(%dma_wait3A_500 : memref<16384xi32, #tpu.memory_space<hbm>>)
    %add3A_501 = arith.constant 196608 : i32
    %add3A_502 = arith.addi %mul3A_2, %add3A_501 : i32
    %shift_right_arithmetic3A_503 = arith.constant 12 : i32
    %shift_right_arithmetic3A_504 = arith.shrsi %add3A_502, %shift_right_arithmetic3A_503 : i32
    %scan3A_505 = arith.constant 0 : i32
    %scan3A_506 = arith.constant 0 : i32
    %scan3A_507 = arith.constant 1024 : i32
    %scan3A_508 = arith.addi %scan3A_506, %scan3A_507 : i32
    %scan3A_509 = arith.constant 4 : i32
    %scan3A_510 = scf.for %scan3A_1126 = %scan3A_506 to %scan3A_508 step %scan3A_509 iter_args(%scan3A_1127 = %scan3A_505) -> (i32)  : i32 {
      %shift_right_arithmetic3A_1128 = arith.constant 8 : i32
      %shift_right_arithmetic3A_1129 = arith.shrsi %scan3A_1126, %shift_right_arithmetic3A_1128 : i32
      %add3A_1130 = arith.addi %shift_right_arithmetic3A_504, %shift_right_arithmetic3A_1129 : i32
      %broadcast_in_dim3A = vector.broadcast %add3A_1130 : i32 to vector<16xi32>
      %mul3A_1131 = arith.constant 16 : i32
      %mul3A_1132 = arith.muli %mul3A_1131, %scan3A_1126 : i32
      %swap3A = arith.index_cast %mul3A_1132 : i32 to index
      %swap3A_1133 = tpu.vector_load %arg4[%swap3A] {strides = array<i32>} : memref<16384xi32, #tpu.memory_space<vmem>>, vector<16xi32>,
      %swap3A_1134 = vector.shape_cast %swap3A_1133 : vector<16xi32> to vector<16xi32>
      %swap3A_1135 = vector.shape_cast %broadcast_in_dim3A : vector<16xi32> to vector<16xi32>
      tpu.vector_store %arg4[%swap3A], %swap3A_1135 {strides = array<i32>} : memref<16384xi32, #tpu.memory_space<vmem>>, vector<16xi32>,
      %scan3A_1136 = arith.constant 0 : i32
      %scan3A_1137 = arith.constant 1 : i32
      %scan3A_1138 = arith.addi %scan3A_1126, %scan3A_1137 : i32
      %shift_right_arithmetic3A_1139 = arith.constant 8 : i32
      %shift_right_arithmetic3A_1140 = arith.shrsi %scan3A_1138, %shift_right_arithmetic3A_1139 : i32
      %add3A_1141 = arith.addi %shift_right_arithmetic3A_504, %shift_right_arithmetic3A_1140 : i32
      %broadcast_in_dim3A_1142 = vector.broadcast %add3A_1141 : i32 to vector<16xi32>
      %mul3A_1143 = arith.constant 16 : i32
      %mul3A_1144 = arith.muli %mul3A_1143, %scan3A_1138 : i32
      %swap3A_1145 = arith.index_cast %mul3A_1144 : i32 to index
      %swap3A_1146 = tpu.vector_load %arg4[%swap3A_1145] {strides = array<i32>} : memref<16384xi32, #tpu.memory_space<vmem>>, vector<16xi32>,
      %swap3A_1147 = vector.shape_cast %swap3A_1146 : vector<16xi32> to vector<16xi32>
      %swap3A_1148 = vector.shape_cast %broadcast_in_dim3A_1142 : vector<16xi32> to vector<16xi32>
      tpu.vector_store %arg4[%swap3A_1145], %swap3A_1148 {strides = array<i32>} : memref<16384xi32, #tpu.memory_space<vmem>>, vector<16xi32>,
      %scan3A_1149 = arith.constant 0 : i32
      %scan3A_1150 = arith.constant 2 : i32
      %scan3A_1151 = arith.addi %scan3A_1126, %scan3A_1150 : i32
      %shift_right_arithmetic3A_1152 = arith.constant 8 : i32
      %shift_right_arithmetic3A_1153 = arith.shrsi %scan3A_1151, %shift_right_arithmetic3A_1152 : i32
      %add3A_1154 = arith.addi %shift_right_arithmetic3A_504, %shift_right_arithmetic3A_1153 : i32
      %broadcast_in_dim3A_1155 = vector.broadcast %add3A_1154 : i32 to vector<16xi32>
      %mul3A_1156 = arith.constant 16 : i32
      %mul3A_1157 = arith.muli %mul3A_1156, %scan3A_1151 : i32
      %swap3A_1158 = arith.index_cast %mul3A_1157 : i32 to index
      %swap3A_1159 = tpu.vector_load %arg4[%swap3A_1158] {strides = array<i32>} : memref<16384xi32, #tpu.memory_space<vmem>>, vector<16xi32>,
      %swap3A_1160 = vector.shape_cast %swap3A_1159 : vector<16xi32> to vector<16xi32>
      %swap3A_1161 = vector.shape_cast %broadcast_in_dim3A_1155 : vector<16xi32> to vector<16xi32>
      tpu.vector_store %arg4[%swap3A_1158], %swap3A_1161 {strides = array<i32>} : memref<16384xi32, #tpu.memory_space<vmem>>, vector<16xi32>,
      %scan3A_1162 = arith.constant 0 : i32
      %scan3A_1163 = arith.constant 3 : i32
      %scan3A_1164 = arith.addi %scan3A_1126, %scan3A_1163 : i32
      %shift_right_arithmetic3A_1165 = arith.constant 8 : i32
      %shift_right_arithmetic3A_1166 = arith.shrsi %scan3A_1164, %shift_right_arithmetic3A_1165 : i32
      %add3A_1167 = arith.addi %shift_right_arithmetic3A_504, %shift_right_arithmetic3A_1166 : i32
      %broadcast_in_dim3A_1168 = vector.broadcast %add3A_1167 : i32 to vector<16xi32>
      %mul3A_1169 = arith.constant 16 : i32
      %mul3A_1170 = arith.muli %mul3A_1169, %scan3A_1164 : i32
      %swap3A_1171 = arith.index_cast %mul3A_1170 : i32 to index
      %swap3A_1172 = tpu.vector_load %arg4[%swap3A_1171] {strides = array<i32>} : memref<16384xi32, #tpu.memory_space<vmem>>, vector<16xi32>,
      %swap3A_1173 = vector.shape_cast %swap3A_1172 : vector<16xi32> to vector<16xi32>
      %swap3A_1174 = vector.shape_cast %broadcast_in_dim3A_1168 : vector<16xi32> to vector<16xi32>
      tpu.vector_store %arg4[%swap3A_1171], %swap3A_1174 {strides = array<i32>} : memref<16384xi32, #tpu.memory_space<vmem>>, vector<16xi32>,
      %scan3A_1175 = arith.constant 0 : i32
      scf.yield %scan3A_1175 : i32
    }
    %scan3A_511 = arith.constant 1024 : i32
    %add3A_512 = arith.constant 196608 : i32
    %add3A_513 = arith.addi %mul3A_2, %add3A_512 : i32
    %dma_start3A_514 = arith.constant 0 : i32
    %dma_start3A_515 = tpu.memref_slice %arg2[%dma_start3A_514, %add3A_513] : memref<2x16777216xi32, #tpu.memory_space<hbm>> -> memref<1x16384xi32, #tpu.memory_space<hbm>>
    %dma_start3A_516 = tpu.memref_squeeze %dma_start3A_515 : memref<1x16384xi32, #tpu.memory_space<hbm>> -> memref<16384xi32, #tpu.memory_space<hbm>>
    %dma_start3A_517 = tpu.memref_slice %arg2[%dma_start3A_514, %add3A_513] : memref<2x16777216xi32, #tpu.memory_space<hbm>> -> memref<1x16384xi32, #tpu.memory_space<hbm>>
    %dma_start3A_518 = tpu.memref_squeeze %dma_start3A_517 : memref<1x16384xi32, #tpu.memory_space<hbm>> -> memref<16384xi32, #tpu.memory_space<hbm>>
    tpu.enqueue_dma source(%arg4 : memref<16384xi32, #tpu.memory_space<vmem>>) target(%dma_start3A_518 : memref<16384xi32, #tpu.memory_space<hbm>>) target_semaphore(%arg7 : memref<!tpu.dma_semaphore, #tpu.memory_space<semaphore_mem>>)
    %dma_wait3A_519 = arith.constant 0 : i32
    %dma_wait3A_520 = tpu.memref_slice %arg2[%dma_wait3A_519, %add3A_490] : memref<2x16777216xi32, #tpu.memory_space<hbm>> -> memref<1x16384xi32, #tpu.memory_space<hbm>>
    %dma_wait3A_521 = tpu.memref_squeeze %dma_wait3A_520 : memref<1x16384xi32, #tpu.memory_space<hbm>> -> memref<16384xi32, #tpu.memory_space<hbm>>
    %dma_wait3A_522 = tpu.memref_slice %arg2[%dma_wait3A_519, %add3A_490] : memref<2x16777216xi32, #tpu.memory_space<hbm>> -> memref<1x16384xi32, #tpu.memory_space<hbm>>
    %dma_wait3A_523 = tpu.memref_squeeze %dma_wait3A_522 : memref<1x16384xi32, #tpu.memory_space<hbm>> -> memref<16384xi32, #tpu.memory_space<hbm>>
    tpu.wait_dma2 semaphore(%arg7 : memref<!tpu.dma_semaphore, #tpu.memory_space<semaphore_mem>>) src(%arg5 : memref<16384xi32, #tpu.memory_space<vmem>>) dst(%dma_wait3A_523 : memref<16384xi32, #tpu.memory_space<hbm>>)
    %add3A_524 = arith.constant 212992 : i32
    %add3A_525 = arith.addi %mul3A_2, %add3A_524 : i32
    %shift_right_arithmetic3A_526 = arith.constant 12 : i32
    %shift_right_arithmetic3A_527 = arith.shrsi %add3A_525, %shift_right_arithmetic3A_526 : i32
    %scan3A_528 = arith.constant 0 : i32
    %scan3A_529 = arith.constant 0 : i32
    %scan3A_530 = arith.constant 1024 : i32
    %scan3A_531 = arith.addi %scan3A_529, %scan3A_530 : i32
    %scan3A_532 = arith.constant 4 : i32
    %scan3A_533 = scf.for %scan3A_1126 = %scan3A_529 to %scan3A_531 step %scan3A_532 iter_args(%scan3A_1127 = %scan3A_528) -> (i32)  : i32 {
      %shift_right_arithmetic3A_1128 = arith.constant 8 : i32
      %shift_right_arithmetic3A_1129 = arith.shrsi %scan3A_1126, %shift_right_arithmetic3A_1128 : i32
      %add3A_1130 = arith.addi %shift_right_arithmetic3A_527, %shift_right_arithmetic3A_1129 : i32
      %broadcast_in_dim3A = vector.broadcast %add3A_1130 : i32 to vector<16xi32>
      %mul3A_1131 = arith.constant 16 : i32
      %mul3A_1132 = arith.muli %mul3A_1131, %scan3A_1126 : i32
      %swap3A = arith.index_cast %mul3A_1132 : i32 to index
      %swap3A_1133 = tpu.vector_load %arg5[%swap3A] {strides = array<i32>} : memref<16384xi32, #tpu.memory_space<vmem>>, vector<16xi32>,
      %swap3A_1134 = vector.shape_cast %swap3A_1133 : vector<16xi32> to vector<16xi32>
      %swap3A_1135 = vector.shape_cast %broadcast_in_dim3A : vector<16xi32> to vector<16xi32>
      tpu.vector_store %arg5[%swap3A], %swap3A_1135 {strides = array<i32>} : memref<16384xi32, #tpu.memory_space<vmem>>, vector<16xi32>,
      %scan3A_1136 = arith.constant 0 : i32
      %scan3A_1137 = arith.constant 1 : i32
      %scan3A_1138 = arith.addi %scan3A_1126, %scan3A_1137 : i32
      %shift_right_arithmetic3A_1139 = arith.constant 8 : i32
      %shift_right_arithmetic3A_1140 = arith.shrsi %scan3A_1138, %shift_right_arithmetic3A_1139 : i32
      %add3A_1141 = arith.addi %shift_right_arithmetic3A_527, %shift_right_arithmetic3A_1140 : i32
      %broadcast_in_dim3A_1142 = vector.broadcast %add3A_1141 : i32 to vector<16xi32>
      %mul3A_1143 = arith.constant 16 : i32
      %mul3A_1144 = arith.muli %mul3A_1143, %scan3A_1138 : i32
      %swap3A_1145 = arith.index_cast %mul3A_1144 : i32 to index
      %swap3A_1146 = tpu.vector_load %arg5[%swap3A_1145] {strides = array<i32>} : memref<16384xi32, #tpu.memory_space<vmem>>, vector<16xi32>,
      %swap3A_1147 = vector.shape_cast %swap3A_1146 : vector<16xi32> to vector<16xi32>
      %swap3A_1148 = vector.shape_cast %broadcast_in_dim3A_1142 : vector<16xi32> to vector<16xi32>
      tpu.vector_store %arg5[%swap3A_1145], %swap3A_1148 {strides = array<i32>} : memref<16384xi32, #tpu.memory_space<vmem>>, vector<16xi32>,
      %scan3A_1149 = arith.constant 0 : i32
      %scan3A_1150 = arith.constant 2 : i32
      %scan3A_1151 = arith.addi %scan3A_1126, %scan3A_1150 : i32
      %shift_right_arithmetic3A_1152 = arith.constant 8 : i32
      %shift_right_arithmetic3A_1153 = arith.shrsi %scan3A_1151, %shift_right_arithmetic3A_1152 : i32
      %add3A_1154 = arith.addi %shift_right_arithmetic3A_527, %shift_right_arithmetic3A_1153 : i32
      %broadcast_in_dim3A_1155 = vector.broadcast %add3A_1154 : i32 to vector<16xi32>
      %mul3A_1156 = arith.constant 16 : i32
      %mul3A_1157 = arith.muli %mul3A_1156, %scan3A_1151 : i32
      %swap3A_1158 = arith.index_cast %mul3A_1157 : i32 to index
      %swap3A_1159 = tpu.vector_load %arg5[%swap3A_1158] {strides = array<i32>} : memref<16384xi32, #tpu.memory_space<vmem>>, vector<16xi32>,
      %swap3A_1160 = vector.shape_cast %swap3A_1159 : vector<16xi32> to vector<16xi32>
      %swap3A_1161 = vector.shape_cast %broadcast_in_dim3A_1155 : vector<16xi32> to vector<16xi32>
      tpu.vector_store %arg5[%swap3A_1158], %swap3A_1161 {strides = array<i32>} : memref<16384xi32, #tpu.memory_space<vmem>>, vector<16xi32>,
      %scan3A_1162 = arith.constant 0 : i32
      %scan3A_1163 = arith.constant 3 : i32
      %scan3A_1164 = arith.addi %scan3A_1126, %scan3A_1163 : i32
      %shift_right_arithmetic3A_1165 = arith.constant 8 : i32
      %shift_right_arithmetic3A_1166 = arith.shrsi %scan3A_1164, %shift_right_arithmetic3A_1165 : i32
      %add3A_1167 = arith.addi %shift_right_arithmetic3A_527, %shift_right_arithmetic3A_1166 : i32
      %broadcast_in_dim3A_1168 = vector.broadcast %add3A_1167 : i32 to vector<16xi32>
      %mul3A_1169 = arith.constant 16 : i32
      %mul3A_1170 = arith.muli %mul3A_1169, %scan3A_1164 : i32
      %swap3A_1171 = arith.index_cast %mul3A_1170 : i32 to index
      %swap3A_1172 = tpu.vector_load %arg5[%swap3A_1171] {strides = array<i32>} : memref<16384xi32, #tpu.memory_space<vmem>>, vector<16xi32>,
      %swap3A_1173 = vector.shape_cast %swap3A_1172 : vector<16xi32> to vector<16xi32>
      %swap3A_1174 = vector.shape_cast %broadcast_in_dim3A_1168 : vector<16xi32> to vector<16xi32>
      tpu.vector_store %arg5[%swap3A_1171], %swap3A_1174 {strides = array<i32>} : memref<16384xi32, #tpu.memory_space<vmem>>, vector<16xi32>,
      %scan3A_1175 = arith.constant 0 : i32
      scf.yield %scan3A_1175 : i32
    }
    %scan3A_534 = arith.constant 1024 : i32
    %add3A_535 = arith.constant 212992 : i32
    %add3A_536 = arith.addi %mul3A_2, %add3A_535 : i32
    %dma_start3A_537 = arith.constant 0 : i32
    %dma_start3A_538 = tpu.memref_slice %arg2[%dma_start3A_537, %add3A_536] : memref<2x16777216xi32, #tpu.memory_space<hbm>> -> memref<1x16384xi32, #tpu.memory_space<hbm>>
    %dma_start3A_539 = tpu.memref_squeeze %dma_start3A_538 : memref<1x16384xi32, #tpu.memory_space<hbm>> -> memref<16384xi32, #tpu.memory_space<hbm>>
    %dma_start3A_540 = tpu.memref_slice %arg2[%dma_start3A_537, %add3A_536] : memref<2x16777216xi32, #tpu.memory_space<hbm>> -> memref<1x16384xi32, #tpu.memory_space<hbm>>
    %dma_start3A_541 = tpu.memref_squeeze %dma_start3A_540 : memref<1x16384xi32, #tpu.memory_space<hbm>> -> memref<16384xi32, #tpu.memory_space<hbm>>
    tpu.enqueue_dma source(%arg5 : memref<16384xi32, #tpu.memory_space<vmem>>) target(%dma_start3A_541 : memref<16384xi32, #tpu.memory_space<hbm>>) target_semaphore(%arg7 : memref<!tpu.dma_semaphore, #tpu.memory_space<semaphore_mem>>)
    %dma_wait3A_542 = arith.constant 0 : i32
    %dma_wait3A_543 = tpu.memref_slice %arg2[%dma_wait3A_542, %add3A_513] : memref<2x16777216xi32, #tpu.memory_space<hbm>> -> memref<1x16384xi32, #tpu.memory_space<hbm>>
    %dma_wait3A_544 = tpu.memref_squeeze %dma_wait3A_543 : memref<1x16384xi32, #tpu.memory_space<hbm>> -> memref<16384xi32, #tpu.memory_space<hbm>>
    %dma_wait3A_545 = tpu.memref_slice %arg2[%dma_wait3A_542, %add3A_513] : memref<2x16777216xi32, #tpu.memory_space<hbm>> -> memref<1x16384xi32, #tpu.memory_space<hbm>>
    %dma_wait3A_546 = tpu.memref_squeeze %dma_wait3A_545 : memref<1x16384xi32, #tpu.memory_space<hbm>> -> memref<16384xi32, #tpu.memory_space<hbm>>
    tpu.wait_dma2 semaphore(%arg7 : memref<!tpu.dma_semaphore, #tpu.memory_space<semaphore_mem>>) src(%arg4 : memref<16384xi32, #tpu.memory_space<vmem>>) dst(%dma_wait3A_546 : memref<16384xi32, #tpu.memory_space<hbm>>)
    %add3A_547 = arith.constant 229376 : i32
    %add3A_548 = arith.addi %mul3A_2, %add3A_547 : i32
    %shift_right_arithmetic3A_549 = arith.constant 12 : i32
    %shift_right_arithmetic3A_550 = arith.shrsi %add3A_548, %shift_right_arithmetic3A_549 : i32
    %scan3A_551 = arith.constant 0 : i32
    %scan3A_552 = arith.constant 0 : i32
    %scan3A_553 = arith.constant 1024 : i32
    %scan3A_554 = arith.addi %scan3A_552, %scan3A_553 : i32
    %scan3A_555 = arith.constant 4 : i32
    %scan3A_556 = scf.for %scan3A_1126 = %scan3A_552 to %scan3A_554 step %scan3A_555 iter_args(%scan3A_1127 = %scan3A_551) -> (i32)  : i32 {
      %shift_right_arithmetic3A_1128 = arith.constant 8 : i32
      %shift_right_arithmetic3A_1129 = arith.shrsi %scan3A_1126, %shift_right_arithmetic3A_1128 : i32
      %add3A_1130 = arith.addi %shift_right_arithmetic3A_550, %shift_right_arithmetic3A_1129 : i32
      %broadcast_in_dim3A = vector.broadcast %add3A_1130 : i32 to vector<16xi32>
      %mul3A_1131 = arith.constant 16 : i32
      %mul3A_1132 = arith.muli %mul3A_1131, %scan3A_1126 : i32
      %swap3A = arith.index_cast %mul3A_1132 : i32 to index
      %swap3A_1133 = tpu.vector_load %arg4[%swap3A] {strides = array<i32>} : memref<16384xi32, #tpu.memory_space<vmem>>, vector<16xi32>,
      %swap3A_1134 = vector.shape_cast %swap3A_1133 : vector<16xi32> to vector<16xi32>
      %swap3A_1135 = vector.shape_cast %broadcast_in_dim3A : vector<16xi32> to vector<16xi32>
      tpu.vector_store %arg4[%swap3A], %swap3A_1135 {strides = array<i32>} : memref<16384xi32, #tpu.memory_space<vmem>>, vector<16xi32>,
      %scan3A_1136 = arith.constant 0 : i32
      %scan3A_1137 = arith.constant 1 : i32
      %scan3A_1138 = arith.addi %scan3A_1126, %scan3A_1137 : i32
      %shift_right_arithmetic3A_1139 = arith.constant 8 : i32
      %shift_right_arithmetic3A_1140 = arith.shrsi %scan3A_1138, %shift_right_arithmetic3A_1139 : i32
      %add3A_1141 = arith.addi %shift_right_arithmetic3A_550, %shift_right_arithmetic3A_1140 : i32
      %broadcast_in_dim3A_1142 = vector.broadcast %add3A_1141 : i32 to vector<16xi32>
      %mul3A_1143 = arith.constant 16 : i32
      %mul3A_1144 = arith.muli %mul3A_1143, %scan3A_1138 : i32
      %swap3A_1145 = arith.index_cast %mul3A_1144 : i32 to index
      %swap3A_1146 = tpu.vector_load %arg4[%swap3A_1145] {strides = array<i32>} : memref<16384xi32, #tpu.memory_space<vmem>>, vector<16xi32>,
      %swap3A_1147 = vector.shape_cast %swap3A_1146 : vector<16xi32> to vector<16xi32>
      %swap3A_1148 = vector.shape_cast %broadcast_in_dim3A_1142 : vector<16xi32> to vector<16xi32>
      tpu.vector_store %arg4[%swap3A_1145], %swap3A_1148 {strides = array<i32>} : memref<16384xi32, #tpu.memory_space<vmem>>, vector<16xi32>,
      %scan3A_1149 = arith.constant 0 : i32
      %scan3A_1150 = arith.constant 2 : i32
      %scan3A_1151 = arith.addi %scan3A_1126, %scan3A_1150 : i32
      %shift_right_arithmetic3A_1152 = arith.constant 8 : i32
      %shift_right_arithmetic3A_1153 = arith.shrsi %scan3A_1151, %shift_right_arithmetic3A_1152 : i32
      %add3A_1154 = arith.addi %shift_right_arithmetic3A_550, %shift_right_arithmetic3A_1153 : i32
      %broadcast_in_dim3A_1155 = vector.broadcast %add3A_1154 : i32 to vector<16xi32>
      %mul3A_1156 = arith.constant 16 : i32
      %mul3A_1157 = arith.muli %mul3A_1156, %scan3A_1151 : i32
      %swap3A_1158 = arith.index_cast %mul3A_1157 : i32 to index
      %swap3A_1159 = tpu.vector_load %arg4[%swap3A_1158] {strides = array<i32>} : memref<16384xi32, #tpu.memory_space<vmem>>, vector<16xi32>,
      %swap3A_1160 = vector.shape_cast %swap3A_1159 : vector<16xi32> to vector<16xi32>
      %swap3A_1161 = vector.shape_cast %broadcast_in_dim3A_1155 : vector<16xi32> to vector<16xi32>
      tpu.vector_store %arg4[%swap3A_1158], %swap3A_1161 {strides = array<i32>} : memref<16384xi32, #tpu.memory_space<vmem>>, vector<16xi32>,
      %scan3A_1162 = arith.constant 0 : i32
      %scan3A_1163 = arith.constant 3 : i32
      %scan3A_1164 = arith.addi %scan3A_1126, %scan3A_1163 : i32
      %shift_right_arithmetic3A_1165 = arith.constant 8 : i32
      %shift_right_arithmetic3A_1166 = arith.shrsi %scan3A_1164, %shift_right_arithmetic3A_1165 : i32
      %add3A_1167 = arith.addi %shift_right_arithmetic3A_550, %shift_right_arithmetic3A_1166 : i32
      %broadcast_in_dim3A_1168 = vector.broadcast %add3A_1167 : i32 to vector<16xi32>
      %mul3A_1169 = arith.constant 16 : i32
      %mul3A_1170 = arith.muli %mul3A_1169, %scan3A_1164 : i32
      %swap3A_1171 = arith.index_cast %mul3A_1170 : i32 to index
      %swap3A_1172 = tpu.vector_load %arg4[%swap3A_1171] {strides = array<i32>} : memref<16384xi32, #tpu.memory_space<vmem>>, vector<16xi32>,
      %swap3A_1173 = vector.shape_cast %swap3A_1172 : vector<16xi32> to vector<16xi32>
      %swap3A_1174 = vector.shape_cast %broadcast_in_dim3A_1168 : vector<16xi32> to vector<16xi32>
      tpu.vector_store %arg4[%swap3A_1171], %swap3A_1174 {strides = array<i32>} : memref<16384xi32, #tpu.memory_space<vmem>>, vector<16xi32>,
      %scan3A_1175 = arith.constant 0 : i32
      scf.yield %scan3A_1175 : i32
    }
    %scan3A_557 = arith.constant 1024 : i32
    %add3A_558 = arith.constant 229376 : i32
    %add3A_559 = arith.addi %mul3A_2, %add3A_558 : i32
    %dma_start3A_560 = arith.constant 0 : i32
    %dma_start3A_561 = tpu.memref_slice %arg2[%dma_start3A_560, %add3A_559] : memref<2x16777216xi32, #tpu.memory_space<hbm>> -> memref<1x16384xi32, #tpu.memory_space<hbm>>
    %dma_start3A_562 = tpu.memref_squeeze %dma_start3A_561 : memref<1x16384xi32, #tpu.memory_space<hbm>> -> memref<16384xi32, #tpu.memory_space<hbm>>
    %dma_start3A_563 = tpu.memref_slice %arg2[%dma_start3A_560, %add3A_559] : memref<2x16777216xi32, #tpu.memory_space<hbm>> -> memref<1x16384xi32, #tpu.memory_space<hbm>>
    %dma_start3A_564 = tpu.memref_squeeze %dma_start3A_563 : memref<1x16384xi32, #tpu.memory_space<hbm>> -> memref<16384xi32, #tpu.memory_space<hbm>>
    tpu.enqueue_dma source(%arg4 : memref<16384xi32, #tpu.memory_space<vmem>>) target(%dma_start3A_564 : memref<16384xi32, #tpu.memory_space<hbm>>) target_semaphore(%arg7 : memref<!tpu.dma_semaphore, #tpu.memory_space<semaphore_mem>>)
    %dma_wait3A_565 = arith.constant 0 : i32
    %dma_wait3A_566 = tpu.memref_slice %arg2[%dma_wait3A_565, %add3A_536] : memref<2x16777216xi32, #tpu.memory_space<hbm>> -> memref<1x16384xi32, #tpu.memory_space<hbm>>
    %dma_wait3A_567 = tpu.memref_squeeze %dma_wait3A_566 : memref<1x16384xi32, #tpu.memory_space<hbm>> -> memref<16384xi32, #tpu.memory_space<hbm>>
    %dma_wait3A_568 = tpu.memref_slice %arg2[%dma_wait3A_565, %add3A_536] : memref<2x16777216xi32, #tpu.memory_space<hbm>> -> memref<1x16384xi32, #tpu.memory_space<hbm>>
    %dma_wait3A_569 = tpu.memref_squeeze %dma_wait3A_568 : memref<1x16384xi32, #tpu.memory_space<hbm>> -> memref<16384xi32, #tpu.memory_space<hbm>>
    tpu.wait_dma2 semaphore(%arg7 : memref<!tpu.dma_semaphore, #tpu.memory_space<semaphore_mem>>) src(%arg5 : memref<16384xi32, #tpu.memory_space<vmem>>) dst(%dma_wait3A_569 : memref<16384xi32, #tpu.memory_space<hbm>>)
    %add3A_570 = arith.constant 245760 : i32
    %add3A_571 = arith.addi %mul3A_2, %add3A_570 : i32
    %shift_right_arithmetic3A_572 = arith.constant 12 : i32
    %shift_right_arithmetic3A_573 = arith.shrsi %add3A_571, %shift_right_arithmetic3A_572 : i32
    %scan3A_574 = arith.constant 0 : i32
    %scan3A_575 = arith.constant 0 : i32
    %scan3A_576 = arith.constant 1024 : i32
    %scan3A_577 = arith.addi %scan3A_575, %scan3A_576 : i32
    %scan3A_578 = arith.constant 4 : i32
    %scan3A_579 = scf.for %scan3A_1126 = %scan3A_575 to %scan3A_577 step %scan3A_578 iter_args(%scan3A_1127 = %scan3A_574) -> (i32)  : i32 {
      %shift_right_arithmetic3A_1128 = arith.constant 8 : i32
      %shift_right_arithmetic3A_1129 = arith.shrsi %scan3A_1126, %shift_right_arithmetic3A_1128 : i32
      %add3A_1130 = arith.addi %shift_right_arithmetic3A_573, %shift_right_arithmetic3A_1129 : i32
      %broadcast_in_dim3A = vector.broadcast %add3A_1130 : i32 to vector<16xi32>
      %mul3A_1131 = arith.constant 16 : i32
      %mul3A_1132 = arith.muli %mul3A_1131, %scan3A_1126 : i32
      %swap3A = arith.index_cast %mul3A_1132 : i32 to index
      %swap3A_1133 = tpu.vector_load %arg5[%swap3A] {strides = array<i32>} : memref<16384xi32, #tpu.memory_space<vmem>>, vector<16xi32>,
      %swap3A_1134 = vector.shape_cast %swap3A_1133 : vector<16xi32> to vector<16xi32>
      %swap3A_1135 = vector.shape_cast %broadcast_in_dim3A : vector<16xi32> to vector<16xi32>
      tpu.vector_store %arg5[%swap3A], %swap3A_1135 {strides = array<i32>} : memref<16384xi32, #tpu.memory_space<vmem>>, vector<16xi32>,
      %scan3A_1136 = arith.constant 0 : i32
      %scan3A_1137 = arith.constant 1 : i32
      %scan3A_1138 = arith.addi %scan3A_1126, %scan3A_1137 : i32
      %shift_right_arithmetic3A_1139 = arith.constant 8 : i32
      %shift_right_arithmetic3A_1140 = arith.shrsi %scan3A_1138, %shift_right_arithmetic3A_1139 : i32
      %add3A_1141 = arith.addi %shift_right_arithmetic3A_573, %shift_right_arithmetic3A_1140 : i32
      %broadcast_in_dim3A_1142 = vector.broadcast %add3A_1141 : i32 to vector<16xi32>
      %mul3A_1143 = arith.constant 16 : i32
      %mul3A_1144 = arith.muli %mul3A_1143, %scan3A_1138 : i32
      %swap3A_1145 = arith.index_cast %mul3A_1144 : i32 to index
      %swap3A_1146 = tpu.vector_load %arg5[%swap3A_1145] {strides = array<i32>} : memref<16384xi32, #tpu.memory_space<vmem>>, vector<16xi32>,
      %swap3A_1147 = vector.shape_cast %swap3A_1146 : vector<16xi32> to vector<16xi32>
      %swap3A_1148 = vector.shape_cast %broadcast_in_dim3A_1142 : vector<16xi32> to vector<16xi32>
      tpu.vector_store %arg5[%swap3A_1145], %swap3A_1148 {strides = array<i32>} : memref<16384xi32, #tpu.memory_space<vmem>>, vector<16xi32>,
      %scan3A_1149 = arith.constant 0 : i32
      %scan3A_1150 = arith.constant 2 : i32
      %scan3A_1151 = arith.addi %scan3A_1126, %scan3A_1150 : i32
      %shift_right_arithmetic3A_1152 = arith.constant 8 : i32
      %shift_right_arithmetic3A_1153 = arith.shrsi %scan3A_1151, %shift_right_arithmetic3A_1152 : i32
      %add3A_1154 = arith.addi %shift_right_arithmetic3A_573, %shift_right_arithmetic3A_1153 : i32
      %broadcast_in_dim3A_1155 = vector.broadcast %add3A_1154 : i32 to vector<16xi32>
      %mul3A_1156 = arith.constant 16 : i32
      %mul3A_1157 = arith.muli %mul3A_1156, %scan3A_1151 : i32
      %swap3A_1158 = arith.index_cast %mul3A_1157 : i32 to index
      %swap3A_1159 = tpu.vector_load %arg5[%swap3A_1158] {strides = array<i32>} : memref<16384xi32, #tpu.memory_space<vmem>>, vector<16xi32>,
      %swap3A_1160 = vector.shape_cast %swap3A_1159 : vector<16xi32> to vector<16xi32>
      %swap3A_1161 = vector.shape_cast %broadcast_in_dim3A_1155 : vector<16xi32> to vector<16xi32>
      tpu.vector_store %arg5[%swap3A_1158], %swap3A_1161 {strides = array<i32>} : memref<16384xi32, #tpu.memory_space<vmem>>, vector<16xi32>,
      %scan3A_1162 = arith.constant 0 : i32
      %scan3A_1163 = arith.constant 3 : i32
      %scan3A_1164 = arith.addi %scan3A_1126, %scan3A_1163 : i32
      %shift_right_arithmetic3A_1165 = arith.constant 8 : i32
      %shift_right_arithmetic3A_1166 = arith.shrsi %scan3A_1164, %shift_right_arithmetic3A_1165 : i32
      %add3A_1167 = arith.addi %shift_right_arithmetic3A_573, %shift_right_arithmetic3A_1166 : i32
      %broadcast_in_dim3A_1168 = vector.broadcast %add3A_1167 : i32 to vector<16xi32>
      %mul3A_1169 = arith.constant 16 : i32
      %mul3A_1170 = arith.muli %mul3A_1169, %scan3A_1164 : i32
      %swap3A_1171 = arith.index_cast %mul3A_1170 : i32 to index
      %swap3A_1172 = tpu.vector_load %arg5[%swap3A_1171] {strides = array<i32>} : memref<16384xi32, #tpu.memory_space<vmem>>, vector<16xi32>,
      %swap3A_1173 = vector.shape_cast %swap3A_1172 : vector<16xi32> to vector<16xi32>
      %swap3A_1174 = vector.shape_cast %broadcast_in_dim3A_1168 : vector<16xi32> to vector<16xi32>
      tpu.vector_store %arg5[%swap3A_1171], %swap3A_1174 {strides = array<i32>} : memref<16384xi32, #tpu.memory_space<vmem>>, vector<16xi32>,
      %scan3A_1175 = arith.constant 0 : i32
      scf.yield %scan3A_1175 : i32
    }
    %scan3A_580 = arith.constant 1024 : i32
    %add3A_581 = arith.constant 245760 : i32
    %add3A_582 = arith.addi %mul3A_2, %add3A_581 : i32
    %dma_start3A_583 = arith.constant 0 : i32
    %dma_start3A_584 = tpu.memref_slice %arg2[%dma_start3A_583, %add3A_582] : memref<2x16777216xi32, #tpu.memory_space<hbm>> -> memref<1x16384xi32, #tpu.memory_space<hbm>>
    %dma_start3A_585 = tpu.memref_squeeze %dma_start3A_584 : memref<1x16384xi32, #tpu.memory_space<hbm>> -> memref<16384xi32, #tpu.memory_space<hbm>>
    %dma_start3A_586 = tpu.memref_slice %arg2[%dma_start3A_583, %add3A_582] : memref<2x16777216xi32, #tpu.memory_space<hbm>> -> memref<1x16384xi32, #tpu.memory_space<hbm>>
    %dma_start3A_587 = tpu.memref_squeeze %dma_start3A_586 : memref<1x16384xi32, #tpu.memory_space<hbm>> -> memref<16384xi32, #tpu.memory_space<hbm>>
    tpu.enqueue_dma source(%arg5 : memref<16384xi32, #tpu.memory_space<vmem>>) target(%dma_start3A_587 : memref<16384xi32, #tpu.memory_space<hbm>>) target_semaphore(%arg7 : memref<!tpu.dma_semaphore, #tpu.memory_space<semaphore_mem>>)
    %dma_wait3A_588 = arith.constant 0 : i32
    %dma_wait3A_589 = tpu.memref_slice %arg2[%dma_wait3A_588, %add3A_559] : memref<2x16777216xi32, #tpu.memory_space<hbm>> -> memref<1x16384xi32, #tpu.memory_space<hbm>>
    %dma_wait3A_590 = tpu.memref_squeeze %dma_wait3A_589 : memref<1x16384xi32, #tpu.memory_space<hbm>> -> memref<16384xi32, #tpu.memory_space<hbm>>
    %dma_wait3A_591 = tpu.memref_slice %arg2[%dma_wait3A_588, %add3A_559] : memref<2x16777216xi32, #tpu.memory_space<hbm>> -> memref<1x16384xi32, #tpu.memory_space<hbm>>
    %dma_wait3A_592 = tpu.memref_squeeze %dma_wait3A_591 : memref<1x16384xi32, #tpu.memory_space<hbm>> -> memref<16384xi32, #tpu.memory_space<hbm>>
    tpu.wait_dma2 semaphore(%arg7 : memref<!tpu.dma_semaphore, #tpu.memory_space<semaphore_mem>>) src(%arg4 : memref<16384xi32, #tpu.memory_space<vmem>>) dst(%dma_wait3A_592 : memref<16384xi32, #tpu.memory_space<hbm>>)
    %add3A_593 = arith.constant 262144 : i32
    %add3A_594 = arith.addi %mul3A_2, %add3A_593 : i32
    %shift_right_arithmetic3A_595 = arith.constant 12 : i32
    %shift_right_arithmetic3A_596 = arith.shrsi %add3A_594, %shift_right_arithmetic3A_595 : i32
    %scan3A_597 = arith.constant 0 : i32
    %scan3A_598 = arith.constant 0 : i32
    %scan3A_599 = arith.constant 1024 : i32
    %scan3A_600 = arith.addi %scan3A_598, %scan3A_599 : i32
    %scan3A_601 = arith.constant 4 : i32
    %scan3A_602 = scf.for %scan3A_1126 = %scan3A_598 to %scan3A_600 step %scan3A_601 iter_args(%scan3A_1127 = %scan3A_597) -> (i32)  : i32 {
      %shift_right_arithmetic3A_1128 = arith.constant 8 : i32
      %shift_right_arithmetic3A_1129 = arith.shrsi %scan3A_1126, %shift_right_arithmetic3A_1128 : i32
      %add3A_1130 = arith.addi %shift_right_arithmetic3A_596, %shift_right_arithmetic3A_1129 : i32
      %broadcast_in_dim3A = vector.broadcast %add3A_1130 : i32 to vector<16xi32>
      %mul3A_1131 = arith.constant 16 : i32
      %mul3A_1132 = arith.muli %mul3A_1131, %scan3A_1126 : i32
      %swap3A = arith.index_cast %mul3A_1132 : i32 to index
      %swap3A_1133 = tpu.vector_load %arg4[%swap3A] {strides = array<i32>} : memref<16384xi32, #tpu.memory_space<vmem>>, vector<16xi32>,
      %swap3A_1134 = vector.shape_cast %swap3A_1133 : vector<16xi32> to vector<16xi32>
      %swap3A_1135 = vector.shape_cast %broadcast_in_dim3A : vector<16xi32> to vector<16xi32>
      tpu.vector_store %arg4[%swap3A], %swap3A_1135 {strides = array<i32>} : memref<16384xi32, #tpu.memory_space<vmem>>, vector<16xi32>,
      %scan3A_1136 = arith.constant 0 : i32
      %scan3A_1137 = arith.constant 1 : i32
      %scan3A_1138 = arith.addi %scan3A_1126, %scan3A_1137 : i32
      %shift_right_arithmetic3A_1139 = arith.constant 8 : i32
      %shift_right_arithmetic3A_1140 = arith.shrsi %scan3A_1138, %shift_right_arithmetic3A_1139 : i32
      %add3A_1141 = arith.addi %shift_right_arithmetic3A_596, %shift_right_arithmetic3A_1140 : i32
      %broadcast_in_dim3A_1142 = vector.broadcast %add3A_1141 : i32 to vector<16xi32>
      %mul3A_1143 = arith.constant 16 : i32
      %mul3A_1144 = arith.muli %mul3A_1143, %scan3A_1138 : i32
      %swap3A_1145 = arith.index_cast %mul3A_1144 : i32 to index
      %swap3A_1146 = tpu.vector_load %arg4[%swap3A_1145] {strides = array<i32>} : memref<16384xi32, #tpu.memory_space<vmem>>, vector<16xi32>,
      %swap3A_1147 = vector.shape_cast %swap3A_1146 : vector<16xi32> to vector<16xi32>
      %swap3A_1148 = vector.shape_cast %broadcast_in_dim3A_1142 : vector<16xi32> to vector<16xi32>
      tpu.vector_store %arg4[%swap3A_1145], %swap3A_1148 {strides = array<i32>} : memref<16384xi32, #tpu.memory_space<vmem>>, vector<16xi32>,
      %scan3A_1149 = arith.constant 0 : i32
      %scan3A_1150 = arith.constant 2 : i32
      %scan3A_1151 = arith.addi %scan3A_1126, %scan3A_1150 : i32
      %shift_right_arithmetic3A_1152 = arith.constant 8 : i32
      %shift_right_arithmetic3A_1153 = arith.shrsi %scan3A_1151, %shift_right_arithmetic3A_1152 : i32
      %add3A_1154 = arith.addi %shift_right_arithmetic3A_596, %shift_right_arithmetic3A_1153 : i32
      %broadcast_in_dim3A_1155 = vector.broadcast %add3A_1154 : i32 to vector<16xi32>
      %mul3A_1156 = arith.constant 16 : i32
      %mul3A_1157 = arith.muli %mul3A_1156, %scan3A_1151 : i32
      %swap3A_1158 = arith.index_cast %mul3A_1157 : i32 to index
      %swap3A_1159 = tpu.vector_load %arg4[%swap3A_1158] {strides = array<i32>} : memref<16384xi32, #tpu.memory_space<vmem>>, vector<16xi32>,
      %swap3A_1160 = vector.shape_cast %swap3A_1159 : vector<16xi32> to vector<16xi32>
      %swap3A_1161 = vector.shape_cast %broadcast_in_dim3A_1155 : vector<16xi32> to vector<16xi32>
      tpu.vector_store %arg4[%swap3A_1158], %swap3A_1161 {strides = array<i32>} : memref<16384xi32, #tpu.memory_space<vmem>>, vector<16xi32>,
      %scan3A_1162 = arith.constant 0 : i32
      %scan3A_1163 = arith.constant 3 : i32
      %scan3A_1164 = arith.addi %scan3A_1126, %scan3A_1163 : i32
      %shift_right_arithmetic3A_1165 = arith.constant 8 : i32
      %shift_right_arithmetic3A_1166 = arith.shrsi %scan3A_1164, %shift_right_arithmetic3A_1165 : i32
      %add3A_1167 = arith.addi %shift_right_arithmetic3A_596, %shift_right_arithmetic3A_1166 : i32
      %broadcast_in_dim3A_1168 = vector.broadcast %add3A_1167 : i32 to vector<16xi32>
      %mul3A_1169 = arith.constant 16 : i32
      %mul3A_1170 = arith.muli %mul3A_1169, %scan3A_1164 : i32
      %swap3A_1171 = arith.index_cast %mul3A_1170 : i32 to index
      %swap3A_1172 = tpu.vector_load %arg4[%swap3A_1171] {strides = array<i32>} : memref<16384xi32, #tpu.memory_space<vmem>>, vector<16xi32>,
      %swap3A_1173 = vector.shape_cast %swap3A_1172 : vector<16xi32> to vector<16xi32>
      %swap3A_1174 = vector.shape_cast %broadcast_in_dim3A_1168 : vector<16xi32> to vector<16xi32>
      tpu.vector_store %arg4[%swap3A_1171], %swap3A_1174 {strides = array<i32>} : memref<16384xi32, #tpu.memory_space<vmem>>, vector<16xi32>,
      %scan3A_1175 = arith.constant 0 : i32
      scf.yield %scan3A_1175 : i32
    }
    %scan3A_603 = arith.constant 1024 : i32
    %add3A_604 = arith.constant 262144 : i32
    %add3A_605 = arith.addi %mul3A_2, %add3A_604 : i32
    %dma_start3A_606 = arith.constant 0 : i32
    %dma_start3A_607 = tpu.memref_slice %arg2[%dma_start3A_606, %add3A_605] : memref<2x16777216xi32, #tpu.memory_space<hbm>> -> memref<1x16384xi32, #tpu.memory_space<hbm>>
    %dma_start3A_608 = tpu.memref_squeeze %dma_start3A_607 : memref<1x16384xi32, #tpu.memory_space<hbm>> -> memref<16384xi32, #tpu.memory_space<hbm>>
    %dma_start3A_609 = tpu.memref_slice %arg2[%dma_start3A_606, %add3A_605] : memref<2x16777216xi32, #tpu.memory_space<hbm>> -> memref<1x16384xi32, #tpu.memory_space<hbm>>
    %dma_start3A_610 = tpu.memref_squeeze %dma_start3A_609 : memref<1x16384xi32, #tpu.memory_space<hbm>> -> memref<16384xi32, #tpu.memory_space<hbm>>
    tpu.enqueue_dma source(%arg4 : memref<16384xi32, #tpu.memory_space<vmem>>) target(%dma_start3A_610 : memref<16384xi32, #tpu.memory_space<hbm>>) target_semaphore(%arg7 : memref<!tpu.dma_semaphore, #tpu.memory_space<semaphore_mem>>)
    %dma_wait3A_611 = arith.constant 0 : i32
    %dma_wait3A_612 = tpu.memref_slice %arg2[%dma_wait3A_611, %add3A_582] : memref<2x16777216xi32, #tpu.memory_space<hbm>> -> memref<1x16384xi32, #tpu.memory_space<hbm>>
    %dma_wait3A_613 = tpu.memref_squeeze %dma_wait3A_612 : memref<1x16384xi32, #tpu.memory_space<hbm>> -> memref<16384xi32, #tpu.memory_space<hbm>>
    %dma_wait3A_614 = tpu.memref_slice %arg2[%dma_wait3A_611, %add3A_582] : memref<2x16777216xi32, #tpu.memory_space<hbm>> -> memref<1x16384xi32, #tpu.memory_space<hbm>>
    %dma_wait3A_615 = tpu.memref_squeeze %dma_wait3A_614 : memref<1x16384xi32, #tpu.memory_space<hbm>> -> memref<16384xi32, #tpu.memory_space<hbm>>
    tpu.wait_dma2 semaphore(%arg7 : memref<!tpu.dma_semaphore, #tpu.memory_space<semaphore_mem>>) src(%arg5 : memref<16384xi32, #tpu.memory_space<vmem>>) dst(%dma_wait3A_615 : memref<16384xi32, #tpu.memory_space<hbm>>)
    %add3A_616 = arith.constant 278528 : i32
    %add3A_617 = arith.addi %mul3A_2, %add3A_616 : i32
    %shift_right_arithmetic3A_618 = arith.constant 12 : i32
    %shift_right_arithmetic3A_619 = arith.shrsi %add3A_617, %shift_right_arithmetic3A_618 : i32
    %scan3A_620 = arith.constant 0 : i32
    %scan3A_621 = arith.constant 0 : i32
    %scan3A_622 = arith.constant 1024 : i32
    %scan3A_623 = arith.addi %scan3A_621, %scan3A_622 : i32
    %scan3A_624 = arith.constant 4 : i32
    %scan3A_625 = scf.for %scan3A_1126 = %scan3A_621 to %scan3A_623 step %scan3A_624 iter_args(%scan3A_1127 = %scan3A_620) -> (i32)  : i32 {
      %shift_right_arithmetic3A_1128 = arith.constant 8 : i32
      %shift_right_arithmetic3A_1129 = arith.shrsi %scan3A_1126, %shift_right_arithmetic3A_1128 : i32
      %add3A_1130 = arith.addi %shift_right_arithmetic3A_619, %shift_right_arithmetic3A_1129 : i32
      %broadcast_in_dim3A = vector.broadcast %add3A_1130 : i32 to vector<16xi32>
      %mul3A_1131 = arith.constant 16 : i32
      %mul3A_1132 = arith.muli %mul3A_1131, %scan3A_1126 : i32
      %swap3A = arith.index_cast %mul3A_1132 : i32 to index
      %swap3A_1133 = tpu.vector_load %arg5[%swap3A] {strides = array<i32>} : memref<16384xi32, #tpu.memory_space<vmem>>, vector<16xi32>,
      %swap3A_1134 = vector.shape_cast %swap3A_1133 : vector<16xi32> to vector<16xi32>
      %swap3A_1135 = vector.shape_cast %broadcast_in_dim3A : vector<16xi32> to vector<16xi32>
      tpu.vector_store %arg5[%swap3A], %swap3A_1135 {strides = array<i32>} : memref<16384xi32, #tpu.memory_space<vmem>>, vector<16xi32>,
      %scan3A_1136 = arith.constant 0 : i32
      %scan3A_1137 = arith.constant 1 : i32
      %scan3A_1138 = arith.addi %scan3A_1126, %scan3A_1137 : i32
      %shift_right_arithmetic3A_1139 = arith.constant 8 : i32
      %shift_right_arithmetic3A_1140 = arith.shrsi %scan3A_1138, %shift_right_arithmetic3A_1139 : i32
      %add3A_1141 = arith.addi %shift_right_arithmetic3A_619, %shift_right_arithmetic3A_1140 : i32
      %broadcast_in_dim3A_1142 = vector.broadcast %add3A_1141 : i32 to vector<16xi32>
      %mul3A_1143 = arith.constant 16 : i32
      %mul3A_1144 = arith.muli %mul3A_1143, %scan3A_1138 : i32
      %swap3A_1145 = arith.index_cast %mul3A_1144 : i32 to index
      %swap3A_1146 = tpu.vector_load %arg5[%swap3A_1145] {strides = array<i32>} : memref<16384xi32, #tpu.memory_space<vmem>>, vector<16xi32>,
      %swap3A_1147 = vector.shape_cast %swap3A_1146 : vector<16xi32> to vector<16xi32>
      %swap3A_1148 = vector.shape_cast %broadcast_in_dim3A_1142 : vector<16xi32> to vector<16xi32>
      tpu.vector_store %arg5[%swap3A_1145], %swap3A_1148 {strides = array<i32>} : memref<16384xi32, #tpu.memory_space<vmem>>, vector<16xi32>,
      %scan3A_1149 = arith.constant 0 : i32
      %scan3A_1150 = arith.constant 2 : i32
      %scan3A_1151 = arith.addi %scan3A_1126, %scan3A_1150 : i32
      %shift_right_arithmetic3A_1152 = arith.constant 8 : i32
      %shift_right_arithmetic3A_1153 = arith.shrsi %scan3A_1151, %shift_right_arithmetic3A_1152 : i32
      %add3A_1154 = arith.addi %shift_right_arithmetic3A_619, %shift_right_arithmetic3A_1153 : i32
      %broadcast_in_dim3A_1155 = vector.broadcast %add3A_1154 : i32 to vector<16xi32>
      %mul3A_1156 = arith.constant 16 : i32
      %mul3A_1157 = arith.muli %mul3A_1156, %scan3A_1151 : i32
      %swap3A_1158 = arith.index_cast %mul3A_1157 : i32 to index
      %swap3A_1159 = tpu.vector_load %arg5[%swap3A_1158] {strides = array<i32>} : memref<16384xi32, #tpu.memory_space<vmem>>, vector<16xi32>,
      %swap3A_1160 = vector.shape_cast %swap3A_1159 : vector<16xi32> to vector<16xi32>
      %swap3A_1161 = vector.shape_cast %broadcast_in_dim3A_1155 : vector<16xi32> to vector<16xi32>
      tpu.vector_store %arg5[%swap3A_1158], %swap3A_1161 {strides = array<i32>} : memref<16384xi32, #tpu.memory_space<vmem>>, vector<16xi32>,
      %scan3A_1162 = arith.constant 0 : i32
      %scan3A_1163 = arith.constant 3 : i32
      %scan3A_1164 = arith.addi %scan3A_1126, %scan3A_1163 : i32
      %shift_right_arithmetic3A_1165 = arith.constant 8 : i32
      %shift_right_arithmetic3A_1166 = arith.shrsi %scan3A_1164, %shift_right_arithmetic3A_1165 : i32
      %add3A_1167 = arith.addi %shift_right_arithmetic3A_619, %shift_right_arithmetic3A_1166 : i32
      %broadcast_in_dim3A_1168 = vector.broadcast %add3A_1167 : i32 to vector<16xi32>
      %mul3A_1169 = arith.constant 16 : i32
      %mul3A_1170 = arith.muli %mul3A_1169, %scan3A_1164 : i32
      %swap3A_1171 = arith.index_cast %mul3A_1170 : i32 to index
      %swap3A_1172 = tpu.vector_load %arg5[%swap3A_1171] {strides = array<i32>} : memref<16384xi32, #tpu.memory_space<vmem>>, vector<16xi32>,
      %swap3A_1173 = vector.shape_cast %swap3A_1172 : vector<16xi32> to vector<16xi32>
      %swap3A_1174 = vector.shape_cast %broadcast_in_dim3A_1168 : vector<16xi32> to vector<16xi32>
      tpu.vector_store %arg5[%swap3A_1171], %swap3A_1174 {strides = array<i32>} : memref<16384xi32, #tpu.memory_space<vmem>>, vector<16xi32>,
      %scan3A_1175 = arith.constant 0 : i32
      scf.yield %scan3A_1175 : i32
    }
    %scan3A_626 = arith.constant 1024 : i32
    %add3A_627 = arith.constant 278528 : i32
    %add3A_628 = arith.addi %mul3A_2, %add3A_627 : i32
    %dma_start3A_629 = arith.constant 0 : i32
    %dma_start3A_630 = tpu.memref_slice %arg2[%dma_start3A_629, %add3A_628] : memref<2x16777216xi32, #tpu.memory_space<hbm>> -> memref<1x16384xi32, #tpu.memory_space<hbm>>
    %dma_start3A_631 = tpu.memref_squeeze %dma_start3A_630 : memref<1x16384xi32, #tpu.memory_space<hbm>> -> memref<16384xi32, #tpu.memory_space<hbm>>
    %dma_start3A_632 = tpu.memref_slice %arg2[%dma_start3A_629, %add3A_628] : memref<2x16777216xi32, #tpu.memory_space<hbm>> -> memref<1x16384xi32, #tpu.memory_space<hbm>>
    %dma_start3A_633 = tpu.memref_squeeze %dma_start3A_632 : memref<1x16384xi32, #tpu.memory_space<hbm>> -> memref<16384xi32, #tpu.memory_space<hbm>>
    tpu.enqueue_dma source(%arg5 : memref<16384xi32, #tpu.memory_space<vmem>>) target(%dma_start3A_633 : memref<16384xi32, #tpu.memory_space<hbm>>) target_semaphore(%arg7 : memref<!tpu.dma_semaphore, #tpu.memory_space<semaphore_mem>>)
    %dma_wait3A_634 = arith.constant 0 : i32
    %dma_wait3A_635 = tpu.memref_slice %arg2[%dma_wait3A_634, %add3A_605] : memref<2x16777216xi32, #tpu.memory_space<hbm>> -> memref<1x16384xi32, #tpu.memory_space<hbm>>
    %dma_wait3A_636 = tpu.memref_squeeze %dma_wait3A_635 : memref<1x16384xi32, #tpu.memory_space<hbm>> -> memref<16384xi32, #tpu.memory_space<hbm>>
    %dma_wait3A_637 = tpu.memref_slice %arg2[%dma_wait3A_634, %add3A_605] : memref<2x16777216xi32, #tpu.memory_space<hbm>> -> memref<1x16384xi32, #tpu.memory_space<hbm>>
    %dma_wait3A_638 = tpu.memref_squeeze %dma_wait3A_637 : memref<1x16384xi32, #tpu.memory_space<hbm>> -> memref<16384xi32, #tpu.memory_space<hbm>>
    tpu.wait_dma2 semaphore(%arg7 : memref<!tpu.dma_semaphore, #tpu.memory_space<semaphore_mem>>) src(%arg4 : memref<16384xi32, #tpu.memory_space<vmem>>) dst(%dma_wait3A_638 : memref<16384xi32, #tpu.memory_space<hbm>>)
    %add3A_639 = arith.constant 294912 : i32
    %add3A_640 = arith.addi %mul3A_2, %add3A_639 : i32
    %shift_right_arithmetic3A_641 = arith.constant 12 : i32
    %shift_right_arithmetic3A_642 = arith.shrsi %add3A_640, %shift_right_arithmetic3A_641 : i32
    %scan3A_643 = arith.constant 0 : i32
    %scan3A_644 = arith.constant 0 : i32
    %scan3A_645 = arith.constant 1024 : i32
    %scan3A_646 = arith.addi %scan3A_644, %scan3A_645 : i32
    %scan3A_647 = arith.constant 4 : i32
    %scan3A_648 = scf.for %scan3A_1126 = %scan3A_644 to %scan3A_646 step %scan3A_647 iter_args(%scan3A_1127 = %scan3A_643) -> (i32)  : i32 {
      %shift_right_arithmetic3A_1128 = arith.constant 8 : i32
      %shift_right_arithmetic3A_1129 = arith.shrsi %scan3A_1126, %shift_right_arithmetic3A_1128 : i32
      %add3A_1130 = arith.addi %shift_right_arithmetic3A_642, %shift_right_arithmetic3A_1129 : i32
      %broadcast_in_dim3A = vector.broadcast %add3A_1130 : i32 to vector<16xi32>
      %mul3A_1131 = arith.constant 16 : i32
      %mul3A_1132 = arith.muli %mul3A_1131, %scan3A_1126 : i32
      %swap3A = arith.index_cast %mul3A_1132 : i32 to index
      %swap3A_1133 = tpu.vector_load %arg4[%swap3A] {strides = array<i32>} : memref<16384xi32, #tpu.memory_space<vmem>>, vector<16xi32>,
      %swap3A_1134 = vector.shape_cast %swap3A_1133 : vector<16xi32> to vector<16xi32>
      %swap3A_1135 = vector.shape_cast %broadcast_in_dim3A : vector<16xi32> to vector<16xi32>
      tpu.vector_store %arg4[%swap3A], %swap3A_1135 {strides = array<i32>} : memref<16384xi32, #tpu.memory_space<vmem>>, vector<16xi32>,
      %scan3A_1136 = arith.constant 0 : i32
      %scan3A_1137 = arith.constant 1 : i32
      %scan3A_1138 = arith.addi %scan3A_1126, %scan3A_1137 : i32
      %shift_right_arithmetic3A_1139 = arith.constant 8 : i32
      %shift_right_arithmetic3A_1140 = arith.shrsi %scan3A_1138, %shift_right_arithmetic3A_1139 : i32
      %add3A_1141 = arith.addi %shift_right_arithmetic3A_642, %shift_right_arithmetic3A_1140 : i32
      %broadcast_in_dim3A_1142 = vector.broadcast %add3A_1141 : i32 to vector<16xi32>
      %mul3A_1143 = arith.constant 16 : i32
      %mul3A_1144 = arith.muli %mul3A_1143, %scan3A_1138 : i32
      %swap3A_1145 = arith.index_cast %mul3A_1144 : i32 to index
      %swap3A_1146 = tpu.vector_load %arg4[%swap3A_1145] {strides = array<i32>} : memref<16384xi32, #tpu.memory_space<vmem>>, vector<16xi32>,
      %swap3A_1147 = vector.shape_cast %swap3A_1146 : vector<16xi32> to vector<16xi32>
      %swap3A_1148 = vector.shape_cast %broadcast_in_dim3A_1142 : vector<16xi32> to vector<16xi32>
      tpu.vector_store %arg4[%swap3A_1145], %swap3A_1148 {strides = array<i32>} : memref<16384xi32, #tpu.memory_space<vmem>>, vector<16xi32>,
      %scan3A_1149 = arith.constant 0 : i32
      %scan3A_1150 = arith.constant 2 : i32
      %scan3A_1151 = arith.addi %scan3A_1126, %scan3A_1150 : i32
      %shift_right_arithmetic3A_1152 = arith.constant 8 : i32
      %shift_right_arithmetic3A_1153 = arith.shrsi %scan3A_1151, %shift_right_arithmetic3A_1152 : i32
      %add3A_1154 = arith.addi %shift_right_arithmetic3A_642, %shift_right_arithmetic3A_1153 : i32
      %broadcast_in_dim3A_1155 = vector.broadcast %add3A_1154 : i32 to vector<16xi32>
      %mul3A_1156 = arith.constant 16 : i32
      %mul3A_1157 = arith.muli %mul3A_1156, %scan3A_1151 : i32
      %swap3A_1158 = arith.index_cast %mul3A_1157 : i32 to index
      %swap3A_1159 = tpu.vector_load %arg4[%swap3A_1158] {strides = array<i32>} : memref<16384xi32, #tpu.memory_space<vmem>>, vector<16xi32>,
      %swap3A_1160 = vector.shape_cast %swap3A_1159 : vector<16xi32> to vector<16xi32>
      %swap3A_1161 = vector.shape_cast %broadcast_in_dim3A_1155 : vector<16xi32> to vector<16xi32>
      tpu.vector_store %arg4[%swap3A_1158], %swap3A_1161 {strides = array<i32>} : memref<16384xi32, #tpu.memory_space<vmem>>, vector<16xi32>,
      %scan3A_1162 = arith.constant 0 : i32
      %scan3A_1163 = arith.constant 3 : i32
      %scan3A_1164 = arith.addi %scan3A_1126, %scan3A_1163 : i32
      %shift_right_arithmetic3A_1165 = arith.constant 8 : i32
      %shift_right_arithmetic3A_1166 = arith.shrsi %scan3A_1164, %shift_right_arithmetic3A_1165 : i32
      %add3A_1167 = arith.addi %shift_right_arithmetic3A_642, %shift_right_arithmetic3A_1166 : i32
      %broadcast_in_dim3A_1168 = vector.broadcast %add3A_1167 : i32 to vector<16xi32>
      %mul3A_1169 = arith.constant 16 : i32
      %mul3A_1170 = arith.muli %mul3A_1169, %scan3A_1164 : i32
      %swap3A_1171 = arith.index_cast %mul3A_1170 : i32 to index
      %swap3A_1172 = tpu.vector_load %arg4[%swap3A_1171] {strides = array<i32>} : memref<16384xi32, #tpu.memory_space<vmem>>, vector<16xi32>,
      %swap3A_1173 = vector.shape_cast %swap3A_1172 : vector<16xi32> to vector<16xi32>
      %swap3A_1174 = vector.shape_cast %broadcast_in_dim3A_1168 : vector<16xi32> to vector<16xi32>
      tpu.vector_store %arg4[%swap3A_1171], %swap3A_1174 {strides = array<i32>} : memref<16384xi32, #tpu.memory_space<vmem>>, vector<16xi32>,
      %scan3A_1175 = arith.constant 0 : i32
      scf.yield %scan3A_1175 : i32
    }
    %scan3A_649 = arith.constant 1024 : i32
    %add3A_650 = arith.constant 294912 : i32
    %add3A_651 = arith.addi %mul3A_2, %add3A_650 : i32
    %dma_start3A_652 = arith.constant 0 : i32
    %dma_start3A_653 = tpu.memref_slice %arg2[%dma_start3A_652, %add3A_651] : memref<2x16777216xi32, #tpu.memory_space<hbm>> -> memref<1x16384xi32, #tpu.memory_space<hbm>>
    %dma_start3A_654 = tpu.memref_squeeze %dma_start3A_653 : memref<1x16384xi32, #tpu.memory_space<hbm>> -> memref<16384xi32, #tpu.memory_space<hbm>>
    %dma_start3A_655 = tpu.memref_slice %arg2[%dma_start3A_652, %add3A_651] : memref<2x16777216xi32, #tpu.memory_space<hbm>> -> memref<1x16384xi32, #tpu.memory_space<hbm>>
    %dma_start3A_656 = tpu.memref_squeeze %dma_start3A_655 : memref<1x16384xi32, #tpu.memory_space<hbm>> -> memref<16384xi32, #tpu.memory_space<hbm>>
    tpu.enqueue_dma source(%arg4 : memref<16384xi32, #tpu.memory_space<vmem>>) target(%dma_start3A_656 : memref<16384xi32, #tpu.memory_space<hbm>>) target_semaphore(%arg7 : memref<!tpu.dma_semaphore, #tpu.memory_space<semaphore_mem>>)
    %dma_wait3A_657 = arith.constant 0 : i32
    %dma_wait3A_658 = tpu.memref_slice %arg2[%dma_wait3A_657, %add3A_628] : memref<2x16777216xi32, #tpu.memory_space<hbm>> -> memref<1x16384xi32, #tpu.memory_space<hbm>>
    %dma_wait3A_659 = tpu.memref_squeeze %dma_wait3A_658 : memref<1x16384xi32, #tpu.memory_space<hbm>> -> memref<16384xi32, #tpu.memory_space<hbm>>
    %dma_wait3A_660 = tpu.memref_slice %arg2[%dma_wait3A_657, %add3A_628] : memref<2x16777216xi32, #tpu.memory_space<hbm>> -> memref<1x16384xi32, #tpu.memory_space<hbm>>
    %dma_wait3A_661 = tpu.memref_squeeze %dma_wait3A_660 : memref<1x16384xi32, #tpu.memory_space<hbm>> -> memref<16384xi32, #tpu.memory_space<hbm>>
    tpu.wait_dma2 semaphore(%arg7 : memref<!tpu.dma_semaphore, #tpu.memory_space<semaphore_mem>>) src(%arg5 : memref<16384xi32, #tpu.memory_space<vmem>>) dst(%dma_wait3A_661 : memref<16384xi32, #tpu.memory_space<hbm>>)
    %add3A_662 = arith.constant 311296 : i32
    %add3A_663 = arith.addi %mul3A_2, %add3A_662 : i32
    %shift_right_arithmetic3A_664 = arith.constant 12 : i32
    %shift_right_arithmetic3A_665 = arith.shrsi %add3A_663, %shift_right_arithmetic3A_664 : i32
    %scan3A_666 = arith.constant 0 : i32
    %scan3A_667 = arith.constant 0 : i32
    %scan3A_668 = arith.constant 1024 : i32
    %scan3A_669 = arith.addi %scan3A_667, %scan3A_668 : i32
    %scan3A_670 = arith.constant 4 : i32
    %scan3A_671 = scf.for %scan3A_1126 = %scan3A_667 to %scan3A_669 step %scan3A_670 iter_args(%scan3A_1127 = %scan3A_666) -> (i32)  : i32 {
      %shift_right_arithmetic3A_1128 = arith.constant 8 : i32
      %shift_right_arithmetic3A_1129 = arith.shrsi %scan3A_1126, %shift_right_arithmetic3A_1128 : i32
      %add3A_1130 = arith.addi %shift_right_arithmetic3A_665, %shift_right_arithmetic3A_1129 : i32
      %broadcast_in_dim3A = vector.broadcast %add3A_1130 : i32 to vector<16xi32>
      %mul3A_1131 = arith.constant 16 : i32
      %mul3A_1132 = arith.muli %mul3A_1131, %scan3A_1126 : i32
      %swap3A = arith.index_cast %mul3A_1132 : i32 to index
      %swap3A_1133 = tpu.vector_load %arg5[%swap3A] {strides = array<i32>} : memref<16384xi32, #tpu.memory_space<vmem>>, vector<16xi32>,
      %swap3A_1134 = vector.shape_cast %swap3A_1133 : vector<16xi32> to vector<16xi32>
      %swap3A_1135 = vector.shape_cast %broadcast_in_dim3A : vector<16xi32> to vector<16xi32>
      tpu.vector_store %arg5[%swap3A], %swap3A_1135 {strides = array<i32>} : memref<16384xi32, #tpu.memory_space<vmem>>, vector<16xi32>,
      %scan3A_1136 = arith.constant 0 : i32
      %scan3A_1137 = arith.constant 1 : i32
      %scan3A_1138 = arith.addi %scan3A_1126, %scan3A_1137 : i32
      %shift_right_arithmetic3A_1139 = arith.constant 8 : i32
      %shift_right_arithmetic3A_1140 = arith.shrsi %scan3A_1138, %shift_right_arithmetic3A_1139 : i32
      %add3A_1141 = arith.addi %shift_right_arithmetic3A_665, %shift_right_arithmetic3A_1140 : i32
      %broadcast_in_dim3A_1142 = vector.broadcast %add3A_1141 : i32 to vector<16xi32>
      %mul3A_1143 = arith.constant 16 : i32
      %mul3A_1144 = arith.muli %mul3A_1143, %scan3A_1138 : i32
      %swap3A_1145 = arith.index_cast %mul3A_1144 : i32 to index
      %swap3A_1146 = tpu.vector_load %arg5[%swap3A_1145] {strides = array<i32>} : memref<16384xi32, #tpu.memory_space<vmem>>, vector<16xi32>,
      %swap3A_1147 = vector.shape_cast %swap3A_1146 : vector<16xi32> to vector<16xi32>
      %swap3A_1148 = vector.shape_cast %broadcast_in_dim3A_1142 : vector<16xi32> to vector<16xi32>
      tpu.vector_store %arg5[%swap3A_1145], %swap3A_1148 {strides = array<i32>} : memref<16384xi32, #tpu.memory_space<vmem>>, vector<16xi32>,
      %scan3A_1149 = arith.constant 0 : i32
      %scan3A_1150 = arith.constant 2 : i32
      %scan3A_1151 = arith.addi %scan3A_1126, %scan3A_1150 : i32
      %shift_right_arithmetic3A_1152 = arith.constant 8 : i32
      %shift_right_arithmetic3A_1153 = arith.shrsi %scan3A_1151, %shift_right_arithmetic3A_1152 : i32
      %add3A_1154 = arith.addi %shift_right_arithmetic3A_665, %shift_right_arithmetic3A_1153 : i32
      %broadcast_in_dim3A_1155 = vector.broadcast %add3A_1154 : i32 to vector<16xi32>
      %mul3A_1156 = arith.constant 16 : i32
      %mul3A_1157 = arith.muli %mul3A_1156, %scan3A_1151 : i32
      %swap3A_1158 = arith.index_cast %mul3A_1157 : i32 to index
      %swap3A_1159 = tpu.vector_load %arg5[%swap3A_1158] {strides = array<i32>} : memref<16384xi32, #tpu.memory_space<vmem>>, vector<16xi32>,
      %swap3A_1160 = vector.shape_cast %swap3A_1159 : vector<16xi32> to vector<16xi32>
      %swap3A_1161 = vector.shape_cast %broadcast_in_dim3A_1155 : vector<16xi32> to vector<16xi32>
      tpu.vector_store %arg5[%swap3A_1158], %swap3A_1161 {strides = array<i32>} : memref<16384xi32, #tpu.memory_space<vmem>>, vector<16xi32>,
      %scan3A_1162 = arith.constant 0 : i32
      %scan3A_1163 = arith.constant 3 : i32
      %scan3A_1164 = arith.addi %scan3A_1126, %scan3A_1163 : i32
      %shift_right_arithmetic3A_1165 = arith.constant 8 : i32
      %shift_right_arithmetic3A_1166 = arith.shrsi %scan3A_1164, %shift_right_arithmetic3A_1165 : i32
      %add3A_1167 = arith.addi %shift_right_arithmetic3A_665, %shift_right_arithmetic3A_1166 : i32
      %broadcast_in_dim3A_1168 = vector.broadcast %add3A_1167 : i32 to vector<16xi32>
      %mul3A_1169 = arith.constant 16 : i32
      %mul3A_1170 = arith.muli %mul3A_1169, %scan3A_1164 : i32
      %swap3A_1171 = arith.index_cast %mul3A_1170 : i32 to index
      %swap3A_1172 = tpu.vector_load %arg5[%swap3A_1171] {strides = array<i32>} : memref<16384xi32, #tpu.memory_space<vmem>>, vector<16xi32>,
      %swap3A_1173 = vector.shape_cast %swap3A_1172 : vector<16xi32> to vector<16xi32>
      %swap3A_1174 = vector.shape_cast %broadcast_in_dim3A_1168 : vector<16xi32> to vector<16xi32>
      tpu.vector_store %arg5[%swap3A_1171], %swap3A_1174 {strides = array<i32>} : memref<16384xi32, #tpu.memory_space<vmem>>, vector<16xi32>,
      %scan3A_1175 = arith.constant 0 : i32
      scf.yield %scan3A_1175 : i32
    }
    %scan3A_672 = arith.constant 1024 : i32
    %add3A_673 = arith.constant 311296 : i32
    %add3A_674 = arith.addi %mul3A_2, %add3A_673 : i32
    %dma_start3A_675 = arith.constant 0 : i32
    %dma_start3A_676 = tpu.memref_slice %arg2[%dma_start3A_675, %add3A_674] : memref<2x16777216xi32, #tpu.memory_space<hbm>> -> memref<1x16384xi32, #tpu.memory_space<hbm>>
    %dma_start3A_677 = tpu.memref_squeeze %dma_start3A_676 : memref<1x16384xi32, #tpu.memory_space<hbm>> -> memref<16384xi32, #tpu.memory_space<hbm>>
    %dma_start3A_678 = tpu.memref_slice %arg2[%dma_start3A_675, %add3A_674] : memref<2x16777216xi32, #tpu.memory_space<hbm>> -> memref<1x16384xi32, #tpu.memory_space<hbm>>
    %dma_start3A_679 = tpu.memref_squeeze %dma_start3A_678 : memref<1x16384xi32, #tpu.memory_space<hbm>> -> memref<16384xi32, #tpu.memory_space<hbm>>
    tpu.enqueue_dma source(%arg5 : memref<16384xi32, #tpu.memory_space<vmem>>) target(%dma_start3A_679 : memref<16384xi32, #tpu.memory_space<hbm>>) target_semaphore(%arg7 : memref<!tpu.dma_semaphore, #tpu.memory_space<semaphore_mem>>)
    %dma_wait3A_680 = arith.constant 0 : i32
    %dma_wait3A_681 = tpu.memref_slice %arg2[%dma_wait3A_680, %add3A_651] : memref<2x16777216xi32, #tpu.memory_space<hbm>> -> memref<1x16384xi32, #tpu.memory_space<hbm>>
    %dma_wait3A_682 = tpu.memref_squeeze %dma_wait3A_681 : memref<1x16384xi32, #tpu.memory_space<hbm>> -> memref<16384xi32, #tpu.memory_space<hbm>>
    %dma_wait3A_683 = tpu.memref_slice %arg2[%dma_wait3A_680, %add3A_651] : memref<2x16777216xi32, #tpu.memory_space<hbm>> -> memref<1x16384xi32, #tpu.memory_space<hbm>>
    %dma_wait3A_684 = tpu.memref_squeeze %dma_wait3A_683 : memref<1x16384xi32, #tpu.memory_space<hbm>> -> memref<16384xi32, #tpu.memory_space<hbm>>
    tpu.wait_dma2 semaphore(%arg7 : memref<!tpu.dma_semaphore, #tpu.memory_space<semaphore_mem>>) src(%arg4 : memref<16384xi32, #tpu.memory_space<vmem>>) dst(%dma_wait3A_684 : memref<16384xi32, #tpu.memory_space<hbm>>)
    %add3A_685 = arith.constant 327680 : i32
    %add3A_686 = arith.addi %mul3A_2, %add3A_685 : i32
    %shift_right_arithmetic3A_687 = arith.constant 12 : i32
    %shift_right_arithmetic3A_688 = arith.shrsi %add3A_686, %shift_right_arithmetic3A_687 : i32
    %scan3A_689 = arith.constant 0 : i32
    %scan3A_690 = arith.constant 0 : i32
    %scan3A_691 = arith.constant 1024 : i32
    %scan3A_692 = arith.addi %scan3A_690, %scan3A_691 : i32
    %scan3A_693 = arith.constant 4 : i32
    %scan3A_694 = scf.for %scan3A_1126 = %scan3A_690 to %scan3A_692 step %scan3A_693 iter_args(%scan3A_1127 = %scan3A_689) -> (i32)  : i32 {
      %shift_right_arithmetic3A_1128 = arith.constant 8 : i32
      %shift_right_arithmetic3A_1129 = arith.shrsi %scan3A_1126, %shift_right_arithmetic3A_1128 : i32
      %add3A_1130 = arith.addi %shift_right_arithmetic3A_688, %shift_right_arithmetic3A_1129 : i32
      %broadcast_in_dim3A = vector.broadcast %add3A_1130 : i32 to vector<16xi32>
      %mul3A_1131 = arith.constant 16 : i32
      %mul3A_1132 = arith.muli %mul3A_1131, %scan3A_1126 : i32
      %swap3A = arith.index_cast %mul3A_1132 : i32 to index
      %swap3A_1133 = tpu.vector_load %arg4[%swap3A] {strides = array<i32>} : memref<16384xi32, #tpu.memory_space<vmem>>, vector<16xi32>,
      %swap3A_1134 = vector.shape_cast %swap3A_1133 : vector<16xi32> to vector<16xi32>
      %swap3A_1135 = vector.shape_cast %broadcast_in_dim3A : vector<16xi32> to vector<16xi32>
      tpu.vector_store %arg4[%swap3A], %swap3A_1135 {strides = array<i32>} : memref<16384xi32, #tpu.memory_space<vmem>>, vector<16xi32>,
      %scan3A_1136 = arith.constant 0 : i32
      %scan3A_1137 = arith.constant 1 : i32
      %scan3A_1138 = arith.addi %scan3A_1126, %scan3A_1137 : i32
      %shift_right_arithmetic3A_1139 = arith.constant 8 : i32
      %shift_right_arithmetic3A_1140 = arith.shrsi %scan3A_1138, %shift_right_arithmetic3A_1139 : i32
      %add3A_1141 = arith.addi %shift_right_arithmetic3A_688, %shift_right_arithmetic3A_1140 : i32
      %broadcast_in_dim3A_1142 = vector.broadcast %add3A_1141 : i32 to vector<16xi32>
      %mul3A_1143 = arith.constant 16 : i32
      %mul3A_1144 = arith.muli %mul3A_1143, %scan3A_1138 : i32
      %swap3A_1145 = arith.index_cast %mul3A_1144 : i32 to index
      %swap3A_1146 = tpu.vector_load %arg4[%swap3A_1145] {strides = array<i32>} : memref<16384xi32, #tpu.memory_space<vmem>>, vector<16xi32>,
      %swap3A_1147 = vector.shape_cast %swap3A_1146 : vector<16xi32> to vector<16xi32>
      %swap3A_1148 = vector.shape_cast %broadcast_in_dim3A_1142 : vector<16xi32> to vector<16xi32>
      tpu.vector_store %arg4[%swap3A_1145], %swap3A_1148 {strides = array<i32>} : memref<16384xi32, #tpu.memory_space<vmem>>, vector<16xi32>,
      %scan3A_1149 = arith.constant 0 : i32
      %scan3A_1150 = arith.constant 2 : i32
      %scan3A_1151 = arith.addi %scan3A_1126, %scan3A_1150 : i32
      %shift_right_arithmetic3A_1152 = arith.constant 8 : i32
      %shift_right_arithmetic3A_1153 = arith.shrsi %scan3A_1151, %shift_right_arithmetic3A_1152 : i32
      %add3A_1154 = arith.addi %shift_right_arithmetic3A_688, %shift_right_arithmetic3A_1153 : i32
      %broadcast_in_dim3A_1155 = vector.broadcast %add3A_1154 : i32 to vector<16xi32>
      %mul3A_1156 = arith.constant 16 : i32
      %mul3A_1157 = arith.muli %mul3A_1156, %scan3A_1151 : i32
      %swap3A_1158 = arith.index_cast %mul3A_1157 : i32 to index
      %swap3A_1159 = tpu.vector_load %arg4[%swap3A_1158] {strides = array<i32>} : memref<16384xi32, #tpu.memory_space<vmem>>, vector<16xi32>,
      %swap3A_1160 = vector.shape_cast %swap3A_1159 : vector<16xi32> to vector<16xi32>
      %swap3A_1161 = vector.shape_cast %broadcast_in_dim3A_1155 : vector<16xi32> to vector<16xi32>
      tpu.vector_store %arg4[%swap3A_1158], %swap3A_1161 {strides = array<i32>} : memref<16384xi32, #tpu.memory_space<vmem>>, vector<16xi32>,
      %scan3A_1162 = arith.constant 0 : i32
      %scan3A_1163 = arith.constant 3 : i32
      %scan3A_1164 = arith.addi %scan3A_1126, %scan3A_1163 : i32
      %shift_right_arithmetic3A_1165 = arith.constant 8 : i32
      %shift_right_arithmetic3A_1166 = arith.shrsi %scan3A_1164, %shift_right_arithmetic3A_1165 : i32
      %add3A_1167 = arith.addi %shift_right_arithmetic3A_688, %shift_right_arithmetic3A_1166 : i32
      %broadcast_in_dim3A_1168 = vector.broadcast %add3A_1167 : i32 to vector<16xi32>
      %mul3A_1169 = arith.constant 16 : i32
      %mul3A_1170 = arith.muli %mul3A_1169, %scan3A_1164 : i32
      %swap3A_1171 = arith.index_cast %mul3A_1170 : i32 to index
      %swap3A_1172 = tpu.vector_load %arg4[%swap3A_1171] {strides = array<i32>} : memref<16384xi32, #tpu.memory_space<vmem>>, vector<16xi32>,
      %swap3A_1173 = vector.shape_cast %swap3A_1172 : vector<16xi32> to vector<16xi32>
      %swap3A_1174 = vector.shape_cast %broadcast_in_dim3A_1168 : vector<16xi32> to vector<16xi32>
      tpu.vector_store %arg4[%swap3A_1171], %swap3A_1174 {strides = array<i32>} : memref<16384xi32, #tpu.memory_space<vmem>>, vector<16xi32>,
      %scan3A_1175 = arith.constant 0 : i32
      scf.yield %scan3A_1175 : i32
    }
    %scan3A_695 = arith.constant 1024 : i32
    %add3A_696 = arith.constant 327680 : i32
    %add3A_697 = arith.addi %mul3A_2, %add3A_696 : i32
    %dma_start3A_698 = arith.constant 0 : i32
    %dma_start3A_699 = tpu.memref_slice %arg2[%dma_start3A_698, %add3A_697] : memref<2x16777216xi32, #tpu.memory_space<hbm>> -> memref<1x16384xi32, #tpu.memory_space<hbm>>
    %dma_start3A_700 = tpu.memref_squeeze %dma_start3A_699 : memref<1x16384xi32, #tpu.memory_space<hbm>> -> memref<16384xi32, #tpu.memory_space<hbm>>
    %dma_start3A_701 = tpu.memref_slice %arg2[%dma_start3A_698, %add3A_697] : memref<2x16777216xi32, #tpu.memory_space<hbm>> -> memref<1x16384xi32, #tpu.memory_space<hbm>>
    %dma_start3A_702 = tpu.memref_squeeze %dma_start3A_701 : memref<1x16384xi32, #tpu.memory_space<hbm>> -> memref<16384xi32, #tpu.memory_space<hbm>>
    tpu.enqueue_dma source(%arg4 : memref<16384xi32, #tpu.memory_space<vmem>>) target(%dma_start3A_702 : memref<16384xi32, #tpu.memory_space<hbm>>) target_semaphore(%arg7 : memref<!tpu.dma_semaphore, #tpu.memory_space<semaphore_mem>>)
    %dma_wait3A_703 = arith.constant 0 : i32
    %dma_wait3A_704 = tpu.memref_slice %arg2[%dma_wait3A_703, %add3A_674] : memref<2x16777216xi32, #tpu.memory_space<hbm>> -> memref<1x16384xi32, #tpu.memory_space<hbm>>
    %dma_wait3A_705 = tpu.memref_squeeze %dma_wait3A_704 : memref<1x16384xi32, #tpu.memory_space<hbm>> -> memref<16384xi32, #tpu.memory_space<hbm>>
    %dma_wait3A_706 = tpu.memref_slice %arg2[%dma_wait3A_703, %add3A_674] : memref<2x16777216xi32, #tpu.memory_space<hbm>> -> memref<1x16384xi32, #tpu.memory_space<hbm>>
    %dma_wait3A_707 = tpu.memref_squeeze %dma_wait3A_706 : memref<1x16384xi32, #tpu.memory_space<hbm>> -> memref<16384xi32, #tpu.memory_space<hbm>>
    tpu.wait_dma2 semaphore(%arg7 : memref<!tpu.dma_semaphore, #tpu.memory_space<semaphore_mem>>) src(%arg5 : memref<16384xi32, #tpu.memory_space<vmem>>) dst(%dma_wait3A_707 : memref<16384xi32, #tpu.memory_space<hbm>>)
    %add3A_708 = arith.constant 344064 : i32
    %add3A_709 = arith.addi %mul3A_2, %add3A_708 : i32
    %shift_right_arithmetic3A_710 = arith.constant 12 : i32
    %shift_right_arithmetic3A_711 = arith.shrsi %add3A_709, %shift_right_arithmetic3A_710 : i32
    %scan3A_712 = arith.constant 0 : i32
    %scan3A_713 = arith.constant 0 : i32
    %scan3A_714 = arith.constant 1024 : i32
    %scan3A_715 = arith.addi %scan3A_713, %scan3A_714 : i32
    %scan3A_716 = arith.constant 4 : i32
    %scan3A_717 = scf.for %scan3A_1126 = %scan3A_713 to %scan3A_715 step %scan3A_716 iter_args(%scan3A_1127 = %scan3A_712) -> (i32)  : i32 {
      %shift_right_arithmetic3A_1128 = arith.constant 8 : i32
      %shift_right_arithmetic3A_1129 = arith.shrsi %scan3A_1126, %shift_right_arithmetic3A_1128 : i32
      %add3A_1130 = arith.addi %shift_right_arithmetic3A_711, %shift_right_arithmetic3A_1129 : i32
      %broadcast_in_dim3A = vector.broadcast %add3A_1130 : i32 to vector<16xi32>
      %mul3A_1131 = arith.constant 16 : i32
      %mul3A_1132 = arith.muli %mul3A_1131, %scan3A_1126 : i32
      %swap3A = arith.index_cast %mul3A_1132 : i32 to index
      %swap3A_1133 = tpu.vector_load %arg5[%swap3A] {strides = array<i32>} : memref<16384xi32, #tpu.memory_space<vmem>>, vector<16xi32>,
      %swap3A_1134 = vector.shape_cast %swap3A_1133 : vector<16xi32> to vector<16xi32>
      %swap3A_1135 = vector.shape_cast %broadcast_in_dim3A : vector<16xi32> to vector<16xi32>
      tpu.vector_store %arg5[%swap3A], %swap3A_1135 {strides = array<i32>} : memref<16384xi32, #tpu.memory_space<vmem>>, vector<16xi32>,
      %scan3A_1136 = arith.constant 0 : i32
      %scan3A_1137 = arith.constant 1 : i32
      %scan3A_1138 = arith.addi %scan3A_1126, %scan3A_1137 : i32
      %shift_right_arithmetic3A_1139 = arith.constant 8 : i32
      %shift_right_arithmetic3A_1140 = arith.shrsi %scan3A_1138, %shift_right_arithmetic3A_1139 : i32
      %add3A_1141 = arith.addi %shift_right_arithmetic3A_711, %shift_right_arithmetic3A_1140 : i32
      %broadcast_in_dim3A_1142 = vector.broadcast %add3A_1141 : i32 to vector<16xi32>
      %mul3A_1143 = arith.constant 16 : i32
      %mul3A_1144 = arith.muli %mul3A_1143, %scan3A_1138 : i32
      %swap3A_1145 = arith.index_cast %mul3A_1144 : i32 to index
      %swap3A_1146 = tpu.vector_load %arg5[%swap3A_1145] {strides = array<i32>} : memref<16384xi32, #tpu.memory_space<vmem>>, vector<16xi32>,
      %swap3A_1147 = vector.shape_cast %swap3A_1146 : vector<16xi32> to vector<16xi32>
      %swap3A_1148 = vector.shape_cast %broadcast_in_dim3A_1142 : vector<16xi32> to vector<16xi32>
      tpu.vector_store %arg5[%swap3A_1145], %swap3A_1148 {strides = array<i32>} : memref<16384xi32, #tpu.memory_space<vmem>>, vector<16xi32>,
      %scan3A_1149 = arith.constant 0 : i32
      %scan3A_1150 = arith.constant 2 : i32
      %scan3A_1151 = arith.addi %scan3A_1126, %scan3A_1150 : i32
      %shift_right_arithmetic3A_1152 = arith.constant 8 : i32
      %shift_right_arithmetic3A_1153 = arith.shrsi %scan3A_1151, %shift_right_arithmetic3A_1152 : i32
      %add3A_1154 = arith.addi %shift_right_arithmetic3A_711, %shift_right_arithmetic3A_1153 : i32
      %broadcast_in_dim3A_1155 = vector.broadcast %add3A_1154 : i32 to vector<16xi32>
      %mul3A_1156 = arith.constant 16 : i32
      %mul3A_1157 = arith.muli %mul3A_1156, %scan3A_1151 : i32
      %swap3A_1158 = arith.index_cast %mul3A_1157 : i32 to index
      %swap3A_1159 = tpu.vector_load %arg5[%swap3A_1158] {strides = array<i32>} : memref<16384xi32, #tpu.memory_space<vmem>>, vector<16xi32>,
      %swap3A_1160 = vector.shape_cast %swap3A_1159 : vector<16xi32> to vector<16xi32>
      %swap3A_1161 = vector.shape_cast %broadcast_in_dim3A_1155 : vector<16xi32> to vector<16xi32>
      tpu.vector_store %arg5[%swap3A_1158], %swap3A_1161 {strides = array<i32>} : memref<16384xi32, #tpu.memory_space<vmem>>, vector<16xi32>,
      %scan3A_1162 = arith.constant 0 : i32
      %scan3A_1163 = arith.constant 3 : i32
      %scan3A_1164 = arith.addi %scan3A_1126, %scan3A_1163 : i32
      %shift_right_arithmetic3A_1165 = arith.constant 8 : i32
      %shift_right_arithmetic3A_1166 = arith.shrsi %scan3A_1164, %shift_right_arithmetic3A_1165 : i32
      %add3A_1167 = arith.addi %shift_right_arithmetic3A_711, %shift_right_arithmetic3A_1166 : i32
      %broadcast_in_dim3A_1168 = vector.broadcast %add3A_1167 : i32 to vector<16xi32>
      %mul3A_1169 = arith.constant 16 : i32
      %mul3A_1170 = arith.muli %mul3A_1169, %scan3A_1164 : i32
      %swap3A_1171 = arith.index_cast %mul3A_1170 : i32 to index
      %swap3A_1172 = tpu.vector_load %arg5[%swap3A_1171] {strides = array<i32>} : memref<16384xi32, #tpu.memory_space<vmem>>, vector<16xi32>,
      %swap3A_1173 = vector.shape_cast %swap3A_1172 : vector<16xi32> to vector<16xi32>
      %swap3A_1174 = vector.shape_cast %broadcast_in_dim3A_1168 : vector<16xi32> to vector<16xi32>
      tpu.vector_store %arg5[%swap3A_1171], %swap3A_1174 {strides = array<i32>} : memref<16384xi32, #tpu.memory_space<vmem>>, vector<16xi32>,
      %scan3A_1175 = arith.constant 0 : i32
      scf.yield %scan3A_1175 : i32
    }
    %scan3A_718 = arith.constant 1024 : i32
    %add3A_719 = arith.constant 344064 : i32
    %add3A_720 = arith.addi %mul3A_2, %add3A_719 : i32
    %dma_start3A_721 = arith.constant 0 : i32
    %dma_start3A_722 = tpu.memref_slice %arg2[%dma_start3A_721, %add3A_720] : memref<2x16777216xi32, #tpu.memory_space<hbm>> -> memref<1x16384xi32, #tpu.memory_space<hbm>>
    %dma_start3A_723 = tpu.memref_squeeze %dma_start3A_722 : memref<1x16384xi32, #tpu.memory_space<hbm>> -> memref<16384xi32, #tpu.memory_space<hbm>>
    %dma_start3A_724 = tpu.memref_slice %arg2[%dma_start3A_721, %add3A_720] : memref<2x16777216xi32, #tpu.memory_space<hbm>> -> memref<1x16384xi32, #tpu.memory_space<hbm>>
    %dma_start3A_725 = tpu.memref_squeeze %dma_start3A_724 : memref<1x16384xi32, #tpu.memory_space<hbm>> -> memref<16384xi32, #tpu.memory_space<hbm>>
    tpu.enqueue_dma source(%arg5 : memref<16384xi32, #tpu.memory_space<vmem>>) target(%dma_start3A_725 : memref<16384xi32, #tpu.memory_space<hbm>>) target_semaphore(%arg7 : memref<!tpu.dma_semaphore, #tpu.memory_space<semaphore_mem>>)
    %dma_wait3A_726 = arith.constant 0 : i32
    %dma_wait3A_727 = tpu.memref_slice %arg2[%dma_wait3A_726, %add3A_697] : memref<2x16777216xi32, #tpu.memory_space<hbm>> -> memref<1x16384xi32, #tpu.memory_space<hbm>>
    %dma_wait3A_728 = tpu.memref_squeeze %dma_wait3A_727 : memref<1x16384xi32, #tpu.memory_space<hbm>> -> memref<16384xi32, #tpu.memory_space<hbm>>
    %dma_wait3A_729 = tpu.memref_slice %arg2[%dma_wait3A_726, %add3A_697] : memref<2x16777216xi32, #tpu.memory_space<hbm>> -> memref<1x16384xi32, #tpu.memory_space<hbm>>
    %dma_wait3A_730 = tpu.memref_squeeze %dma_wait3A_729 : memref<1x16384xi32, #tpu.memory_space<hbm>> -> memref<16384xi32, #tpu.memory_space<hbm>>
    tpu.wait_dma2 semaphore(%arg7 : memref<!tpu.dma_semaphore, #tpu.memory_space<semaphore_mem>>) src(%arg4 : memref<16384xi32, #tpu.memory_space<vmem>>) dst(%dma_wait3A_730 : memref<16384xi32, #tpu.memory_space<hbm>>)
    %add3A_731 = arith.constant 360448 : i32
    %add3A_732 = arith.addi %mul3A_2, %add3A_731 : i32
    %shift_right_arithmetic3A_733 = arith.constant 12 : i32
    %shift_right_arithmetic3A_734 = arith.shrsi %add3A_732, %shift_right_arithmetic3A_733 : i32
    %scan3A_735 = arith.constant 0 : i32
    %scan3A_736 = arith.constant 0 : i32
    %scan3A_737 = arith.constant 1024 : i32
    %scan3A_738 = arith.addi %scan3A_736, %scan3A_737 : i32
    %scan3A_739 = arith.constant 4 : i32
    %scan3A_740 = scf.for %scan3A_1126 = %scan3A_736 to %scan3A_738 step %scan3A_739 iter_args(%scan3A_1127 = %scan3A_735) -> (i32)  : i32 {
      %shift_right_arithmetic3A_1128 = arith.constant 8 : i32
      %shift_right_arithmetic3A_1129 = arith.shrsi %scan3A_1126, %shift_right_arithmetic3A_1128 : i32
      %add3A_1130 = arith.addi %shift_right_arithmetic3A_734, %shift_right_arithmetic3A_1129 : i32
      %broadcast_in_dim3A = vector.broadcast %add3A_1130 : i32 to vector<16xi32>
      %mul3A_1131 = arith.constant 16 : i32
      %mul3A_1132 = arith.muli %mul3A_1131, %scan3A_1126 : i32
      %swap3A = arith.index_cast %mul3A_1132 : i32 to index
      %swap3A_1133 = tpu.vector_load %arg4[%swap3A] {strides = array<i32>} : memref<16384xi32, #tpu.memory_space<vmem>>, vector<16xi32>,
      %swap3A_1134 = vector.shape_cast %swap3A_1133 : vector<16xi32> to vector<16xi32>
      %swap3A_1135 = vector.shape_cast %broadcast_in_dim3A : vector<16xi32> to vector<16xi32>
      tpu.vector_store %arg4[%swap3A], %swap3A_1135 {strides = array<i32>} : memref<16384xi32, #tpu.memory_space<vmem>>, vector<16xi32>,
      %scan3A_1136 = arith.constant 0 : i32
      %scan3A_1137 = arith.constant 1 : i32
      %scan3A_1138 = arith.addi %scan3A_1126, %scan3A_1137 : i32
      %shift_right_arithmetic3A_1139 = arith.constant 8 : i32
      %shift_right_arithmetic3A_1140 = arith.shrsi %scan3A_1138, %shift_right_arithmetic3A_1139 : i32
      %add3A_1141 = arith.addi %shift_right_arithmetic3A_734, %shift_right_arithmetic3A_1140 : i32
      %broadcast_in_dim3A_1142 = vector.broadcast %add3A_1141 : i32 to vector<16xi32>
      %mul3A_1143 = arith.constant 16 : i32
      %mul3A_1144 = arith.muli %mul3A_1143, %scan3A_1138 : i32
      %swap3A_1145 = arith.index_cast %mul3A_1144 : i32 to index
      %swap3A_1146 = tpu.vector_load %arg4[%swap3A_1145] {strides = array<i32>} : memref<16384xi32, #tpu.memory_space<vmem>>, vector<16xi32>,
      %swap3A_1147 = vector.shape_cast %swap3A_1146 : vector<16xi32> to vector<16xi32>
      %swap3A_1148 = vector.shape_cast %broadcast_in_dim3A_1142 : vector<16xi32> to vector<16xi32>
      tpu.vector_store %arg4[%swap3A_1145], %swap3A_1148 {strides = array<i32>} : memref<16384xi32, #tpu.memory_space<vmem>>, vector<16xi32>,
      %scan3A_1149 = arith.constant 0 : i32
      %scan3A_1150 = arith.constant 2 : i32
      %scan3A_1151 = arith.addi %scan3A_1126, %scan3A_1150 : i32
      %shift_right_arithmetic3A_1152 = arith.constant 8 : i32
      %shift_right_arithmetic3A_1153 = arith.shrsi %scan3A_1151, %shift_right_arithmetic3A_1152 : i32
      %add3A_1154 = arith.addi %shift_right_arithmetic3A_734, %shift_right_arithmetic3A_1153 : i32
      %broadcast_in_dim3A_1155 = vector.broadcast %add3A_1154 : i32 to vector<16xi32>
      %mul3A_1156 = arith.constant 16 : i32
      %mul3A_1157 = arith.muli %mul3A_1156, %scan3A_1151 : i32
      %swap3A_1158 = arith.index_cast %mul3A_1157 : i32 to index
      %swap3A_1159 = tpu.vector_load %arg4[%swap3A_1158] {strides = array<i32>} : memref<16384xi32, #tpu.memory_space<vmem>>, vector<16xi32>,
      %swap3A_1160 = vector.shape_cast %swap3A_1159 : vector<16xi32> to vector<16xi32>
      %swap3A_1161 = vector.shape_cast %broadcast_in_dim3A_1155 : vector<16xi32> to vector<16xi32>
      tpu.vector_store %arg4[%swap3A_1158], %swap3A_1161 {strides = array<i32>} : memref<16384xi32, #tpu.memory_space<vmem>>, vector<16xi32>,
      %scan3A_1162 = arith.constant 0 : i32
      %scan3A_1163 = arith.constant 3 : i32
      %scan3A_1164 = arith.addi %scan3A_1126, %scan3A_1163 : i32
      %shift_right_arithmetic3A_1165 = arith.constant 8 : i32
      %shift_right_arithmetic3A_1166 = arith.shrsi %scan3A_1164, %shift_right_arithmetic3A_1165 : i32
      %add3A_1167 = arith.addi %shift_right_arithmetic3A_734, %shift_right_arithmetic3A_1166 : i32
      %broadcast_in_dim3A_1168 = vector.broadcast %add3A_1167 : i32 to vector<16xi32>
      %mul3A_1169 = arith.constant 16 : i32
      %mul3A_1170 = arith.muli %mul3A_1169, %scan3A_1164 : i32
      %swap3A_1171 = arith.index_cast %mul3A_1170 : i32 to index
      %swap3A_1172 = tpu.vector_load %arg4[%swap3A_1171] {strides = array<i32>} : memref<16384xi32, #tpu.memory_space<vmem>>, vector<16xi32>,
      %swap3A_1173 = vector.shape_cast %swap3A_1172 : vector<16xi32> to vector<16xi32>
      %swap3A_1174 = vector.shape_cast %broadcast_in_dim3A_1168 : vector<16xi32> to vector<16xi32>
      tpu.vector_store %arg4[%swap3A_1171], %swap3A_1174 {strides = array<i32>} : memref<16384xi32, #tpu.memory_space<vmem>>, vector<16xi32>,
      %scan3A_1175 = arith.constant 0 : i32
      scf.yield %scan3A_1175 : i32
    }
    %scan3A_741 = arith.constant 1024 : i32
    %add3A_742 = arith.constant 360448 : i32
    %add3A_743 = arith.addi %mul3A_2, %add3A_742 : i32
    %dma_start3A_744 = arith.constant 0 : i32
    %dma_start3A_745 = tpu.memref_slice %arg2[%dma_start3A_744, %add3A_743] : memref<2x16777216xi32, #tpu.memory_space<hbm>> -> memref<1x16384xi32, #tpu.memory_space<hbm>>
    %dma_start3A_746 = tpu.memref_squeeze %dma_start3A_745 : memref<1x16384xi32, #tpu.memory_space<hbm>> -> memref<16384xi32, #tpu.memory_space<hbm>>
    %dma_start3A_747 = tpu.memref_slice %arg2[%dma_start3A_744, %add3A_743] : memref<2x16777216xi32, #tpu.memory_space<hbm>> -> memref<1x16384xi32, #tpu.memory_space<hbm>>
    %dma_start3A_748 = tpu.memref_squeeze %dma_start3A_747 : memref<1x16384xi32, #tpu.memory_space<hbm>> -> memref<16384xi32, #tpu.memory_space<hbm>>
    tpu.enqueue_dma source(%arg4 : memref<16384xi32, #tpu.memory_space<vmem>>) target(%dma_start3A_748 : memref<16384xi32, #tpu.memory_space<hbm>>) target_semaphore(%arg7 : memref<!tpu.dma_semaphore, #tpu.memory_space<semaphore_mem>>)
    %dma_wait3A_749 = arith.constant 0 : i32
    %dma_wait3A_750 = tpu.memref_slice %arg2[%dma_wait3A_749, %add3A_720] : memref<2x16777216xi32, #tpu.memory_space<hbm>> -> memref<1x16384xi32, #tpu.memory_space<hbm>>
    %dma_wait3A_751 = tpu.memref_squeeze %dma_wait3A_750 : memref<1x16384xi32, #tpu.memory_space<hbm>> -> memref<16384xi32, #tpu.memory_space<hbm>>
    %dma_wait3A_752 = tpu.memref_slice %arg2[%dma_wait3A_749, %add3A_720] : memref<2x16777216xi32, #tpu.memory_space<hbm>> -> memref<1x16384xi32, #tpu.memory_space<hbm>>
    %dma_wait3A_753 = tpu.memref_squeeze %dma_wait3A_752 : memref<1x16384xi32, #tpu.memory_space<hbm>> -> memref<16384xi32, #tpu.memory_space<hbm>>
    tpu.wait_dma2 semaphore(%arg7 : memref<!tpu.dma_semaphore, #tpu.memory_space<semaphore_mem>>) src(%arg5 : memref<16384xi32, #tpu.memory_space<vmem>>) dst(%dma_wait3A_753 : memref<16384xi32, #tpu.memory_space<hbm>>)
    %add3A_754 = arith.constant 376832 : i32
    %add3A_755 = arith.addi %mul3A_2, %add3A_754 : i32
    %shift_right_arithmetic3A_756 = arith.constant 12 : i32
    %shift_right_arithmetic3A_757 = arith.shrsi %add3A_755, %shift_right_arithmetic3A_756 : i32
    %scan3A_758 = arith.constant 0 : i32
    %scan3A_759 = arith.constant 0 : i32
    %scan3A_760 = arith.constant 1024 : i32
    %scan3A_761 = arith.addi %scan3A_759, %scan3A_760 : i32
    %scan3A_762 = arith.constant 4 : i32
    %scan3A_763 = scf.for %scan3A_1126 = %scan3A_759 to %scan3A_761 step %scan3A_762 iter_args(%scan3A_1127 = %scan3A_758) -> (i32)  : i32 {
      %shift_right_arithmetic3A_1128 = arith.constant 8 : i32
      %shift_right_arithmetic3A_1129 = arith.shrsi %scan3A_1126, %shift_right_arithmetic3A_1128 : i32
      %add3A_1130 = arith.addi %shift_right_arithmetic3A_757, %shift_right_arithmetic3A_1129 : i32
      %broadcast_in_dim3A = vector.broadcast %add3A_1130 : i32 to vector<16xi32>
      %mul3A_1131 = arith.constant 16 : i32
      %mul3A_1132 = arith.muli %mul3A_1131, %scan3A_1126 : i32
      %swap3A = arith.index_cast %mul3A_1132 : i32 to index
      %swap3A_1133 = tpu.vector_load %arg5[%swap3A] {strides = array<i32>} : memref<16384xi32, #tpu.memory_space<vmem>>, vector<16xi32>,
      %swap3A_1134 = vector.shape_cast %swap3A_1133 : vector<16xi32> to vector<16xi32>
      %swap3A_1135 = vector.shape_cast %broadcast_in_dim3A : vector<16xi32> to vector<16xi32>
      tpu.vector_store %arg5[%swap3A], %swap3A_1135 {strides = array<i32>} : memref<16384xi32, #tpu.memory_space<vmem>>, vector<16xi32>,
      %scan3A_1136 = arith.constant 0 : i32
      %scan3A_1137 = arith.constant 1 : i32
      %scan3A_1138 = arith.addi %scan3A_1126, %scan3A_1137 : i32
      %shift_right_arithmetic3A_1139 = arith.constant 8 : i32
      %shift_right_arithmetic3A_1140 = arith.shrsi %scan3A_1138, %shift_right_arithmetic3A_1139 : i32
      %add3A_1141 = arith.addi %shift_right_arithmetic3A_757, %shift_right_arithmetic3A_1140 : i32
      %broadcast_in_dim3A_1142 = vector.broadcast %add3A_1141 : i32 to vector<16xi32>
      %mul3A_1143 = arith.constant 16 : i32
      %mul3A_1144 = arith.muli %mul3A_1143, %scan3A_1138 : i32
      %swap3A_1145 = arith.index_cast %mul3A_1144 : i32 to index
      %swap3A_1146 = tpu.vector_load %arg5[%swap3A_1145] {strides = array<i32>} : memref<16384xi32, #tpu.memory_space<vmem>>, vector<16xi32>,
      %swap3A_1147 = vector.shape_cast %swap3A_1146 : vector<16xi32> to vector<16xi32>
      %swap3A_1148 = vector.shape_cast %broadcast_in_dim3A_1142 : vector<16xi32> to vector<16xi32>
      tpu.vector_store %arg5[%swap3A_1145], %swap3A_1148 {strides = array<i32>} : memref<16384xi32, #tpu.memory_space<vmem>>, vector<16xi32>,
      %scan3A_1149 = arith.constant 0 : i32
      %scan3A_1150 = arith.constant 2 : i32
      %scan3A_1151 = arith.addi %scan3A_1126, %scan3A_1150 : i32
      %shift_right_arithmetic3A_1152 = arith.constant 8 : i32
      %shift_right_arithmetic3A_1153 = arith.shrsi %scan3A_1151, %shift_right_arithmetic3A_1152 : i32
      %add3A_1154 = arith.addi %shift_right_arithmetic3A_757, %shift_right_arithmetic3A_1153 : i32
      %broadcast_in_dim3A_1155 = vector.broadcast %add3A_1154 : i32 to vector<16xi32>
      %mul3A_1156 = arith.constant 16 : i32
      %mul3A_1157 = arith.muli %mul3A_1156, %scan3A_1151 : i32
      %swap3A_1158 = arith.index_cast %mul3A_1157 : i32 to index
      %swap3A_1159 = tpu.vector_load %arg5[%swap3A_1158] {strides = array<i32>} : memref<16384xi32, #tpu.memory_space<vmem>>, vector<16xi32>,
      %swap3A_1160 = vector.shape_cast %swap3A_1159 : vector<16xi32> to vector<16xi32>
      %swap3A_1161 = vector.shape_cast %broadcast_in_dim3A_1155 : vector<16xi32> to vector<16xi32>
      tpu.vector_store %arg5[%swap3A_1158], %swap3A_1161 {strides = array<i32>} : memref<16384xi32, #tpu.memory_space<vmem>>, vector<16xi32>,
      %scan3A_1162 = arith.constant 0 : i32
      %scan3A_1163 = arith.constant 3 : i32
      %scan3A_1164 = arith.addi %scan3A_1126, %scan3A_1163 : i32
      %shift_right_arithmetic3A_1165 = arith.constant 8 : i32
      %shift_right_arithmetic3A_1166 = arith.shrsi %scan3A_1164, %shift_right_arithmetic3A_1165 : i32
      %add3A_1167 = arith.addi %shift_right_arithmetic3A_757, %shift_right_arithmetic3A_1166 : i32
      %broadcast_in_dim3A_1168 = vector.broadcast %add3A_1167 : i32 to vector<16xi32>
      %mul3A_1169 = arith.constant 16 : i32
      %mul3A_1170 = arith.muli %mul3A_1169, %scan3A_1164 : i32
      %swap3A_1171 = arith.index_cast %mul3A_1170 : i32 to index
      %swap3A_1172 = tpu.vector_load %arg5[%swap3A_1171] {strides = array<i32>} : memref<16384xi32, #tpu.memory_space<vmem>>, vector<16xi32>,
      %swap3A_1173 = vector.shape_cast %swap3A_1172 : vector<16xi32> to vector<16xi32>
      %swap3A_1174 = vector.shape_cast %broadcast_in_dim3A_1168 : vector<16xi32> to vector<16xi32>
      tpu.vector_store %arg5[%swap3A_1171], %swap3A_1174 {strides = array<i32>} : memref<16384xi32, #tpu.memory_space<vmem>>, vector<16xi32>,
      %scan3A_1175 = arith.constant 0 : i32
      scf.yield %scan3A_1175 : i32
    }
    %scan3A_764 = arith.constant 1024 : i32
    %add3A_765 = arith.constant 376832 : i32
    %add3A_766 = arith.addi %mul3A_2, %add3A_765 : i32
    %dma_start3A_767 = arith.constant 0 : i32
    %dma_start3A_768 = tpu.memref_slice %arg2[%dma_start3A_767, %add3A_766] : memref<2x16777216xi32, #tpu.memory_space<hbm>> -> memref<1x16384xi32, #tpu.memory_space<hbm>>
    %dma_start3A_769 = tpu.memref_squeeze %dma_start3A_768 : memref<1x16384xi32, #tpu.memory_space<hbm>> -> memref<16384xi32, #tpu.memory_space<hbm>>
    %dma_start3A_770 = tpu.memref_slice %arg2[%dma_start3A_767, %add3A_766] : memref<2x16777216xi32, #tpu.memory_space<hbm>> -> memref<1x16384xi32, #tpu.memory_space<hbm>>
    %dma_start3A_771 = tpu.memref_squeeze %dma_start3A_770 : memref<1x16384xi32, #tpu.memory_space<hbm>> -> memref<16384xi32, #tpu.memory_space<hbm>>
    tpu.enqueue_dma source(%arg5 : memref<16384xi32, #tpu.memory_space<vmem>>) target(%dma_start3A_771 : memref<16384xi32, #tpu.memory_space<hbm>>) target_semaphore(%arg7 : memref<!tpu.dma_semaphore, #tpu.memory_space<semaphore_mem>>)
    %dma_wait3A_772 = arith.constant 0 : i32
    %dma_wait3A_773 = tpu.memref_slice %arg2[%dma_wait3A_772, %add3A_743] : memref<2x16777216xi32, #tpu.memory_space<hbm>> -> memref<1x16384xi32, #tpu.memory_space<hbm>>
    %dma_wait3A_774 = tpu.memref_squeeze %dma_wait3A_773 : memref<1x16384xi32, #tpu.memory_space<hbm>> -> memref<16384xi32, #tpu.memory_space<hbm>>
    %dma_wait3A_775 = tpu.memref_slice %arg2[%dma_wait3A_772, %add3A_743] : memref<2x16777216xi32, #tpu.memory_space<hbm>> -> memref<1x16384xi32, #tpu.memory_space<hbm>>
    %dma_wait3A_776 = tpu.memref_squeeze %dma_wait3A_775 : memref<1x16384xi32, #tpu.memory_space<hbm>> -> memref<16384xi32, #tpu.memory_space<hbm>>
    tpu.wait_dma2 semaphore(%arg7 : memref<!tpu.dma_semaphore, #tpu.memory_space<semaphore_mem>>) src(%arg4 : memref<16384xi32, #tpu.memory_space<vmem>>) dst(%dma_wait3A_776 : memref<16384xi32, #tpu.memory_space<hbm>>)
    %add3A_777 = arith.constant 393216 : i32
    %add3A_778 = arith.addi %mul3A_2, %add3A_777 : i32
    %shift_right_arithmetic3A_779 = arith.constant 12 : i32
    %shift_right_arithmetic3A_780 = arith.shrsi %add3A_778, %shift_right_arithmetic3A_779 : i32
    %scan3A_781 = arith.constant 0 : i32
    %scan3A_782 = arith.constant 0 : i32
    %scan3A_783 = arith.constant 1024 : i32
    %scan3A_784 = arith.addi %scan3A_782, %scan3A_783 : i32
    %scan3A_785 = arith.constant 4 : i32
    %scan3A_786 = scf.for %scan3A_1126 = %scan3A_782 to %scan3A_784 step %scan3A_785 iter_args(%scan3A_1127 = %scan3A_781) -> (i32)  : i32 {
      %shift_right_arithmetic3A_1128 = arith.constant 8 : i32
      %shift_right_arithmetic3A_1129 = arith.shrsi %scan3A_1126, %shift_right_arithmetic3A_1128 : i32
      %add3A_1130 = arith.addi %shift_right_arithmetic3A_780, %shift_right_arithmetic3A_1129 : i32
      %broadcast_in_dim3A = vector.broadcast %add3A_1130 : i32 to vector<16xi32>
      %mul3A_1131 = arith.constant 16 : i32
      %mul3A_1132 = arith.muli %mul3A_1131, %scan3A_1126 : i32
      %swap3A = arith.index_cast %mul3A_1132 : i32 to index
      %swap3A_1133 = tpu.vector_load %arg4[%swap3A] {strides = array<i32>} : memref<16384xi32, #tpu.memory_space<vmem>>, vector<16xi32>,
      %swap3A_1134 = vector.shape_cast %swap3A_1133 : vector<16xi32> to vector<16xi32>
      %swap3A_1135 = vector.shape_cast %broadcast_in_dim3A : vector<16xi32> to vector<16xi32>
      tpu.vector_store %arg4[%swap3A], %swap3A_1135 {strides = array<i32>} : memref<16384xi32, #tpu.memory_space<vmem>>, vector<16xi32>,
      %scan3A_1136 = arith.constant 0 : i32
      %scan3A_1137 = arith.constant 1 : i32
      %scan3A_1138 = arith.addi %scan3A_1126, %scan3A_1137 : i32
      %shift_right_arithmetic3A_1139 = arith.constant 8 : i32
      %shift_right_arithmetic3A_1140 = arith.shrsi %scan3A_1138, %shift_right_arithmetic3A_1139 : i32
      %add3A_1141 = arith.addi %shift_right_arithmetic3A_780, %shift_right_arithmetic3A_1140 : i32
      %broadcast_in_dim3A_1142 = vector.broadcast %add3A_1141 : i32 to vector<16xi32>
      %mul3A_1143 = arith.constant 16 : i32
      %mul3A_1144 = arith.muli %mul3A_1143, %scan3A_1138 : i32
      %swap3A_1145 = arith.index_cast %mul3A_1144 : i32 to index
      %swap3A_1146 = tpu.vector_load %arg4[%swap3A_1145] {strides = array<i32>} : memref<16384xi32, #tpu.memory_space<vmem>>, vector<16xi32>,
      %swap3A_1147 = vector.shape_cast %swap3A_1146 : vector<16xi32> to vector<16xi32>
      %swap3A_1148 = vector.shape_cast %broadcast_in_dim3A_1142 : vector<16xi32> to vector<16xi32>
      tpu.vector_store %arg4[%swap3A_1145], %swap3A_1148 {strides = array<i32>} : memref<16384xi32, #tpu.memory_space<vmem>>, vector<16xi32>,
      %scan3A_1149 = arith.constant 0 : i32
      %scan3A_1150 = arith.constant 2 : i32
      %scan3A_1151 = arith.addi %scan3A_1126, %scan3A_1150 : i32
      %shift_right_arithmetic3A_1152 = arith.constant 8 : i32
      %shift_right_arithmetic3A_1153 = arith.shrsi %scan3A_1151, %shift_right_arithmetic3A_1152 : i32
      %add3A_1154 = arith.addi %shift_right_arithmetic3A_780, %shift_right_arithmetic3A_1153 : i32
      %broadcast_in_dim3A_1155 = vector.broadcast %add3A_1154 : i32 to vector<16xi32>
      %mul3A_1156 = arith.constant 16 : i32
      %mul3A_1157 = arith.muli %mul3A_1156, %scan3A_1151 : i32
      %swap3A_1158 = arith.index_cast %mul3A_1157 : i32 to index
      %swap3A_1159 = tpu.vector_load %arg4[%swap3A_1158] {strides = array<i32>} : memref<16384xi32, #tpu.memory_space<vmem>>, vector<16xi32>,
      %swap3A_1160 = vector.shape_cast %swap3A_1159 : vector<16xi32> to vector<16xi32>
      %swap3A_1161 = vector.shape_cast %broadcast_in_dim3A_1155 : vector<16xi32> to vector<16xi32>
      tpu.vector_store %arg4[%swap3A_1158], %swap3A_1161 {strides = array<i32>} : memref<16384xi32, #tpu.memory_space<vmem>>, vector<16xi32>,
      %scan3A_1162 = arith.constant 0 : i32
      %scan3A_1163 = arith.constant 3 : i32
      %scan3A_1164 = arith.addi %scan3A_1126, %scan3A_1163 : i32
      %shift_right_arithmetic3A_1165 = arith.constant 8 : i32
      %shift_right_arithmetic3A_1166 = arith.shrsi %scan3A_1164, %shift_right_arithmetic3A_1165 : i32
      %add3A_1167 = arith.addi %shift_right_arithmetic3A_780, %shift_right_arithmetic3A_1166 : i32
      %broadcast_in_dim3A_1168 = vector.broadcast %add3A_1167 : i32 to vector<16xi32>
      %mul3A_1169 = arith.constant 16 : i32
      %mul3A_1170 = arith.muli %mul3A_1169, %scan3A_1164 : i32
      %swap3A_1171 = arith.index_cast %mul3A_1170 : i32 to index
      %swap3A_1172 = tpu.vector_load %arg4[%swap3A_1171] {strides = array<i32>} : memref<16384xi32, #tpu.memory_space<vmem>>, vector<16xi32>,
      %swap3A_1173 = vector.shape_cast %swap3A_1172 : vector<16xi32> to vector<16xi32>
      %swap3A_1174 = vector.shape_cast %broadcast_in_dim3A_1168 : vector<16xi32> to vector<16xi32>
      tpu.vector_store %arg4[%swap3A_1171], %swap3A_1174 {strides = array<i32>} : memref<16384xi32, #tpu.memory_space<vmem>>, vector<16xi32>,
      %scan3A_1175 = arith.constant 0 : i32
      scf.yield %scan3A_1175 : i32
    }
    %scan3A_787 = arith.constant 1024 : i32
    %add3A_788 = arith.constant 393216 : i32
    %add3A_789 = arith.addi %mul3A_2, %add3A_788 : i32
    %dma_start3A_790 = arith.constant 0 : i32
    %dma_start3A_791 = tpu.memref_slice %arg2[%dma_start3A_790, %add3A_789] : memref<2x16777216xi32, #tpu.memory_space<hbm>> -> memref<1x16384xi32, #tpu.memory_space<hbm>>
    %dma_start3A_792 = tpu.memref_squeeze %dma_start3A_791 : memref<1x16384xi32, #tpu.memory_space<hbm>> -> memref<16384xi32, #tpu.memory_space<hbm>>
    %dma_start3A_793 = tpu.memref_slice %arg2[%dma_start3A_790, %add3A_789] : memref<2x16777216xi32, #tpu.memory_space<hbm>> -> memref<1x16384xi32, #tpu.memory_space<hbm>>
    %dma_start3A_794 = tpu.memref_squeeze %dma_start3A_793 : memref<1x16384xi32, #tpu.memory_space<hbm>> -> memref<16384xi32, #tpu.memory_space<hbm>>
    tpu.enqueue_dma source(%arg4 : memref<16384xi32, #tpu.memory_space<vmem>>) target(%dma_start3A_794 : memref<16384xi32, #tpu.memory_space<hbm>>) target_semaphore(%arg7 : memref<!tpu.dma_semaphore, #tpu.memory_space<semaphore_mem>>)
    %dma_wait3A_795 = arith.constant 0 : i32
    %dma_wait3A_796 = tpu.memref_slice %arg2[%dma_wait3A_795, %add3A_766] : memref<2x16777216xi32, #tpu.memory_space<hbm>> -> memref<1x16384xi32, #tpu.memory_space<hbm>>
    %dma_wait3A_797 = tpu.memref_squeeze %dma_wait3A_796 : memref<1x16384xi32, #tpu.memory_space<hbm>> -> memref<16384xi32, #tpu.memory_space<hbm>>
    %dma_wait3A_798 = tpu.memref_slice %arg2[%dma_wait3A_795, %add3A_766] : memref<2x16777216xi32, #tpu.memory_space<hbm>> -> memref<1x16384xi32, #tpu.memory_space<hbm>>
    %dma_wait3A_799 = tpu.memref_squeeze %dma_wait3A_798 : memref<1x16384xi32, #tpu.memory_space<hbm>> -> memref<16384xi32, #tpu.memory_space<hbm>>
    tpu.wait_dma2 semaphore(%arg7 : memref<!tpu.dma_semaphore, #tpu.memory_space<semaphore_mem>>) src(%arg5 : memref<16384xi32, #tpu.memory_space<vmem>>) dst(%dma_wait3A_799 : memref<16384xi32, #tpu.memory_space<hbm>>)
    %add3A_800 = arith.constant 409600 : i32
    %add3A_801 = arith.addi %mul3A_2, %add3A_800 : i32
    %shift_right_arithmetic3A_802 = arith.constant 12 : i32
    %shift_right_arithmetic3A_803 = arith.shrsi %add3A_801, %shift_right_arithmetic3A_802 : i32
    %scan3A_804 = arith.constant 0 : i32
    %scan3A_805 = arith.constant 0 : i32
    %scan3A_806 = arith.constant 1024 : i32
    %scan3A_807 = arith.addi %scan3A_805, %scan3A_806 : i32
    %scan3A_808 = arith.constant 4 : i32
    %scan3A_809 = scf.for %scan3A_1126 = %scan3A_805 to %scan3A_807 step %scan3A_808 iter_args(%scan3A_1127 = %scan3A_804) -> (i32)  : i32 {
      %shift_right_arithmetic3A_1128 = arith.constant 8 : i32
      %shift_right_arithmetic3A_1129 = arith.shrsi %scan3A_1126, %shift_right_arithmetic3A_1128 : i32
      %add3A_1130 = arith.addi %shift_right_arithmetic3A_803, %shift_right_arithmetic3A_1129 : i32
      %broadcast_in_dim3A = vector.broadcast %add3A_1130 : i32 to vector<16xi32>
      %mul3A_1131 = arith.constant 16 : i32
      %mul3A_1132 = arith.muli %mul3A_1131, %scan3A_1126 : i32
      %swap3A = arith.index_cast %mul3A_1132 : i32 to index
      %swap3A_1133 = tpu.vector_load %arg5[%swap3A] {strides = array<i32>} : memref<16384xi32, #tpu.memory_space<vmem>>, vector<16xi32>,
      %swap3A_1134 = vector.shape_cast %swap3A_1133 : vector<16xi32> to vector<16xi32>
      %swap3A_1135 = vector.shape_cast %broadcast_in_dim3A : vector<16xi32> to vector<16xi32>
      tpu.vector_store %arg5[%swap3A], %swap3A_1135 {strides = array<i32>} : memref<16384xi32, #tpu.memory_space<vmem>>, vector<16xi32>,
      %scan3A_1136 = arith.constant 0 : i32
      %scan3A_1137 = arith.constant 1 : i32
      %scan3A_1138 = arith.addi %scan3A_1126, %scan3A_1137 : i32
      %shift_right_arithmetic3A_1139 = arith.constant 8 : i32
      %shift_right_arithmetic3A_1140 = arith.shrsi %scan3A_1138, %shift_right_arithmetic3A_1139 : i32
      %add3A_1141 = arith.addi %shift_right_arithmetic3A_803, %shift_right_arithmetic3A_1140 : i32
      %broadcast_in_dim3A_1142 = vector.broadcast %add3A_1141 : i32 to vector<16xi32>
      %mul3A_1143 = arith.constant 16 : i32
      %mul3A_1144 = arith.muli %mul3A_1143, %scan3A_1138 : i32
      %swap3A_1145 = arith.index_cast %mul3A_1144 : i32 to index
      %swap3A_1146 = tpu.vector_load %arg5[%swap3A_1145] {strides = array<i32>} : memref<16384xi32, #tpu.memory_space<vmem>>, vector<16xi32>,
      %swap3A_1147 = vector.shape_cast %swap3A_1146 : vector<16xi32> to vector<16xi32>
      %swap3A_1148 = vector.shape_cast %broadcast_in_dim3A_1142 : vector<16xi32> to vector<16xi32>
      tpu.vector_store %arg5[%swap3A_1145], %swap3A_1148 {strides = array<i32>} : memref<16384xi32, #tpu.memory_space<vmem>>, vector<16xi32>,
      %scan3A_1149 = arith.constant 0 : i32
      %scan3A_1150 = arith.constant 2 : i32
      %scan3A_1151 = arith.addi %scan3A_1126, %scan3A_1150 : i32
      %shift_right_arithmetic3A_1152 = arith.constant 8 : i32
      %shift_right_arithmetic3A_1153 = arith.shrsi %scan3A_1151, %shift_right_arithmetic3A_1152 : i32
      %add3A_1154 = arith.addi %shift_right_arithmetic3A_803, %shift_right_arithmetic3A_1153 : i32
      %broadcast_in_dim3A_1155 = vector.broadcast %add3A_1154 : i32 to vector<16xi32>
      %mul3A_1156 = arith.constant 16 : i32
      %mul3A_1157 = arith.muli %mul3A_1156, %scan3A_1151 : i32
      %swap3A_1158 = arith.index_cast %mul3A_1157 : i32 to index
      %swap3A_1159 = tpu.vector_load %arg5[%swap3A_1158] {strides = array<i32>} : memref<16384xi32, #tpu.memory_space<vmem>>, vector<16xi32>,
      %swap3A_1160 = vector.shape_cast %swap3A_1159 : vector<16xi32> to vector<16xi32>
      %swap3A_1161 = vector.shape_cast %broadcast_in_dim3A_1155 : vector<16xi32> to vector<16xi32>
      tpu.vector_store %arg5[%swap3A_1158], %swap3A_1161 {strides = array<i32>} : memref<16384xi32, #tpu.memory_space<vmem>>, vector<16xi32>,
      %scan3A_1162 = arith.constant 0 : i32
      %scan3A_1163 = arith.constant 3 : i32
      %scan3A_1164 = arith.addi %scan3A_1126, %scan3A_1163 : i32
      %shift_right_arithmetic3A_1165 = arith.constant 8 : i32
      %shift_right_arithmetic3A_1166 = arith.shrsi %scan3A_1164, %shift_right_arithmetic3A_1165 : i32
      %add3A_1167 = arith.addi %shift_right_arithmetic3A_803, %shift_right_arithmetic3A_1166 : i32
      %broadcast_in_dim3A_1168 = vector.broadcast %add3A_1167 : i32 to vector<16xi32>
      %mul3A_1169 = arith.constant 16 : i32
      %mul3A_1170 = arith.muli %mul3A_1169, %scan3A_1164 : i32
      %swap3A_1171 = arith.index_cast %mul3A_1170 : i32 to index
      %swap3A_1172 = tpu.vector_load %arg5[%swap3A_1171] {strides = array<i32>} : memref<16384xi32, #tpu.memory_space<vmem>>, vector<16xi32>,
      %swap3A_1173 = vector.shape_cast %swap3A_1172 : vector<16xi32> to vector<16xi32>
      %swap3A_1174 = vector.shape_cast %broadcast_in_dim3A_1168 : vector<16xi32> to vector<16xi32>
      tpu.vector_store %arg5[%swap3A_1171], %swap3A_1174 {strides = array<i32>} : memref<16384xi32, #tpu.memory_space<vmem>>, vector<16xi32>,
      %scan3A_1175 = arith.constant 0 : i32
      scf.yield %scan3A_1175 : i32
    }
    %scan3A_810 = arith.constant 1024 : i32
    %add3A_811 = arith.constant 409600 : i32
    %add3A_812 = arith.addi %mul3A_2, %add3A_811 : i32
    %dma_start3A_813 = arith.constant 0 : i32
    %dma_start3A_814 = tpu.memref_slice %arg2[%dma_start3A_813, %add3A_812] : memref<2x16777216xi32, #tpu.memory_space<hbm>> -> memref<1x16384xi32, #tpu.memory_space<hbm>>
    %dma_start3A_815 = tpu.memref_squeeze %dma_start3A_814 : memref<1x16384xi32, #tpu.memory_space<hbm>> -> memref<16384xi32, #tpu.memory_space<hbm>>
    %dma_start3A_816 = tpu.memref_slice %arg2[%dma_start3A_813, %add3A_812] : memref<2x16777216xi32, #tpu.memory_space<hbm>> -> memref<1x16384xi32, #tpu.memory_space<hbm>>
    %dma_start3A_817 = tpu.memref_squeeze %dma_start3A_816 : memref<1x16384xi32, #tpu.memory_space<hbm>> -> memref<16384xi32, #tpu.memory_space<hbm>>
    tpu.enqueue_dma source(%arg5 : memref<16384xi32, #tpu.memory_space<vmem>>) target(%dma_start3A_817 : memref<16384xi32, #tpu.memory_space<hbm>>) target_semaphore(%arg7 : memref<!tpu.dma_semaphore, #tpu.memory_space<semaphore_mem>>)
    %dma_wait3A_818 = arith.constant 0 : i32
    %dma_wait3A_819 = tpu.memref_slice %arg2[%dma_wait3A_818, %add3A_789] : memref<2x16777216xi32, #tpu.memory_space<hbm>> -> memref<1x16384xi32, #tpu.memory_space<hbm>>
    %dma_wait3A_820 = tpu.memref_squeeze %dma_wait3A_819 : memref<1x16384xi32, #tpu.memory_space<hbm>> -> memref<16384xi32, #tpu.memory_space<hbm>>
    %dma_wait3A_821 = tpu.memref_slice %arg2[%dma_wait3A_818, %add3A_789] : memref<2x16777216xi32, #tpu.memory_space<hbm>> -> memref<1x16384xi32, #tpu.memory_space<hbm>>
    %dma_wait3A_822 = tpu.memref_squeeze %dma_wait3A_821 : memref<1x16384xi32, #tpu.memory_space<hbm>> -> memref<16384xi32, #tpu.memory_space<hbm>>
    tpu.wait_dma2 semaphore(%arg7 : memref<!tpu.dma_semaphore, #tpu.memory_space<semaphore_mem>>) src(%arg4 : memref<16384xi32, #tpu.memory_space<vmem>>) dst(%dma_wait3A_822 : memref<16384xi32, #tpu.memory_space<hbm>>)
    %add3A_823 = arith.constant 425984 : i32
    %add3A_824 = arith.addi %mul3A_2, %add3A_823 : i32
    %shift_right_arithmetic3A_825 = arith.constant 12 : i32
    %shift_right_arithmetic3A_826 = arith.shrsi %add3A_824, %shift_right_arithmetic3A_825 : i32
    %scan3A_827 = arith.constant 0 : i32
    %scan3A_828 = arith.constant 0 : i32
    %scan3A_829 = arith.constant 1024 : i32
    %scan3A_830 = arith.addi %scan3A_828, %scan3A_829 : i32
    %scan3A_831 = arith.constant 4 : i32
    %scan3A_832 = scf.for %scan3A_1126 = %scan3A_828 to %scan3A_830 step %scan3A_831 iter_args(%scan3A_1127 = %scan3A_827) -> (i32)  : i32 {
      %shift_right_arithmetic3A_1128 = arith.constant 8 : i32
      %shift_right_arithmetic3A_1129 = arith.shrsi %scan3A_1126, %shift_right_arithmetic3A_1128 : i32
      %add3A_1130 = arith.addi %shift_right_arithmetic3A_826, %shift_right_arithmetic3A_1129 : i32
      %broadcast_in_dim3A = vector.broadcast %add3A_1130 : i32 to vector<16xi32>
      %mul3A_1131 = arith.constant 16 : i32
      %mul3A_1132 = arith.muli %mul3A_1131, %scan3A_1126 : i32
      %swap3A = arith.index_cast %mul3A_1132 : i32 to index
      %swap3A_1133 = tpu.vector_load %arg4[%swap3A] {strides = array<i32>} : memref<16384xi32, #tpu.memory_space<vmem>>, vector<16xi32>,
      %swap3A_1134 = vector.shape_cast %swap3A_1133 : vector<16xi32> to vector<16xi32>
      %swap3A_1135 = vector.shape_cast %broadcast_in_dim3A : vector<16xi32> to vector<16xi32>
      tpu.vector_store %arg4[%swap3A], %swap3A_1135 {strides = array<i32>} : memref<16384xi32, #tpu.memory_space<vmem>>, vector<16xi32>,
      %scan3A_1136 = arith.constant 0 : i32
      %scan3A_1137 = arith.constant 1 : i32
      %scan3A_1138 = arith.addi %scan3A_1126, %scan3A_1137 : i32
      %shift_right_arithmetic3A_1139 = arith.constant 8 : i32
      %shift_right_arithmetic3A_1140 = arith.shrsi %scan3A_1138, %shift_right_arithmetic3A_1139 : i32
      %add3A_1141 = arith.addi %shift_right_arithmetic3A_826, %shift_right_arithmetic3A_1140 : i32
      %broadcast_in_dim3A_1142 = vector.broadcast %add3A_1141 : i32 to vector<16xi32>
      %mul3A_1143 = arith.constant 16 : i32
      %mul3A_1144 = arith.muli %mul3A_1143, %scan3A_1138 : i32
      %swap3A_1145 = arith.index_cast %mul3A_1144 : i32 to index
      %swap3A_1146 = tpu.vector_load %arg4[%swap3A_1145] {strides = array<i32>} : memref<16384xi32, #tpu.memory_space<vmem>>, vector<16xi32>,
      %swap3A_1147 = vector.shape_cast %swap3A_1146 : vector<16xi32> to vector<16xi32>
      %swap3A_1148 = vector.shape_cast %broadcast_in_dim3A_1142 : vector<16xi32> to vector<16xi32>
      tpu.vector_store %arg4[%swap3A_1145], %swap3A_1148 {strides = array<i32>} : memref<16384xi32, #tpu.memory_space<vmem>>, vector<16xi32>,
      %scan3A_1149 = arith.constant 0 : i32
      %scan3A_1150 = arith.constant 2 : i32
      %scan3A_1151 = arith.addi %scan3A_1126, %scan3A_1150 : i32
      %shift_right_arithmetic3A_1152 = arith.constant 8 : i32
      %shift_right_arithmetic3A_1153 = arith.shrsi %scan3A_1151, %shift_right_arithmetic3A_1152 : i32
      %add3A_1154 = arith.addi %shift_right_arithmetic3A_826, %shift_right_arithmetic3A_1153 : i32
      %broadcast_in_dim3A_1155 = vector.broadcast %add3A_1154 : i32 to vector<16xi32>
      %mul3A_1156 = arith.constant 16 : i32
      %mul3A_1157 = arith.muli %mul3A_1156, %scan3A_1151 : i32
      %swap3A_1158 = arith.index_cast %mul3A_1157 : i32 to index
      %swap3A_1159 = tpu.vector_load %arg4[%swap3A_1158] {strides = array<i32>} : memref<16384xi32, #tpu.memory_space<vmem>>, vector<16xi32>,
      %swap3A_1160 = vector.shape_cast %swap3A_1159 : vector<16xi32> to vector<16xi32>
      %swap3A_1161 = vector.shape_cast %broadcast_in_dim3A_1155 : vector<16xi32> to vector<16xi32>
      tpu.vector_store %arg4[%swap3A_1158], %swap3A_1161 {strides = array<i32>} : memref<16384xi32, #tpu.memory_space<vmem>>, vector<16xi32>,
      %scan3A_1162 = arith.constant 0 : i32
      %scan3A_1163 = arith.constant 3 : i32
      %scan3A_1164 = arith.addi %scan3A_1126, %scan3A_1163 : i32
      %shift_right_arithmetic3A_1165 = arith.constant 8 : i32
      %shift_right_arithmetic3A_1166 = arith.shrsi %scan3A_1164, %shift_right_arithmetic3A_1165 : i32
      %add3A_1167 = arith.addi %shift_right_arithmetic3A_826, %shift_right_arithmetic3A_1166 : i32
      %broadcast_in_dim3A_1168 = vector.broadcast %add3A_1167 : i32 to vector<16xi32>
      %mul3A_1169 = arith.constant 16 : i32
      %mul3A_1170 = arith.muli %mul3A_1169, %scan3A_1164 : i32
      %swap3A_1171 = arith.index_cast %mul3A_1170 : i32 to index
      %swap3A_1172 = tpu.vector_load %arg4[%swap3A_1171] {strides = array<i32>} : memref<16384xi32, #tpu.memory_space<vmem>>, vector<16xi32>,
      %swap3A_1173 = vector.shape_cast %swap3A_1172 : vector<16xi32> to vector<16xi32>
      %swap3A_1174 = vector.shape_cast %broadcast_in_dim3A_1168 : vector<16xi32> to vector<16xi32>
      tpu.vector_store %arg4[%swap3A_1171], %swap3A_1174 {strides = array<i32>} : memref<16384xi32, #tpu.memory_space<vmem>>, vector<16xi32>,
      %scan3A_1175 = arith.constant 0 : i32
      scf.yield %scan3A_1175 : i32
    }
    %scan3A_833 = arith.constant 1024 : i32
    %add3A_834 = arith.constant 425984 : i32
    %add3A_835 = arith.addi %mul3A_2, %add3A_834 : i32
    %dma_start3A_836 = arith.constant 0 : i32
    %dma_start3A_837 = tpu.memref_slice %arg2[%dma_start3A_836, %add3A_835] : memref<2x16777216xi32, #tpu.memory_space<hbm>> -> memref<1x16384xi32, #tpu.memory_space<hbm>>
    %dma_start3A_838 = tpu.memref_squeeze %dma_start3A_837 : memref<1x16384xi32, #tpu.memory_space<hbm>> -> memref<16384xi32, #tpu.memory_space<hbm>>
    %dma_start3A_839 = tpu.memref_slice %arg2[%dma_start3A_836, %add3A_835] : memref<2x16777216xi32, #tpu.memory_space<hbm>> -> memref<1x16384xi32, #tpu.memory_space<hbm>>
    %dma_start3A_840 = tpu.memref_squeeze %dma_start3A_839 : memref<1x16384xi32, #tpu.memory_space<hbm>> -> memref<16384xi32, #tpu.memory_space<hbm>>
    tpu.enqueue_dma source(%arg4 : memref<16384xi32, #tpu.memory_space<vmem>>) target(%dma_start3A_840 : memref<16384xi32, #tpu.memory_space<hbm>>) target_semaphore(%arg7 : memref<!tpu.dma_semaphore, #tpu.memory_space<semaphore_mem>>)
    %dma_wait3A_841 = arith.constant 0 : i32
    %dma_wait3A_842 = tpu.memref_slice %arg2[%dma_wait3A_841, %add3A_812] : memref<2x16777216xi32, #tpu.memory_space<hbm>> -> memref<1x16384xi32, #tpu.memory_space<hbm>>
    %dma_wait3A_843 = tpu.memref_squeeze %dma_wait3A_842 : memref<1x16384xi32, #tpu.memory_space<hbm>> -> memref<16384xi32, #tpu.memory_space<hbm>>
    %dma_wait3A_844 = tpu.memref_slice %arg2[%dma_wait3A_841, %add3A_812] : memref<2x16777216xi32, #tpu.memory_space<hbm>> -> memref<1x16384xi32, #tpu.memory_space<hbm>>
    %dma_wait3A_845 = tpu.memref_squeeze %dma_wait3A_844 : memref<1x16384xi32, #tpu.memory_space<hbm>> -> memref<16384xi32, #tpu.memory_space<hbm>>
    tpu.wait_dma2 semaphore(%arg7 : memref<!tpu.dma_semaphore, #tpu.memory_space<semaphore_mem>>) src(%arg5 : memref<16384xi32, #tpu.memory_space<vmem>>) dst(%dma_wait3A_845 : memref<16384xi32, #tpu.memory_space<hbm>>)
    %add3A_846 = arith.constant 442368 : i32
    %add3A_847 = arith.addi %mul3A_2, %add3A_846 : i32
    %shift_right_arithmetic3A_848 = arith.constant 12 : i32
    %shift_right_arithmetic3A_849 = arith.shrsi %add3A_847, %shift_right_arithmetic3A_848 : i32
    %scan3A_850 = arith.constant 0 : i32
    %scan3A_851 = arith.constant 0 : i32
    %scan3A_852 = arith.constant 1024 : i32
    %scan3A_853 = arith.addi %scan3A_851, %scan3A_852 : i32
    %scan3A_854 = arith.constant 4 : i32
    %scan3A_855 = scf.for %scan3A_1126 = %scan3A_851 to %scan3A_853 step %scan3A_854 iter_args(%scan3A_1127 = %scan3A_850) -> (i32)  : i32 {
      %shift_right_arithmetic3A_1128 = arith.constant 8 : i32
      %shift_right_arithmetic3A_1129 = arith.shrsi %scan3A_1126, %shift_right_arithmetic3A_1128 : i32
      %add3A_1130 = arith.addi %shift_right_arithmetic3A_849, %shift_right_arithmetic3A_1129 : i32
      %broadcast_in_dim3A = vector.broadcast %add3A_1130 : i32 to vector<16xi32>
      %mul3A_1131 = arith.constant 16 : i32
      %mul3A_1132 = arith.muli %mul3A_1131, %scan3A_1126 : i32
      %swap3A = arith.index_cast %mul3A_1132 : i32 to index
      %swap3A_1133 = tpu.vector_load %arg5[%swap3A] {strides = array<i32>} : memref<16384xi32, #tpu.memory_space<vmem>>, vector<16xi32>,
      %swap3A_1134 = vector.shape_cast %swap3A_1133 : vector<16xi32> to vector<16xi32>
      %swap3A_1135 = vector.shape_cast %broadcast_in_dim3A : vector<16xi32> to vector<16xi32>
      tpu.vector_store %arg5[%swap3A], %swap3A_1135 {strides = array<i32>} : memref<16384xi32, #tpu.memory_space<vmem>>, vector<16xi32>,
      %scan3A_1136 = arith.constant 0 : i32
      %scan3A_1137 = arith.constant 1 : i32
      %scan3A_1138 = arith.addi %scan3A_1126, %scan3A_1137 : i32
      %shift_right_arithmetic3A_1139 = arith.constant 8 : i32
      %shift_right_arithmetic3A_1140 = arith.shrsi %scan3A_1138, %shift_right_arithmetic3A_1139 : i32
      %add3A_1141 = arith.addi %shift_right_arithmetic3A_849, %shift_right_arithmetic3A_1140 : i32
      %broadcast_in_dim3A_1142 = vector.broadcast %add3A_1141 : i32 to vector<16xi32>
      %mul3A_1143 = arith.constant 16 : i32
      %mul3A_1144 = arith.muli %mul3A_1143, %scan3A_1138 : i32
      %swap3A_1145 = arith.index_cast %mul3A_1144 : i32 to index
      %swap3A_1146 = tpu.vector_load %arg5[%swap3A_1145] {strides = array<i32>} : memref<16384xi32, #tpu.memory_space<vmem>>, vector<16xi32>,
      %swap3A_1147 = vector.shape_cast %swap3A_1146 : vector<16xi32> to vector<16xi32>
      %swap3A_1148 = vector.shape_cast %broadcast_in_dim3A_1142 : vector<16xi32> to vector<16xi32>
      tpu.vector_store %arg5[%swap3A_1145], %swap3A_1148 {strides = array<i32>} : memref<16384xi32, #tpu.memory_space<vmem>>, vector<16xi32>,
      %scan3A_1149 = arith.constant 0 : i32
      %scan3A_1150 = arith.constant 2 : i32
      %scan3A_1151 = arith.addi %scan3A_1126, %scan3A_1150 : i32
      %shift_right_arithmetic3A_1152 = arith.constant 8 : i32
      %shift_right_arithmetic3A_1153 = arith.shrsi %scan3A_1151, %shift_right_arithmetic3A_1152 : i32
      %add3A_1154 = arith.addi %shift_right_arithmetic3A_849, %shift_right_arithmetic3A_1153 : i32
      %broadcast_in_dim3A_1155 = vector.broadcast %add3A_1154 : i32 to vector<16xi32>
      %mul3A_1156 = arith.constant 16 : i32
      %mul3A_1157 = arith.muli %mul3A_1156, %scan3A_1151 : i32
      %swap3A_1158 = arith.index_cast %mul3A_1157 : i32 to index
      %swap3A_1159 = tpu.vector_load %arg5[%swap3A_1158] {strides = array<i32>} : memref<16384xi32, #tpu.memory_space<vmem>>, vector<16xi32>,
      %swap3A_1160 = vector.shape_cast %swap3A_1159 : vector<16xi32> to vector<16xi32>
      %swap3A_1161 = vector.shape_cast %broadcast_in_dim3A_1155 : vector<16xi32> to vector<16xi32>
      tpu.vector_store %arg5[%swap3A_1158], %swap3A_1161 {strides = array<i32>} : memref<16384xi32, #tpu.memory_space<vmem>>, vector<16xi32>,
      %scan3A_1162 = arith.constant 0 : i32
      %scan3A_1163 = arith.constant 3 : i32
      %scan3A_1164 = arith.addi %scan3A_1126, %scan3A_1163 : i32
      %shift_right_arithmetic3A_1165 = arith.constant 8 : i32
      %shift_right_arithmetic3A_1166 = arith.shrsi %scan3A_1164, %shift_right_arithmetic3A_1165 : i32
      %add3A_1167 = arith.addi %shift_right_arithmetic3A_849, %shift_right_arithmetic3A_1166 : i32
      %broadcast_in_dim3A_1168 = vector.broadcast %add3A_1167 : i32 to vector<16xi32>
      %mul3A_1169 = arith.constant 16 : i32
      %mul3A_1170 = arith.muli %mul3A_1169, %scan3A_1164 : i32
      %swap3A_1171 = arith.index_cast %mul3A_1170 : i32 to index
      %swap3A_1172 = tpu.vector_load %arg5[%swap3A_1171] {strides = array<i32>} : memref<16384xi32, #tpu.memory_space<vmem>>, vector<16xi32>,
      %swap3A_1173 = vector.shape_cast %swap3A_1172 : vector<16xi32> to vector<16xi32>
      %swap3A_1174 = vector.shape_cast %broadcast_in_dim3A_1168 : vector<16xi32> to vector<16xi32>
      tpu.vector_store %arg5[%swap3A_1171], %swap3A_1174 {strides = array<i32>} : memref<16384xi32, #tpu.memory_space<vmem>>, vector<16xi32>,
      %scan3A_1175 = arith.constant 0 : i32
      scf.yield %scan3A_1175 : i32
    }
    %scan3A_856 = arith.constant 1024 : i32
    %add3A_857 = arith.constant 442368 : i32
    %add3A_858 = arith.addi %mul3A_2, %add3A_857 : i32
    %dma_start3A_859 = arith.constant 0 : i32
    %dma_start3A_860 = tpu.memref_slice %arg2[%dma_start3A_859, %add3A_858] : memref<2x16777216xi32, #tpu.memory_space<hbm>> -> memref<1x16384xi32, #tpu.memory_space<hbm>>
    %dma_start3A_861 = tpu.memref_squeeze %dma_start3A_860 : memref<1x16384xi32, #tpu.memory_space<hbm>> -> memref<16384xi32, #tpu.memory_space<hbm>>
    %dma_start3A_862 = tpu.memref_slice %arg2[%dma_start3A_859, %add3A_858] : memref<2x16777216xi32, #tpu.memory_space<hbm>> -> memref<1x16384xi32, #tpu.memory_space<hbm>>
    %dma_start3A_863 = tpu.memref_squeeze %dma_start3A_862 : memref<1x16384xi32, #tpu.memory_space<hbm>> -> memref<16384xi32, #tpu.memory_space<hbm>>
    tpu.enqueue_dma source(%arg5 : memref<16384xi32, #tpu.memory_space<vmem>>) target(%dma_start3A_863 : memref<16384xi32, #tpu.memory_space<hbm>>) target_semaphore(%arg7 : memref<!tpu.dma_semaphore, #tpu.memory_space<semaphore_mem>>)
    %dma_wait3A_864 = arith.constant 0 : i32
    %dma_wait3A_865 = tpu.memref_slice %arg2[%dma_wait3A_864, %add3A_835] : memref<2x16777216xi32, #tpu.memory_space<hbm>> -> memref<1x16384xi32, #tpu.memory_space<hbm>>
    %dma_wait3A_866 = tpu.memref_squeeze %dma_wait3A_865 : memref<1x16384xi32, #tpu.memory_space<hbm>> -> memref<16384xi32, #tpu.memory_space<hbm>>
    %dma_wait3A_867 = tpu.memref_slice %arg2[%dma_wait3A_864, %add3A_835] : memref<2x16777216xi32, #tpu.memory_space<hbm>> -> memref<1x16384xi32, #tpu.memory_space<hbm>>
    %dma_wait3A_868 = tpu.memref_squeeze %dma_wait3A_867 : memref<1x16384xi32, #tpu.memory_space<hbm>> -> memref<16384xi32, #tpu.memory_space<hbm>>
    tpu.wait_dma2 semaphore(%arg7 : memref<!tpu.dma_semaphore, #tpu.memory_space<semaphore_mem>>) src(%arg4 : memref<16384xi32, #tpu.memory_space<vmem>>) dst(%dma_wait3A_868 : memref<16384xi32, #tpu.memory_space<hbm>>)
    %add3A_869 = arith.constant 458752 : i32
    %add3A_870 = arith.addi %mul3A_2, %add3A_869 : i32
    %shift_right_arithmetic3A_871 = arith.constant 12 : i32
    %shift_right_arithmetic3A_872 = arith.shrsi %add3A_870, %shift_right_arithmetic3A_871 : i32
    %scan3A_873 = arith.constant 0 : i32
    %scan3A_874 = arith.constant 0 : i32
    %scan3A_875 = arith.constant 1024 : i32
    %scan3A_876 = arith.addi %scan3A_874, %scan3A_875 : i32
    %scan3A_877 = arith.constant 4 : i32
    %scan3A_878 = scf.for %scan3A_1126 = %scan3A_874 to %scan3A_876 step %scan3A_877 iter_args(%scan3A_1127 = %scan3A_873) -> (i32)  : i32 {
      %shift_right_arithmetic3A_1128 = arith.constant 8 : i32
      %shift_right_arithmetic3A_1129 = arith.shrsi %scan3A_1126, %shift_right_arithmetic3A_1128 : i32
      %add3A_1130 = arith.addi %shift_right_arithmetic3A_872, %shift_right_arithmetic3A_1129 : i32
      %broadcast_in_dim3A = vector.broadcast %add3A_1130 : i32 to vector<16xi32>
      %mul3A_1131 = arith.constant 16 : i32
      %mul3A_1132 = arith.muli %mul3A_1131, %scan3A_1126 : i32
      %swap3A = arith.index_cast %mul3A_1132 : i32 to index
      %swap3A_1133 = tpu.vector_load %arg4[%swap3A] {strides = array<i32>} : memref<16384xi32, #tpu.memory_space<vmem>>, vector<16xi32>,
      %swap3A_1134 = vector.shape_cast %swap3A_1133 : vector<16xi32> to vector<16xi32>
      %swap3A_1135 = vector.shape_cast %broadcast_in_dim3A : vector<16xi32> to vector<16xi32>
      tpu.vector_store %arg4[%swap3A], %swap3A_1135 {strides = array<i32>} : memref<16384xi32, #tpu.memory_space<vmem>>, vector<16xi32>,
      %scan3A_1136 = arith.constant 0 : i32
      %scan3A_1137 = arith.constant 1 : i32
      %scan3A_1138 = arith.addi %scan3A_1126, %scan3A_1137 : i32
      %shift_right_arithmetic3A_1139 = arith.constant 8 : i32
      %shift_right_arithmetic3A_1140 = arith.shrsi %scan3A_1138, %shift_right_arithmetic3A_1139 : i32
      %add3A_1141 = arith.addi %shift_right_arithmetic3A_872, %shift_right_arithmetic3A_1140 : i32
      %broadcast_in_dim3A_1142 = vector.broadcast %add3A_1141 : i32 to vector<16xi32>
      %mul3A_1143 = arith.constant 16 : i32
      %mul3A_1144 = arith.muli %mul3A_1143, %scan3A_1138 : i32
      %swap3A_1145 = arith.index_cast %mul3A_1144 : i32 to index
      %swap3A_1146 = tpu.vector_load %arg4[%swap3A_1145] {strides = array<i32>} : memref<16384xi32, #tpu.memory_space<vmem>>, vector<16xi32>,
      %swap3A_1147 = vector.shape_cast %swap3A_1146 : vector<16xi32> to vector<16xi32>
      %swap3A_1148 = vector.shape_cast %broadcast_in_dim3A_1142 : vector<16xi32> to vector<16xi32>
      tpu.vector_store %arg4[%swap3A_1145], %swap3A_1148 {strides = array<i32>} : memref<16384xi32, #tpu.memory_space<vmem>>, vector<16xi32>,
      %scan3A_1149 = arith.constant 0 : i32
      %scan3A_1150 = arith.constant 2 : i32
      %scan3A_1151 = arith.addi %scan3A_1126, %scan3A_1150 : i32
      %shift_right_arithmetic3A_1152 = arith.constant 8 : i32
      %shift_right_arithmetic3A_1153 = arith.shrsi %scan3A_1151, %shift_right_arithmetic3A_1152 : i32
      %add3A_1154 = arith.addi %shift_right_arithmetic3A_872, %shift_right_arithmetic3A_1153 : i32
      %broadcast_in_dim3A_1155 = vector.broadcast %add3A_1154 : i32 to vector<16xi32>
      %mul3A_1156 = arith.constant 16 : i32
      %mul3A_1157 = arith.muli %mul3A_1156, %scan3A_1151 : i32
      %swap3A_1158 = arith.index_cast %mul3A_1157 : i32 to index
      %swap3A_1159 = tpu.vector_load %arg4[%swap3A_1158] {strides = array<i32>} : memref<16384xi32, #tpu.memory_space<vmem>>, vector<16xi32>,
      %swap3A_1160 = vector.shape_cast %swap3A_1159 : vector<16xi32> to vector<16xi32>
      %swap3A_1161 = vector.shape_cast %broadcast_in_dim3A_1155 : vector<16xi32> to vector<16xi32>
      tpu.vector_store %arg4[%swap3A_1158], %swap3A_1161 {strides = array<i32>} : memref<16384xi32, #tpu.memory_space<vmem>>, vector<16xi32>,
      %scan3A_1162 = arith.constant 0 : i32
      %scan3A_1163 = arith.constant 3 : i32
      %scan3A_1164 = arith.addi %scan3A_1126, %scan3A_1163 : i32
      %shift_right_arithmetic3A_1165 = arith.constant 8 : i32
      %shift_right_arithmetic3A_1166 = arith.shrsi %scan3A_1164, %shift_right_arithmetic3A_1165 : i32
      %add3A_1167 = arith.addi %shift_right_arithmetic3A_872, %shift_right_arithmetic3A_1166 : i32
      %broadcast_in_dim3A_1168 = vector.broadcast %add3A_1167 : i32 to vector<16xi32>
      %mul3A_1169 = arith.constant 16 : i32
      %mul3A_1170 = arith.muli %mul3A_1169, %scan3A_1164 : i32
      %swap3A_1171 = arith.index_cast %mul3A_1170 : i32 to index
      %swap3A_1172 = tpu.vector_load %arg4[%swap3A_1171] {strides = array<i32>} : memref<16384xi32, #tpu.memory_space<vmem>>, vector<16xi32>,
      %swap3A_1173 = vector.shape_cast %swap3A_1172 : vector<16xi32> to vector<16xi32>
      %swap3A_1174 = vector.shape_cast %broadcast_in_dim3A_1168 : vector<16xi32> to vector<16xi32>
      tpu.vector_store %arg4[%swap3A_1171], %swap3A_1174 {strides = array<i32>} : memref<16384xi32, #tpu.memory_space<vmem>>, vector<16xi32>,
      %scan3A_1175 = arith.constant 0 : i32
      scf.yield %scan3A_1175 : i32
    }
    %scan3A_879 = arith.constant 1024 : i32
    %add3A_880 = arith.constant 458752 : i32
    %add3A_881 = arith.addi %mul3A_2, %add3A_880 : i32
    %dma_start3A_882 = arith.constant 0 : i32
    %dma_start3A_883 = tpu.memref_slice %arg2[%dma_start3A_882, %add3A_881] : memref<2x16777216xi32, #tpu.memory_space<hbm>> -> memref<1x16384xi32, #tpu.memory_space<hbm>>
    %dma_start3A_884 = tpu.memref_squeeze %dma_start3A_883 : memref<1x16384xi32, #tpu.memory_space<hbm>> -> memref<16384xi32, #tpu.memory_space<hbm>>
    %dma_start3A_885 = tpu.memref_slice %arg2[%dma_start3A_882, %add3A_881] : memref<2x16777216xi32, #tpu.memory_space<hbm>> -> memref<1x16384xi32, #tpu.memory_space<hbm>>
    %dma_start3A_886 = tpu.memref_squeeze %dma_start3A_885 : memref<1x16384xi32, #tpu.memory_space<hbm>> -> memref<16384xi32, #tpu.memory_space<hbm>>
    tpu.enqueue_dma source(%arg4 : memref<16384xi32, #tpu.memory_space<vmem>>) target(%dma_start3A_886 : memref<16384xi32, #tpu.memory_space<hbm>>) target_semaphore(%arg7 : memref<!tpu.dma_semaphore, #tpu.memory_space<semaphore_mem>>)
    %dma_wait3A_887 = arith.constant 0 : i32
    %dma_wait3A_888 = tpu.memref_slice %arg2[%dma_wait3A_887, %add3A_858] : memref<2x16777216xi32, #tpu.memory_space<hbm>> -> memref<1x16384xi32, #tpu.memory_space<hbm>>
    %dma_wait3A_889 = tpu.memref_squeeze %dma_wait3A_888 : memref<1x16384xi32, #tpu.memory_space<hbm>> -> memref<16384xi32, #tpu.memory_space<hbm>>
    %dma_wait3A_890 = tpu.memref_slice %arg2[%dma_wait3A_887, %add3A_858] : memref<2x16777216xi32, #tpu.memory_space<hbm>> -> memref<1x16384xi32, #tpu.memory_space<hbm>>
    %dma_wait3A_891 = tpu.memref_squeeze %dma_wait3A_890 : memref<1x16384xi32, #tpu.memory_space<hbm>> -> memref<16384xi32, #tpu.memory_space<hbm>>
    tpu.wait_dma2 semaphore(%arg7 : memref<!tpu.dma_semaphore, #tpu.memory_space<semaphore_mem>>) src(%arg5 : memref<16384xi32, #tpu.memory_space<vmem>>) dst(%dma_wait3A_891 : memref<16384xi32, #tpu.memory_space<hbm>>)
    %add3A_892 = arith.constant 475136 : i32
    %add3A_893 = arith.addi %mul3A_2, %add3A_892 : i32
    %shift_right_arithmetic3A_894 = arith.constant 12 : i32
    %shift_right_arithmetic3A_895 = arith.shrsi %add3A_893, %shift_right_arithmetic3A_894 : i32
    %scan3A_896 = arith.constant 0 : i32
    %scan3A_897 = arith.constant 0 : i32
    %scan3A_898 = arith.constant 1024 : i32
    %scan3A_899 = arith.addi %scan3A_897, %scan3A_898 : i32
    %scan3A_900 = arith.constant 4 : i32
    %scan3A_901 = scf.for %scan3A_1126 = %scan3A_897 to %scan3A_899 step %scan3A_900 iter_args(%scan3A_1127 = %scan3A_896) -> (i32)  : i32 {
      %shift_right_arithmetic3A_1128 = arith.constant 8 : i32
      %shift_right_arithmetic3A_1129 = arith.shrsi %scan3A_1126, %shift_right_arithmetic3A_1128 : i32
      %add3A_1130 = arith.addi %shift_right_arithmetic3A_895, %shift_right_arithmetic3A_1129 : i32
      %broadcast_in_dim3A = vector.broadcast %add3A_1130 : i32 to vector<16xi32>
      %mul3A_1131 = arith.constant 16 : i32
      %mul3A_1132 = arith.muli %mul3A_1131, %scan3A_1126 : i32
      %swap3A = arith.index_cast %mul3A_1132 : i32 to index
      %swap3A_1133 = tpu.vector_load %arg5[%swap3A] {strides = array<i32>} : memref<16384xi32, #tpu.memory_space<vmem>>, vector<16xi32>,
      %swap3A_1134 = vector.shape_cast %swap3A_1133 : vector<16xi32> to vector<16xi32>
      %swap3A_1135 = vector.shape_cast %broadcast_in_dim3A : vector<16xi32> to vector<16xi32>
      tpu.vector_store %arg5[%swap3A], %swap3A_1135 {strides = array<i32>} : memref<16384xi32, #tpu.memory_space<vmem>>, vector<16xi32>,
      %scan3A_1136 = arith.constant 0 : i32
      %scan3A_1137 = arith.constant 1 : i32
      %scan3A_1138 = arith.addi %scan3A_1126, %scan3A_1137 : i32
      %shift_right_arithmetic3A_1139 = arith.constant 8 : i32
      %shift_right_arithmetic3A_1140 = arith.shrsi %scan3A_1138, %shift_right_arithmetic3A_1139 : i32
      %add3A_1141 = arith.addi %shift_right_arithmetic3A_895, %shift_right_arithmetic3A_1140 : i32
      %broadcast_in_dim3A_1142 = vector.broadcast %add3A_1141 : i32 to vector<16xi32>
      %mul3A_1143 = arith.constant 16 : i32
      %mul3A_1144 = arith.muli %mul3A_1143, %scan3A_1138 : i32
      %swap3A_1145 = arith.index_cast %mul3A_1144 : i32 to index
      %swap3A_1146 = tpu.vector_load %arg5[%swap3A_1145] {strides = array<i32>} : memref<16384xi32, #tpu.memory_space<vmem>>, vector<16xi32>,
      %swap3A_1147 = vector.shape_cast %swap3A_1146 : vector<16xi32> to vector<16xi32>
      %swap3A_1148 = vector.shape_cast %broadcast_in_dim3A_1142 : vector<16xi32> to vector<16xi32>
      tpu.vector_store %arg5[%swap3A_1145], %swap3A_1148 {strides = array<i32>} : memref<16384xi32, #tpu.memory_space<vmem>>, vector<16xi32>,
      %scan3A_1149 = arith.constant 0 : i32
      %scan3A_1150 = arith.constant 2 : i32
      %scan3A_1151 = arith.addi %scan3A_1126, %scan3A_1150 : i32
      %shift_right_arithmetic3A_1152 = arith.constant 8 : i32
      %shift_right_arithmetic3A_1153 = arith.shrsi %scan3A_1151, %shift_right_arithmetic3A_1152 : i32
      %add3A_1154 = arith.addi %shift_right_arithmetic3A_895, %shift_right_arithmetic3A_1153 : i32
      %broadcast_in_dim3A_1155 = vector.broadcast %add3A_1154 : i32 to vector<16xi32>
      %mul3A_1156 = arith.constant 16 : i32
      %mul3A_1157 = arith.muli %mul3A_1156, %scan3A_1151 : i32
      %swap3A_1158 = arith.index_cast %mul3A_1157 : i32 to index
      %swap3A_1159 = tpu.vector_load %arg5[%swap3A_1158] {strides = array<i32>} : memref<16384xi32, #tpu.memory_space<vmem>>, vector<16xi32>,
      %swap3A_1160 = vector.shape_cast %swap3A_1159 : vector<16xi32> to vector<16xi32>
      %swap3A_1161 = vector.shape_cast %broadcast_in_dim3A_1155 : vector<16xi32> to vector<16xi32>
      tpu.vector_store %arg5[%swap3A_1158], %swap3A_1161 {strides = array<i32>} : memref<16384xi32, #tpu.memory_space<vmem>>, vector<16xi32>,
      %scan3A_1162 = arith.constant 0 : i32
      %scan3A_1163 = arith.constant 3 : i32
      %scan3A_1164 = arith.addi %scan3A_1126, %scan3A_1163 : i32
      %shift_right_arithmetic3A_1165 = arith.constant 8 : i32
      %shift_right_arithmetic3A_1166 = arith.shrsi %scan3A_1164, %shift_right_arithmetic3A_1165 : i32
      %add3A_1167 = arith.addi %shift_right_arithmetic3A_895, %shift_right_arithmetic3A_1166 : i32
      %broadcast_in_dim3A_1168 = vector.broadcast %add3A_1167 : i32 to vector<16xi32>
      %mul3A_1169 = arith.constant 16 : i32
      %mul3A_1170 = arith.muli %mul3A_1169, %scan3A_1164 : i32
      %swap3A_1171 = arith.index_cast %mul3A_1170 : i32 to index
      %swap3A_1172 = tpu.vector_load %arg5[%swap3A_1171] {strides = array<i32>} : memref<16384xi32, #tpu.memory_space<vmem>>, vector<16xi32>,
      %swap3A_1173 = vector.shape_cast %swap3A_1172 : vector<16xi32> to vector<16xi32>
      %swap3A_1174 = vector.shape_cast %broadcast_in_dim3A_1168 : vector<16xi32> to vector<16xi32>
      tpu.vector_store %arg5[%swap3A_1171], %swap3A_1174 {strides = array<i32>} : memref<16384xi32, #tpu.memory_space<vmem>>, vector<16xi32>,
      %scan3A_1175 = arith.constant 0 : i32
      scf.yield %scan3A_1175 : i32
    }
    %scan3A_902 = arith.constant 1024 : i32
    %add3A_903 = arith.constant 475136 : i32
    %add3A_904 = arith.addi %mul3A_2, %add3A_903 : i32
    %dma_start3A_905 = arith.constant 0 : i32
    %dma_start3A_906 = tpu.memref_slice %arg2[%dma_start3A_905, %add3A_904] : memref<2x16777216xi32, #tpu.memory_space<hbm>> -> memref<1x16384xi32, #tpu.memory_space<hbm>>
    %dma_start3A_907 = tpu.memref_squeeze %dma_start3A_906 : memref<1x16384xi32, #tpu.memory_space<hbm>> -> memref<16384xi32, #tpu.memory_space<hbm>>
    %dma_start3A_908 = tpu.memref_slice %arg2[%dma_start3A_905, %add3A_904] : memref<2x16777216xi32, #tpu.memory_space<hbm>> -> memref<1x16384xi32, #tpu.memory_space<hbm>>
    %dma_start3A_909 = tpu.memref_squeeze %dma_start3A_908 : memref<1x16384xi32, #tpu.memory_space<hbm>> -> memref<16384xi32, #tpu.memory_space<hbm>>
    tpu.enqueue_dma source(%arg5 : memref<16384xi32, #tpu.memory_space<vmem>>) target(%dma_start3A_909 : memref<16384xi32, #tpu.memory_space<hbm>>) target_semaphore(%arg7 : memref<!tpu.dma_semaphore, #tpu.memory_space<semaphore_mem>>)
    %dma_wait3A_910 = arith.constant 0 : i32
    %dma_wait3A_911 = tpu.memref_slice %arg2[%dma_wait3A_910, %add3A_881] : memref<2x16777216xi32, #tpu.memory_space<hbm>> -> memref<1x16384xi32, #tpu.memory_space<hbm>>
    %dma_wait3A_912 = tpu.memref_squeeze %dma_wait3A_911 : memref<1x16384xi32, #tpu.memory_space<hbm>> -> memref<16384xi32, #tpu.memory_space<hbm>>
    %dma_wait3A_913 = tpu.memref_slice %arg2[%dma_wait3A_910, %add3A_881] : memref<2x16777216xi32, #tpu.memory_space<hbm>> -> memref<1x16384xi32, #tpu.memory_space<hbm>>
    %dma_wait3A_914 = tpu.memref_squeeze %dma_wait3A_913 : memref<1x16384xi32, #tpu.memory_space<hbm>> -> memref<16384xi32, #tpu.memory_space<hbm>>
    tpu.wait_dma2 semaphore(%arg7 : memref<!tpu.dma_semaphore, #tpu.memory_space<semaphore_mem>>) src(%arg4 : memref<16384xi32, #tpu.memory_space<vmem>>) dst(%dma_wait3A_914 : memref<16384xi32, #tpu.memory_space<hbm>>)
    %add3A_915 = arith.constant 491520 : i32
    %add3A_916 = arith.addi %mul3A_2, %add3A_915 : i32
    %shift_right_arithmetic3A_917 = arith.constant 12 : i32
    %shift_right_arithmetic3A_918 = arith.shrsi %add3A_916, %shift_right_arithmetic3A_917 : i32
    %scan3A_919 = arith.constant 0 : i32
    %scan3A_920 = arith.constant 0 : i32
    %scan3A_921 = arith.constant 1024 : i32
    %scan3A_922 = arith.addi %scan3A_920, %scan3A_921 : i32
    %scan3A_923 = arith.constant 4 : i32
    %scan3A_924 = scf.for %scan3A_1126 = %scan3A_920 to %scan3A_922 step %scan3A_923 iter_args(%scan3A_1127 = %scan3A_919) -> (i32)  : i32 {
      %shift_right_arithmetic3A_1128 = arith.constant 8 : i32
      %shift_right_arithmetic3A_1129 = arith.shrsi %scan3A_1126, %shift_right_arithmetic3A_1128 : i32
      %add3A_1130 = arith.addi %shift_right_arithmetic3A_918, %shift_right_arithmetic3A_1129 : i32
      %broadcast_in_dim3A = vector.broadcast %add3A_1130 : i32 to vector<16xi32>
      %mul3A_1131 = arith.constant 16 : i32
      %mul3A_1132 = arith.muli %mul3A_1131, %scan3A_1126 : i32
      %swap3A = arith.index_cast %mul3A_1132 : i32 to index
      %swap3A_1133 = tpu.vector_load %arg4[%swap3A] {strides = array<i32>} : memref<16384xi32, #tpu.memory_space<vmem>>, vector<16xi32>,
      %swap3A_1134 = vector.shape_cast %swap3A_1133 : vector<16xi32> to vector<16xi32>
      %swap3A_1135 = vector.shape_cast %broadcast_in_dim3A : vector<16xi32> to vector<16xi32>
      tpu.vector_store %arg4[%swap3A], %swap3A_1135 {strides = array<i32>} : memref<16384xi32, #tpu.memory_space<vmem>>, vector<16xi32>,
      %scan3A_1136 = arith.constant 0 : i32
      %scan3A_1137 = arith.constant 1 : i32
      %scan3A_1138 = arith.addi %scan3A_1126, %scan3A_1137 : i32
      %shift_right_arithmetic3A_1139 = arith.constant 8 : i32
      %shift_right_arithmetic3A_1140 = arith.shrsi %scan3A_1138, %shift_right_arithmetic3A_1139 : i32
      %add3A_1141 = arith.addi %shift_right_arithmetic3A_918, %shift_right_arithmetic3A_1140 : i32
      %broadcast_in_dim3A_1142 = vector.broadcast %add3A_1141 : i32 to vector<16xi32>
      %mul3A_1143 = arith.constant 16 : i32
      %mul3A_1144 = arith.muli %mul3A_1143, %scan3A_1138 : i32
      %swap3A_1145 = arith.index_cast %mul3A_1144 : i32 to index
      %swap3A_1146 = tpu.vector_load %arg4[%swap3A_1145] {strides = array<i32>} : memref<16384xi32, #tpu.memory_space<vmem>>, vector<16xi32>,
      %swap3A_1147 = vector.shape_cast %swap3A_1146 : vector<16xi32> to vector<16xi32>
      %swap3A_1148 = vector.shape_cast %broadcast_in_dim3A_1142 : vector<16xi32> to vector<16xi32>
      tpu.vector_store %arg4[%swap3A_1145], %swap3A_1148 {strides = array<i32>} : memref<16384xi32, #tpu.memory_space<vmem>>, vector<16xi32>,
      %scan3A_1149 = arith.constant 0 : i32
      %scan3A_1150 = arith.constant 2 : i32
      %scan3A_1151 = arith.addi %scan3A_1126, %scan3A_1150 : i32
      %shift_right_arithmetic3A_1152 = arith.constant 8 : i32
      %shift_right_arithmetic3A_1153 = arith.shrsi %scan3A_1151, %shift_right_arithmetic3A_1152 : i32
      %add3A_1154 = arith.addi %shift_right_arithmetic3A_918, %shift_right_arithmetic3A_1153 : i32
      %broadcast_in_dim3A_1155 = vector.broadcast %add3A_1154 : i32 to vector<16xi32>
      %mul3A_1156 = arith.constant 16 : i32
      %mul3A_1157 = arith.muli %mul3A_1156, %scan3A_1151 : i32
      %swap3A_1158 = arith.index_cast %mul3A_1157 : i32 to index
      %swap3A_1159 = tpu.vector_load %arg4[%swap3A_1158] {strides = array<i32>} : memref<16384xi32, #tpu.memory_space<vmem>>, vector<16xi32>,
      %swap3A_1160 = vector.shape_cast %swap3A_1159 : vector<16xi32> to vector<16xi32>
      %swap3A_1161 = vector.shape_cast %broadcast_in_dim3A_1155 : vector<16xi32> to vector<16xi32>
      tpu.vector_store %arg4[%swap3A_1158], %swap3A_1161 {strides = array<i32>} : memref<16384xi32, #tpu.memory_space<vmem>>, vector<16xi32>,
      %scan3A_1162 = arith.constant 0 : i32
      %scan3A_1163 = arith.constant 3 : i32
      %scan3A_1164 = arith.addi %scan3A_1126, %scan3A_1163 : i32
      %shift_right_arithmetic3A_1165 = arith.constant 8 : i32
      %shift_right_arithmetic3A_1166 = arith.shrsi %scan3A_1164, %shift_right_arithmetic3A_1165 : i32
      %add3A_1167 = arith.addi %shift_right_arithmetic3A_918, %shift_right_arithmetic3A_1166 : i32
      %broadcast_in_dim3A_1168 = vector.broadcast %add3A_1167 : i32 to vector<16xi32>
      %mul3A_1169 = arith.constant 16 : i32
      %mul3A_1170 = arith.muli %mul3A_1169, %scan3A_1164 : i32
      %swap3A_1171 = arith.index_cast %mul3A_1170 : i32 to index
      %swap3A_1172 = tpu.vector_load %arg4[%swap3A_1171] {strides = array<i32>} : memref<16384xi32, #tpu.memory_space<vmem>>, vector<16xi32>,
      %swap3A_1173 = vector.shape_cast %swap3A_1172 : vector<16xi32> to vector<16xi32>
      %swap3A_1174 = vector.shape_cast %broadcast_in_dim3A_1168 : vector<16xi32> to vector<16xi32>
      tpu.vector_store %arg4[%swap3A_1171], %swap3A_1174 {strides = array<i32>} : memref<16384xi32, #tpu.memory_space<vmem>>, vector<16xi32>,
      %scan3A_1175 = arith.constant 0 : i32
      scf.yield %scan3A_1175 : i32
    }
    %scan3A_925 = arith.constant 1024 : i32
    %add3A_926 = arith.constant 491520 : i32
    %add3A_927 = arith.addi %mul3A_2, %add3A_926 : i32
    %dma_start3A_928 = arith.constant 0 : i32
    %dma_start3A_929 = tpu.memref_slice %arg2[%dma_start3A_928, %add3A_927] : memref<2x16777216xi32, #tpu.memory_space<hbm>> -> memref<1x16384xi32, #tpu.memory_space<hbm>>
    %dma_start3A_930 = tpu.memref_squeeze %dma_start3A_929 : memref<1x16384xi32, #tpu.memory_space<hbm>> -> memref<16384xi32, #tpu.memory_space<hbm>>
    %dma_start3A_931 = tpu.memref_slice %arg2[%dma_start3A_928, %add3A_927] : memref<2x16777216xi32, #tpu.memory_space<hbm>> -> memref<1x16384xi32, #tpu.memory_space<hbm>>
    %dma_start3A_932 = tpu.memref_squeeze %dma_start3A_931 : memref<1x16384xi32, #tpu.memory_space<hbm>> -> memref<16384xi32, #tpu.memory_space<hbm>>
    tpu.enqueue_dma source(%arg4 : memref<16384xi32, #tpu.memory_space<vmem>>) target(%dma_start3A_932 : memref<16384xi32, #tpu.memory_space<hbm>>) target_semaphore(%arg7 : memref<!tpu.dma_semaphore, #tpu.memory_space<semaphore_mem>>)
    %dma_wait3A_933 = arith.constant 0 : i32
    %dma_wait3A_934 = tpu.memref_slice %arg2[%dma_wait3A_933, %add3A_904] : memref<2x16777216xi32, #tpu.memory_space<hbm>> -> memref<1x16384xi32, #tpu.memory_space<hbm>>
    %dma_wait3A_935 = tpu.memref_squeeze %dma_wait3A_934 : memref<1x16384xi32, #tpu.memory_space<hbm>> -> memref<16384xi32, #tpu.memory_space<hbm>>
    %dma_wait3A_936 = tpu.memref_slice %arg2[%dma_wait3A_933, %add3A_904] : memref<2x16777216xi32, #tpu.memory_space<hbm>> -> memref<1x16384xi32, #tpu.memory_space<hbm>>
    %dma_wait3A_937 = tpu.memref_squeeze %dma_wait3A_936 : memref<1x16384xi32, #tpu.memory_space<hbm>> -> memref<16384xi32, #tpu.memory_space<hbm>>
    tpu.wait_dma2 semaphore(%arg7 : memref<!tpu.dma_semaphore, #tpu.memory_space<semaphore_mem>>) src(%arg5 : memref<16384xi32, #tpu.memory_space<vmem>>) dst(%dma_wait3A_937 : memref<16384xi32, #tpu.memory_space<hbm>>)
    %add3A_938 = arith.constant 507904 : i32
    %add3A_939 = arith.addi %mul3A_2, %add3A_938 : i32
    %shift_right_arithmetic3A_940 = arith.constant 12 : i32
    %shift_right_arithmetic3A_941 = arith.shrsi %add3A_939, %shift_right_arithmetic3A_940 : i32
    %scan3A_942 = arith.constant 0 : i32
    %scan3A_943 = arith.constant 0 : i32
    %scan3A_944 = arith.constant 1024 : i32
    %scan3A_945 = arith.addi %scan3A_943, %scan3A_944 : i32
    %scan3A_946 = arith.constant 4 : i32
    %scan3A_947 = scf.for %scan3A_1126 = %scan3A_943 to %scan3A_945 step %scan3A_946 iter_args(%scan3A_1127 = %scan3A_942) -> (i32)  : i32 {
      %shift_right_arithmetic3A_1128 = arith.constant 8 : i32
      %shift_right_arithmetic3A_1129 = arith.shrsi %scan3A_1126, %shift_right_arithmetic3A_1128 : i32
      %add3A_1130 = arith.addi %shift_right_arithmetic3A_941, %shift_right_arithmetic3A_1129 : i32
      %broadcast_in_dim3A = vector.broadcast %add3A_1130 : i32 to vector<16xi32>
      %mul3A_1131 = arith.constant 16 : i32
      %mul3A_1132 = arith.muli %mul3A_1131, %scan3A_1126 : i32
      %swap3A = arith.index_cast %mul3A_1132 : i32 to index
      %swap3A_1133 = tpu.vector_load %arg5[%swap3A] {strides = array<i32>} : memref<16384xi32, #tpu.memory_space<vmem>>, vector<16xi32>,
      %swap3A_1134 = vector.shape_cast %swap3A_1133 : vector<16xi32> to vector<16xi32>
      %swap3A_1135 = vector.shape_cast %broadcast_in_dim3A : vector<16xi32> to vector<16xi32>
      tpu.vector_store %arg5[%swap3A], %swap3A_1135 {strides = array<i32>} : memref<16384xi32, #tpu.memory_space<vmem>>, vector<16xi32>,
      %scan3A_1136 = arith.constant 0 : i32
      %scan3A_1137 = arith.constant 1 : i32
      %scan3A_1138 = arith.addi %scan3A_1126, %scan3A_1137 : i32
      %shift_right_arithmetic3A_1139 = arith.constant 8 : i32
      %shift_right_arithmetic3A_1140 = arith.shrsi %scan3A_1138, %shift_right_arithmetic3A_1139 : i32
      %add3A_1141 = arith.addi %shift_right_arithmetic3A_941, %shift_right_arithmetic3A_1140 : i32
      %broadcast_in_dim3A_1142 = vector.broadcast %add3A_1141 : i32 to vector<16xi32>
      %mul3A_1143 = arith.constant 16 : i32
      %mul3A_1144 = arith.muli %mul3A_1143, %scan3A_1138 : i32
      %swap3A_1145 = arith.index_cast %mul3A_1144 : i32 to index
      %swap3A_1146 = tpu.vector_load %arg5[%swap3A_1145] {strides = array<i32>} : memref<16384xi32, #tpu.memory_space<vmem>>, vector<16xi32>,
      %swap3A_1147 = vector.shape_cast %swap3A_1146 : vector<16xi32> to vector<16xi32>
      %swap3A_1148 = vector.shape_cast %broadcast_in_dim3A_1142 : vector<16xi32> to vector<16xi32>
      tpu.vector_store %arg5[%swap3A_1145], %swap3A_1148 {strides = array<i32>} : memref<16384xi32, #tpu.memory_space<vmem>>, vector<16xi32>,
      %scan3A_1149 = arith.constant 0 : i32
      %scan3A_1150 = arith.constant 2 : i32
      %scan3A_1151 = arith.addi %scan3A_1126, %scan3A_1150 : i32
      %shift_right_arithmetic3A_1152 = arith.constant 8 : i32
      %shift_right_arithmetic3A_1153 = arith.shrsi %scan3A_1151, %shift_right_arithmetic3A_1152 : i32
      %add3A_1154 = arith.addi %shift_right_arithmetic3A_941, %shift_right_arithmetic3A_1153 : i32
      %broadcast_in_dim3A_1155 = vector.broadcast %add3A_1154 : i32 to vector<16xi32>
      %mul3A_1156 = arith.constant 16 : i32
      %mul3A_1157 = arith.muli %mul3A_1156, %scan3A_1151 : i32
      %swap3A_1158 = arith.index_cast %mul3A_1157 : i32 to index
      %swap3A_1159 = tpu.vector_load %arg5[%swap3A_1158] {strides = array<i32>} : memref<16384xi32, #tpu.memory_space<vmem>>, vector<16xi32>,
      %swap3A_1160 = vector.shape_cast %swap3A_1159 : vector<16xi32> to vector<16xi32>
      %swap3A_1161 = vector.shape_cast %broadcast_in_dim3A_1155 : vector<16xi32> to vector<16xi32>
      tpu.vector_store %arg5[%swap3A_1158], %swap3A_1161 {strides = array<i32>} : memref<16384xi32, #tpu.memory_space<vmem>>, vector<16xi32>,
      %scan3A_1162 = arith.constant 0 : i32
      %scan3A_1163 = arith.constant 3 : i32
      %scan3A_1164 = arith.addi %scan3A_1126, %scan3A_1163 : i32
      %shift_right_arithmetic3A_1165 = arith.constant 8 : i32
      %shift_right_arithmetic3A_1166 = arith.shrsi %scan3A_1164, %shift_right_arithmetic3A_1165 : i32
      %add3A_1167 = arith.addi %shift_right_arithmetic3A_941, %shift_right_arithmetic3A_1166 : i32
      %broadcast_in_dim3A_1168 = vector.broadcast %add3A_1167 : i32 to vector<16xi32>
      %mul3A_1169 = arith.constant 16 : i32
      %mul3A_1170 = arith.muli %mul3A_1169, %scan3A_1164 : i32
      %swap3A_1171 = arith.index_cast %mul3A_1170 : i32 to index
      %swap3A_1172 = tpu.vector_load %arg5[%swap3A_1171] {strides = array<i32>} : memref<16384xi32, #tpu.memory_space<vmem>>, vector<16xi32>,
      %swap3A_1173 = vector.shape_cast %swap3A_1172 : vector<16xi32> to vector<16xi32>
      %swap3A_1174 = vector.shape_cast %broadcast_in_dim3A_1168 : vector<16xi32> to vector<16xi32>
      tpu.vector_store %arg5[%swap3A_1171], %swap3A_1174 {strides = array<i32>} : memref<16384xi32, #tpu.memory_space<vmem>>, vector<16xi32>,
      %scan3A_1175 = arith.constant 0 : i32
      scf.yield %scan3A_1175 : i32
    }
    %scan3A_948 = arith.constant 1024 : i32
    %add3A_949 = arith.constant 507904 : i32
    %add3A_950 = arith.addi %mul3A_2, %add3A_949 : i32
    %dma_start3A_951 = arith.constant 0 : i32
    %dma_start3A_952 = tpu.memref_slice %arg2[%dma_start3A_951, %add3A_950] : memref<2x16777216xi32, #tpu.memory_space<hbm>> -> memref<1x16384xi32, #tpu.memory_space<hbm>>
    %dma_start3A_953 = tpu.memref_squeeze %dma_start3A_952 : memref<1x16384xi32, #tpu.memory_space<hbm>> -> memref<16384xi32, #tpu.memory_space<hbm>>
    %dma_start3A_954 = tpu.memref_slice %arg2[%dma_start3A_951, %add3A_950] : memref<2x16777216xi32, #tpu.memory_space<hbm>> -> memref<1x16384xi32, #tpu.memory_space<hbm>>
    %dma_start3A_955 = tpu.memref_squeeze %dma_start3A_954 : memref<1x16384xi32, #tpu.memory_space<hbm>> -> memref<16384xi32, #tpu.memory_space<hbm>>
    tpu.enqueue_dma source(%arg5 : memref<16384xi32, #tpu.memory_space<vmem>>) target(%dma_start3A_955 : memref<16384xi32, #tpu.memory_space<hbm>>) target_semaphore(%arg7 : memref<!tpu.dma_semaphore, #tpu.memory_space<semaphore_mem>>)
    %dma_wait3A_956 = arith.constant 0 : i32
    %dma_wait3A_957 = tpu.memref_slice %arg2[%dma_wait3A_956, %add3A_927] : memref<2x16777216xi32, #tpu.memory_space<hbm>> -> memref<1x16384xi32, #tpu.memory_space<hbm>>
    %dma_wait3A_958 = tpu.memref_squeeze %dma_wait3A_957 : memref<1x16384xi32, #tpu.memory_space<hbm>> -> memref<16384xi32, #tpu.memory_space<hbm>>
    %dma_wait3A_959 = tpu.memref_slice %arg2[%dma_wait3A_956, %add3A_927] : memref<2x16777216xi32, #tpu.memory_space<hbm>> -> memref<1x16384xi32, #tpu.memory_space<hbm>>
    %dma_wait3A_960 = tpu.memref_squeeze %dma_wait3A_959 : memref<1x16384xi32, #tpu.memory_space<hbm>> -> memref<16384xi32, #tpu.memory_space<hbm>>
    tpu.wait_dma2 semaphore(%arg7 : memref<!tpu.dma_semaphore, #tpu.memory_space<semaphore_mem>>) src(%arg4 : memref<16384xi32, #tpu.memory_space<vmem>>) dst(%dma_wait3A_960 : memref<16384xi32, #tpu.memory_space<hbm>>)
    %dma_wait3A_961 = arith.constant 0 : i32
    %dma_wait3A_962 = tpu.memref_slice %arg2[%dma_wait3A_961, %add3A_950] : memref<2x16777216xi32, #tpu.memory_space<hbm>> -> memref<1x16384xi32, #tpu.memory_space<hbm>>
    %dma_wait3A_963 = tpu.memref_squeeze %dma_wait3A_962 : memref<1x16384xi32, #tpu.memory_space<hbm>> -> memref<16384xi32, #tpu.memory_space<hbm>>
    %dma_wait3A_964 = tpu.memref_slice %arg2[%dma_wait3A_961, %add3A_950] : memref<2x16777216xi32, #tpu.memory_space<hbm>> -> memref<1x16384xi32, #tpu.memory_space<hbm>>
    %dma_wait3A_965 = tpu.memref_squeeze %dma_wait3A_964 : memref<1x16384xi32, #tpu.memory_space<hbm>> -> memref<16384xi32, #tpu.memory_space<hbm>>
    tpu.wait_dma2 semaphore(%arg7 : memref<!tpu.dma_semaphore, #tpu.memory_space<semaphore_mem>>) src(%arg5 : memref<16384xi32, #tpu.memory_space<vmem>>) dst(%dma_wait3A_965 : memref<16384xi32, #tpu.memory_space<hbm>>)
    %dma_wait3A_966 = arith.constant 1 : i32
    %dma_wait3A_967 = tpu.memref_slice %arg2[%dma_wait3A_966, %add3A_10] : memref<2x16777216xi32, #tpu.memory_space<hbm>> -> memref<1x16384xi32, #tpu.memory_space<hbm>>
    %dma_wait3A_968 = tpu.memref_squeeze %dma_wait3A_967 : memref<1x16384xi32, #tpu.memory_space<hbm>> -> memref<16384xi32, #tpu.memory_space<hbm>>
    %dma_wait3A_969 = tpu.memref_slice %arg2[%dma_wait3A_966, %add3A_10] : memref<2x16777216xi32, #tpu.memory_space<hbm>> -> memref<1x16384xi32, #tpu.memory_space<hbm>>
    %dma_wait3A_970 = tpu.memref_squeeze %dma_wait3A_969 : memref<1x16384xi32, #tpu.memory_space<hbm>> -> memref<16384xi32, #tpu.memory_space<hbm>>
    tpu.wait_dma2 semaphore(%arg6 : memref<!tpu.dma_semaphore, #tpu.memory_space<semaphore_mem>>) src(%arg3 : memref<16384xi32, #tpu.memory_space<vmem>>) dst(%dma_wait3A_970 : memref<16384xi32, #tpu.memory_space<hbm>>)
    %dma_wait3A_971 = arith.constant 1 : i32
    %dma_wait3A_972 = tpu.memref_slice %arg2[%dma_wait3A_971, %add3A_16] : memref<2x16777216xi32, #tpu.memory_space<hbm>> -> memref<1x16384xi32, #tpu.memory_space<hbm>>
    %dma_wait3A_973 = tpu.memref_squeeze %dma_wait3A_972 : memref<1x16384xi32, #tpu.memory_space<hbm>> -> memref<16384xi32, #tpu.memory_space<hbm>>
    %dma_wait3A_974 = tpu.memref_slice %arg2[%dma_wait3A_971, %add3A_16] : memref<2x16777216xi32, #tpu.memory_space<hbm>> -> memref<1x16384xi32, #tpu.memory_space<hbm>>
    %dma_wait3A_975 = tpu.memref_squeeze %dma_wait3A_974 : memref<1x16384xi32, #tpu.memory_space<hbm>> -> memref<16384xi32, #tpu.memory_space<hbm>>
    tpu.wait_dma2 semaphore(%arg6 : memref<!tpu.dma_semaphore, #tpu.memory_space<semaphore_mem>>) src(%arg3 : memref<16384xi32, #tpu.memory_space<vmem>>) dst(%dma_wait3A_975 : memref<16384xi32, #tpu.memory_space<hbm>>)
    %dma_wait3A_976 = arith.constant 1 : i32
    %dma_wait3A_977 = tpu.memref_slice %arg2[%dma_wait3A_976, %add3A_23] : memref<2x16777216xi32, #tpu.memory_space<hbm>> -> memref<1x16384xi32, #tpu.memory_space<hbm>>
    %dma_wait3A_978 = tpu.memref_squeeze %dma_wait3A_977 : memref<1x16384xi32, #tpu.memory_space<hbm>> -> memref<16384xi32, #tpu.memory_space<hbm>>
    %dma_wait3A_979 = tpu.memref_slice %arg2[%dma_wait3A_976, %add3A_23] : memref<2x16777216xi32, #tpu.memory_space<hbm>> -> memref<1x16384xi32, #tpu.memory_space<hbm>>
    %dma_wait3A_980 = tpu.memref_squeeze %dma_wait3A_979 : memref<1x16384xi32, #tpu.memory_space<hbm>> -> memref<16384xi32, #tpu.memory_space<hbm>>
    tpu.wait_dma2 semaphore(%arg6 : memref<!tpu.dma_semaphore, #tpu.memory_space<semaphore_mem>>) src(%arg3 : memref<16384xi32, #tpu.memory_space<vmem>>) dst(%dma_wait3A_980 : memref<16384xi32, #tpu.memory_space<hbm>>)
    %dma_wait3A_981 = arith.constant 1 : i32
    %dma_wait3A_982 = tpu.memref_slice %arg2[%dma_wait3A_981, %add3A_30] : memref<2x16777216xi32, #tpu.memory_space<hbm>> -> memref<1x16384xi32, #tpu.memory_space<hbm>>
    %dma_wait3A_983 = tpu.memref_squeeze %dma_wait3A_982 : memref<1x16384xi32, #tpu.memory_space<hbm>> -> memref<16384xi32, #tpu.memory_space<hbm>>
    %dma_wait3A_984 = tpu.memref_slice %arg2[%dma_wait3A_981, %add3A_30] : memref<2x16777216xi32, #tpu.memory_space<hbm>> -> memref<1x16384xi32, #tpu.memory_space<hbm>>
    %dma_wait3A_985 = tpu.memref_squeeze %dma_wait3A_984 : memref<1x16384xi32, #tpu.memory_space<hbm>> -> memref<16384xi32, #tpu.memory_space<hbm>>
    tpu.wait_dma2 semaphore(%arg6 : memref<!tpu.dma_semaphore, #tpu.memory_space<semaphore_mem>>) src(%arg3 : memref<16384xi32, #tpu.memory_space<vmem>>) dst(%dma_wait3A_985 : memref<16384xi32, #tpu.memory_space<hbm>>)
    %dma_wait3A_986 = arith.constant 1 : i32
    %dma_wait3A_987 = tpu.memref_slice %arg2[%dma_wait3A_986, %add3A_37] : memref<2x16777216xi32, #tpu.memory_space<hbm>> -> memref<1x16384xi32, #tpu.memory_space<hbm>>
    %dma_wait3A_988 = tpu.memref_squeeze %dma_wait3A_987 : memref<1x16384xi32, #tpu.memory_space<hbm>> -> memref<16384xi32, #tpu.memory_space<hbm>>
    %dma_wait3A_989 = tpu.memref_slice %arg2[%dma_wait3A_986, %add3A_37] : memref<2x16777216xi32, #tpu.memory_space<hbm>> -> memref<1x16384xi32, #tpu.memory_space<hbm>>
    %dma_wait3A_990 = tpu.memref_squeeze %dma_wait3A_989 : memref<1x16384xi32, #tpu.memory_space<hbm>> -> memref<16384xi32, #tpu.memory_space<hbm>>
    tpu.wait_dma2 semaphore(%arg6 : memref<!tpu.dma_semaphore, #tpu.memory_space<semaphore_mem>>) src(%arg3 : memref<16384xi32, #tpu.memory_space<vmem>>) dst(%dma_wait3A_990 : memref<16384xi32, #tpu.memory_space<hbm>>)
    %dma_wait3A_991 = arith.constant 1 : i32
    %dma_wait3A_992 = tpu.memref_slice %arg2[%dma_wait3A_991, %add3A_44] : memref<2x16777216xi32, #tpu.memory_space<hbm>> -> memref<1x16384xi32, #tpu.memory_space<hbm>>
    %dma_wait3A_993 = tpu.memref_squeeze %dma_wait3A_992 : memref<1x16384xi32, #tpu.memory_space<hbm>> -> memref<16384xi32, #tpu.memory_space<hbm>>
    %dma_wait3A_994 = tpu.memref_slice %arg2[%dma_wait3A_991, %add3A_44] : memref<2x16777216xi32, #tpu.memory_space<hbm>> -> memref<1x16384xi32, #tpu.memory_space<hbm>>
    %dma_wait3A_995 = tpu.memref_squeeze %dma_wait3A_994 : memref<1x16384xi32, #tpu.memory_space<hbm>> -> memref<16384xi32, #tpu.memory_space<hbm>>
    tpu.wait_dma2 semaphore(%arg6 : memref<!tpu.dma_semaphore, #tpu.memory_space<semaphore_mem>>) src(%arg3 : memref<16384xi32, #tpu.memory_space<vmem>>) dst(%dma_wait3A_995 : memref<16384xi32, #tpu.memory_space<hbm>>)
    %dma_wait3A_996 = arith.constant 1 : i32
    %dma_wait3A_997 = tpu.memref_slice %arg2[%dma_wait3A_996, %add3A_51] : memref<2x16777216xi32, #tpu.memory_space<hbm>> -> memref<1x16384xi32, #tpu.memory_space<hbm>>
    %dma_wait3A_998 = tpu.memref_squeeze %dma_wait3A_997 : memref<1x16384xi32, #tpu.memory_space<hbm>> -> memref<16384xi32, #tpu.memory_space<hbm>>
    %dma_wait3A_999 = tpu.memref_slice %arg2[%dma_wait3A_996, %add3A_51] : memref<2x16777216xi32, #tpu.memory_space<hbm>> -> memref<1x16384xi32, #tpu.memory_space<hbm>>
    %dma_wait3A_1000 = tpu.memref_squeeze %dma_wait3A_999 : memref<1x16384xi32, #tpu.memory_space<hbm>> -> memref<16384xi32, #tpu.memory_space<hbm>>
    tpu.wait_dma2 semaphore(%arg6 : memref<!tpu.dma_semaphore, #tpu.memory_space<semaphore_mem>>) src(%arg3 : memref<16384xi32, #tpu.memory_space<vmem>>) dst(%dma_wait3A_1000 : memref<16384xi32, #tpu.memory_space<hbm>>)
    %dma_wait3A_1001 = arith.constant 1 : i32
    %dma_wait3A_1002 = tpu.memref_slice %arg2[%dma_wait3A_1001, %add3A_58] : memref<2x16777216xi32, #tpu.memory_space<hbm>> -> memref<1x16384xi32, #tpu.memory_space<hbm>>
    %dma_wait3A_1003 = tpu.memref_squeeze %dma_wait3A_1002 : memref<1x16384xi32, #tpu.memory_space<hbm>> -> memref<16384xi32, #tpu.memory_space<hbm>>
    %dma_wait3A_1004 = tpu.memref_slice %arg2[%dma_wait3A_1001, %add3A_58] : memref<2x16777216xi32, #tpu.memory_space<hbm>> -> memref<1x16384xi32, #tpu.memory_space<hbm>>
    %dma_wait3A_1005 = tpu.memref_squeeze %dma_wait3A_1004 : memref<1x16384xi32, #tpu.memory_space<hbm>> -> memref<16384xi32, #tpu.memory_space<hbm>>
    tpu.wait_dma2 semaphore(%arg6 : memref<!tpu.dma_semaphore, #tpu.memory_space<semaphore_mem>>) src(%arg3 : memref<16384xi32, #tpu.memory_space<vmem>>) dst(%dma_wait3A_1005 : memref<16384xi32, #tpu.memory_space<hbm>>)
    %dma_wait3A_1006 = arith.constant 1 : i32
    %dma_wait3A_1007 = tpu.memref_slice %arg2[%dma_wait3A_1006, %add3A_65] : memref<2x16777216xi32, #tpu.memory_space<hbm>> -> memref<1x16384xi32, #tpu.memory_space<hbm>>
    %dma_wait3A_1008 = tpu.memref_squeeze %dma_wait3A_1007 : memref<1x16384xi32, #tpu.memory_space<hbm>> -> memref<16384xi32, #tpu.memory_space<hbm>>
    %dma_wait3A_1009 = tpu.memref_slice %arg2[%dma_wait3A_1006, %add3A_65] : memref<2x16777216xi32, #tpu.memory_space<hbm>> -> memref<1x16384xi32, #tpu.memory_space<hbm>>
    %dma_wait3A_1010 = tpu.memref_squeeze %dma_wait3A_1009 : memref<1x16384xi32, #tpu.memory_space<hbm>> -> memref<16384xi32, #tpu.memory_space<hbm>>
    tpu.wait_dma2 semaphore(%arg6 : memref<!tpu.dma_semaphore, #tpu.memory_space<semaphore_mem>>) src(%arg3 : memref<16384xi32, #tpu.memory_space<vmem>>) dst(%dma_wait3A_1010 : memref<16384xi32, #tpu.memory_space<hbm>>)
    %dma_wait3A_1011 = arith.constant 1 : i32
    %dma_wait3A_1012 = tpu.memref_slice %arg2[%dma_wait3A_1011, %add3A_72] : memref<2x16777216xi32, #tpu.memory_space<hbm>> -> memref<1x16384xi32, #tpu.memory_space<hbm>>
    %dma_wait3A_1013 = tpu.memref_squeeze %dma_wait3A_1012 : memref<1x16384xi32, #tpu.memory_space<hbm>> -> memref<16384xi32, #tpu.memory_space<hbm>>
    %dma_wait3A_1014 = tpu.memref_slice %arg2[%dma_wait3A_1011, %add3A_72] : memref<2x16777216xi32, #tpu.memory_space<hbm>> -> memref<1x16384xi32, #tpu.memory_space<hbm>>
    %dma_wait3A_1015 = tpu.memref_squeeze %dma_wait3A_1014 : memref<1x16384xi32, #tpu.memory_space<hbm>> -> memref<16384xi32, #tpu.memory_space<hbm>>
    tpu.wait_dma2 semaphore(%arg6 : memref<!tpu.dma_semaphore, #tpu.memory_space<semaphore_mem>>) src(%arg3 : memref<16384xi32, #tpu.memory_space<vmem>>) dst(%dma_wait3A_1015 : memref<16384xi32, #tpu.memory_space<hbm>>)
    %dma_wait3A_1016 = arith.constant 1 : i32
    %dma_wait3A_1017 = tpu.memref_slice %arg2[%dma_wait3A_1016, %add3A_79] : memref<2x16777216xi32, #tpu.memory_space<hbm>> -> memref<1x16384xi32, #tpu.memory_space<hbm>>
    %dma_wait3A_1018 = tpu.memref_squeeze %dma_wait3A_1017 : memref<1x16384xi32, #tpu.memory_space<hbm>> -> memref<16384xi32, #tpu.memory_space<hbm>>
    %dma_wait3A_1019 = tpu.memref_slice %arg2[%dma_wait3A_1016, %add3A_79] : memref<2x16777216xi32, #tpu.memory_space<hbm>> -> memref<1x16384xi32, #tpu.memory_space<hbm>>
    %dma_wait3A_1020 = tpu.memref_squeeze %dma_wait3A_1019 : memref<1x16384xi32, #tpu.memory_space<hbm>> -> memref<16384xi32, #tpu.memory_space<hbm>>
    tpu.wait_dma2 semaphore(%arg6 : memref<!tpu.dma_semaphore, #tpu.memory_space<semaphore_mem>>) src(%arg3 : memref<16384xi32, #tpu.memory_space<vmem>>) dst(%dma_wait3A_1020 : memref<16384xi32, #tpu.memory_space<hbm>>)
    %dma_wait3A_1021 = arith.constant 1 : i32
    %dma_wait3A_1022 = tpu.memref_slice %arg2[%dma_wait3A_1021, %add3A_86] : memref<2x16777216xi32, #tpu.memory_space<hbm>> -> memref<1x16384xi32, #tpu.memory_space<hbm>>
    %dma_wait3A_1023 = tpu.memref_squeeze %dma_wait3A_1022 : memref<1x16384xi32, #tpu.memory_space<hbm>> -> memref<16384xi32, #tpu.memory_space<hbm>>
    %dma_wait3A_1024 = tpu.memref_slice %arg2[%dma_wait3A_1021, %add3A_86] : memref<2x16777216xi32, #tpu.memory_space<hbm>> -> memref<1x16384xi32, #tpu.memory_space<hbm>>
    %dma_wait3A_1025 = tpu.memref_squeeze %dma_wait3A_1024 : memref<1x16384xi32, #tpu.memory_space<hbm>> -> memref<16384xi32, #tpu.memory_space<hbm>>
    tpu.wait_dma2 semaphore(%arg6 : memref<!tpu.dma_semaphore, #tpu.memory_space<semaphore_mem>>) src(%arg3 : memref<16384xi32, #tpu.memory_space<vmem>>) dst(%dma_wait3A_1025 : memref<16384xi32, #tpu.memory_space<hbm>>)
    %dma_wait3A_1026 = arith.constant 1 : i32
    %dma_wait3A_1027 = tpu.memref_slice %arg2[%dma_wait3A_1026, %add3A_93] : memref<2x16777216xi32, #tpu.memory_space<hbm>> -> memref<1x16384xi32, #tpu.memory_space<hbm>>
    %dma_wait3A_1028 = tpu.memref_squeeze %dma_wait3A_1027 : memref<1x16384xi32, #tpu.memory_space<hbm>> -> memref<16384xi32, #tpu.memory_space<hbm>>
    %dma_wait3A_1029 = tpu.memref_slice %arg2[%dma_wait3A_1026, %add3A_93] : memref<2x16777216xi32, #tpu.memory_space<hbm>> -> memref<1x16384xi32, #tpu.memory_space<hbm>>
    %dma_wait3A_1030 = tpu.memref_squeeze %dma_wait3A_1029 : memref<1x16384xi32, #tpu.memory_space<hbm>> -> memref<16384xi32, #tpu.memory_space<hbm>>
    tpu.wait_dma2 semaphore(%arg6 : memref<!tpu.dma_semaphore, #tpu.memory_space<semaphore_mem>>) src(%arg3 : memref<16384xi32, #tpu.memory_space<vmem>>) dst(%dma_wait3A_1030 : memref<16384xi32, #tpu.memory_space<hbm>>)
    %dma_wait3A_1031 = arith.constant 1 : i32
    %dma_wait3A_1032 = tpu.memref_slice %arg2[%dma_wait3A_1031, %add3A_100] : memref<2x16777216xi32, #tpu.memory_space<hbm>> -> memref<1x16384xi32, #tpu.memory_space<hbm>>
    %dma_wait3A_1033 = tpu.memref_squeeze %dma_wait3A_1032 : memref<1x16384xi32, #tpu.memory_space<hbm>> -> memref<16384xi32, #tpu.memory_space<hbm>>
    %dma_wait3A_1034 = tpu.memref_slice %arg2[%dma_wait3A_1031, %add3A_100] : memref<2x16777216xi32, #tpu.memory_space<hbm>> -> memref<1x16384xi32, #tpu.memory_space<hbm>>
    %dma_wait3A_1035 = tpu.memref_squeeze %dma_wait3A_1034 : memref<1x16384xi32, #tpu.memory_space<hbm>> -> memref<16384xi32, #tpu.memory_space<hbm>>
    tpu.wait_dma2 semaphore(%arg6 : memref<!tpu.dma_semaphore, #tpu.memory_space<semaphore_mem>>) src(%arg3 : memref<16384xi32, #tpu.memory_space<vmem>>) dst(%dma_wait3A_1035 : memref<16384xi32, #tpu.memory_space<hbm>>)
    %dma_wait3A_1036 = arith.constant 1 : i32
    %dma_wait3A_1037 = tpu.memref_slice %arg2[%dma_wait3A_1036, %add3A_107] : memref<2x16777216xi32, #tpu.memory_space<hbm>> -> memref<1x16384xi32, #tpu.memory_space<hbm>>
    %dma_wait3A_1038 = tpu.memref_squeeze %dma_wait3A_1037 : memref<1x16384xi32, #tpu.memory_space<hbm>> -> memref<16384xi32, #tpu.memory_space<hbm>>
    %dma_wait3A_1039 = tpu.memref_slice %arg2[%dma_wait3A_1036, %add3A_107] : memref<2x16777216xi32, #tpu.memory_space<hbm>> -> memref<1x16384xi32, #tpu.memory_space<hbm>>
    %dma_wait3A_1040 = tpu.memref_squeeze %dma_wait3A_1039 : memref<1x16384xi32, #tpu.memory_space<hbm>> -> memref<16384xi32, #tpu.memory_space<hbm>>
    tpu.wait_dma2 semaphore(%arg6 : memref<!tpu.dma_semaphore, #tpu.memory_space<semaphore_mem>>) src(%arg3 : memref<16384xi32, #tpu.memory_space<vmem>>) dst(%dma_wait3A_1040 : memref<16384xi32, #tpu.memory_space<hbm>>)
    %dma_wait3A_1041 = arith.constant 1 : i32
    %dma_wait3A_1042 = tpu.memref_slice %arg2[%dma_wait3A_1041, %add3A_114] : memref<2x16777216xi32, #tpu.memory_space<hbm>> -> memref<1x16384xi32, #tpu.memory_space<hbm>>
    %dma_wait3A_1043 = tpu.memref_squeeze %dma_wait3A_1042 : memref<1x16384xi32, #tpu.memory_space<hbm>> -> memref<16384xi32, #tpu.memory_space<hbm>>
    %dma_wait3A_1044 = tpu.memref_slice %arg2[%dma_wait3A_1041, %add3A_114] : memref<2x16777216xi32, #tpu.memory_space<hbm>> -> memref<1x16384xi32, #tpu.memory_space<hbm>>
    %dma_wait3A_1045 = tpu.memref_squeeze %dma_wait3A_1044 : memref<1x16384xi32, #tpu.memory_space<hbm>> -> memref<16384xi32, #tpu.memory_space<hbm>>
    tpu.wait_dma2 semaphore(%arg6 : memref<!tpu.dma_semaphore, #tpu.memory_space<semaphore_mem>>) src(%arg3 : memref<16384xi32, #tpu.memory_space<vmem>>) dst(%dma_wait3A_1045 : memref<16384xi32, #tpu.memory_space<hbm>>)
    %dma_wait3A_1046 = arith.constant 1 : i32
    %dma_wait3A_1047 = tpu.memref_slice %arg2[%dma_wait3A_1046, %add3A_121] : memref<2x16777216xi32, #tpu.memory_space<hbm>> -> memref<1x16384xi32, #tpu.memory_space<hbm>>
    %dma_wait3A_1048 = tpu.memref_squeeze %dma_wait3A_1047 : memref<1x16384xi32, #tpu.memory_space<hbm>> -> memref<16384xi32, #tpu.memory_space<hbm>>
    %dma_wait3A_1049 = tpu.memref_slice %arg2[%dma_wait3A_1046, %add3A_121] : memref<2x16777216xi32, #tpu.memory_space<hbm>> -> memref<1x16384xi32, #tpu.memory_space<hbm>>
    %dma_wait3A_1050 = tpu.memref_squeeze %dma_wait3A_1049 : memref<1x16384xi32, #tpu.memory_space<hbm>> -> memref<16384xi32, #tpu.memory_space<hbm>>
    tpu.wait_dma2 semaphore(%arg6 : memref<!tpu.dma_semaphore, #tpu.memory_space<semaphore_mem>>) src(%arg3 : memref<16384xi32, #tpu.memory_space<vmem>>) dst(%dma_wait3A_1050 : memref<16384xi32, #tpu.memory_space<hbm>>)
    %dma_wait3A_1051 = arith.constant 1 : i32
    %dma_wait3A_1052 = tpu.memref_slice %arg2[%dma_wait3A_1051, %add3A_128] : memref<2x16777216xi32, #tpu.memory_space<hbm>> -> memref<1x16384xi32, #tpu.memory_space<hbm>>
    %dma_wait3A_1053 = tpu.memref_squeeze %dma_wait3A_1052 : memref<1x16384xi32, #tpu.memory_space<hbm>> -> memref<16384xi32, #tpu.memory_space<hbm>>
    %dma_wait3A_1054 = tpu.memref_slice %arg2[%dma_wait3A_1051, %add3A_128] : memref<2x16777216xi32, #tpu.memory_space<hbm>> -> memref<1x16384xi32, #tpu.memory_space<hbm>>
    %dma_wait3A_1055 = tpu.memref_squeeze %dma_wait3A_1054 : memref<1x16384xi32, #tpu.memory_space<hbm>> -> memref<16384xi32, #tpu.memory_space<hbm>>
    tpu.wait_dma2 semaphore(%arg6 : memref<!tpu.dma_semaphore, #tpu.memory_space<semaphore_mem>>) src(%arg3 : memref<16384xi32, #tpu.memory_space<vmem>>) dst(%dma_wait3A_1055 : memref<16384xi32, #tpu.memory_space<hbm>>)
    %dma_wait3A_1056 = arith.constant 1 : i32
    %dma_wait3A_1057 = tpu.memref_slice %arg2[%dma_wait3A_1056, %add3A_135] : memref<2x16777216xi32, #tpu.memory_space<hbm>> -> memref<1x16384xi32, #tpu.memory_space<hbm>>
    %dma_wait3A_1058 = tpu.memref_squeeze %dma_wait3A_1057 : memref<1x16384xi32, #tpu.memory_space<hbm>> -> memref<16384xi32, #tpu.memory_space<hbm>>
    %dma_wait3A_1059 = tpu.memref_slice %arg2[%dma_wait3A_1056, %add3A_135] : memref<2x16777216xi32, #tpu.memory_space<hbm>> -> memref<1x16384xi32, #tpu.memory_space<hbm>>
    %dma_wait3A_1060 = tpu.memref_squeeze %dma_wait3A_1059 : memref<1x16384xi32, #tpu.memory_space<hbm>> -> memref<16384xi32, #tpu.memory_space<hbm>>
    tpu.wait_dma2 semaphore(%arg6 : memref<!tpu.dma_semaphore, #tpu.memory_space<semaphore_mem>>) src(%arg3 : memref<16384xi32, #tpu.memory_space<vmem>>) dst(%dma_wait3A_1060 : memref<16384xi32, #tpu.memory_space<hbm>>)
    %dma_wait3A_1061 = arith.constant 1 : i32
    %dma_wait3A_1062 = tpu.memref_slice %arg2[%dma_wait3A_1061, %add3A_142] : memref<2x16777216xi32, #tpu.memory_space<hbm>> -> memref<1x16384xi32, #tpu.memory_space<hbm>>
    %dma_wait3A_1063 = tpu.memref_squeeze %dma_wait3A_1062 : memref<1x16384xi32, #tpu.memory_space<hbm>> -> memref<16384xi32, #tpu.memory_space<hbm>>
    %dma_wait3A_1064 = tpu.memref_slice %arg2[%dma_wait3A_1061, %add3A_142] : memref<2x16777216xi32, #tpu.memory_space<hbm>> -> memref<1x16384xi32, #tpu.memory_space<hbm>>
    %dma_wait3A_1065 = tpu.memref_squeeze %dma_wait3A_1064 : memref<1x16384xi32, #tpu.memory_space<hbm>> -> memref<16384xi32, #tpu.memory_space<hbm>>
    tpu.wait_dma2 semaphore(%arg6 : memref<!tpu.dma_semaphore, #tpu.memory_space<semaphore_mem>>) src(%arg3 : memref<16384xi32, #tpu.memory_space<vmem>>) dst(%dma_wait3A_1065 : memref<16384xi32, #tpu.memory_space<hbm>>)
    %dma_wait3A_1066 = arith.constant 1 : i32
    %dma_wait3A_1067 = tpu.memref_slice %arg2[%dma_wait3A_1066, %add3A_149] : memref<2x16777216xi32, #tpu.memory_space<hbm>> -> memref<1x16384xi32, #tpu.memory_space<hbm>>
    %dma_wait3A_1068 = tpu.memref_squeeze %dma_wait3A_1067 : memref<1x16384xi32, #tpu.memory_space<hbm>> -> memref<16384xi32, #tpu.memory_space<hbm>>
    %dma_wait3A_1069 = tpu.memref_slice %arg2[%dma_wait3A_1066, %add3A_149] : memref<2x16777216xi32, #tpu.memory_space<hbm>> -> memref<1x16384xi32, #tpu.memory_space<hbm>>
    %dma_wait3A_1070 = tpu.memref_squeeze %dma_wait3A_1069 : memref<1x16384xi32, #tpu.memory_space<hbm>> -> memref<16384xi32, #tpu.memory_space<hbm>>
    tpu.wait_dma2 semaphore(%arg6 : memref<!tpu.dma_semaphore, #tpu.memory_space<semaphore_mem>>) src(%arg3 : memref<16384xi32, #tpu.memory_space<vmem>>) dst(%dma_wait3A_1070 : memref<16384xi32, #tpu.memory_space<hbm>>)
    %dma_wait3A_1071 = arith.constant 1 : i32
    %dma_wait3A_1072 = tpu.memref_slice %arg2[%dma_wait3A_1071, %add3A_156] : memref<2x16777216xi32, #tpu.memory_space<hbm>> -> memref<1x16384xi32, #tpu.memory_space<hbm>>
    %dma_wait3A_1073 = tpu.memref_squeeze %dma_wait3A_1072 : memref<1x16384xi32, #tpu.memory_space<hbm>> -> memref<16384xi32, #tpu.memory_space<hbm>>
    %dma_wait3A_1074 = tpu.memref_slice %arg2[%dma_wait3A_1071, %add3A_156] : memref<2x16777216xi32, #tpu.memory_space<hbm>> -> memref<1x16384xi32, #tpu.memory_space<hbm>>
    %dma_wait3A_1075 = tpu.memref_squeeze %dma_wait3A_1074 : memref<1x16384xi32, #tpu.memory_space<hbm>> -> memref<16384xi32, #tpu.memory_space<hbm>>
    tpu.wait_dma2 semaphore(%arg6 : memref<!tpu.dma_semaphore, #tpu.memory_space<semaphore_mem>>) src(%arg3 : memref<16384xi32, #tpu.memory_space<vmem>>) dst(%dma_wait3A_1075 : memref<16384xi32, #tpu.memory_space<hbm>>)
    %dma_wait3A_1076 = arith.constant 1 : i32
    %dma_wait3A_1077 = tpu.memref_slice %arg2[%dma_wait3A_1076, %add3A_163] : memref<2x16777216xi32, #tpu.memory_space<hbm>> -> memref<1x16384xi32, #tpu.memory_space<hbm>>
    %dma_wait3A_1078 = tpu.memref_squeeze %dma_wait3A_1077 : memref<1x16384xi32, #tpu.memory_space<hbm>> -> memref<16384xi32, #tpu.memory_space<hbm>>
    %dma_wait3A_1079 = tpu.memref_slice %arg2[%dma_wait3A_1076, %add3A_163] : memref<2x16777216xi32, #tpu.memory_space<hbm>> -> memref<1x16384xi32, #tpu.memory_space<hbm>>
    %dma_wait3A_1080 = tpu.memref_squeeze %dma_wait3A_1079 : memref<1x16384xi32, #tpu.memory_space<hbm>> -> memref<16384xi32, #tpu.memory_space<hbm>>
    tpu.wait_dma2 semaphore(%arg6 : memref<!tpu.dma_semaphore, #tpu.memory_space<semaphore_mem>>) src(%arg3 : memref<16384xi32, #tpu.memory_space<vmem>>) dst(%dma_wait3A_1080 : memref<16384xi32, #tpu.memory_space<hbm>>)
    %dma_wait3A_1081 = arith.constant 1 : i32
    %dma_wait3A_1082 = tpu.memref_slice %arg2[%dma_wait3A_1081, %add3A_170] : memref<2x16777216xi32, #tpu.memory_space<hbm>> -> memref<1x16384xi32, #tpu.memory_space<hbm>>
    %dma_wait3A_1083 = tpu.memref_squeeze %dma_wait3A_1082 : memref<1x16384xi32, #tpu.memory_space<hbm>> -> memref<16384xi32, #tpu.memory_space<hbm>>
    %dma_wait3A_1084 = tpu.memref_slice %arg2[%dma_wait3A_1081, %add3A_170] : memref<2x16777216xi32, #tpu.memory_space<hbm>> -> memref<1x16384xi32, #tpu.memory_space<hbm>>
    %dma_wait3A_1085 = tpu.memref_squeeze %dma_wait3A_1084 : memref<1x16384xi32, #tpu.memory_space<hbm>> -> memref<16384xi32, #tpu.memory_space<hbm>>
    tpu.wait_dma2 semaphore(%arg6 : memref<!tpu.dma_semaphore, #tpu.memory_space<semaphore_mem>>) src(%arg3 : memref<16384xi32, #tpu.memory_space<vmem>>) dst(%dma_wait3A_1085 : memref<16384xi32, #tpu.memory_space<hbm>>)
    %dma_wait3A_1086 = arith.constant 1 : i32
    %dma_wait3A_1087 = tpu.memref_slice %arg2[%dma_wait3A_1086, %add3A_177] : memref<2x16777216xi32, #tpu.memory_space<hbm>> -> memref<1x16384xi32, #tpu.memory_space<hbm>>
    %dma_wait3A_1088 = tpu.memref_squeeze %dma_wait3A_1087 : memref<1x16384xi32, #tpu.memory_space<hbm>> -> memref<16384xi32, #tpu.memory_space<hbm>>
    %dma_wait3A_1089 = tpu.memref_slice %arg2[%dma_wait3A_1086, %add3A_177] : memref<2x16777216xi32, #tpu.memory_space<hbm>> -> memref<1x16384xi32, #tpu.memory_space<hbm>>
    %dma_wait3A_1090 = tpu.memref_squeeze %dma_wait3A_1089 : memref<1x16384xi32, #tpu.memory_space<hbm>> -> memref<16384xi32, #tpu.memory_space<hbm>>
    tpu.wait_dma2 semaphore(%arg6 : memref<!tpu.dma_semaphore, #tpu.memory_space<semaphore_mem>>) src(%arg3 : memref<16384xi32, #tpu.memory_space<vmem>>) dst(%dma_wait3A_1090 : memref<16384xi32, #tpu.memory_space<hbm>>)
    %dma_wait3A_1091 = arith.constant 1 : i32
    %dma_wait3A_1092 = tpu.memref_slice %arg2[%dma_wait3A_1091, %add3A_184] : memref<2x16777216xi32, #tpu.memory_space<hbm>> -> memref<1x16384xi32, #tpu.memory_space<hbm>>
    %dma_wait3A_1093 = tpu.memref_squeeze %dma_wait3A_1092 : memref<1x16384xi32, #tpu.memory_space<hbm>> -> memref<16384xi32, #tpu.memory_space<hbm>>
    %dma_wait3A_1094 = tpu.memref_slice %arg2[%dma_wait3A_1091, %add3A_184] : memref<2x16777216xi32, #tpu.memory_space<hbm>> -> memref<1x16384xi32, #tpu.memory_space<hbm>>
    %dma_wait3A_1095 = tpu.memref_squeeze %dma_wait3A_1094 : memref<1x16384xi32, #tpu.memory_space<hbm>> -> memref<16384xi32, #tpu.memory_space<hbm>>
    tpu.wait_dma2 semaphore(%arg6 : memref<!tpu.dma_semaphore, #tpu.memory_space<semaphore_mem>>) src(%arg3 : memref<16384xi32, #tpu.memory_space<vmem>>) dst(%dma_wait3A_1095 : memref<16384xi32, #tpu.memory_space<hbm>>)
    %dma_wait3A_1096 = arith.constant 1 : i32
    %dma_wait3A_1097 = tpu.memref_slice %arg2[%dma_wait3A_1096, %add3A_191] : memref<2x16777216xi32, #tpu.memory_space<hbm>> -> memref<1x16384xi32, #tpu.memory_space<hbm>>
    %dma_wait3A_1098 = tpu.memref_squeeze %dma_wait3A_1097 : memref<1x16384xi32, #tpu.memory_space<hbm>> -> memref<16384xi32, #tpu.memory_space<hbm>>
    %dma_wait3A_1099 = tpu.memref_slice %arg2[%dma_wait3A_1096, %add3A_191] : memref<2x16777216xi32, #tpu.memory_space<hbm>> -> memref<1x16384xi32, #tpu.memory_space<hbm>>
    %dma_wait3A_1100 = tpu.memref_squeeze %dma_wait3A_1099 : memref<1x16384xi32, #tpu.memory_space<hbm>> -> memref<16384xi32, #tpu.memory_space<hbm>>
    tpu.wait_dma2 semaphore(%arg6 : memref<!tpu.dma_semaphore, #tpu.memory_space<semaphore_mem>>) src(%arg3 : memref<16384xi32, #tpu.memory_space<vmem>>) dst(%dma_wait3A_1100 : memref<16384xi32, #tpu.memory_space<hbm>>)
    %dma_wait3A_1101 = arith.constant 1 : i32
    %dma_wait3A_1102 = tpu.memref_slice %arg2[%dma_wait3A_1101, %add3A_198] : memref<2x16777216xi32, #tpu.memory_space<hbm>> -> memref<1x16384xi32, #tpu.memory_space<hbm>>
    %dma_wait3A_1103 = tpu.memref_squeeze %dma_wait3A_1102 : memref<1x16384xi32, #tpu.memory_space<hbm>> -> memref<16384xi32, #tpu.memory_space<hbm>>
    %dma_wait3A_1104 = tpu.memref_slice %arg2[%dma_wait3A_1101, %add3A_198] : memref<2x16777216xi32, #tpu.memory_space<hbm>> -> memref<1x16384xi32, #tpu.memory_space<hbm>>
    %dma_wait3A_1105 = tpu.memref_squeeze %dma_wait3A_1104 : memref<1x16384xi32, #tpu.memory_space<hbm>> -> memref<16384xi32, #tpu.memory_space<hbm>>
    tpu.wait_dma2 semaphore(%arg6 : memref<!tpu.dma_semaphore, #tpu.memory_space<semaphore_mem>>) src(%arg3 : memref<16384xi32, #tpu.memory_space<vmem>>) dst(%dma_wait3A_1105 : memref<16384xi32, #tpu.memory_space<hbm>>)
    %dma_wait3A_1106 = arith.constant 1 : i32
    %dma_wait3A_1107 = tpu.memref_slice %arg2[%dma_wait3A_1106, %add3A_205] : memref<2x16777216xi32, #tpu.memory_space<hbm>> -> memref<1x16384xi32, #tpu.memory_space<hbm>>
    %dma_wait3A_1108 = tpu.memref_squeeze %dma_wait3A_1107 : memref<1x16384xi32, #tpu.memory_space<hbm>> -> memref<16384xi32, #tpu.memory_space<hbm>>
    %dma_wait3A_1109 = tpu.memref_slice %arg2[%dma_wait3A_1106, %add3A_205] : memref<2x16777216xi32, #tpu.memory_space<hbm>> -> memref<1x16384xi32, #tpu.memory_space<hbm>>
    %dma_wait3A_1110 = tpu.memref_squeeze %dma_wait3A_1109 : memref<1x16384xi32, #tpu.memory_space<hbm>> -> memref<16384xi32, #tpu.memory_space<hbm>>
    tpu.wait_dma2 semaphore(%arg6 : memref<!tpu.dma_semaphore, #tpu.memory_space<semaphore_mem>>) src(%arg3 : memref<16384xi32, #tpu.memory_space<vmem>>) dst(%dma_wait3A_1110 : memref<16384xi32, #tpu.memory_space<hbm>>)
    %dma_wait3A_1111 = arith.constant 1 : i32
    %dma_wait3A_1112 = tpu.memref_slice %arg2[%dma_wait3A_1111, %add3A_212] : memref<2x16777216xi32, #tpu.memory_space<hbm>> -> memref<1x16384xi32, #tpu.memory_space<hbm>>
    %dma_wait3A_1113 = tpu.memref_squeeze %dma_wait3A_1112 : memref<1x16384xi32, #tpu.memory_space<hbm>> -> memref<16384xi32, #tpu.memory_space<hbm>>
    %dma_wait3A_1114 = tpu.memref_slice %arg2[%dma_wait3A_1111, %add3A_212] : memref<2x16777216xi32, #tpu.memory_space<hbm>> -> memref<1x16384xi32, #tpu.memory_space<hbm>>
    %dma_wait3A_1115 = tpu.memref_squeeze %dma_wait3A_1114 : memref<1x16384xi32, #tpu.memory_space<hbm>> -> memref<16384xi32, #tpu.memory_space<hbm>>
    tpu.wait_dma2 semaphore(%arg6 : memref<!tpu.dma_semaphore, #tpu.memory_space<semaphore_mem>>) src(%arg3 : memref<16384xi32, #tpu.memory_space<vmem>>) dst(%dma_wait3A_1115 : memref<16384xi32, #tpu.memory_space<hbm>>)
    %dma_wait3A_1116 = arith.constant 1 : i32
    %dma_wait3A_1117 = tpu.memref_slice %arg2[%dma_wait3A_1116, %add3A_219] : memref<2x16777216xi32, #tpu.memory_space<hbm>> -> memref<1x16384xi32, #tpu.memory_space<hbm>>
    %dma_wait3A_1118 = tpu.memref_squeeze %dma_wait3A_1117 : memref<1x16384xi32, #tpu.memory_space<hbm>> -> memref<16384xi32, #tpu.memory_space<hbm>>
    %dma_wait3A_1119 = tpu.memref_slice %arg2[%dma_wait3A_1116, %add3A_219] : memref<2x16777216xi32, #tpu.memory_space<hbm>> -> memref<1x16384xi32, #tpu.memory_space<hbm>>
    %dma_wait3A_1120 = tpu.memref_squeeze %dma_wait3A_1119 : memref<1x16384xi32, #tpu.memory_space<hbm>> -> memref<16384xi32, #tpu.memory_space<hbm>>
    tpu.wait_dma2 semaphore(%arg6 : memref<!tpu.dma_semaphore, #tpu.memory_space<semaphore_mem>>) src(%arg3 : memref<16384xi32, #tpu.memory_space<vmem>>) dst(%dma_wait3A_1120 : memref<16384xi32, #tpu.memory_space<hbm>>)
    %dma_wait3A_1121 = arith.constant 1 : i32
    %dma_wait3A_1122 = tpu.memref_slice %arg2[%dma_wait3A_1121, %add3A_226] : memref<2x16777216xi32, #tpu.memory_space<hbm>> -> memref<1x16384xi32, #tpu.memory_space<hbm>>
    %dma_wait3A_1123 = tpu.memref_squeeze %dma_wait3A_1122 : memref<1x16384xi32, #tpu.memory_space<hbm>> -> memref<16384xi32, #tpu.memory_space<hbm>>
    %dma_wait3A_1124 = tpu.memref_slice %arg2[%dma_wait3A_1121, %add3A_226] : memref<2x16777216xi32, #tpu.memory_space<hbm>> -> memref<1x16384xi32, #tpu.memory_space<hbm>>
    %dma_wait3A_1125 = tpu.memref_squeeze %dma_wait3A_1124 : memref<1x16384xi32, #tpu.memory_space<hbm>> -> memref<16384xi32, #tpu.memory_space<hbm>>
    tpu.wait_dma2 semaphore(%arg6 : memref<!tpu.dma_semaphore, #tpu.memory_space<semaphore_mem>>) src(%arg3 : memref<16384xi32, #tpu.memory_space<vmem>>) dst(%dma_wait3A_1125 : memref<16384xi32, #tpu.memory_space<hbm>>)
    return
  }
}

module attributes {stable_mosaic.version = 14 : i64} {
  func.func @_samples_body(%arg0: i32, %arg1: memref<1x1xf32, #tpu.memory_space<smem>>, %arg2: memref<128x4096xf32, #tpu.memory_space<vmem>>, %arg3: memref<4096x128xf32, #tpu.memory_space<vmem>>) attributes {dimension_semantics = [#tpu.dimension_semantics<parallel>], iteration_bounds = array<i64: 32>, scalar_prefetch = 0 : i64, scratch_operands = 0 : i64, tpu.core_type = #tpu.core_type<tc>, window_params = [{transform_indices = @transform_0, window_bounds = array<i64: 1, 1>}, {transform_indices = @transform_1, window_bounds = array<i64: 128, 4096>}, {transform_indices = @transform_2, window_bounds = array<i64: 4096, 128>}]} {
    %iota3A = tpu.iota {dimensions = array<i32: 0>} : vector<128x4096xi32>
    %mul3A = arith.constant 128 : i32
    %mul3A_0 = arith.muli %arg0, %mul3A : i32
    %add3A = vector.broadcast %mul3A_0 : i32 to vector<128x4096xi32>
    %add3A_1 = arith.addi %iota3A, %add3A : vector<128x4096xi32>
    %iota3A_2 = tpu.iota {dimensions = array<i32: 1>} : vector<128x4096xi32>
    %mul3A_3 = arith.constant 4096 : i32
    %mul3A_4 = vector.broadcast %mul3A_3 : i32 to vector<128x4096xi32>
    %mul3A_5 = arith.muli %add3A_1, %mul3A_4 : vector<128x4096xi32>
    %add3A_6 = arith.addi %mul3A_5, %iota3A_2 : vector<128x4096xi32>
    %broadcast_in_dim3A = arith.constant 0 : i32
    %broadcast_in_dim3A_7 = vector.broadcast %broadcast_in_dim3A : i32 to vector<128x4096xi32>
    %add3A_8 = arith.constant 42 : i32
    %add3A_9 = vector.broadcast %add3A_8 : i32 to vector<128x4096xi32>
    %add3A_10 = arith.addi %add3A_6, %add3A_9 : vector<128x4096xi32>
    %add3A_11 = arith.addi %broadcast_in_dim3A_7, %add3A_10 : vector<128x4096xi32>
    %shift_left3A = arith.constant 13 : i32
    %shift_left3A_12 = vector.broadcast %shift_left3A : i32 to vector<128x4096xi32>
    %shift_left3A_13 = arith.shli %add3A_10, %shift_left3A_12 : vector<128x4096xi32>
    %shift_right_logical3A = arith.constant 19 : i32
    %shift_right_logical3A_14 = vector.broadcast %shift_right_logical3A : i32 to vector<128x4096xi32>
    %shift_right_logical3A_15 = arith.shrui %add3A_10, %shift_right_logical3A_14 : vector<128x4096xi32>
    %or3A = arith.ori %shift_left3A_13, %shift_right_logical3A_15 : vector<128x4096xi32>
    %xor3A = arith.xori %or3A, %add3A_11 : vector<128x4096xi32>
    %add3A_16 = arith.addi %add3A_11, %xor3A : vector<128x4096xi32>
    %shift_left3A_17 = arith.constant 15 : i32
    %shift_left3A_18 = vector.broadcast %shift_left3A_17 : i32 to vector<128x4096xi32>
    %shift_left3A_19 = arith.shli %xor3A, %shift_left3A_18 : vector<128x4096xi32>
    %shift_right_logical3A_20 = arith.constant 17 : i32
    %shift_right_logical3A_21 = vector.broadcast %shift_right_logical3A_20 : i32 to vector<128x4096xi32>
    %shift_right_logical3A_22 = arith.shrui %xor3A, %shift_right_logical3A_21 : vector<128x4096xi32>
    %or3A_23 = arith.ori %shift_left3A_19, %shift_right_logical3A_22 : vector<128x4096xi32>
    %xor3A_24 = arith.xori %or3A_23, %add3A_16 : vector<128x4096xi32>
    %add3A_25 = arith.addi %add3A_16, %xor3A_24 : vector<128x4096xi32>
    %shift_left3A_26 = arith.constant 26 : i32
    %shift_left3A_27 = vector.broadcast %shift_left3A_26 : i32 to vector<128x4096xi32>
    %shift_left3A_28 = arith.shli %xor3A_24, %shift_left3A_27 : vector<128x4096xi32>
    %shift_right_logical3A_29 = arith.constant 6 : i32
    %shift_right_logical3A_30 = vector.broadcast %shift_right_logical3A_29 : i32 to vector<128x4096xi32>
    %shift_right_logical3A_31 = arith.shrui %xor3A_24, %shift_right_logical3A_30 : vector<128x4096xi32>
    %or3A_32 = arith.ori %shift_left3A_28, %shift_right_logical3A_31 : vector<128x4096xi32>
    %xor3A_33 = arith.xori %or3A_32, %add3A_25 : vector<128x4096xi32>
    %add3A_34 = arith.addi %add3A_25, %xor3A_33 : vector<128x4096xi32>
    %shift_left3A_35 = arith.constant 6 : i32
    %shift_left3A_36 = vector.broadcast %shift_left3A_35 : i32 to vector<128x4096xi32>
    %shift_left3A_37 = arith.shli %xor3A_33, %shift_left3A_36 : vector<128x4096xi32>
    %shift_right_logical3A_38 = arith.constant 26 : i32
    %shift_right_logical3A_39 = vector.broadcast %shift_right_logical3A_38 : i32 to vector<128x4096xi32>
    %shift_right_logical3A_40 = arith.shrui %xor3A_33, %shift_right_logical3A_39 : vector<128x4096xi32>
    %or3A_41 = arith.ori %shift_left3A_37, %shift_right_logical3A_40 : vector<128x4096xi32>
    %xor3A_42 = arith.xori %or3A_41, %add3A_34 : vector<128x4096xi32>
    %add3A_43 = arith.constant 42 : i32
    %add3A_44 = vector.broadcast %add3A_43 : i32 to vector<128x4096xi32>
    %add3A_45 = arith.addi %add3A_34, %add3A_44 : vector<128x4096xi32>
    %add3A_46 = arith.constant 466689008 : i32
    %add3A_47 = vector.broadcast %add3A_46 : i32 to vector<128x4096xi32>
    %add3A_48 = arith.addi %xor3A_42, %add3A_47 : vector<128x4096xi32>
    %add3A_49 = arith.constant 1 : i32
    %add3A_50 = vector.broadcast %add3A_49 : i32 to vector<128x4096xi32>
    %add3A_51 = arith.addi %add3A_48, %add3A_50 : vector<128x4096xi32>
    %add3A_52 = arith.addi %add3A_45, %add3A_51 : vector<128x4096xi32>
    %shift_left3A_53 = arith.constant 17 : i32
    %shift_left3A_54 = vector.broadcast %shift_left3A_53 : i32 to vector<128x4096xi32>
    %shift_left3A_55 = arith.shli %add3A_51, %shift_left3A_54 : vector<128x4096xi32>
    %shift_right_logical3A_56 = arith.constant 15 : i32
    %shift_right_logical3A_57 = vector.broadcast %shift_right_logical3A_56 : i32 to vector<128x4096xi32>
    %shift_right_logical3A_58 = arith.shrui %add3A_51, %shift_right_logical3A_57 : vector<128x4096xi32>
    %or3A_59 = arith.ori %shift_left3A_55, %shift_right_logical3A_58 : vector<128x4096xi32>
    %xor3A_60 = arith.xori %or3A_59, %add3A_52 : vector<128x4096xi32>
    %add3A_61 = arith.addi %add3A_52, %xor3A_60 : vector<128x4096xi32>
    %shift_left3A_62 = arith.constant 29 : i32
    %shift_left3A_63 = vector.broadcast %shift_left3A_62 : i32 to vector<128x4096xi32>
    %shift_left3A_64 = arith.shli %xor3A_60, %shift_left3A_63 : vector<128x4096xi32>
    %shift_right_logical3A_65 = arith.constant 3 : i32
    %shift_right_logical3A_66 = vector.broadcast %shift_right_logical3A_65 : i32 to vector<128x4096xi32>
    %shift_right_logical3A_67 = arith.shrui %xor3A_60, %shift_right_logical3A_66 : vector<128x4096xi32>
    %or3A_68 = arith.ori %shift_left3A_64, %shift_right_logical3A_67 : vector<128x4096xi32>
    %xor3A_69 = arith.xori %or3A_68, %add3A_61 : vector<128x4096xi32>
    %add3A_70 = arith.addi %add3A_61, %xor3A_69 : vector<128x4096xi32>
    %shift_left3A_71 = arith.constant 16 : i32
    %shift_left3A_72 = vector.broadcast %shift_left3A_71 : i32 to vector<128x4096xi32>
    %shift_left3A_73 = arith.shli %xor3A_69, %shift_left3A_72 : vector<128x4096xi32>
    %shift_right_logical3A_74 = arith.constant 16 : i32
    %shift_right_logical3A_75 = vector.broadcast %shift_right_logical3A_74 : i32 to vector<128x4096xi32>
    %shift_right_logical3A_76 = arith.shrui %xor3A_69, %shift_right_logical3A_75 : vector<128x4096xi32>
    %or3A_77 = arith.ori %shift_left3A_73, %shift_right_logical3A_76 : vector<128x4096xi32>
    %xor3A_78 = arith.xori %or3A_77, %add3A_70 : vector<128x4096xi32>
    %add3A_79 = arith.addi %add3A_70, %xor3A_78 : vector<128x4096xi32>
    %shift_left3A_80 = arith.constant 24 : i32
    %shift_left3A_81 = vector.broadcast %shift_left3A_80 : i32 to vector<128x4096xi32>
    %shift_left3A_82 = arith.shli %xor3A_78, %shift_left3A_81 : vector<128x4096xi32>
    %shift_right_logical3A_83 = arith.constant 8 : i32
    %shift_right_logical3A_84 = vector.broadcast %shift_right_logical3A_83 : i32 to vector<128x4096xi32>
    %shift_right_logical3A_85 = arith.shrui %xor3A_78, %shift_right_logical3A_84 : vector<128x4096xi32>
    %or3A_86 = arith.ori %shift_left3A_82, %shift_right_logical3A_85 : vector<128x4096xi32>
    %xor3A_87 = arith.xori %or3A_86, %add3A_79 : vector<128x4096xi32>
    %add3A_88 = arith.constant 466689008 : i32
    %add3A_89 = vector.broadcast %add3A_88 : i32 to vector<128x4096xi32>
    %add3A_90 = arith.addi %add3A_79, %add3A_89 : vector<128x4096xi32>
    %add3A_91 = arith.constant 0 : i32
    %add3A_92 = vector.broadcast %add3A_91 : i32 to vector<128x4096xi32>
    %add3A_93 = arith.addi %xor3A_87, %add3A_92 : vector<128x4096xi32>
    %add3A_94 = arith.constant 2 : i32
    %add3A_95 = vector.broadcast %add3A_94 : i32 to vector<128x4096xi32>
    %add3A_96 = arith.addi %add3A_93, %add3A_95 : vector<128x4096xi32>
    %add3A_97 = arith.addi %add3A_90, %add3A_96 : vector<128x4096xi32>
    %shift_left3A_98 = arith.constant 13 : i32
    %shift_left3A_99 = vector.broadcast %shift_left3A_98 : i32 to vector<128x4096xi32>
    %shift_left3A_100 = arith.shli %add3A_96, %shift_left3A_99 : vector<128x4096xi32>
    %shift_right_logical3A_101 = arith.constant 19 : i32
    %shift_right_logical3A_102 = vector.broadcast %shift_right_logical3A_101 : i32 to vector<128x4096xi32>
    %shift_right_logical3A_103 = arith.shrui %add3A_96, %shift_right_logical3A_102 : vector<128x4096xi32>
    %or3A_104 = arith.ori %shift_left3A_100, %shift_right_logical3A_103 : vector<128x4096xi32>
    %xor3A_105 = arith.xori %or3A_104, %add3A_97 : vector<128x4096xi32>
    %add3A_106 = arith.addi %add3A_97, %xor3A_105 : vector<128x4096xi32>
    %shift_left3A_107 = arith.constant 15 : i32
    %shift_left3A_108 = vector.broadcast %shift_left3A_107 : i32 to vector<128x4096xi32>
    %shift_left3A_109 = arith.shli %xor3A_105, %shift_left3A_108 : vector<128x4096xi32>
    %shift_right_logical3A_110 = arith.constant 17 : i32
    %shift_right_logical3A_111 = vector.broadcast %shift_right_logical3A_110 : i32 to vector<128x4096xi32>
    %shift_right_logical3A_112 = arith.shrui %xor3A_105, %shift_right_logical3A_111 : vector<128x4096xi32>
    %or3A_113 = arith.ori %shift_left3A_109, %shift_right_logical3A_112 : vector<128x4096xi32>
    %xor3A_114 = arith.xori %or3A_113, %add3A_106 : vector<128x4096xi32>
    %add3A_115 = arith.addi %add3A_106, %xor3A_114 : vector<128x4096xi32>
    %shift_left3A_116 = arith.constant 26 : i32
    %shift_left3A_117 = vector.broadcast %shift_left3A_116 : i32 to vector<128x4096xi32>
    %shift_left3A_118 = arith.shli %xor3A_114, %shift_left3A_117 : vector<128x4096xi32>
    %shift_right_logical3A_119 = arith.constant 6 : i32
    %shift_right_logical3A_120 = vector.broadcast %shift_right_logical3A_119 : i32 to vector<128x4096xi32>
    %shift_right_logical3A_121 = arith.shrui %xor3A_114, %shift_right_logical3A_120 : vector<128x4096xi32>
    %or3A_122 = arith.ori %shift_left3A_118, %shift_right_logical3A_121 : vector<128x4096xi32>
    %xor3A_123 = arith.xori %or3A_122, %add3A_115 : vector<128x4096xi32>
    %add3A_124 = arith.addi %add3A_115, %xor3A_123 : vector<128x4096xi32>
    %shift_left3A_125 = arith.constant 6 : i32
    %shift_left3A_126 = vector.broadcast %shift_left3A_125 : i32 to vector<128x4096xi32>
    %shift_left3A_127 = arith.shli %xor3A_123, %shift_left3A_126 : vector<128x4096xi32>
    %shift_right_logical3A_128 = arith.constant 26 : i32
    %shift_right_logical3A_129 = vector.broadcast %shift_right_logical3A_128 : i32 to vector<128x4096xi32>
    %shift_right_logical3A_130 = arith.shrui %xor3A_123, %shift_right_logical3A_129 : vector<128x4096xi32>
    %or3A_131 = arith.ori %shift_left3A_127, %shift_right_logical3A_130 : vector<128x4096xi32>
    %xor3A_132 = arith.xori %or3A_131, %add3A_124 : vector<128x4096xi32>
    %add3A_133 = arith.constant 0 : i32
    %add3A_134 = vector.broadcast %add3A_133 : i32 to vector<128x4096xi32>
    %add3A_135 = arith.addi %add3A_124, %add3A_134 : vector<128x4096xi32>
    %add3A_136 = arith.constant 42 : i32
    %add3A_137 = vector.broadcast %add3A_136 : i32 to vector<128x4096xi32>
    %add3A_138 = arith.addi %xor3A_132, %add3A_137 : vector<128x4096xi32>
    %add3A_139 = arith.constant 3 : i32
    %add3A_140 = vector.broadcast %add3A_139 : i32 to vector<128x4096xi32>
    %add3A_141 = arith.addi %add3A_138, %add3A_140 : vector<128x4096xi32>
    %add3A_142 = arith.addi %add3A_135, %add3A_141 : vector<128x4096xi32>
    %shift_left3A_143 = arith.constant 17 : i32
    %shift_left3A_144 = vector.broadcast %shift_left3A_143 : i32 to vector<128x4096xi32>
    %shift_left3A_145 = arith.shli %add3A_141, %shift_left3A_144 : vector<128x4096xi32>
    %shift_right_logical3A_146 = arith.constant 15 : i32
    %shift_right_logical3A_147 = vector.broadcast %shift_right_logical3A_146 : i32 to vector<128x4096xi32>
    %shift_right_logical3A_148 = arith.shrui %add3A_141, %shift_right_logical3A_147 : vector<128x4096xi32>
    %or3A_149 = arith.ori %shift_left3A_145, %shift_right_logical3A_148 : vector<128x4096xi32>
    %xor3A_150 = arith.xori %or3A_149, %add3A_142 : vector<128x4096xi32>
    %add3A_151 = arith.addi %add3A_142, %xor3A_150 : vector<128x4096xi32>
    %shift_left3A_152 = arith.constant 29 : i32
    %shift_left3A_153 = vector.broadcast %shift_left3A_152 : i32 to vector<128x4096xi32>
    %shift_left3A_154 = arith.shli %xor3A_150, %shift_left3A_153 : vector<128x4096xi32>
    %shift_right_logical3A_155 = arith.constant 3 : i32
    %shift_right_logical3A_156 = vector.broadcast %shift_right_logical3A_155 : i32 to vector<128x4096xi32>
    %shift_right_logical3A_157 = arith.shrui %xor3A_150, %shift_right_logical3A_156 : vector<128x4096xi32>
    %or3A_158 = arith.ori %shift_left3A_154, %shift_right_logical3A_157 : vector<128x4096xi32>
    %xor3A_159 = arith.xori %or3A_158, %add3A_151 : vector<128x4096xi32>
    %add3A_160 = arith.addi %add3A_151, %xor3A_159 : vector<128x4096xi32>
    %shift_left3A_161 = arith.constant 16 : i32
    %shift_left3A_162 = vector.broadcast %shift_left3A_161 : i32 to vector<128x4096xi32>
    %shift_left3A_163 = arith.shli %xor3A_159, %shift_left3A_162 : vector<128x4096xi32>
    %shift_right_logical3A_164 = arith.constant 16 : i32
    %shift_right_logical3A_165 = vector.broadcast %shift_right_logical3A_164 : i32 to vector<128x4096xi32>
    %shift_right_logical3A_166 = arith.shrui %xor3A_159, %shift_right_logical3A_165 : vector<128x4096xi32>
    %or3A_167 = arith.ori %shift_left3A_163, %shift_right_logical3A_166 : vector<128x4096xi32>
    %xor3A_168 = arith.xori %or3A_167, %add3A_160 : vector<128x4096xi32>
    %add3A_169 = arith.addi %add3A_160, %xor3A_168 : vector<128x4096xi32>
    %shift_left3A_170 = arith.constant 24 : i32
    %shift_left3A_171 = vector.broadcast %shift_left3A_170 : i32 to vector<128x4096xi32>
    %shift_left3A_172 = arith.shli %xor3A_168, %shift_left3A_171 : vector<128x4096xi32>
    %shift_right_logical3A_173 = arith.constant 8 : i32
    %shift_right_logical3A_174 = vector.broadcast %shift_right_logical3A_173 : i32 to vector<128x4096xi32>
    %shift_right_logical3A_175 = arith.shrui %xor3A_168, %shift_right_logical3A_174 : vector<128x4096xi32>
    %or3A_176 = arith.ori %shift_left3A_172, %shift_right_logical3A_175 : vector<128x4096xi32>
    %xor3A_177 = arith.xori %or3A_176, %add3A_169 : vector<128x4096xi32>
    %add3A_178 = arith.constant 42 : i32
    %add3A_179 = vector.broadcast %add3A_178 : i32 to vector<128x4096xi32>
    %add3A_180 = arith.addi %add3A_169, %add3A_179 : vector<128x4096xi32>
    %add3A_181 = arith.constant 466689008 : i32
    %add3A_182 = vector.broadcast %add3A_181 : i32 to vector<128x4096xi32>
    %add3A_183 = arith.addi %xor3A_177, %add3A_182 : vector<128x4096xi32>
    %add3A_184 = arith.constant 4 : i32
    %add3A_185 = vector.broadcast %add3A_184 : i32 to vector<128x4096xi32>
    %add3A_186 = arith.addi %add3A_183, %add3A_185 : vector<128x4096xi32>
    %add3A_187 = arith.addi %add3A_180, %add3A_186 : vector<128x4096xi32>
    %shift_left3A_188 = arith.constant 13 : i32
    %shift_left3A_189 = vector.broadcast %shift_left3A_188 : i32 to vector<128x4096xi32>
    %shift_left3A_190 = arith.shli %add3A_186, %shift_left3A_189 : vector<128x4096xi32>
    %shift_right_logical3A_191 = arith.constant 19 : i32
    %shift_right_logical3A_192 = vector.broadcast %shift_right_logical3A_191 : i32 to vector<128x4096xi32>
    %shift_right_logical3A_193 = arith.shrui %add3A_186, %shift_right_logical3A_192 : vector<128x4096xi32>
    %or3A_194 = arith.ori %shift_left3A_190, %shift_right_logical3A_193 : vector<128x4096xi32>
    %xor3A_195 = arith.xori %or3A_194, %add3A_187 : vector<128x4096xi32>
    %add3A_196 = arith.addi %add3A_187, %xor3A_195 : vector<128x4096xi32>
    %shift_left3A_197 = arith.constant 15 : i32
    %shift_left3A_198 = vector.broadcast %shift_left3A_197 : i32 to vector<128x4096xi32>
    %shift_left3A_199 = arith.shli %xor3A_195, %shift_left3A_198 : vector<128x4096xi32>
    %shift_right_logical3A_200 = arith.constant 17 : i32
    %shift_right_logical3A_201 = vector.broadcast %shift_right_logical3A_200 : i32 to vector<128x4096xi32>
    %shift_right_logical3A_202 = arith.shrui %xor3A_195, %shift_right_logical3A_201 : vector<128x4096xi32>
    %or3A_203 = arith.ori %shift_left3A_199, %shift_right_logical3A_202 : vector<128x4096xi32>
    %xor3A_204 = arith.xori %or3A_203, %add3A_196 : vector<128x4096xi32>
    %add3A_205 = arith.addi %add3A_196, %xor3A_204 : vector<128x4096xi32>
    %shift_left3A_206 = arith.constant 26 : i32
    %shift_left3A_207 = vector.broadcast %shift_left3A_206 : i32 to vector<128x4096xi32>
    %shift_left3A_208 = arith.shli %xor3A_204, %shift_left3A_207 : vector<128x4096xi32>
    %shift_right_logical3A_209 = arith.constant 6 : i32
    %shift_right_logical3A_210 = vector.broadcast %shift_right_logical3A_209 : i32 to vector<128x4096xi32>
    %shift_right_logical3A_211 = arith.shrui %xor3A_204, %shift_right_logical3A_210 : vector<128x4096xi32>
    %or3A_212 = arith.ori %shift_left3A_208, %shift_right_logical3A_211 : vector<128x4096xi32>
    %xor3A_213 = arith.xori %or3A_212, %add3A_205 : vector<128x4096xi32>
    %add3A_214 = arith.addi %add3A_205, %xor3A_213 : vector<128x4096xi32>
    %shift_left3A_215 = arith.constant 6 : i32
    %shift_left3A_216 = vector.broadcast %shift_left3A_215 : i32 to vector<128x4096xi32>
    %shift_left3A_217 = arith.shli %xor3A_213, %shift_left3A_216 : vector<128x4096xi32>
    %shift_right_logical3A_218 = arith.constant 26 : i32
    %shift_right_logical3A_219 = vector.broadcast %shift_right_logical3A_218 : i32 to vector<128x4096xi32>
    %shift_right_logical3A_220 = arith.shrui %xor3A_213, %shift_right_logical3A_219 : vector<128x4096xi32>
    %or3A_221 = arith.ori %shift_left3A_217, %shift_right_logical3A_220 : vector<128x4096xi32>
    %xor3A_222 = arith.xori %or3A_221, %add3A_214 : vector<128x4096xi32>
    %add3A_223 = arith.constant 466689008 : i32
    %add3A_224 = vector.broadcast %add3A_223 : i32 to vector<128x4096xi32>
    %add3A_225 = arith.addi %add3A_214, %add3A_224 : vector<128x4096xi32>
    %add3A_226 = arith.constant 0 : i32
    %add3A_227 = vector.broadcast %add3A_226 : i32 to vector<128x4096xi32>
    %add3A_228 = arith.addi %xor3A_222, %add3A_227 : vector<128x4096xi32>
    %add3A_229 = arith.constant 5 : i32
    %add3A_230 = vector.broadcast %add3A_229 : i32 to vector<128x4096xi32>
    %add3A_231 = arith.addi %add3A_228, %add3A_230 : vector<128x4096xi32>
    %xor3A_232 = arith.xori %add3A_225, %add3A_231 : vector<128x4096xi32>
    %shift_right_logical3A_233 = arith.constant 9 : i32
    %shift_right_logical3A_234 = vector.broadcast %shift_right_logical3A_233 : i32 to vector<128x4096xi32>
    %shift_right_logical3A_235 = arith.shrui %xor3A_232, %shift_right_logical3A_234 : vector<128x4096xi32>
    %or3A_236 = arith.constant 1065353216 : i32
    %or3A_237 = vector.broadcast %or3A_236 : i32 to vector<128x4096xi32>
    %or3A_238 = arith.ori %shift_right_logical3A_235, %or3A_237 : vector<128x4096xi32>
    %bitcast_convert_type3A = tpu.bitcast %or3A_238 : vector<128x4096xi32> -> vector<128x4096xf32>
    %sub3A = arith.constant 1.000000e+00 : f32
    %sub3A_239 = vector.broadcast %sub3A : f32 to vector<128x4096xf32>
    %sub3A_240 = arith.subf %bitcast_convert_type3A, %sub3A_239 : vector<128x4096xf32>
    %get3A = arith.constant 0 : index
    %get3A_241 = arith.constant 0 : index
    %get3A_242 = vector.load %arg2[%get3A, %get3A_241] : memref<128x4096xf32, #tpu.memory_space<vmem>>, vector<128x4096xf32>
    %logistic3A = arith.negf %get3A_242 : vector<128x4096xf32>
    %logistic3A_243 = math.exp %logistic3A : vector<128x4096xf32>
    %logistic3A_244 = arith.constant 1.000000e+00 : f32
    %logistic3A_245 = vector.broadcast %logistic3A_244 : f32 to vector<128x4096xf32>
    %logistic3A_246 = arith.addf %logistic3A_245, %logistic3A_243 : vector<128x4096xf32>
    %logistic3A_247 = arith.divf %logistic3A_245, %logistic3A_246 : vector<128x4096xf32>
    %get3A_248 = arith.constant 0 : index
    %get3A_249 = arith.constant 0 : index
    %get3A_250 = memref.load %arg1[%get3A_248, %get3A_249] : memref<1x1xf32, #tpu.memory_space<smem>>
    %lt3A = arith.cmpf olt, %sub3A_240, %logistic3A_247 : vector<128x4096xf32>
    %jit3A = arith.constant 0.000000e+00 : f32
    %broadcast_in_dim3A_251 = vector.broadcast %get3A_250 : f32 to vector<128x4096xf32>
    %broadcast_in_dim3A_252 = vector.broadcast %jit3A : f32 to vector<128x4096xf32>
    %select_n3A = arith.select %lt3A, %broadcast_in_dim3A_251, %broadcast_in_dim3A_252 : vector<128x4096xi1>, vector<128x4096xf32>
    %reshape3A = vector.shape_cast %select_n3A : vector<128x4096xf32> to vector<4096x128xf32>
    %swap3A = arith.constant 0 : index
    %swap3A_253 = arith.constant 0 : index
    %swap3A_254 = vector.load %arg3[%swap3A, %swap3A_253] : memref<4096x128xf32, #tpu.memory_space<vmem>>, vector<4096x128xf32>
    tpu.vector_store %arg3[%swap3A, %swap3A_253], %reshape3A {strides = array<i32>} : memref<4096x128xf32, #tpu.memory_space<vmem>>, vector<4096x128xf32>,
    return
  }
  func.func @transform_0(%arg0: i32) -> (i32, i32) {
    %c0_i32 = arith.constant 0 : i32
    %c0_i32_0 = arith.constant 0 : i32
    %c0_i32_1 = arith.constant 0 : i32
    return %c0_i32, %c0_i32_0 : i32, i32
  }
  func.func @transform_1(%arg0: i32) -> (i32, i32) {
    %c0_i32 = arith.constant 0 : i32
    %c0_i32_0 = arith.constant 0 : i32
    return %arg0, %c0_i32 : i32, i32
  }
  func.func @transform_2(%arg0: i32) -> (i32, i32) {
    %c0_i32 = arith.constant 0 : i32
    %c0_i32_0 = arith.constant 0 : i32
    return %arg0, %c0_i32 : i32, i32
  }
}

</mosaic_0001>

<sc_bundles>
// kernel: kernel.4.cloned.1.call-start
scs
__scs_entry_jumppad:
0x0: {  	(pc) =	sbr.rel $0x88, $3  }
0x1: {  	(tag) =	ssettag $0x0;
	lr =	simm.s32 $0x1  }
0x2: {  	[smem:$0x3F9F] =	sst lr;
	_ =	strace $0xD0000000  }
0x3: {  	_ = 	snop  }
0x4: {  	_ = 	snop  }
0x5: {  	_ = 	snop  }
0x6: {  	_ = 	snop  }
0x7: {  	_ = 	snop  }
__scs_overlays_trampoline_lowered:
0x8: {  	[smem:$0x3FAE] =	sst s0  }
0x9: {  	[smem:$0x3FAF] =	sst s1  }
0xa: {  	[smem:$0x3FB0] =	sst s2  }
0xb: {  	[smem:$0x3FB1] =	sst s3  }
0xc: {  	[smem:$0x3FB2] =	sst s4  }
0xd: {  	[smem:$0x3FB3] =	sst s5  }
0xe: {  	[smem:$0x3FB4] =	sst s6  }
0xf: {  	[smem:$0x3FB5] =	sst s7  }
0x10: {  	[smem:$0x3FB6] =	sst s8  }
0x11: {  	[smem:$0x3FB7] =	sst s9;
	s0 =	simm.s32 @!p0 $0x0  }
0x12: {  	s1 =	sld [smem:$0x3F9D];
	s0 =	simm.s32 @p0 $0x1  }
0x13: {  	[smem:$0x3FB8] =	sst s0;
	s0 =	simm.s32 @!p1 $0x0  }
0x14: {  	s2 =	sld [smem:$0x3F9C];
	s0 =	simm.s32 @p1 $0x1  }
0x15: {  	[smem:$0x3FB9] =	sst s0;
	s0 =	simm.s32 @!p2 $0x0  }
0x16: {  	s3 =	sld [smem:$0x3FDB];
	s0 =	simm.s32 @p2 $0x1  }
0x17: {  	s4 =	simm.s32 $0x1BF5;
	[smem:$0x3FBB] =	sst s0  }
0x18: {  	s0 =	sld [smem:$0x3F9E];
	_ =	swait.ge [sflag:s4], $0x0  }
0x19: {  	s7 =	sld [smem:$0x3F9F]  }
0x1a: {  	s8 =	sadd.s32 $0xFFFFE003, lr  }
0x1b: {  	s9 =	sadd.s32 $0xFFFFFEF7, lr;
	s5 =	simm.s32 $0xFFFFFFFF;
	p2 =	slt.u32 s8, $0xFFFFF086  }
0x1c: {  	p1 =	slt.u32 s9, $0xF7A;
	s5 =	simm.s32 @!p2 $0x0  }
0x1d: {  	s5 =	simm.s32 @p1 $0x1;
	p0 =	seq.s32 s7, s2  }
0x1e: {  	s7 =	smul.u32 @!p0 $0xF7A, s2;
	p2 =	seq.s32 @!p0 s5, $0x0  }
0x1f: {  	s9 =	smul.u32 $0xF7A, s1;
	s8 =	simm.s32 @!p0 $0x1BF5;
	p2 =	por !p2, p0  }
0x20: {  	[sflag:s8] =	ssyncset.s32 @!p0 $0xFFFFF086;
	s6 =	sadd.s32 @!p0 s3, s7;
	s7 =	simm.s32 @!p0 $0x108  }
0x21: {  	s3 =	sadd.s32 s3, s9;
	s6 =	sadd.s32 @!p0 $0x88, s6;
	s7 =	simm.s32 @p2 $0x1082  }
0x22: {  	[simem:s7], [sflag:s8] =	dma.local @!p0 [hbm:s6], $0xF7A  }
0x23: {  	s9 =	sor.u32 $0xD0000000, s2;
	s6 =	simm.s32 $0x108;
	_ =	swait.ge @!p0 [sflag:s8], $0x0  }
0x24: {  	s3 =	sadd.s32 $0x88, s3;
	s6 =	simm.s32 @!p1 $0x1082;
	[sflag:s4] =	ssyncset.s32 $0xFFFFF086  }
0x25: {  	[simem:s6], [sflag:s4] =	dma.local [hbm:s3], $0xF7A  }
0x26: {  	[smem:$0x3F9F] =	sst s1;
	(tag) =	ssettag s2;
	_ =	strace s9  }
0x27: {  	s1 =	sld [smem:$0x3FAF]  }
0x28: {  	s2 =	sld [smem:$0x3FB0]  }
0x29: {  	s4 =	sld [smem:$0x3FB2]  }
0x2a: {  	p0 =	seq.s32 s5, $0x0;
	s5 =	sld [smem:$0x3FB3]  }
0x2b: {  	s6 =	sld [smem:$0x3FB4]  }
0x2c: {  	s7 =	sld [smem:$0x3FB5]  }
0x2d: {  	s3 =	simm.s32 $0x108;
	s8 =	sld [smem:$0x3FB6]  }
0x2e: {  	s3 =	simm.s32 @!p0 $0x1082;
	s9 =	sld [smem:$0x3FB7]  }
0x2f: {  	lr =	sadd.s32 s0, s3;
	s0 =	sld [smem:$0x3FAE]  }
0x30: {  	s3 =	sld [smem:$0x3FB1]  }
0x31: {  	[smem:$0x3FBA] =	sst s10  }
0x32: {  	s10 =	sld [smem:$0x3FB8];
	_ =	sdelay $0x3  }
0x33: {  	p0 =	seq.s32 s10, $0x1;
	s10 =	sld [smem:$0x3FBA];
	_ =	sdelay $0x3  }
0x34: {  	[smem:$0x3FBA] =	sst s10  }
0x35: {  	s10 =	sld [smem:$0x3FB9];
	_ =	sdelay $0x3  }
0x36: {  	p1 =	seq.s32 s10, $0x1;
	s10 =	sld [smem:$0x3FBA];
	_ =	sdelay $0x3  }
0x37: {  	[smem:$0x3FBA] =	sst s10  }
0x38: {  	s10 =	sld [smem:$0x3FBB]  }
0x39: {  	_ = 	snop;
	(pc) =	sbr.ind lr, $3  }
0x3a: {  	_ = 	snop  }
0x3b: {  	_ = 	snop  }
0x3c: {  	p2 =	seq.s32 s10, $0x1;
	s10 =	sld [smem:$0x3FBA]  }
0x3d: {  	_ =	shalt  }
0x3e: {  	_ =	shalt  }
0x3f: {  	_ =	shalt  }
0x40: {  	_ =	shalt  }
0x41: {  	_ =	shalt  }
0x42: {  	_ =	shalt  }
0x43: {  	_ =	shalt  }
0x44: {  	_ =	shalt  }
0x45: {  	_ =	shalt  }
0x46: {  	_ =	shalt  }
0x47: {  	_ =	shalt  }
0x48: {  	_ =	shalt  }
0x49: {  	_ =	shalt  }
0x4a: {  	_ =	shalt  }
0x4b: {  	_ =	shalt  }
0x4c: {  	_ =	shalt  }
0x4d: {  	_ =	shalt  }
0x4e: {  	_ =	shalt  }
0x4f: {  	_ =	shalt  }
0x50: {  	_ =	shalt  }
0x51: {  	_ =	shalt  }
0x52: {  	_ =	shalt  }
0x53: {  	_ =	shalt  }
0x54: {  	_ =	shalt  }
0x55: {  	_ =	shalt  }
0x56: {  	_ =	shalt  }
0x57: {  	_ =	shalt  }
0x58: {  	_ =	shalt  }
0x59: {  	_ =	shalt  }
0x5a: {  	_ =	shalt  }
0x5b: {  	_ =	shalt  }
0x5c: {  	_ =	shalt  }
0x5d: {  	_ =	shalt  }
0x5e: {  	_ =	shalt  }
0x5f: {  	_ =	shalt  }
0x60: {  	_ =	shalt  }
0x61: {  	_ =	shalt  }
0x62: {  	_ =	shalt  }
0x63: {  	_ =	shalt  }
0x64: {  	_ =	shalt  }
0x65: {  	_ =	shalt  }
0x66: {  	_ =	shalt  }
0x67: {  	_ =	shalt  }
0x68: {  	_ =	shalt  }
0x69: {  	_ =	shalt  }
0x6a: {  	_ =	shalt  }
0x6b: {  	_ =	shalt  }
0x6c: {  	_ =	shalt  }
0x6d: {  	_ =	shalt  }
0x6e: {  	_ =	shalt  }
0x6f: {  	_ =	shalt  }
0x70: {  	_ =	shalt  }
0x71: {  	_ =	shalt  }
0x72: {  	_ =	shalt  }
0x73: {  	_ =	shalt  }
0x74: {  	_ =	shalt  }
0x75: {  	_ =	shalt  }
0x76: {  	_ =	shalt  }
0x77: {  	_ =	shalt  }
0x78: {  	_ =	shalt  }
0x79: {  	_ =	shalt  }
0x7a: {  	_ =	shalt  }
0x7b: {  	_ =	shalt  }
0x7c: {  	_ =	shalt  }
0x7d: {  	_ =	shalt  }
0x7e: {  	_ =	shalt  }
0x7f: {  	_ =	shalt  }
0x80: {  	_ =	shalt  }
0x81: {  	_ =	shalt  }
0x82: {  	_ =	shalt  }
0x83: {  	_ =	shalt  }
0x84: {  	_ =	shalt  }
0x85: {  	_ =	shalt  }
0x86: {  	_ =	shalt  }
0x87: {  	_ =	shalt  }
.Lfunc_end0:
.L_simem_size_0:
called_computation_lowered:
.L_overlay_start_0:
0x88: {  	s2 =	sld [smem:$0x3FD9]  }
0x89: {  	s3 =	sld [smem:$0x3FFE];
	_ =	sdelay $0x1  }
0x8a: {  	s1 =	srdreg.scid  }
0x8b: {  	s0 =	sand.u32 $0x1, s1  }
0x8c: {  	s15 =	sshll.u32 s0, $0xA;
	s2 =	sadd.s32 s3, s2  }
0x8d: {  	s2 =	sadd.s32 s2, s15  }
0x8e: {  	[smem:$0x3FC6] =	sst s2  }
0x8f: {  	_ = 	snop  }
0x90: {  	s2 =	sld [smem:$0x3FD0];
	_ =	sdelay $0x2  }
0x91: {  	s16 =	simm.s32 $0xA;
	s4 =	simm.s32 $0x10  }
0x92: {  	[smem:s4], [sflag:s16] =	dma.local [hbm:s2], $0x1  }
0x93: {  	_ =	swait.eq [sflag:s16], $0x1  }
0x94: {  	[sflag:s16] =	ssyncset.done $0x0  }
0x95: {  	[sflag:s16] =	ssyncadd.s32 $0xFFFFFFFF  }
0x96: {  	s17 =	sld [smem:$0x10];
	(tm) =	ssettm $0x1  }
0x97: {  	s18 =	sld [smem:$0x3FFB];
	_ =	sdelay $0x3  }
0x98: {  	_ =	strace s18  }
0x99: {  	s3 =	sld [smem:$0x3FFC];
	_ =	sdelay $0x3  }
0x9a: {  	_ =	strace s3  }
0x9b: {  	s3 =	sld [smem:$0x3FFD];
	_ =	sdelay $0x3  }
0x9c: {  	_ =	strace s3  }
0x9d: {  	_ =	strace $0x8FFFFFFF  }
0x9e: {  	s19 =	sld [smem:$0x3FDB];
	_ =	sdelay $0x1  }
0x9f: {  	s20 =	simm.s32 $_scs_section_size  }
0xa0: {  	s5 =	simm.s32 $_size__tile_overlayer_lowered;
	s6 =	simm.s32 $_tile_overlayer_lowered  }
0xa1: {  	s23 =	simm.s32 $0x1BFF;
	s22 =	sshll.u32 s6, $0x1;
	s3 =	sadd.s32 s20, s19  }
0xa2: {  	s7 =	simm.s32 $0x0;
	s21 =	sshll.u32 s5, $0x1;
	s5 =	sadd.s32 s22, s3  }
0xa3: {  	[timem:s7], [sflag:s23] =	dma.local [hbm:s5], s21  }
0xa4: {  	_ =	swait.ge [sflag:s23], s21  }
0xa5: {  	s4 =	ssub.s32 $0x0, s21;
	[sflag:s23] =	ssyncset.done $0x0  }
0xa6: {  	[sflag:s23] =	ssyncadd.s32 s4;
	_ =	sdelay $0x1  }
0xa7: {  	s24 =	simm.s32 $0x1B8B  }
0xa8: {  	_ =	swait.ge [sflag:s24], $0x1  }
0xa9: {  	[sflag:s24] =	ssyncset.done $0x0  }
0xaa: {  	s25 =	simm.s32 $0x1B8E;
	[sflag:s24] =	ssyncadd.s32 $0xFFFFFFFF  }
0xab: {  	s26 =	simm.s32 $execute0_lowered;
	[smem:$0x3FD2] =	sst s25  }
0xac: {  	s4 =	sshll.u32 s26, $0x1;
	_ =	strace $0x80000046;
	[dreg:$0x1] =	wrdreg $0xFFFFFFFF  }
0xad: {  	s28 =	simm.s32 $_size_execute0_lowered;
	s3 =	sadd.s32 s3, s4;
	[dreg:$0x0] =	wrdreg $0x0  }
0xae: {  	s4 =	sshll.u32 s28, $0x1;
	[dreg:$0x2] =	wrdreg s3  }
0xaf: {  	[dreg:$0x3] =	wrdreg s4  }
0xb0: {  	[dreg:$0x4] =	wrdreg $0xC0  }
0xb1: {  	_ =	task [dreg:s7], $0x5FFFF  }
0xb2: {  	[dreg:$0x1] =	wrdreg $0xFFFFFFFF  }
0xb3: {  	[dreg:$0x0] =	wrdreg $0x60  }
0xb4: {  	[dreg:$0x2] =	wrdreg s17  }
0xb5: {  	[dreg:$0x3] =	wrdreg $0x9  }
0xb6: {  	_ =	task.clear_ibuf [dreg:s7], $0x4FFFF;
	_ =	strace $0x90000046  }
0xb7: {  	s29 =	simm.s32 $0x9;
	_ =	strace $0x80000048  }
0xb8: {  	_ =	swait.ge [sflag:s29], $0x1  }
0xb9: {  	[sflag:s29] =	ssyncadd.s32 $0xFFFFFFFF  }
0xba: {  	_ =	strace $0x90000048  }
0xbb: {  	_ =	sfence  }
0xbc: {  	s30 =	sld [smem:$0x0];
	_ =	sdelay $0x2  }
0xbd: {  	s31 =	sshll.u32 s1, $0xD;
	s1 =	sshrl.u32 s1, $0x2  }
0xbe: {  	s3 =	sand.u32 $0x4000, s31;
	s1 =	sadd.s32 s1, s30  }
0xbf: {  	s0 =	sor.u32 s3, s0;
	s1 =	sshll.u32 s1, $0x11  }
0xc0: {  	s0 =	sor.u32 s1, s0  }
0xc1: {  	s0 =	sadd.s32 $0x8F2B, s0  }
0xc2: {  	[sflag:s0] =	ssyncadd.remote.s32 $0x1  }
0xc3: {  	_ =	sfence.sel $0xFFFF  }
0xc4: {  	[dreg:$0x0] =	wrdreg $0xFFFFFFFF;
	(pc) =	sbr.abs _section_cstart, $3  }
0xc5: {  	[dreg:$0x1] =	wrdreg $0xFFFFFFFF  }
0xc6: {  	_ =	task.clear_ibuf [dreg:s7], $0x2FFFF;
	_ =	strace $0x9FFFFFFF  }
0xc7: {  	(tm) =	ssettm $0x7FFFFFFF  }
tec
execute0_lowered:
.L_overlay_start_1:
0x0: {  	(tag) =	ssettag $0x1  }
0x1: {  	s1 =	srdreg.scid  }
0x2: {  	s3 =	stileid.u32;
	s1 =	sand.u32 $0x1, s1  }
0x3: {  	s3 =	sshll.u32 s3, $0x14;
	s2 =	ssub.s32 $0x2, s1;
	s1 =	sshll.u32 s1, $0x13  }
0x4: {  	s7 =	rddreg [dreg:$0x0];
	s4 =	simm.s32 $0x0;
	s1 =	sor.u32 s1, s3  }
0x5: {  	[smem:$0x7FF] =	sst s4;
	s3 =	sshrl.u32 s1, $0x2  }
0x6: {  	s14 =	sshrl.u32 s2, $0x1;
	s0 =	sor.u32 $0x4000, s1;
	[smem:$0x7AC] =	sst s3  }
0x7: {  	s2 =	ssub.s32 s2, s14;
	[smem:$0x7D2] =	sst s0  }
0x8: {  	s17 =	sor.u32 $0x8000, s1;
	[smem:$0x7F5] =	sst s2  }
0x9: {  	s18 =	sor.u32 $0xC000, s1;
	[smem:$0x7D3] =	sst s17  }
0xa: {  	s20 =	sor.u32 $0x10000, s1;
	[smem:$0x7D5] =	sst s18  }
0xb: {  	s23 =	sor.u32 $0x14000, s1;
	[smem:$0x7D6] =	sst s20  }
0xc: {  	s24 =	sor.u32 $0x18000, s1;
	[smem:$0x7D8] =	sst s23  }
0xd: {  	s26 =	sor.u32 $0x1C000, s1;
	[smem:$0x7D9] =	sst s24  }
0xe: {  	s5 =	sor.u32 $0x20000, s1;
	[smem:$0x7DB] =	sst s26  }
0xf: {  	s6 =	sor.u32 $0x24000, s1;
	[smem:$0x7DC] =	sst s5  }
0x10: {  	s9 =	sor.u32 $0x28000, s1;
	[smem:$0x7DE] =	sst s6  }
0x11: {  	s12 =	sor.u32 $0x2C000, s1;
	[smem:$0x7DF] =	sst s9  }
0x12: {  	s13 =	sor.u32 $0x30000, s1;
	[smem:$0x7E1] =	sst s12  }
0x13: {  	s8 =	sadd.s32 $0x10, s7;
	s14 =	sor.u32 $0x34000, s1;
	[smem:$0x7E2] =	sst s13  }
0x14: {  	s15 =	sadd.s32 s3, s8;
	[smem:$0x7E3] =	sst s14  }
0x15: {  	s16 =	sshrl.u32 s0, $0x2;
	[dreg:$0x2] =	wrdreg s15  }
0x16: {  	s19 =	sshrl.u32 s18, $0x2;
	[smem:$0x7AE] =	sst s16  }
0x17: {  	s22 =	sshrl.u32 s20, $0x2;
	[smem:$0x7B2] =	sst s19  }
0x18: {  	s31 =	sshrl.u32 s23, $0x2;
	s25 =	sshrl.u32 s24, $0x2;
	[smem:$0x7B4] =	sst s22  }
0x19: {  	s29 =	sshrl.u32 s26, $0x2;
	s18 =	sor.u32 $0x3C000, s1;
	[smem:$0x7B7] =	sst s25  }
0x1a: {  	s26 =	sshrl.u32 s5, $0x2;
	s5 =	sor.u32 $0x48000, s1;
	[smem:$0x7E5] =	sst s18  }
0x1b: {  	s28 =	sshrl.u32 s6, $0x2;
	s6 =	sor.u32 $0x4C000, s1;
	[smem:$0x7E8] =	sst s5  }
0x1c: {  	s23 =	sshrl.u32 s12, $0x2;
	s12 =	sor.u32 $0x54000, s1;
	[smem:$0x7E9] =	sst s6  }
0x1d: {  	s24 =	sshrl.u32 s13, $0x2;
	s13 =	sor.u32 $0x58000, s1;
	[smem:$0x7EB] =	sst s12  }
0x1e: {  	s2 =	sadd.s32 s16, s8;
	[smem:$0x7EC] =	sst s13  }
0x1f: {  	s21 =	sadd.s32 s19, s8;
	[dreg:$0x3] =	wrdreg s2  }
0x20: {  	s0 =	sadd.s32 s25, s8;
	[dreg:$0x5] =	wrdreg s21  }
0x21: {  	s4 =	sadd.s32 s29, s8;
	[dreg:$0x8] =	wrdreg s0  }
0x22: {  	s10 =	sadd.s32 s28, s8;
	[dreg:$0x9] =	wrdreg s4  }
0x23: {  	s15 =	sadd.s32 s24, s8;
	[dreg:$0xb] =	wrdreg s10  }
0x24: {  	s20 =	sshrl.u32 s18, $0x2;
	s19 =	sor.u32 $0x40000, s1;
	[dreg:$0xe] =	wrdreg s15  }
0x25: {  	s18 =	sshrl.u32 s5, $0x2;
	s5 =	sor.u32 $0x60000, s1;
	[smem:$0x7E6] =	sst s19  }
0x26: {  	s25 =	sshrl.u32 s9, $0x2;
	s2 =	sshrl.u32 s17, $0x2;
	[smem:$0x7ED] =	sst s5  }
0x27: {  	s11 =	sadd.s32 s25, s8;
	[smem:$0x7B0] =	sst s2  }
0x28: {  	s17 =	sor.u32 $0x38000, s1;
	[dreg:$0xc] =	wrdreg s11  }
0x29: {  	s0 =	sadd.s32 s20, s8;
	[smem:$0x7E4] =	sst s17  }
0x2a: {  	s4 =	sor.u32 $0x44000, s1;
	[dreg:$0x11] =	wrdreg s0  }
0x2b: {  	s9 =	sadd.s32 s18, s8;
	[smem:$0x7E7] =	sst s4  }
0x2c: {  	s19 =	sshrl.u32 s19, $0x2;
	s2 =	sadd.s32 s2, s8;
	[dreg:$0x14] =	wrdreg s9  }
0x2d: {  	s13 =	sshrl.u32 s13, $0x2;
	s3 =	sadd.s32 s19, s8;
	[dreg:$0x4] =	wrdreg s2  }
0x2e: {  	s21 =	sshrl.u32 s17, $0x2;
	s11 =	sor.u32 $0x50000, s1;
	[dreg:$0x12] =	wrdreg s3  }
0x2f: {  	s17 =	sshrl.u32 s4, $0x2;
	s4 =	sadd.s32 s13, s8;
	[smem:$0x7EA] =	sst s11  }
0x30: {  	s2 =	sadd.s32 s22, s8;
	[dreg:$0x18] =	wrdreg s4  }
0x31: {  	s22 =	sshrl.u32 s14, $0x2;
	s3 =	sor.u32 $0x68000, s1;
	[dreg:$0x6] =	wrdreg s2  }
0x32: {  	s14 =	sshrl.u32 s12, $0x2;
	s4 =	sor.u32 $0x6C000, s1;
	[smem:$0x7EF] =	sst s3  }
0x33: {  	s12 =	sshrl.u32 s5, $0x2;
	s5 =	sor.u32 $0x70000, s1;
	[smem:$0x7F0] =	sst s4  }
0x34: {  	s30 =	sor.u32 $0x5C000, s1;
	s2 =	sadd.s32 s31, s8;
	[smem:$0x7F1] =	sst s5  }
0x35: {  	s15 =	sshrl.u32 s11, $0x2;
	s16 =	sadd.s32 s22, s8;
	[dreg:$0x7] =	wrdreg s2  }
0x36: {  	s11 =	sshrl.u32 s30, $0x2;
	s0 =	sadd.s32 s14, s8;
	[dreg:$0xf] =	wrdreg s16  }
0x37: {  	s9 =	sadd.s32 s11, s8;
	[dreg:$0x17] =	wrdreg s0  }
0x38: {  	s5 =	sshrl.u32 s5, $0x2;
	s2 =	sadd.s32 s26, s8;
	[dreg:$0x19] =	wrdreg s9  }
0x39: {  	s16 =	sshrl.u32 s6, $0x2;
	s6 =	sor.u32 $0x64000, s1;
	[dreg:$0xa] =	wrdreg s2  }
0x3a: {  	s9 =	sshrl.u32 s4, $0x2;
	s4 =	sadd.s32 s5, s8;
	[smem:$0x7EE] =	sst s6  }
0x3b: {  	s2 =	sadd.s32 s23, s8;
	[dreg:$0x1e] =	wrdreg s4  }
0x3c: {  	s10 =	sadd.s32 s16, s8;
	[dreg:$0xd] =	wrdreg s2  }
0x3d: {  	s2 =	sadd.s32 s21, s8;
	[dreg:$0x15] =	wrdreg s10  }
0x3e: {  	s10 =	sadd.s32 s12, s8;
	[dreg:$0x10] =	wrdreg s2  }
0x3f: {  	s2 =	sadd.s32 s17, s8;
	[dreg:$0x1a] =	wrdreg s10;
	s10 =	sshrl.u32 s6, $0x2  }
0x40: {  	s6 =	sshrl.u32 s3, $0x2;
	s3 =	sor.u32 $0x78000, s1;
	[dreg:$0x13] =	wrdreg s2  }
0x41: {  	s2 =	sadd.s32 s15, s8;
	[smem:$0x7F3] =	sst s3  }
0x42: {  	s0 =	sadd.s32 s10, s8;
	[dreg:$0x16] =	wrdreg s2  }
0x43: {  	[dreg:$0x1b] =	wrdreg s0;
	s2 =	sadd.s32 s6, s8  }
0x44: {  	s0 =	sadd.s32 s9, s8;
	[dreg:$0x1c] =	wrdreg s2  }
0x45: {  	[dreg:$0x1d] =	wrdreg s0;
	s0 =	sor.u32 $0x74000, s1  }
0x46: {  	[smem:$0x7F2] =	sst s0;
	s4 =	sshrl.u32 s0, $0x2;
	s0 =	sor.u32 $0x7C000, s1  }
0x47: {  	s3 =	sshrl.u32 s3, $0x2;
	[smem:$0x7F4] =	sst s0;
	s2 =	sadd.s32 s4, s8  }
0x48: {  	[dreg:$0x1f] =	wrdreg s2;
	s2 =	sadd.s32 s3, s8  }
0x49: {  	[smem:$0x7AA] =	sst s2  }
0x4a: {  	s20 =	sadd.s32 s7, s20;
	s2 =	sshrl.u32 s0, $0x2;
	s0 =	sld [smem:$0x7AC]  }
0x4b: {  	[smem:$0x7C1] =	sst s20;
	s8 =	sadd.s32 s2, s8  }
0x4c: {  	[smem:$0x7AB] =	sst s8  }
0x4d: {  	s11 =	sadd.s32 s7, s11;
	s8 =	sadd.s32 s7, s0;
	s0 =	sld [smem:$0x7AE]  }
0x4e: {  	[smem:$0x7C9] =	sst s11  }
0x4f: {  	[smem:$0x7AD] =	sst s8  }
0x50: {  	s5 =	sadd.s32 s7, s5;
	s8 =	sadd.s32 s7, s0;
	s0 =	sld [smem:$0x7B0]  }
0x51: {  	[smem:$0x7CE] =	sst s5  }
0x52: {  	[smem:$0x7AF] =	sst s8  }
0x53: {  	s23 =	sadd.s32 s7, s23;
	s8 =	sadd.s32 s7, s0;
	s0 =	sld [smem:$0x7B2]  }
0x54: {  	[smem:$0x7BD] =	sst s23  }
0x55: {  	[smem:$0x7B1] =	sst s8  }
0x56: {  	s23 =	sadd.s32 s7, s18;
	s8 =	sadd.s32 s7, s0;
	s0 =	sld [smem:$0x7B4]  }
0x57: {  	[smem:$0x7C4] =	sst s23;
	s6 =	sadd.s32 s7, s6  }
0x58: {  	[smem:$0x7CC] =	sst s6  }
0x59: {  	[smem:$0x7B3] =	sst s8;
	s8 =	sadd.s32 s7, s0;
	s0 =	sadd.s32 s7, s31  }
0x5a: {  	[smem:$0x7B6] =	sst s0  }
0x5b: {  	s4 =	sadd.s32 s7, s4;
	s0 =	sld [smem:$0x7B7]  }
0x5c: {  	[smem:$0x7CF] =	sst s4;
	s3 =	sadd.s32 s7, s3  }
0x5d: {  	[smem:$0x7D0] =	sst s3  }
0x5e: {  	[smem:$0x7B5] =	sst s8;
	s8 =	sadd.s32 s7, s0  }
0x5f: {  	s0 =	sadd.s32 s7, s29;
	[smem:$0x7B8] =	sst s8  }
0x60: {  	[smem:$0x7B9] =	sst s0;
	s0 =	sadd.s32 s7, s26  }
0x61: {  	s26 =	sadd.s32 s7, s28;
	[smem:$0x7BA] =	sst s0  }
0x62: {  	[smem:$0x7BB] =	sst s26;
	s0 =	sadd.s32 s7, s25  }
0x63: {  	s25 =	sadd.s32 s7, s24;
	[smem:$0x7BC] =	sst s0  }
0x64: {  	s26 =	sadd.s32 s7, s22;
	[smem:$0x7BE] =	sst s25  }
0x65: {  	s22 =	sadd.s32 s7, s17;
	[smem:$0x7BF] =	sst s26  }
0x66: {  	s24 =	sadd.s32 s7, s16;
	[smem:$0x7C3] =	sst s22  }
0x67: {  	s0 =	sadd.s32 s7, s21;
	[smem:$0x7C5] =	sst s24  }
0x68: {  	s21 =	sadd.s32 s7, s19;
	[smem:$0x7C0] =	sst s0  }
0x69: {  	s25 =	sadd.s32 s7, s15;
	[smem:$0x7C2] =	sst s21  }
0x6a: {  	s26 =	sadd.s32 s7, s14;
	[smem:$0x7C6] =	sst s25  }
0x6b: {  	s14 =	sadd.s32 s7, s10;
	[smem:$0x7C7] =	sst s26  }
0x6c: {  	s15 =	sadd.s32 s7, s9;
	[smem:$0x7CB] =	sst s14  }
0x6d: {  	s0 =	sadd.s32 s7, s13;
	[smem:$0x7CD] =	sst s15  }
0x6e: {  	s13 =	sadd.s32 s7, s12;
	[smem:$0x7C8] =	sst s0  }
0x6f: {  	[smem:$0x7CA] =	sst s13;
	s0 =	sadd.s32 s7, s2  }
0x70: {  	s11 =	sshrl.u32 s1, $0xC;
	[smem:$0x7D1] =	sst s0  }
0x71: {  	_ =	strace $0x80000047;
	[smem:$0x7F7] =	sst s11  }
0x72: {  	s16 =	sld [smem:$0x7D2]  }
0x73: {  	s17 =	sld [smem:$0x7D3]  }
0x74: {  	s18 =	sld [smem:$0x7D5]  }
0x75: {  	s19 =	sld [smem:$0x7D6]  }
0x76: {  	s20 =	sld [smem:$0x7D8]  }
0x77: {  	s21 =	sld [smem:$0x7D9]  }
0x78: {  	s22 =	sld [smem:$0x7DB]  }
0x79: {  	s23 =	sld [smem:$0x7DC]  }
0x7a: {  	s24 =	sld [smem:$0x7DE]  }
0x7b: {  	s25 =	sld [smem:$0x7DF]  }
0x7c: {  	s26 =	sld [smem:$0x7E1]  }
0x7d: {  	s1 =	sld [smem:$0x7E2]  }
0x7e: {  	s2 =	sld [smem:$0x7E3]  }
0x7f: {  	s3 =	sld [smem:$0x7E4]  }
0x80: {  	s4 =	sld [smem:$0x7E5]  }
0x81: {  	s5 =	sld [smem:$0x7E6]  }
0x82: {  	s6 =	sld [smem:$0x7E7]  }
0x83: {  	s7 =	sld [smem:$0x7E8]  }
0x84: {  	s8 =	sld [smem:$0x7E9]  }
0x85: {  	s9 =	sld [smem:$0x7EA]  }
0x86: {  	s10 =	sld [smem:$0x7EB];
	s12 =	sshrl.u32 s16, $0xC;
	s0 =	sshrl.u32 s17, $0xC  }
0x87: {  	s13 =	sshrl.u32 s18, $0xC;
	s18 =	sshrl.u32 s1, $0xC;
	s1 =	sld [smem:$0x7EC]  }
0x88: {  	s14 =	sshrl.u32 s20, $0xC;
	s20 =	sshrl.u32 s3, $0xC;
	s3 =	sld [smem:$0x7EE]  }
0x89: {  	s15 =	sshrl.u32 s22, $0xC;
	s22 =	sshrl.u32 s5, $0xC;
	s5 =	sld [smem:$0x7F0]  }
0x8a: {  	s16 =	sshrl.u32 s24, $0xC;
	s24 =	sshrl.u32 s7, $0xC;
	s7 =	sld [smem:$0x7F2]  }
0x8b: {  	s17 =	sshrl.u32 s26, $0xC;
	s26 =	sshrl.u32 s9, $0xC;
	s9 =	sld [smem:$0x7F4]  }
0x8c: {  	s28 =	sshrl.u32 s10, $0xC;
	s10 =	sld [smem:$0x7F5]  }
0x8d: {  	[smem:$0x7D4] =	sst s0  }
0x8e: {  	s0 =	sshrl.u32 s19, $0xC;
	s19 =	sshrl.u32 s2, $0xC;
	s2 =	sld [smem:$0x7ED]  }
0x8f: {  	[smem:$0x7F8] =	sst s12  }
0x90: {  	[smem:$0x7F9] =	sst s13  }
0x91: {  	[smem:$0x7FA] =	sst s14  }
0x92: {  	[smem:$0x7FB] =	sst s15  }
0x93: {  	[smem:$0x7FC] =	sst s16  }
0x94: {  	[smem:$0x7FD] =	sst s17  }
0x95: {  	[smem:$0x7D7] =	sst s0  }
0x96: {  	s0 =	sshrl.u32 s21, $0xC;
	s21 =	sshrl.u32 s4, $0xC;
	s4 =	sld [smem:$0x7EF]  }
0x97: {  	[smem:$0x7DA] =	sst s0  }
0x98: {  	s0 =	sshrl.u32 s23, $0xC;
	s23 =	sshrl.u32 s6, $0xC;
	s6 =	sld [smem:$0x7F1]  }
0x99: {  	s30 =	sshrl.u32 s30, $0xC;
	s29 =	sshrl.u32 s1, $0xC;
	[smem:$0x7DD] =	sst s0  }
0x9a: {  	s0 =	sshrl.u32 s25, $0xC;
	s25 =	sshrl.u32 s8, $0xC;
	s8 =	sld [smem:$0x7F3]  }
0x9b: {  	s31 =	sshrl.u32 s2, $0xC;
	[smem:$0x7E0] =	sst s0;
	s0 =	sshrl.u32 s3, $0xC  }
0x9c: {  	s2 =	sshrl.u32 s4, $0xC;
	s3 =	sshrl.u32 s5, $0xC;
	s5 =	sshrl.u32 s7, $0xC  }
0x9d: {  	s7 =	smax.u32 s10, $0x1;
	s4 =	sshrl.u32 s6, $0xC;
	s6 =	sshrl.u32 s9, $0xC  }
0x9e: {  	v0 =	vlaneseq.u32;
	[smem:$0x7F6] =	sst s7;
	s9 =	simm.s32 $0x0;
	s1 =	sshrl.u32 s8, $0xC  }
.LBB2_1:
0x9f: {  	[smem:$0x7A9] =	sst s9  }
0xa0: {  	s7 =	simm.s32 $0x20;
	s8 =	simm.s32 $0x0;
	s17 =	simm.s32 $0x10  }
0xa1: {  	s10 =	simm.s32 $0x20;
	s11 =	simm.s32 $0x30;
	s8 =	sand.u32 $0xFC0, s8  }
0xa2: {  	s9 =	sand.u32 $0xFD0, s17;
	s10 =	sand.u32 $0xFE0, s10;
	s11 =	sand.u32 $0xFF0, s11;
	v1 =	vor.u32 s8, v0  }
0xa3: {  	s8 =	simm.s32 $0x0;
	v2 =	vor.u32 s10, v0;
	v3 =	vor.u32 s11, v0;
	s10 =	simm.s32 $0x20;
	[tilespmem:s7+$0xFFFFFFE0] =	vst v1;
	v1 =	vor.u32 s9, v0;
	s9 =	simm.s32 $0x0  }
.LBB2_2:
0xa4: {  	s8 =	sadd.s32 $0x4, s8  }
0xa5: {  	[tilespmem:s7+$0x10] =	vst v3;
	s9 =	sadd.s32 $0x40, s9;
	s10 =	sadd.s32 $0x40, s10;
	p0 =	slt.u32 s8, $0x3FC  }
.Ltmp0:
0xa6: {  	[tilespmem:s7+$0x0] =	vst v2;
	(pc) =	sbr.rel @p0 .LBB2_2-.Ltmp0, $4  }
0xa7: {  	s11 =	sand.u32 $0xFC0, s9;
	[tilespmem:s7+$0xFFFFFFF0] =	vst v1;
	s7 =	smov.u32 s10  }
0xa8: {  	s12 =	sadd.s32 $0x20, s9;
	s13 =	sadd.s32 $0x30, s9;
	v1 =	vor.u32 s11, v0;
	s11 =	sadd.s32 $0x10, s9  }
0xa9: {  	s12 =	sand.u32 $0xFE0, s12;
	s13 =	sand.u32 $0xFF0, s13;
	s11 =	sand.u32 $0xFD0, s11;
	[tilespmem:s10+$0xFFFFFFE0] =	vst v1  }
0xaa: {  	v2 =	vor.u32 s12, v0;
	v3 =	vor.u32 s13, v0;
	v1 =	vor.u32 s11, v0  }
0xab: {  	[tilespmem:s7+$0x10] =	vst v3  }
0xac: {  	[tilespmem:s7+$0x0] =	vst v2;
	s8 =	rddreg [dreg:$0x2]  }
0xad: {  	[tilespmem:s7+$0xFFFFFFF0] =	vst v1;
	s7 =	simm.s32 $0x0;
	s13 =	rddreg [dreg:$0x3]  }
0xae: {  	s9 =	simm.s32 $0x80;
	s10 =	simm.s32 $0x100;
	s14 =	rddreg [dreg:$0x4]  }
0xaf: {  	[hbm4b:s8+s9] =	stream.strided.scatter [tilespmem:s7], [sflag:$0x1], $0x4000, s10, s9, $0x38;
	[tilespmem:$0xC000] =	vst v63  }
0xb0: {  	s15 =	rddreg [dreg:$0x5]  }
0xb1: {  	[hbm4b:s13+s9] =	stream.strided.scatter [tilespmem:s7], [sflag:$0x1], $0x4000, s10, s9, $0x38;
	[tilespmem:$0xC000] =	vst v63  }
0xb2: {  	s16 =	rddreg [dreg:$0x6]  }
0xb3: {  	[hbm4b:s14+s9] =	stream.strided.scatter [tilespmem:s7], [sflag:$0x1], $0x4000, s10, s9, $0x38;
	[tilespmem:$0xC000] =	vst v63  }
0xb4: {  	s17 =	rddreg [dreg:$0x7]  }
0xb5: {  	[hbm4b:s15+s9] =	stream.strided.scatter [tilespmem:s7], [sflag:$0x1], $0x4000, s10, s9, $0x38;
	[tilespmem:$0xC000] =	vst v63  }
0xb6: {  	s11 =	rddreg [dreg:$0x8]  }
0xb7: {  	[hbm4b:s16+s9] =	stream.strided.scatter [tilespmem:s7], [sflag:$0x1], $0x4000, s10, s9, $0x38;
	[tilespmem:$0xC000] =	vst v63  }
0xb8: {  	s12 =	rddreg [dreg:$0x9]  }
0xb9: {  	[hbm4b:s17+s9] =	stream.strided.scatter [tilespmem:s7], [sflag:$0x1], $0x4000, s10, s9, $0x38;
	[tilespmem:$0xC000] =	vst v63  }
0xba: {  	s13 =	rddreg [dreg:$0xa]  }
0xbb: {  	[hbm4b:s11+s9] =	stream.strided.scatter [tilespmem:s7], [sflag:$0x1], $0x4000, s10, s9, $0x38;
	[tilespmem:$0xC000] =	vst v63  }
0xbc: {  	s14 =	rddreg [dreg:$0xb]  }
0xbd: {  	[hbm4b:s12+s9] =	stream.strided.scatter [tilespmem:s7], [sflag:$0x1], $0x4000, s10, s9, $0x38;
	[tilespmem:$0xC000] =	vst v63  }
0xbe: {  	s15 =	rddreg [dreg:$0xc]  }
0xbf: {  	[hbm4b:s13+s9] =	stream.strided.scatter [tilespmem:s7], [sflag:$0x1], $0x4000, s10, s9, $0x38;
	[tilespmem:$0xC000] =	vst v63  }
0xc0: {  	s16 =	rddreg [dreg:$0xd]  }
0xc1: {  	[hbm4b:s14+s9] =	stream.strided.scatter [tilespmem:s7], [sflag:$0x1], $0x4000, s10, s9, $0x38;
	[tilespmem:$0xC000] =	vst v63  }
0xc2: {  	s17 =	rddreg [dreg:$0xe]  }
0xc3: {  	[hbm4b:s15+s9] =	stream.strided.scatter [tilespmem:s7], [sflag:$0x1], $0x4000, s10, s9, $0x38;
	[tilespmem:$0xC000] =	vst v63  }
0xc4: {  	s11 =	rddreg [dreg:$0xf]  }
0xc5: {  	[hbm4b:s16+s9] =	stream.strided.scatter [tilespmem:s7], [sflag:$0x1], $0x4000, s10, s9, $0x38;
	[tilespmem:$0xC000] =	vst v63  }
0xc6: {  	s12 =	rddreg [dreg:$0x10]  }
0xc7: {  	[hbm4b:s17+s9] =	stream.strided.scatter [tilespmem:s7], [sflag:$0x1], $0x4000, s10, s9, $0x38;
	[tilespmem:$0xC000] =	vst v63  }
0xc8: {  	s13 =	rddreg [dreg:$0x11]  }
0xc9: {  	[hbm4b:s11+s9] =	stream.strided.scatter [tilespmem:s7], [sflag:$0x1], $0x4000, s10, s9, $0x38;
	[tilespmem:$0xC000] =	vst v63  }
0xca: {  	s14 =	rddreg [dreg:$0x12]  }
0xcb: {  	[hbm4b:s12+s9] =	stream.strided.scatter [tilespmem:s7], [sflag:$0x1], $0x4000, s10, s9, $0x38;
	[tilespmem:$0xC000] =	vst v63  }
0xcc: {  	s15 =	rddreg [dreg:$0x13]  }
0xcd: {  	[hbm4b:s13+s9] =	stream.strided.scatter [tilespmem:s7], [sflag:$0x1], $0x4000, s10, s9, $0x38;
	[tilespmem:$0xC000] =	vst v63  }
0xce: {  	s16 =	rddreg [dreg:$0x14]  }
0xcf: {  	[hbm4b:s14+s9] =	stream.strided.scatter [tilespmem:s7], [sflag:$0x1], $0x4000, s10, s9, $0x38;
	[tilespmem:$0xC000] =	vst v63  }
0xd0: {  	s17 =	rddreg [dreg:$0x15]  }
0xd1: {  	[hbm4b:s15+s9] =	stream.strided.scatter [tilespmem:s7], [sflag:$0x1], $0x4000, s10, s9, $0x38;
	[tilespmem:$0xC000] =	vst v63  }
0xd2: {  	s11 =	rddreg [dreg:$0x16]  }
0xd3: {  	[hbm4b:s16+s9] =	stream.strided.scatter [tilespmem:s7], [sflag:$0x1], $0x4000, s10, s9, $0x38;
	[tilespmem:$0xC000] =	vst v63  }
0xd4: {  	s12 =	rddreg [dreg:$0x17]  }
0xd5: {  	[hbm4b:s17+s9] =	stream.strided.scatter [tilespmem:s7], [sflag:$0x1], $0x4000, s10, s9, $0x38;
	[tilespmem:$0xC000] =	vst v63  }
0xd6: {  	s13 =	rddreg [dreg:$0x18]  }
0xd7: {  	[hbm4b:s11+s9] =	stream.strided.scatter [tilespmem:s7], [sflag:$0x1], $0x4000, s10, s9, $0x38;
	[tilespmem:$0xC000] =	vst v63  }
0xd8: {  	s14 =	rddreg [dreg:$0x19]  }
0xd9: {  	[hbm4b:s12+s9] =	stream.strided.scatter [tilespmem:s7], [sflag:$0x1], $0x4000, s10, s9, $0x38;
	[tilespmem:$0xC000] =	vst v63  }
0xda: {  	s15 =	rddreg [dreg:$0x1a]  }
0xdb: {  	[hbm4b:s13+s9] =	stream.strided.scatter [tilespmem:s7], [sflag:$0x1], $0x4000, s10, s9, $0x38;
	[tilespmem:$0xC000] =	vst v63  }
0xdc: {  	s16 =	rddreg [dreg:$0x1b]  }
0xdd: {  	[hbm4b:s14+s9] =	stream.strided.scatter [tilespmem:s7], [sflag:$0x1], $0x4000, s10, s9, $0x38;
	[tilespmem:$0xC000] =	vst v63  }
0xde: {  	s17 =	rddreg [dreg:$0x1c]  }
0xdf: {  	[hbm4b:s15+s9] =	stream.strided.scatter [tilespmem:s7], [sflag:$0x1], $0x4000, s10, s9, $0x38;
	[tilespmem:$0xC000] =	vst v63  }
0xe0: {  	s11 =	rddreg [dreg:$0x1d]  }
0xe1: {  	[hbm4b:s16+s9] =	stream.strided.scatter [tilespmem:s7], [sflag:$0x1], $0x4000, s10, s9, $0x38;
	[tilespmem:$0xC000] =	vst v63  }
0xe2: {  	s12 =	rddreg [dreg:$0x1e]  }
0xe3: {  	[hbm4b:s17+s9] =	stream.strided.scatter [tilespmem:s7], [sflag:$0x1], $0x4000, s10, s9, $0x38;
	[tilespmem:$0xC000] =	vst v63  }
0xe4: {  	s13 =	rddreg [dreg:$0x1f]  }
0xe5: {  	[hbm4b:s11+s9] =	stream.strided.scatter [tilespmem:s7], [sflag:$0x1], $0x4000, s10, s9, $0x38;
	[tilespmem:$0xC000] =	vst v63  }
0xe6: {  	s14 =	sld [smem:$0x7AA]  }
0xe7: {  	[hbm4b:s12+s9] =	stream.strided.scatter [tilespmem:s7], [sflag:$0x1], $0x4000, s10, s9, $0x38;
	[tilespmem:$0xC000] =	vst v63  }
0xe8: {  	s11 =	sld [smem:$0x7F7]  }
0xe9: {  	[hbm4b:s13+s9] =	stream.strided.scatter [tilespmem:s7], [sflag:$0x1], $0x4000, s10, s9, $0x38;
	[tilespmem:$0xC000] =	vst v63  }
0xea: {  	s15 =	sld [smem:$0x7AB];
	s16 =	simm.s32 $0x0  }
0xeb: {  	[hbm4b:s14+s9] =	stream.strided.scatter [tilespmem:s7], [sflag:$0x1], $0x4000, s10, s9, $0x38;
	[tilespmem:$0xC000] =	vst v63  }
0xec: {  	s17 =	sor.u32 s11, s16  }
0xed: {  	[hbm4b:s15+s9] =	stream.strided.scatter [tilespmem:s7], [sflag:$0x1], $0x4000, s10, s9, $0x38;
	[tilespmem:$0xC000] =	vst v63  }
0xee: {  	v1 =	vmov s17;
	s7 =	simm.s32 $0x4020  }
0xef: {  	[tilespmem:s7+$0x0] =	vst v1  }
0xf0: {  	s8 =	simm.s32 $0x0;
	s9 =	simm.s32 $0x4020;
	[tilespmem:s7+$0xFFFFFFF0] =	vst v1  }
.LBB2_4:
0xf1: {  	s8 =	sadd.s32 $0x4, s8  }
0xf2: {  	[tilespmem:s7+$0xFFFFFFE0] =	vst v1;
	s9 =	sadd.s32 $0x40, s9;
	p0 =	slt.u32 s8, $0x3FC  }
.Ltmp1:
0xf3: {  	s10 =	sshrl.u32 s8, $0x8;
	[tilespmem:s7+$0x10] =	vst v1;
	(pc) =	sbr.rel @p0 .LBB2_4-.Ltmp1, $4  }
0xf4: {  	s7 =	smov.u32 s9;
	s10 =	sor.u32 s11, s10  }
0xf5: {  	v1 =	vmov s10  }
0xf6: {  	[tilespmem:s9+$0x0] =	vst v1  }
0xf7: {  	[tilespmem:s9+$0xFFFFFFF0] =	vst v1  }
0xf8: {  	s12 =	sld [smem:$0x7F8]  }
0xf9: {  	s15 =	sld [smem:$0x7AD]  }
0xfa: {  	[tilespmem:s7+$0xFFFFFFE0] =	vst v1;
	s8 =	simm.s32 $0x80;
	s9 =	simm.s32 $0x100;
	s16 =	simm.s32 $0x0  }
0xfb: {  	[tilespmem:s7+$0x10] =	vst v1;
	s10 =	simm.s32 $0x4000;
	s7 =	simm.s32 $0x8020;
	s17 =	sor.u32 s12, s16  }
0xfc: {  	[hbm4b:s15+s8] =	stream.strided.scatter [tilespmem:s10], [sflag:$0x2], $0x4000, s9, s8, $0x38;
	v1 =	vmov s17;
	[tilespmem:$0xC000] =	vst v63  }
0xfd: {  	[tilespmem:s7+$0x0] =	vst v1  }
0xfe: {  	s8 =	simm.s32 $0x0;
	s9 =	simm.s32 $0x8020;
	[tilespmem:s7+$0xFFFFFFF0] =	vst v1  }
.LBB2_6:
0xff: {  	s8 =	sadd.s32 $0x4, s8  }
0x100: {  	[tilespmem:s7+$0xFFFFFFE0] =	vst v1;
	s9 =	sadd.s32 $0x40, s9;
	p0 =	slt.u32 s8, $0x3FC  }
.Ltmp2:
0x101: {  	s10 =	sshrl.u32 s8, $0x8;
	[tilespmem:s7+$0x10] =	vst v1;
	(pc) =	sbr.rel @p0 .LBB2_6-.Ltmp2, $4  }
0x102: {  	s7 =	smov.u32 s9;
	s10 =	sor.u32 s12, s10  }
0x103: {  	v1 =	vmov s10  }
0x104: {  	[tilespmem:s9+$0x0] =	vst v1  }
0x105: {  	[tilespmem:s9+$0xFFFFFFF0] =	vst v1  }
0x106: {  	s14 =	sld [smem:$0x7AF]  }
0x107: {  	[tilespmem:s7+$0xFFFFFFE0] =	vst v1;
	s8 =	simm.s32 $0x80  }
0x108: {  	[tilespmem:s7+$0x10] =	vst v1;
	s9 =	simm.s32 $0x100;
	s10 =	simm.s32 $0x8000;
	s15 =	simm.s32 $0x2  }
0x109: {  	[hbm4b:s14+s8] =	stream.strided.scatter [tilespmem:s10], [sflag:$0x2], $0x4000, s9, s8, $0x38;
	[tilespmem:$0xC000] =	vst v63  }
0x10a: {  	_ =	swait.ge [sflag:s15], $0x4000  }
0x10b: {  	s13 =	sld [smem:$0x7D4];
	_ =	sdelay $0x1  }
0x10c: {  	s16 =	simm.s32 $0x0  }
0x10d: {  	[sflag:s15] =	ssyncset.done $0x0;
	s17 =	sor.u32 s13, s16  }
0x10e: {  	s7 =	simm.s32 $0x4020;
	[sflag:s15] =	ssyncadd.s32 $0xFFFFC000;
	v1 =	vmov s17  }
0x10f: {  	[tilespmem:s7+$0x0] =	vst v1  }
0x110: {  	s8 =	simm.s32 $0x0;
	s9 =	simm.s32 $0x4020;
	[tilespmem:s7+$0xFFFFFFF0] =	vst v1  }
.LBB2_8:
0x111: {  	s8 =	sadd.s32 $0x4, s8  }
0x112: {  	[tilespmem:s7+$0xFFFFFFE0] =	vst v1;
	s9 =	sadd.s32 $0x40, s9;
	p0 =	slt.u32 s8, $0x3FC  }
.Ltmp3:
0x113: {  	s10 =	sshrl.u32 s8, $0x8;
	[tilespmem:s7+$0x10] =	vst v1;
	(pc) =	sbr.rel @p0 .LBB2_8-.Ltmp3, $4  }
0x114: {  	s7 =	smov.u32 s9;
	s10 =	sor.u32 s13, s10  }
0x115: {  	v1 =	vmov s10  }
0x116: {  	[tilespmem:s9+$0x0] =	vst v1  }
0x117: {  	[tilespmem:s9+$0xFFFFFFF0] =	vst v1  }
0x118: {  	s14 =	sld [smem:$0x7B1]  }
0x119: {  	[tilespmem:s7+$0xFFFFFFE0] =	vst v1;
	s8 =	simm.s32 $0x80  }
0x11a: {  	[tilespmem:s7+$0x10] =	vst v1;
	s9 =	simm.s32 $0x100;
	s10 =	simm.s32 $0x4000;
	s15 =	simm.s32 $0x2  }
0x11b: {  	[hbm4b:s14+s8] =	stream.strided.scatter [tilespmem:s10], [sflag:$0x2], $0x4000, s9, s8, $0x38;
	[tilespmem:$0xC000] =	vst v63  }
0x11c: {  	_ =	swait.ge [sflag:s15], $0x4000  }
0x11d: {  	s13 =	sld [smem:$0x7F9];
	_ =	sdelay $0x1  }
0x11e: {  	s16 =	simm.s32 $0x0  }
0x11f: {  	[sflag:s15] =	ssyncset.done $0x0;
	s17 =	sor.u32 s13, s16  }
0x120: {  	s7 =	simm.s32 $0x8020;
	[sflag:s15] =	ssyncadd.s32 $0xFFFFC000;
	v1 =	vmov s17  }
0x121: {  	[tilespmem:s7+$0x0] =	vst v1  }
0x122: {  	s8 =	simm.s32 $0x0;
	s9 =	simm.s32 $0x8020;
	[tilespmem:s7+$0xFFFFFFF0] =	vst v1  }
.LBB2_10:
0x123: {  	s8 =	sadd.s32 $0x4, s8  }
0x124: {  	[tilespmem:s7+$0xFFFFFFE0] =	vst v1;
	s9 =	sadd.s32 $0x40, s9;
	p0 =	slt.u32 s8, $0x3FC  }
.Ltmp4:
0x125: {  	s10 =	sshrl.u32 s8, $0x8;
	[tilespmem:s7+$0x10] =	vst v1;
	(pc) =	sbr.rel @p0 .LBB2_10-.Ltmp4, $4  }
0x126: {  	s7 =	smov.u32 s9;
	s10 =	sor.u32 s13, s10  }
0x127: {  	v1 =	vmov s10  }
0x128: {  	[tilespmem:s9+$0x0] =	vst v1  }
0x129: {  	[tilespmem:s9+$0xFFFFFFF0] =	vst v1  }
0x12a: {  	s14 =	sld [smem:$0x7B3]  }
0x12b: {  	[tilespmem:s7+$0xFFFFFFE0] =	vst v1;
	s8 =	simm.s32 $0x80  }
0x12c: {  	[tilespmem:s7+$0x10] =	vst v1;
	s9 =	simm.s32 $0x100;
	s10 =	simm.s32 $0x8000;
	s15 =	simm.s32 $0x2  }
0x12d: {  	[hbm4b:s14+s8] =	stream.strided.scatter [tilespmem:s10], [sflag:$0x2], $0x4000, s9, s8, $0x38;
	[tilespmem:$0xC000] =	vst v63  }
0x12e: {  	_ =	swait.ge [sflag:s15], $0x4000  }
0x12f: {  	s14 =	sld [smem:$0x7D7];
	_ =	sdelay $0x1  }
0x130: {  	s16 =	simm.s32 $0x0  }
0x131: {  	[sflag:s15] =	ssyncset.done $0x0;
	s17 =	sor.u32 s14, s16  }
0x132: {  	s7 =	simm.s32 $0x4020;
	[sflag:s15] =	ssyncadd.s32 $0xFFFFC000;
	v1 =	vmov s17  }
0x133: {  	[tilespmem:s7+$0x0] =	vst v1  }
0x134: {  	s8 =	simm.s32 $0x0;
	s9 =	simm.s32 $0x4020;
	[tilespmem:s7+$0xFFFFFFF0] =	vst v1  }
.LBB2_12:
0x135: {  	s8 =	sadd.s32 $0x4, s8  }
0x136: {  	[tilespmem:s7+$0xFFFFFFE0] =	vst v1;
	s9 =	sadd.s32 $0x40, s9;
	p0 =	slt.u32 s8, $0x3FC  }
.Ltmp5:
0x137: {  	s10 =	sshrl.u32 s8, $0x8;
	[tilespmem:s7+$0x10] =	vst v1;
	(pc) =	sbr.rel @p0 .LBB2_12-.Ltmp5, $4  }
0x138: {  	s7 =	smov.u32 s9;
	s10 =	sor.u32 s14, s10  }
0x139: {  	v1 =	vmov s10  }
0x13a: {  	[tilespmem:s9+$0x0] =	vst v1  }
0x13b: {  	[tilespmem:s9+$0xFFFFFFF0] =	vst v1  }
0x13c: {  	s14 =	sld [smem:$0x7B5]  }
0x13d: {  	[tilespmem:s7+$0xFFFFFFE0] =	vst v1;
	s8 =	simm.s32 $0x80  }
0x13e: {  	[tilespmem:s7+$0x10] =	vst v1;
	s9 =	simm.s32 $0x100;
	s10 =	simm.s32 $0x4000;
	s15 =	simm.s32 $0x2  }
0x13f: {  	[hbm4b:s14+s8] =	stream.strided.scatter [tilespmem:s10], [sflag:$0x2], $0x4000, s9, s8, $0x38;
	[tilespmem:$0xC000] =	vst v63  }
0x140: {  	_ =	swait.ge [sflag:s15], $0x4000  }
0x141: {  	s14 =	sld [smem:$0x7FA];
	_ =	sdelay $0x1  }
0x142: {  	s16 =	simm.s32 $0x0  }
0x143: {  	[sflag:s15] =	ssyncset.done $0x0;
	s17 =	sor.u32 s14, s16  }
0x144: {  	s7 =	simm.s32 $0x8020;
	[sflag:s15] =	ssyncadd.s32 $0xFFFFC000;
	v1 =	vmov s17  }
0x145: {  	[tilespmem:s7+$0x0] =	vst v1  }
0x146: {  	s8 =	simm.s32 $0x0;
	s9 =	simm.s32 $0x8020;
	[tilespmem:s7+$0xFFFFFFF0] =	vst v1  }
.LBB2_14:
0x147: {  	s8 =	sadd.s32 $0x4, s8  }
0x148: {  	[tilespmem:s7+$0xFFFFFFE0] =	vst v1;
	s9 =	sadd.s32 $0x40, s9;
	p0 =	slt.u32 s8, $0x3FC  }
.Ltmp6:
0x149: {  	s10 =	sshrl.u32 s8, $0x8;
	[tilespmem:s7+$0x10] =	vst v1;
	(pc) =	sbr.rel @p0 .LBB2_14-.Ltmp6, $4  }
0x14a: {  	s7 =	smov.u32 s9;
	s10 =	sor.u32 s14, s10  }
0x14b: {  	v1 =	vmov s10  }
0x14c: {  	[tilespmem:s9+$0x0] =	vst v1  }
0x14d: {  	[tilespmem:s9+$0xFFFFFFF0] =	vst v1  }
0x14e: {  	s13 =	sld [smem:$0x7B6]  }
0x14f: {  	[tilespmem:s7+$0xFFFFFFE0] =	vst v1;
	s8 =	simm.s32 $0x80  }
0x150: {  	[tilespmem:s7+$0x10] =	vst v1;
	s9 =	simm.s32 $0x100;
	s10 =	simm.s32 $0x8000;
	s14 =	simm.s32 $0x2  }
0x151: {  	[hbm4b:s13+s8] =	stream.strided.scatter [tilespmem:s10], [sflag:$0x2], $0x4000, s9, s8, $0x38;
	[tilespmem:$0xC000] =	vst v63  }
0x152: {  	_ =	swait.ge [sflag:s14], $0x4000  }
0x153: {  	s15 =	sld [smem:$0x7DA];
	_ =	sdelay $0x1  }
0x154: {  	s16 =	simm.s32 $0x0  }
0x155: {  	[sflag:s14] =	ssyncset.done $0x0;
	s17 =	sor.u32 s15, s16  }
0x156: {  	s7 =	simm.s32 $0x4020;
	[sflag:s14] =	ssyncadd.s32 $0xFFFFC000;
	v1 =	vmov s17  }
0x157: {  	[tilespmem:s7+$0x0] =	vst v1  }
0x158: {  	s8 =	simm.s32 $0x0;
	s9 =	simm.s32 $0x4020;
	[tilespmem:s7+$0xFFFFFFF0] =	vst v1  }
.LBB2_16:
0x159: {  	s8 =	sadd.s32 $0x4, s8  }
0x15a: {  	[tilespmem:s7+$0xFFFFFFE0] =	vst v1;
	s9 =	sadd.s32 $0x40, s9;
	p0 =	slt.u32 s8, $0x3FC  }
.Ltmp7:
0x15b: {  	s10 =	sshrl.u32 s8, $0x8;
	[tilespmem:s7+$0x10] =	vst v1;
	(pc) =	sbr.rel @p0 .LBB2_16-.Ltmp7, $4  }
0x15c: {  	s7 =	smov.u32 s9;
	s10 =	sor.u32 s15, s10  }
0x15d: {  	v1 =	vmov s10  }
0x15e: {  	[tilespmem:s9+$0x0] =	vst v1  }
0x15f: {  	[tilespmem:s9+$0xFFFFFFF0] =	vst v1  }
0x160: {  	s13 =	sld [smem:$0x7B8]  }
0x161: {  	[tilespmem:s7+$0xFFFFFFE0] =	vst v1;
	s8 =	simm.s32 $0x80  }
0x162: {  	[tilespmem:s7+$0x10] =	vst v1;
	s9 =	simm.s32 $0x100;
	s10 =	simm.s32 $0x4000;
	s14 =	simm.s32 $0x2  }
0x163: {  	[hbm4b:s13+s8] =	stream.strided.scatter [tilespmem:s10], [sflag:$0x2], $0x4000, s9, s8, $0x38;
	[tilespmem:$0xC000] =	vst v63  }
0x164: {  	_ =	swait.ge [sflag:s14], $0x4000  }
0x165: {  	s15 =	sld [smem:$0x7FB];
	_ =	sdelay $0x1  }
0x166: {  	s16 =	simm.s32 $0x0  }
0x167: {  	[sflag:s14] =	ssyncset.done $0x0;
	s17 =	sor.u32 s15, s16  }
0x168: {  	s7 =	simm.s32 $0x8020;
	[sflag:s14] =	ssyncadd.s32 $0xFFFFC000;
	v1 =	vmov s17  }
0x169: {  	[tilespmem:s7+$0x0] =	vst v1  }
0x16a: {  	s8 =	simm.s32 $0x0;
	s9 =	simm.s32 $0x8020;
	[tilespmem:s7+$0xFFFFFFF0] =	vst v1  }
.LBB2_18:
0x16b: {  	s8 =	sadd.s32 $0x4, s8  }
0x16c: {  	[tilespmem:s7+$0xFFFFFFE0] =	vst v1;
	s9 =	sadd.s32 $0x40, s9;
	p0 =	slt.u32 s8, $0x3FC  }
.Ltmp8:
0x16d: {  	s10 =	sshrl.u32 s8, $0x8;
	[tilespmem:s7+$0x10] =	vst v1;
	(pc) =	sbr.rel @p0 .LBB2_18-.Ltmp8, $4  }
0x16e: {  	s7 =	smov.u32 s9;
	s10 =	sor.u32 s15, s10  }
0x16f: {  	v1 =	vmov s10  }
0x170: {  	[tilespmem:s9+$0x0] =	vst v1  }
0x171: {  	[tilespmem:s9+$0xFFFFFFF0] =	vst v1  }
0x172: {  	s13 =	sld [smem:$0x7B9]  }
0x173: {  	[tilespmem:s7+$0xFFFFFFE0] =	vst v1;
	s8 =	simm.s32 $0x80  }
0x174: {  	[tilespmem:s7+$0x10] =	vst v1;
	s9 =	simm.s32 $0x100;
	s10 =	simm.s32 $0x8000;
	s14 =	simm.s32 $0x2  }
0x175: {  	[hbm4b:s13+s8] =	stream.strided.scatter [tilespmem:s10], [sflag:$0x2], $0x4000, s9, s8, $0x38;
	[tilespmem:$0xC000] =	vst v63  }
0x176: {  	_ =	swait.ge [sflag:s14], $0x4000  }
0x177: {  	s16 =	sld [smem:$0x7DD];
	_ =	sdelay $0x1  }
0x178: {  	s15 =	simm.s32 $0x0  }
0x179: {  	[sflag:s14] =	ssyncset.done $0x0;
	s17 =	sor.u32 s16, s15  }
0x17a: {  	s7 =	simm.s32 $0x4020;
	[sflag:s14] =	ssyncadd.s32 $0xFFFFC000;
	v1 =	vmov s17  }
0x17b: {  	[tilespmem:s7+$0x0] =	vst v1  }
0x17c: {  	s8 =	simm.s32 $0x0;
	s9 =	simm.s32 $0x4020;
	[tilespmem:s7+$0xFFFFFFF0] =	vst v1  }
.LBB2_20:
0x17d: {  	s8 =	sadd.s32 $0x4, s8  }
0x17e: {  	[tilespmem:s7+$0xFFFFFFE0] =	vst v1;
	s9 =	sadd.s32 $0x40, s9;
	p0 =	slt.u32 s8, $0x3FC  }
.Ltmp9:
0x17f: {  	s10 =	sshrl.u32 s8, $0x8;
	[tilespmem:s7+$0x10] =	vst v1;
	(pc) =	sbr.rel @p0 .LBB2_20-.Ltmp9, $4  }
0x180: {  	s7 =	smov.u32 s9;
	s10 =	sor.u32 s16, s10  }
0x181: {  	v1 =	vmov s10  }
0x182: {  	[tilespmem:s9+$0x0] =	vst v1  }
0x183: {  	[tilespmem:s9+$0xFFFFFFF0] =	vst v1  }
0x184: {  	s13 =	sld [smem:$0x7BA]  }
0x185: {  	[tilespmem:s7+$0xFFFFFFE0] =	vst v1;
	s8 =	simm.s32 $0x80  }
0x186: {  	[tilespmem:s7+$0x10] =	vst v1;
	s9 =	simm.s32 $0x100;
	s10 =	simm.s32 $0x4000;
	s14 =	simm.s32 $0x2  }
0x187: {  	[hbm4b:s13+s8] =	stream.strided.scatter [tilespmem:s10], [sflag:$0x2], $0x4000, s9, s8, $0x38;
	[tilespmem:$0xC000] =	vst v63  }
0x188: {  	_ =	swait.ge [sflag:s14], $0x4000  }
0x189: {  	s16 =	sld [smem:$0x7FC];
	_ =	sdelay $0x1  }
0x18a: {  	s15 =	simm.s32 $0x0  }
0x18b: {  	[sflag:s14] =	ssyncset.done $0x0;
	s17 =	sor.u32 s16, s15  }
0x18c: {  	s7 =	simm.s32 $0x8020;
	[sflag:s14] =	ssyncadd.s32 $0xFFFFC000;
	v1 =	vmov s17  }
0x18d: {  	[tilespmem:s7+$0x0] =	vst v1  }
0x18e: {  	s8 =	simm.s32 $0x0;
	s9 =	simm.s32 $0x8020;
	[tilespmem:s7+$0xFFFFFFF0] =	vst v1  }
.LBB2_22:
0x18f: {  	s8 =	sadd.s32 $0x4, s8  }
0x190: {  	[tilespmem:s7+$0xFFFFFFE0] =	vst v1;
	s9 =	sadd.s32 $0x40, s9;
	p0 =	slt.u32 s8, $0x3FC  }
.Ltmp10:
0x191: {  	s10 =	sshrl.u32 s8, $0x8;
	[tilespmem:s7+$0x10] =	vst v1;
	(pc) =	sbr.rel @p0 .LBB2_22-.Ltmp10, $4  }
0x192: {  	s7 =	smov.u32 s9;
	s10 =	sor.u32 s16, s10  }
0x193: {  	v1 =	vmov s10  }
0x194: {  	[tilespmem:s9+$0x0] =	vst v1  }
0x195: {  	[tilespmem:s9+$0xFFFFFFF0] =	vst v1  }
0x196: {  	s13 =	sld [smem:$0x7BB]  }
0x197: {  	[tilespmem:s7+$0xFFFFFFE0] =	vst v1;
	s8 =	simm.s32 $0x80  }
0x198: {  	[tilespmem:s7+$0x10] =	vst v1;
	s9 =	simm.s32 $0x100;
	s10 =	simm.s32 $0x8000;
	s14 =	simm.s32 $0x2  }
0x199: {  	[hbm4b:s13+s8] =	stream.strided.scatter [tilespmem:s10], [sflag:$0x2], $0x4000, s9, s8, $0x38;
	[tilespmem:$0xC000] =	vst v63  }
0x19a: {  	_ =	swait.ge [sflag:s14], $0x4000  }
0x19b: {  	s17 =	sld [smem:$0x7E0];
	_ =	sdelay $0x1  }
0x19c: {  	s15 =	simm.s32 $0x0  }
0x19d: {  	[sflag:s14] =	ssyncset.done $0x0;
	s16 =	sor.u32 s17, s15  }
0x19e: {  	s7 =	simm.s32 $0x4020;
	[sflag:s14] =	ssyncadd.s32 $0xFFFFC000;
	v1 =	vmov s16  }
0x19f: {  	[tilespmem:s7+$0x0] =	vst v1  }
0x1a0: {  	s8 =	simm.s32 $0x0;
	s9 =	simm.s32 $0x4020;
	[tilespmem:s7+$0xFFFFFFF0] =	vst v1  }
.LBB2_24:
0x1a1: {  	s8 =	sadd.s32 $0x4, s8  }
0x1a2: {  	[tilespmem:s7+$0xFFFFFFE0] =	vst v1;
	s9 =	sadd.s32 $0x40, s9;
	p0 =	slt.u32 s8, $0x3FC  }
.Ltmp11:
0x1a3: {  	s10 =	sshrl.u32 s8, $0x8;
	[tilespmem:s7+$0x10] =	vst v1;
	(pc) =	sbr.rel @p0 .LBB2_24-.Ltmp11, $4  }
0x1a4: {  	s7 =	smov.u32 s9;
	s10 =	sor.u32 s17, s10  }
0x1a5: {  	v1 =	vmov s10  }
0x1a6: {  	[tilespmem:s9+$0x0] =	vst v1  }
0x1a7: {  	[tilespmem:s9+$0xFFFFFFF0] =	vst v1  }
0x1a8: {  	s13 =	sld [smem:$0x7BC]  }
0x1a9: {  	[tilespmem:s7+$0xFFFFFFE0] =	vst v1;
	s8 =	simm.s32 $0x80  }
0x1aa: {  	[tilespmem:s7+$0x10] =	vst v1;
	s9 =	simm.s32 $0x100;
	s10 =	simm.s32 $0x4000;
	s14 =	simm.s32 $0x2  }
0x1ab: {  	[hbm4b:s13+s8] =	stream.strided.scatter [tilespmem:s10], [sflag:$0x2], $0x4000, s9, s8, $0x38;
	[tilespmem:$0xC000] =	vst v63  }
0x1ac: {  	_ =	swait.ge [sflag:s14], $0x4000  }
0x1ad: {  	s17 =	sld [smem:$0x7FD];
	_ =	sdelay $0x1  }
0x1ae: {  	s15 =	simm.s32 $0x0  }
0x1af: {  	[sflag:s14] =	ssyncset.done $0x0;
	s16 =	sor.u32 s17, s15  }
0x1b0: {  	s7 =	simm.s32 $0x8020;
	[sflag:s14] =	ssyncadd.s32 $0xFFFFC000;
	v1 =	vmov s16  }
0x1b1: {  	[tilespmem:s7+$0x0] =	vst v1  }
0x1b2: {  	s8 =	simm.s32 $0x0;
	s9 =	simm.s32 $0x8020;
	[tilespmem:s7+$0xFFFFFFF0] =	vst v1  }
.LBB2_26:
0x1b3: {  	s8 =	sadd.s32 $0x4, s8  }
0x1b4: {  	[tilespmem:s7+$0xFFFFFFE0] =	vst v1;
	s9 =	sadd.s32 $0x40, s9;
	p0 =	slt.u32 s8, $0x3FC  }
.Ltmp12:
0x1b5: {  	s10 =	sshrl.u32 s8, $0x8;
	[tilespmem:s7+$0x10] =	vst v1;
	(pc) =	sbr.rel @p0 .LBB2_26-.Ltmp12, $4  }
0x1b6: {  	s7 =	smov.u32 s9;
	s10 =	sor.u32 s17, s10  }
0x1b7: {  	v1 =	vmov s10  }
0x1b8: {  	[tilespmem:s9+$0x0] =	vst v1  }
0x1b9: {  	[tilespmem:s9+$0xFFFFFFF0] =	vst v1  }
0x1ba: {  	s14 =	sld [smem:$0x7BD]  }
0x1bb: {  	[tilespmem:s7+$0xFFFFFFE0] =	vst v1;
	s8 =	simm.s32 $0x80  }
0x1bc: {  	[tilespmem:s7+$0x10] =	vst v1;
	s9 =	simm.s32 $0x100;
	s10 =	simm.s32 $0x8000;
	s15 =	simm.s32 $0x2  }
0x1bd: {  	[hbm4b:s14+s8] =	stream.strided.scatter [tilespmem:s10], [sflag:$0x2], $0x4000, s9, s8, $0x38;
	[tilespmem:$0xC000] =	vst v63  }
0x1be: {  	s16 =	simm.s32 $0x0;
	_ =	swait.ge [sflag:s15], $0x4000  }
0x1bf: {  	s17 =	sor.u32 s18, s16;
	[sflag:s15] =	ssyncset.done $0x0  }
0x1c0: {  	s7 =	simm.s32 $0x4020;
	v1 =	vmov s17;
	[sflag:s15] =	ssyncadd.s32 $0xFFFFC000  }
0x1c1: {  	[tilespmem:s7+$0x0] =	vst v1  }
0x1c2: {  	s8 =	simm.s32 $0x0;
	s9 =	simm.s32 $0x4020;
	[tilespmem:s7+$0xFFFFFFF0] =	vst v1  }
.LBB2_28:
0x1c3: {  	s8 =	sadd.s32 $0x4, s8  }
0x1c4: {  	[tilespmem:s7+$0xFFFFFFE0] =	vst v1;
	s9 =	sadd.s32 $0x40, s9;
	p0 =	slt.u32 s8, $0x3FC  }
.Ltmp13:
0x1c5: {  	s10 =	sshrl.u32 s8, $0x8;
	[tilespmem:s7+$0x10] =	vst v1;
	(pc) =	sbr.rel @p0 .LBB2_28-.Ltmp13, $4  }
0x1c6: {  	s7 =	smov.u32 s9;
	s10 =	sor.u32 s18, s10  }
0x1c7: {  	v1 =	vmov s10  }
0x1c8: {  	[tilespmem:s9+$0x0] =	vst v1  }
0x1c9: {  	[tilespmem:s9+$0xFFFFFFF0] =	vst v1  }
0x1ca: {  	s14 =	sld [smem:$0x7BE]  }
0x1cb: {  	[tilespmem:s7+$0xFFFFFFE0] =	vst v1;
	s8 =	simm.s32 $0x80  }
0x1cc: {  	[tilespmem:s7+$0x10] =	vst v1;
	s9 =	simm.s32 $0x100;
	s10 =	simm.s32 $0x4000;
	s15 =	simm.s32 $0x2  }
0x1cd: {  	[hbm4b:s14+s8] =	stream.strided.scatter [tilespmem:s10], [sflag:$0x2], $0x4000, s9, s8, $0x38;
	[tilespmem:$0xC000] =	vst v63  }
0x1ce: {  	s16 =	simm.s32 $0x0;
	_ =	swait.ge [sflag:s15], $0x4000  }
0x1cf: {  	s17 =	sor.u32 s19, s16;
	[sflag:s15] =	ssyncset.done $0x0  }
0x1d0: {  	s7 =	simm.s32 $0x8020;
	v1 =	vmov s17;
	[sflag:s15] =	ssyncadd.s32 $0xFFFFC000  }
0x1d1: {  	[tilespmem:s7+$0x0] =	vst v1  }
0x1d2: {  	s8 =	simm.s32 $0x0;
	s9 =	simm.s32 $0x8020;
	[tilespmem:s7+$0xFFFFFFF0] =	vst v1  }
.LBB2_30:
0x1d3: {  	s8 =	sadd.s32 $0x4, s8  }
0x1d4: {  	[tilespmem:s7+$0xFFFFFFE0] =	vst v1;
	s9 =	sadd.s32 $0x40, s9;
	p0 =	slt.u32 s8, $0x3FC  }
.Ltmp14:
0x1d5: {  	s10 =	sshrl.u32 s8, $0x8;
	[tilespmem:s7+$0x10] =	vst v1;
	(pc) =	sbr.rel @p0 .LBB2_30-.Ltmp14, $4  }
0x1d6: {  	s7 =	smov.u32 s9;
	s10 =	sor.u32 s19, s10  }
0x1d7: {  	v1 =	vmov s10  }
0x1d8: {  	[tilespmem:s9+$0x0] =	vst v1  }
0x1d9: {  	[tilespmem:s9+$0xFFFFFFF0] =	vst v1  }
0x1da: {  	s14 =	sld [smem:$0x7BF]  }
0x1db: {  	[tilespmem:s7+$0xFFFFFFE0] =	vst v1;
	s8 =	simm.s32 $0x80  }
0x1dc: {  	[tilespmem:s7+$0x10] =	vst v1;
	s9 =	simm.s32 $0x100;
	s10 =	simm.s32 $0x8000;
	s15 =	simm.s32 $0x2  }
0x1dd: {  	[hbm4b:s14+s8] =	stream.strided.scatter [tilespmem:s10], [sflag:$0x2], $0x4000, s9, s8, $0x38;
	[tilespmem:$0xC000] =	vst v63  }
0x1de: {  	s16 =	simm.s32 $0x0;
	_ =	swait.ge [sflag:s15], $0x4000  }
0x1df: {  	s17 =	sor.u32 s20, s16;
	[sflag:s15] =	ssyncset.done $0x0  }
0x1e0: {  	s7 =	simm.s32 $0x4020;
	v1 =	vmov s17;
	[sflag:s15] =	ssyncadd.s32 $0xFFFFC000  }
0x1e1: {  	[tilespmem:s7+$0x0] =	vst v1  }
0x1e2: {  	s8 =	simm.s32 $0x0;
	s9 =	simm.s32 $0x4020;
	[tilespmem:s7+$0xFFFFFFF0] =	vst v1  }
.LBB2_32:
0x1e3: {  	s8 =	sadd.s32 $0x4, s8  }
0x1e4: {  	[tilespmem:s7+$0xFFFFFFE0] =	vst v1;
	s9 =	sadd.s32 $0x40, s9;
	p0 =	slt.u32 s8, $0x3FC  }
.Ltmp15:
0x1e5: {  	s10 =	sshrl.u32 s8, $0x8;
	[tilespmem:s7+$0x10] =	vst v1;
	(pc) =	sbr.rel @p0 .LBB2_32-.Ltmp15, $4  }
0x1e6: {  	s7 =	smov.u32 s9;
	s10 =	sor.u32 s20, s10  }
0x1e7: {  	v1 =	vmov s10  }
0x1e8: {  	[tilespmem:s9+$0x0] =	vst v1  }
0x1e9: {  	[tilespmem:s9+$0xFFFFFFF0] =	vst v1  }
0x1ea: {  	s14 =	sld [smem:$0x7C0]  }
0x1eb: {  	[tilespmem:s7+$0xFFFFFFE0] =	vst v1;
	s8 =	simm.s32 $0x80  }
0x1ec: {  	[tilespmem:s7+$0x10] =	vst v1;
	s9 =	simm.s32 $0x100;
	s10 =	simm.s32 $0x4000;
	s15 =	simm.s32 $0x2  }
0x1ed: {  	[hbm4b:s14+s8] =	stream.strided.scatter [tilespmem:s10], [sflag:$0x2], $0x4000, s9, s8, $0x38;
	[tilespmem:$0xC000] =	vst v63  }
0x1ee: {  	s16 =	simm.s32 $0x0;
	_ =	swait.ge [sflag:s15], $0x4000  }
0x1ef: {  	s17 =	sor.u32 s21, s16;
	[sflag:s15] =	ssyncset.done $0x0  }
0x1f0: {  	s7 =	simm.s32 $0x8020;
	v1 =	vmov s17;
	[sflag:s15] =	ssyncadd.s32 $0xFFFFC000  }
0x1f1: {  	[tilespmem:s7+$0x0] =	vst v1  }
0x1f2: {  	s8 =	simm.s32 $0x0;
	s9 =	simm.s32 $0x8020;
	[tilespmem:s7+$0xFFFFFFF0] =	vst v1  }
.LBB2_34:
0x1f3: {  	s8 =	sadd.s32 $0x4, s8  }
0x1f4: {  	[tilespmem:s7+$0xFFFFFFE0] =	vst v1;
	s9 =	sadd.s32 $0x40, s9;
	p0 =	slt.u32 s8, $0x3FC  }
.Ltmp16:
0x1f5: {  	s10 =	sshrl.u32 s8, $0x8;
	[tilespmem:s7+$0x10] =	vst v1;
	(pc) =	sbr.rel @p0 .LBB2_34-.Ltmp16, $4  }
0x1f6: {  	s7 =	smov.u32 s9;
	s10 =	sor.u32 s21, s10  }
0x1f7: {  	v1 =	vmov s10  }
0x1f8: {  	[tilespmem:s9+$0x0] =	vst v1  }
0x1f9: {  	[tilespmem:s9+$0xFFFFFFF0] =	vst v1  }
0x1fa: {  	s14 =	sld [smem:$0x7C1]  }
0x1fb: {  	[tilespmem:s7+$0xFFFFFFE0] =	vst v1;
	s8 =	simm.s32 $0x80  }
0x1fc: {  	[tilespmem:s7+$0x10] =	vst v1;
	s9 =	simm.s32 $0x100;
	s10 =	simm.s32 $0x8000;
	s15 =	simm.s32 $0x2  }
0x1fd: {  	[hbm4b:s14+s8] =	stream.strided.scatter [tilespmem:s10], [sflag:$0x2], $0x4000, s9, s8, $0x38;
	[tilespmem:$0xC000] =	vst v63  }
0x1fe: {  	s16 =	simm.s32 $0x0;
	_ =	swait.ge [sflag:s15], $0x4000  }
0x1ff: {  	s17 =	sor.u32 s22, s16;
	[sflag:s15] =	ssyncset.done $0x0  }
0x200: {  	s7 =	simm.s32 $0x4020;
	v1 =	vmov s17;
	[sflag:s15] =	ssyncadd.s32 $0xFFFFC000  }
0x201: {  	[tilespmem:s7+$0x0] =	vst v1  }
0x202: {  	s8 =	simm.s32 $0x0;
	s9 =	simm.s32 $0x4020;
	[tilespmem:s7+$0xFFFFFFF0] =	vst v1  }
.LBB2_36:
0x203: {  	s8 =	sadd.s32 $0x4, s8  }
0x204: {  	[tilespmem:s7+$0xFFFFFFE0] =	vst v1;
	s9 =	sadd.s32 $0x40, s9;
	p0 =	slt.u32 s8, $0x3FC  }
.Ltmp17:
0x205: {  	s10 =	sshrl.u32 s8, $0x8;
	[tilespmem:s7+$0x10] =	vst v1;
	(pc) =	sbr.rel @p0 .LBB2_36-.Ltmp17, $4  }
0x206: {  	s7 =	smov.u32 s9;
	s10 =	sor.u32 s22, s10  }
0x207: {  	v1 =	vmov s10  }
0x208: {  	[tilespmem:s9+$0x0] =	vst v1  }
0x209: {  	[tilespmem:s9+$0xFFFFFFF0] =	vst v1  }
0x20a: {  	s14 =	sld [smem:$0x7C2]  }
0x20b: {  	[tilespmem:s7+$0xFFFFFFE0] =	vst v1;
	s8 =	simm.s32 $0x80  }
0x20c: {  	[tilespmem:s7+$0x10] =	vst v1;
	s9 =	simm.s32 $0x100;
	s10 =	simm.s32 $0x4000;
	s15 =	simm.s32 $0x2  }
0x20d: {  	[hbm4b:s14+s8] =	stream.strided.scatter [tilespmem:s10], [sflag:$0x2], $0x4000, s9, s8, $0x38;
	[tilespmem:$0xC000] =	vst v63  }
0x20e: {  	s16 =	simm.s32 $0x0;
	_ =	swait.ge [sflag:s15], $0x4000  }
0x20f: {  	s17 =	sor.u32 s23, s16;
	[sflag:s15] =	ssyncset.done $0x0  }
0x210: {  	s7 =	simm.s32 $0x8020;
	v1 =	vmov s17;
	[sflag:s15] =	ssyncadd.s32 $0xFFFFC000  }
0x211: {  	[tilespmem:s7+$0x0] =	vst v1  }
0x212: {  	s8 =	simm.s32 $0x0;
	s9 =	simm.s32 $0x8020;
	[tilespmem:s7+$0xFFFFFFF0] =	vst v1  }
.LBB2_38:
0x213: {  	s8 =	sadd.s32 $0x4, s8  }
0x214: {  	[tilespmem:s7+$0xFFFFFFE0] =	vst v1;
	s9 =	sadd.s32 $0x40, s9;
	p0 =	slt.u32 s8, $0x3FC  }
.Ltmp18:
0x215: {  	s10 =	sshrl.u32 s8, $0x8;
	[tilespmem:s7+$0x10] =	vst v1;
	(pc) =	sbr.rel @p0 .LBB2_38-.Ltmp18, $4  }
0x216: {  	s7 =	smov.u32 s9;
	s10 =	sor.u32 s23, s10  }
0x217: {  	v1 =	vmov s10  }
0x218: {  	[tilespmem:s9+$0x0] =	vst v1  }
0x219: {  	[tilespmem:s9+$0xFFFFFFF0] =	vst v1  }
0x21a: {  	s14 =	sld [smem:$0x7C3]  }
0x21b: {  	[tilespmem:s7+$0xFFFFFFE0] =	vst v1;
	s8 =	simm.s32 $0x80  }
0x21c: {  	[tilespmem:s7+$0x10] =	vst v1;
	s9 =	simm.s32 $0x100;
	s10 =	simm.s32 $0x8000;
	s15 =	simm.s32 $0x2  }
0x21d: {  	[hbm4b:s14+s8] =	stream.strided.scatter [tilespmem:s10], [sflag:$0x2], $0x4000, s9, s8, $0x38;
	[tilespmem:$0xC000] =	vst v63  }
0x21e: {  	s16 =	simm.s32 $0x0;
	_ =	swait.ge [sflag:s15], $0x4000  }
0x21f: {  	s17 =	sor.u32 s24, s16;
	[sflag:s15] =	ssyncset.done $0x0  }
0x220: {  	s7 =	simm.s32 $0x4020;
	v1 =	vmov s17;
	[sflag:s15] =	ssyncadd.s32 $0xFFFFC000  }
0x221: {  	[tilespmem:s7+$0x0] =	vst v1  }
0x222: {  	s8 =	simm.s32 $0x0;
	s9 =	simm.s32 $0x4020;
	[tilespmem:s7+$0xFFFFFFF0] =	vst v1  }
.LBB2_40:
0x223: {  	s8 =	sadd.s32 $0x4, s8  }
0x224: {  	[tilespmem:s7+$0xFFFFFFE0] =	vst v1;
	s9 =	sadd.s32 $0x40, s9;
	p0 =	slt.u32 s8, $0x3FC  }
.Ltmp19:
0x225: {  	s10 =	sshrl.u32 s8, $0x8;
	[tilespmem:s7+$0x10] =	vst v1;
	(pc) =	sbr.rel @p0 .LBB2_40-.Ltmp19, $4  }
0x226: {  	s7 =	smov.u32 s9;
	s10 =	sor.u32 s24, s10  }
0x227: {  	v1 =	vmov s10  }
0x228: {  	[tilespmem:s9+$0x0] =	vst v1  }
0x229: {  	[tilespmem:s9+$0xFFFFFFF0] =	vst v1  }
0x22a: {  	s14 =	sld [smem:$0x7C4]  }
0x22b: {  	[tilespmem:s7+$0xFFFFFFE0] =	vst v1;
	s8 =	simm.s32 $0x80  }
0x22c: {  	[tilespmem:s7+$0x10] =	vst v1;
	s9 =	simm.s32 $0x100;
	s10 =	simm.s32 $0x4000;
	s15 =	simm.s32 $0x2  }
0x22d: {  	[hbm4b:s14+s8] =	stream.strided.scatter [tilespmem:s10], [sflag:$0x2], $0x4000, s9, s8, $0x38;
	[tilespmem:$0xC000] =	vst v63  }
0x22e: {  	s16 =	simm.s32 $0x0;
	_ =	swait.ge [sflag:s15], $0x4000  }
0x22f: {  	s17 =	sor.u32 s25, s16;
	[sflag:s15] =	ssyncset.done $0x0  }
0x230: {  	s7 =	simm.s32 $0x8020;
	v1 =	vmov s17;
	[sflag:s15] =	ssyncadd.s32 $0xFFFFC000  }
0x231: {  	[tilespmem:s7+$0x0] =	vst v1  }
0x232: {  	s8 =	simm.s32 $0x0;
	s9 =	simm.s32 $0x8020;
	[tilespmem:s7+$0xFFFFFFF0] =	vst v1  }
.LBB2_42:
0x233: {  	s8 =	sadd.s32 $0x4, s8  }
0x234: {  	[tilespmem:s7+$0xFFFFFFE0] =	vst v1;
	s9 =	sadd.s32 $0x40, s9;
	p0 =	slt.u32 s8, $0x3FC  }
.Ltmp20:
0x235: {  	s10 =	sshrl.u32 s8, $0x8;
	[tilespmem:s7+$0x10] =	vst v1;
	(pc) =	sbr.rel @p0 .LBB2_42-.Ltmp20, $4  }
0x236: {  	s7 =	smov.u32 s9;
	s10 =	sor.u32 s25, s10  }
0x237: {  	v1 =	vmov s10  }
0x238: {  	[tilespmem:s9+$0x0] =	vst v1  }
0x239: {  	[tilespmem:s9+$0xFFFFFFF0] =	vst v1  }
0x23a: {  	s14 =	sld [smem:$0x7C5]  }
0x23b: {  	[tilespmem:s7+$0xFFFFFFE0] =	vst v1;
	s8 =	simm.s32 $0x80  }
0x23c: {  	[tilespmem:s7+$0x10] =	vst v1;
	s9 =	simm.s32 $0x100;
	s10 =	simm.s32 $0x8000;
	s15 =	simm.s32 $0x2  }
0x23d: {  	[hbm4b:s14+s8] =	stream.strided.scatter [tilespmem:s10], [sflag:$0x2], $0x4000, s9, s8, $0x38;
	[tilespmem:$0xC000] =	vst v63  }
0x23e: {  	s16 =	simm.s32 $0x0;
	_ =	swait.ge [sflag:s15], $0x4000  }
0x23f: {  	s17 =	sor.u32 s26, s16;
	[sflag:s15] =	ssyncset.done $0x0  }
0x240: {  	s7 =	simm.s32 $0x4020;
	v1 =	vmov s17;
	[sflag:s15] =	ssyncadd.s32 $0xFFFFC000  }
0x241: {  	[tilespmem:s7+$0x0] =	vst v1  }
0x242: {  	s8 =	simm.s32 $0x0;
	s9 =	simm.s32 $0x4020;
	[tilespmem:s7+$0xFFFFFFF0] =	vst v1  }
.LBB2_44:
0x243: {  	s8 =	sadd.s32 $0x4, s8  }
0x244: {  	[tilespmem:s7+$0xFFFFFFE0] =	vst v1;
	s9 =	sadd.s32 $0x40, s9;
	p0 =	slt.u32 s8, $0x3FC  }
.Ltmp21:
0x245: {  	s10 =	sshrl.u32 s8, $0x8;
	[tilespmem:s7+$0x10] =	vst v1;
	(pc) =	sbr.rel @p0 .LBB2_44-.Ltmp21, $4  }
0x246: {  	s7 =	smov.u32 s9;
	s10 =	sor.u32 s26, s10  }
0x247: {  	v1 =	vmov s10  }
0x248: {  	[tilespmem:s9+$0x0] =	vst v1  }
0x249: {  	[tilespmem:s9+$0xFFFFFFF0] =	vst v1  }
0x24a: {  	s14 =	sld [smem:$0x7C6]  }
0x24b: {  	[tilespmem:s7+$0xFFFFFFE0] =	vst v1;
	s8 =	simm.s32 $0x80  }
0x24c: {  	[tilespmem:s7+$0x10] =	vst v1;
	s9 =	simm.s32 $0x100;
	s10 =	simm.s32 $0x4000;
	s15 =	simm.s32 $0x2  }
0x24d: {  	[hbm4b:s14+s8] =	stream.strided.scatter [tilespmem:s10], [sflag:$0x2], $0x4000, s9, s8, $0x38;
	[tilespmem:$0xC000] =	vst v63  }
0x24e: {  	s16 =	simm.s32 $0x0;
	_ =	swait.ge [sflag:s15], $0x4000  }
0x24f: {  	s17 =	sor.u32 s28, s16;
	[sflag:s15] =	ssyncset.done $0x0  }
0x250: {  	s7 =	simm.s32 $0x8020;
	v1 =	vmov s17;
	[sflag:s15] =	ssyncadd.s32 $0xFFFFC000  }
0x251: {  	[tilespmem:s7+$0x0] =	vst v1  }
0x252: {  	s8 =	simm.s32 $0x0;
	s9 =	simm.s32 $0x8020;
	[tilespmem:s7+$0xFFFFFFF0] =	vst v1  }
.LBB2_46:
0x253: {  	s8 =	sadd.s32 $0x4, s8  }
0x254: {  	[tilespmem:s7+$0xFFFFFFE0] =	vst v1;
	s9 =	sadd.s32 $0x40, s9;
	p0 =	slt.u32 s8, $0x3FC  }
.Ltmp22:
0x255: {  	s10 =	sshrl.u32 s8, $0x8;
	[tilespmem:s7+$0x10] =	vst v1;
	(pc) =	sbr.rel @p0 .LBB2_46-.Ltmp22, $4  }
0x256: {  	s7 =	smov.u32 s9;
	s10 =	sor.u32 s28, s10  }
0x257: {  	v1 =	vmov s10  }
0x258: {  	[tilespmem:s9+$0x0] =	vst v1  }
0x259: {  	[tilespmem:s9+$0xFFFFFFF0] =	vst v1  }
0x25a: {  	s14 =	sld [smem:$0x7C7]  }
0x25b: {  	[tilespmem:s7+$0xFFFFFFE0] =	vst v1;
	s8 =	simm.s32 $0x80  }
0x25c: {  	[tilespmem:s7+$0x10] =	vst v1;
	s9 =	simm.s32 $0x100;
	s10 =	simm.s32 $0x8000;
	s15 =	simm.s32 $0x2  }
0x25d: {  	[hbm4b:s14+s8] =	stream.strided.scatter [tilespmem:s10], [sflag:$0x2], $0x4000, s9, s8, $0x38;
	[tilespmem:$0xC000] =	vst v63  }
0x25e: {  	s16 =	simm.s32 $0x0;
	_ =	swait.ge [sflag:s15], $0x4000  }
0x25f: {  	s17 =	sor.u32 s29, s16;
	[sflag:s15] =	ssyncset.done $0x0  }
0x260: {  	s7 =	simm.s32 $0x4020;
	v1 =	vmov s17;
	[sflag:s15] =	ssyncadd.s32 $0xFFFFC000  }
0x261: {  	[tilespmem:s7+$0x0] =	vst v1  }
0x262: {  	s8 =	simm.s32 $0x0;
	s9 =	simm.s32 $0x4020;
	[tilespmem:s7+$0xFFFFFFF0] =	vst v1  }
.LBB2_48:
0x263: {  	s8 =	sadd.s32 $0x4, s8  }
0x264: {  	[tilespmem:s7+$0xFFFFFFE0] =	vst v1;
	s9 =	sadd.s32 $0x40, s9;
	p0 =	slt.u32 s8, $0x3FC  }
.Ltmp23:
0x265: {  	s10 =	sshrl.u32 s8, $0x8;
	[tilespmem:s7+$0x10] =	vst v1;
	(pc) =	sbr.rel @p0 .LBB2_48-.Ltmp23, $4  }
0x266: {  	s7 =	smov.u32 s9;
	s10 =	sor.u32 s29, s10  }
0x267: {  	v1 =	vmov s10  }
0x268: {  	[tilespmem:s9+$0x0] =	vst v1  }
0x269: {  	[tilespmem:s9+$0xFFFFFFF0] =	vst v1  }
0x26a: {  	s14 =	sld [smem:$0x7C8]  }
0x26b: {  	[tilespmem:s7+$0xFFFFFFE0] =	vst v1;
	s8 =	simm.s32 $0x80  }
0x26c: {  	[tilespmem:s7+$0x10] =	vst v1;
	s9 =	simm.s32 $0x100;
	s10 =	simm.s32 $0x4000;
	s15 =	simm.s32 $0x2  }
0x26d: {  	[hbm4b:s14+s8] =	stream.strided.scatter [tilespmem:s10], [sflag:$0x2], $0x4000, s9, s8, $0x38;
	[tilespmem:$0xC000] =	vst v63  }
0x26e: {  	s16 =	simm.s32 $0x0;
	_ =	swait.ge [sflag:s15], $0x4000  }
0x26f: {  	s17 =	sor.u32 s30, s16;
	[sflag:s15] =	ssyncset.done $0x0  }
0x270: {  	s7 =	simm.s32 $0x8020;
	v1 =	vmov s17;
	[sflag:s15] =	ssyncadd.s32 $0xFFFFC000  }
0x271: {  	[tilespmem:s7+$0x0] =	vst v1  }
0x272: {  	s8 =	simm.s32 $0x0;
	s9 =	simm.s32 $0x8020;
	[tilespmem:s7+$0xFFFFFFF0] =	vst v1  }
.LBB2_50:
0x273: {  	s8 =	sadd.s32 $0x4, s8  }
0x274: {  	[tilespmem:s7+$0xFFFFFFE0] =	vst v1;
	s9 =	sadd.s32 $0x40, s9;
	p0 =	slt.u32 s8, $0x3FC  }
.Ltmp24:
0x275: {  	s10 =	sshrl.u32 s8, $0x8;
	[tilespmem:s7+$0x10] =	vst v1;
	(pc) =	sbr.rel @p0 .LBB2_50-.Ltmp24, $4  }
0x276: {  	s7 =	smov.u32 s9;
	s10 =	sor.u32 s30, s10  }
0x277: {  	v1 =	vmov s10  }
0x278: {  	[tilespmem:s9+$0x0] =	vst v1  }
0x279: {  	[tilespmem:s9+$0xFFFFFFF0] =	vst v1  }
0x27a: {  	s14 =	sld [smem:$0x7C9]  }
0x27b: {  	[tilespmem:s7+$0xFFFFFFE0] =	vst v1;
	s8 =	simm.s32 $0x80  }
0x27c: {  	[tilespmem:s7+$0x10] =	vst v1;
	s9 =	simm.s32 $0x100;
	s10 =	simm.s32 $0x8000;
	s15 =	simm.s32 $0x2  }
0x27d: {  	[hbm4b:s14+s8] =	stream.strided.scatter [tilespmem:s10], [sflag:$0x2], $0x4000, s9, s8, $0x38;
	[tilespmem:$0xC000] =	vst v63  }
0x27e: {  	s16 =	simm.s32 $0x0;
	_ =	swait.ge [sflag:s15], $0x4000  }
0x27f: {  	s17 =	sor.u32 s31, s16;
	[sflag:s15] =	ssyncset.done $0x0  }
0x280: {  	s7 =	simm.s32 $0x4020;
	v1 =	vmov s17;
	[sflag:s15] =	ssyncadd.s32 $0xFFFFC000  }
0x281: {  	[tilespmem:s7+$0x0] =	vst v1  }
0x282: {  	s8 =	simm.s32 $0x0;
	s9 =	simm.s32 $0x4020;
	[tilespmem:s7+$0xFFFFFFF0] =	vst v1  }
.LBB2_52:
0x283: {  	s8 =	sadd.s32 $0x4, s8  }
0x284: {  	[tilespmem:s7+$0xFFFFFFE0] =	vst v1;
	s9 =	sadd.s32 $0x40, s9;
	p0 =	slt.u32 s8, $0x3FC  }
.Ltmp25:
0x285: {  	s10 =	sshrl.u32 s8, $0x8;
	[tilespmem:s7+$0x10] =	vst v1;
	(pc) =	sbr.rel @p0 .LBB2_52-.Ltmp25, $4  }
0x286: {  	s7 =	smov.u32 s9;
	s10 =	sor.u32 s31, s10  }
0x287: {  	v1 =	vmov s10  }
0x288: {  	[tilespmem:s9+$0x0] =	vst v1  }
0x289: {  	[tilespmem:s9+$0xFFFFFFF0] =	vst v1  }
0x28a: {  	s14 =	sld [smem:$0x7CA]  }
0x28b: {  	[tilespmem:s7+$0xFFFFFFE0] =	vst v1;
	s8 =	simm.s32 $0x80  }
0x28c: {  	[tilespmem:s7+$0x10] =	vst v1;
	s9 =	simm.s32 $0x100;
	s10 =	simm.s32 $0x4000;
	s15 =	simm.s32 $0x2  }
0x28d: {  	[hbm4b:s14+s8] =	stream.strided.scatter [tilespmem:s10], [sflag:$0x2], $0x4000, s9, s8, $0x38;
	[tilespmem:$0xC000] =	vst v63  }
0x28e: {  	s16 =	simm.s32 $0x0;
	_ =	swait.ge [sflag:s15], $0x4000  }
0x28f: {  	s17 =	sor.u32 s0, s16;
	[sflag:s15] =	ssyncset.done $0x0  }
0x290: {  	s7 =	simm.s32 $0x8020;
	v1 =	vmov s17;
	[sflag:s15] =	ssyncadd.s32 $0xFFFFC000  }
0x291: {  	[tilespmem:s7+$0x0] =	vst v1  }
0x292: {  	s8 =	simm.s32 $0x0;
	s9 =	simm.s32 $0x8020;
	[tilespmem:s7+$0xFFFFFFF0] =	vst v1  }
.LBB2_54:
0x293: {  	s8 =	sadd.s32 $0x4, s8  }
0x294: {  	[tilespmem:s7+$0xFFFFFFE0] =	vst v1;
	s9 =	sadd.s32 $0x40, s9;
	p0 =	slt.u32 s8, $0x3FC  }
.Ltmp26:
0x295: {  	s10 =	sshrl.u32 s8, $0x8;
	[tilespmem:s7+$0x10] =	vst v1;
	(pc) =	sbr.rel @p0 .LBB2_54-.Ltmp26, $4  }
0x296: {  	s7 =	smov.u32 s9;
	s10 =	sor.u32 s0, s10  }
0x297: {  	v1 =	vmov s10  }
0x298: {  	[tilespmem:s9+$0x0] =	vst v1  }
0x299: {  	[tilespmem:s9+$0xFFFFFFF0] =	vst v1  }
0x29a: {  	s14 =	sld [smem:$0x7CB]  }
0x29b: {  	[tilespmem:s7+$0xFFFFFFE0] =	vst v1;
	s8 =	simm.s32 $0x80  }
0x29c: {  	[tilespmem:s7+$0x10] =	vst v1;
	s9 =	simm.s32 $0x100;
	s10 =	simm.s32 $0x8000;
	s15 =	simm.s32 $0x2  }
0x29d: {  	[hbm4b:s14+s8] =	stream.strided.scatter [tilespmem:s10], [sflag:$0x2], $0x4000, s9, s8, $0x38;
	[tilespmem:$0xC000] =	vst v63  }
0x29e: {  	s16 =	simm.s32 $0x0;
	_ =	swait.ge [sflag:s15], $0x4000  }
0x29f: {  	s17 =	sor.u32 s2, s16;
	[sflag:s15] =	ssyncset.done $0x0  }
0x2a0: {  	s7 =	simm.s32 $0x4020;
	v1 =	vmov s17;
	[sflag:s15] =	ssyncadd.s32 $0xFFFFC000  }
0x2a1: {  	[tilespmem:s7+$0x0] =	vst v1  }
0x2a2: {  	s8 =	simm.s32 $0x0;
	s9 =	simm.s32 $0x4020;
	[tilespmem:s7+$0xFFFFFFF0] =	vst v1  }
.LBB2_56:
0x2a3: {  	s8 =	sadd.s32 $0x4, s8  }
0x2a4: {  	[tilespmem:s7+$0xFFFFFFE0] =	vst v1;
	s9 =	sadd.s32 $0x40, s9;
	p0 =	slt.u32 s8, $0x3FC  }
.Ltmp27:
0x2a5: {  	s10 =	sshrl.u32 s8, $0x8;
	[tilespmem:s7+$0x10] =	vst v1;
	(pc) =	sbr.rel @p0 .LBB2_56-.Ltmp27, $4  }
0x2a6: {  	s7 =	smov.u32 s9;
	s10 =	sor.u32 s2, s10  }
0x2a7: {  	v1 =	vmov s10  }
0x2a8: {  	[tilespmem:s9+$0x0] =	vst v1  }
0x2a9: {  	[tilespmem:s9+$0xFFFFFFF0] =	vst v1  }
0x2aa: {  	s14 =	sld [smem:$0x7CC]  }
0x2ab: {  	[tilespmem:s7+$0xFFFFFFE0] =	vst v1;
	s8 =	simm.s32 $0x80  }
0x2ac: {  	[tilespmem:s7+$0x10] =	vst v1;
	s9 =	simm.s32 $0x100;
	s10 =	simm.s32 $0x4000;
	s15 =	simm.s32 $0x2  }
0x2ad: {  	[hbm4b:s14+s8] =	stream.strided.scatter [tilespmem:s10], [sflag:$0x2], $0x4000, s9, s8, $0x38;
	[tilespmem:$0xC000] =	vst v63  }
0x2ae: {  	s16 =	simm.s32 $0x0;
	_ =	swait.ge [sflag:s15], $0x4000  }
0x2af: {  	s17 =	sor.u32 s3, s16;
	[sflag:s15] =	ssyncset.done $0x0  }
0x2b0: {  	s7 =	simm.s32 $0x8020;
	v1 =	vmov s17;
	[sflag:s15] =	ssyncadd.s32 $0xFFFFC000  }
0x2b1: {  	[tilespmem:s7+$0x0] =	vst v1  }
0x2b2: {  	s8 =	simm.s32 $0x0;
	s9 =	simm.s32 $0x8020;
	[tilespmem:s7+$0xFFFFFFF0] =	vst v1  }
.LBB2_58:
0x2b3: {  	s8 =	sadd.s32 $0x4, s8  }
0x2b4: {  	[tilespmem:s7+$0xFFFFFFE0] =	vst v1;
	s9 =	sadd.s32 $0x40, s9;
	p0 =	slt.u32 s8, $0x3FC  }
.Ltmp28:
0x2b5: {  	s10 =	sshrl.u32 s8, $0x8;
	[tilespmem:s7+$0x10] =	vst v1;
	(pc) =	sbr.rel @p0 .LBB2_58-.Ltmp28, $4  }
0x2b6: {  	s7 =	smov.u32 s9;
	s10 =	sor.u32 s3, s10  }
0x2b7: {  	v1 =	vmov s10  }
0x2b8: {  	[tilespmem:s9+$0x0] =	vst v1  }
0x2b9: {  	[tilespmem:s9+$0xFFFFFFF0] =	vst v1  }
0x2ba: {  	s14 =	sld [smem:$0x7CD]  }
0x2bb: {  	[tilespmem:s7+$0xFFFFFFE0] =	vst v1;
	s8 =	simm.s32 $0x80  }
0x2bc: {  	[tilespmem:s7+$0x10] =	vst v1;
	s9 =	simm.s32 $0x100;
	s10 =	simm.s32 $0x8000;
	s15 =	simm.s32 $0x2  }
0x2bd: {  	[hbm4b:s14+s8] =	stream.strided.scatter [tilespmem:s10], [sflag:$0x2], $0x4000, s9, s8, $0x38;
	[tilespmem:$0xC000] =	vst v63  }
0x2be: {  	s16 =	simm.s32 $0x0;
	_ =	swait.ge [sflag:s15], $0x4000  }
0x2bf: {  	s17 =	sor.u32 s4, s16;
	[sflag:s15] =	ssyncset.done $0x0  }
0x2c0: {  	s7 =	simm.s32 $0x4020;
	v1 =	vmov s17;
	[sflag:s15] =	ssyncadd.s32 $0xFFFFC000  }
0x2c1: {  	[tilespmem:s7+$0x0] =	vst v1  }
0x2c2: {  	s8 =	simm.s32 $0x0;
	s9 =	simm.s32 $0x4020;
	[tilespmem:s7+$0xFFFFFFF0] =	vst v1  }
.LBB2_60:
0x2c3: {  	s8 =	sadd.s32 $0x4, s8  }
0x2c4: {  	[tilespmem:s7+$0xFFFFFFE0] =	vst v1;
	s9 =	sadd.s32 $0x40, s9;
	p0 =	slt.u32 s8, $0x3FC  }
.Ltmp29:
0x2c5: {  	s10 =	sshrl.u32 s8, $0x8;
	[tilespmem:s7+$0x10] =	vst v1;
	(pc) =	sbr.rel @p0 .LBB2_60-.Ltmp29, $4  }
0x2c6: {  	s7 =	smov.u32 s9;
	s10 =	sor.u32 s4, s10  }
0x2c7: {  	v1 =	vmov s10  }
0x2c8: {  	[tilespmem:s9+$0x0] =	vst v1  }
0x2c9: {  	[tilespmem:s9+$0xFFFFFFF0] =	vst v1  }
0x2ca: {  	s14 =	sld [smem:$0x7CE]  }
0x2cb: {  	[tilespmem:s7+$0xFFFFFFE0] =	vst v1;
	s8 =	simm.s32 $0x80  }
0x2cc: {  	[tilespmem:s7+$0x10] =	vst v1;
	s9 =	simm.s32 $0x100;
	s10 =	simm.s32 $0x4000;
	s15 =	simm.s32 $0x2  }
0x2cd: {  	[hbm4b:s14+s8] =	stream.strided.scatter [tilespmem:s10], [sflag:$0x2], $0x4000, s9, s8, $0x38;
	[tilespmem:$0xC000] =	vst v63  }
0x2ce: {  	s16 =	simm.s32 $0x0;
	_ =	swait.ge [sflag:s15], $0x4000  }
0x2cf: {  	s17 =	sor.u32 s5, s16;
	[sflag:s15] =	ssyncset.done $0x0  }
0x2d0: {  	s7 =	simm.s32 $0x8020;
	v1 =	vmov s17;
	[sflag:s15] =	ssyncadd.s32 $0xFFFFC000  }
0x2d1: {  	[tilespmem:s7+$0x0] =	vst v1  }
0x2d2: {  	s8 =	simm.s32 $0x0;
	s9 =	simm.s32 $0x8020;
	[tilespmem:s7+$0xFFFFFFF0] =	vst v1  }
.LBB2_62:
0x2d3: {  	s8 =	sadd.s32 $0x4, s8  }
0x2d4: {  	[tilespmem:s7+$0xFFFFFFE0] =	vst v1;
	s9 =	sadd.s32 $0x40, s9;
	p0 =	slt.u32 s8, $0x3FC  }
.Ltmp30:
0x2d5: {  	s10 =	sshrl.u32 s8, $0x8;
	[tilespmem:s7+$0x10] =	vst v1;
	(pc) =	sbr.rel @p0 .LBB2_62-.Ltmp30, $4  }
0x2d6: {  	s7 =	smov.u32 s9;
	s10 =	sor.u32 s5, s10  }
0x2d7: {  	v1 =	vmov s10  }
0x2d8: {  	[tilespmem:s9+$0x0] =	vst v1  }
0x2d9: {  	[tilespmem:s9+$0xFFFFFFF0] =	vst v1  }
0x2da: {  	s14 =	sld [smem:$0x7CF]  }
0x2db: {  	[tilespmem:s7+$0xFFFFFFE0] =	vst v1;
	s8 =	simm.s32 $0x80  }
0x2dc: {  	[tilespmem:s7+$0x10] =	vst v1;
	s9 =	simm.s32 $0x100;
	s10 =	simm.s32 $0x8000;
	s15 =	simm.s32 $0x2  }
0x2dd: {  	[hbm4b:s14+s8] =	stream.strided.scatter [tilespmem:s10], [sflag:$0x2], $0x4000, s9, s8, $0x38;
	[tilespmem:$0xC000] =	vst v63  }
0x2de: {  	s16 =	simm.s32 $0x0;
	_ =	swait.ge [sflag:s15], $0x4000  }
0x2df: {  	s17 =	sor.u32 s1, s16;
	[sflag:s15] =	ssyncset.done $0x0  }
0x2e0: {  	s7 =	simm.s32 $0x4020;
	v1 =	vmov s17;
	[sflag:s15] =	ssyncadd.s32 $0xFFFFC000  }
0x2e1: {  	[tilespmem:s7+$0x0] =	vst v1  }
0x2e2: {  	s8 =	simm.s32 $0x0;
	s9 =	simm.s32 $0x4020;
	[tilespmem:s7+$0xFFFFFFF0] =	vst v1  }
.LBB2_64:
0x2e3: {  	s8 =	sadd.s32 $0x4, s8  }
0x2e4: {  	[tilespmem:s7+$0xFFFFFFE0] =	vst v1;
	s9 =	sadd.s32 $0x40, s9;
	p0 =	slt.u32 s8, $0x3FC  }
.Ltmp31:
0x2e5: {  	s10 =	sshrl.u32 s8, $0x8;
	[tilespmem:s7+$0x10] =	vst v1;
	(pc) =	sbr.rel @p0 .LBB2_64-.Ltmp31, $4  }
0x2e6: {  	s7 =	smov.u32 s9;
	s10 =	sor.u32 s1, s10  }
0x2e7: {  	v1 =	vmov s10  }
0x2e8: {  	[tilespmem:s9+$0x0] =	vst v1  }
0x2e9: {  	[tilespmem:s9+$0xFFFFFFF0] =	vst v1  }
0x2ea: {  	s14 =	sld [smem:$0x7D0]  }
0x2eb: {  	[tilespmem:s7+$0xFFFFFFE0] =	vst v1;
	s8 =	simm.s32 $0x80  }
0x2ec: {  	[tilespmem:s7+$0x10] =	vst v1;
	s9 =	simm.s32 $0x100;
	s10 =	simm.s32 $0x4000;
	s15 =	simm.s32 $0x2  }
0x2ed: {  	[hbm4b:s14+s8] =	stream.strided.scatter [tilespmem:s10], [sflag:$0x2], $0x4000, s9, s8, $0x38;
	[tilespmem:$0xC000] =	vst v63  }
0x2ee: {  	s16 =	simm.s32 $0x0;
	_ =	swait.ge [sflag:s15], $0x4000  }
0x2ef: {  	s17 =	sor.u32 s6, s16;
	[sflag:s15] =	ssyncset.done $0x0  }
0x2f0: {  	s7 =	simm.s32 $0x8020;
	v1 =	vmov s17;
	[sflag:s15] =	ssyncadd.s32 $0xFFFFC000  }
0x2f1: {  	[tilespmem:s7+$0x0] =	vst v1  }
0x2f2: {  	s8 =	simm.s32 $0x0;
	s9 =	simm.s32 $0x8020;
	[tilespmem:s7+$0xFFFFFFF0] =	vst v1  }
.LBB2_66:
0x2f3: {  	s8 =	sadd.s32 $0x4, s8  }
0x2f4: {  	[tilespmem:s7+$0xFFFFFFE0] =	vst v1;
	s9 =	sadd.s32 $0x40, s9;
	p0 =	slt.u32 s8, $0x3FC  }
.Ltmp32:
0x2f5: {  	s10 =	sshrl.u32 s8, $0x8;
	[tilespmem:s7+$0x10] =	vst v1;
	(pc) =	sbr.rel @p0 .LBB2_66-.Ltmp32, $4  }
0x2f6: {  	s7 =	smov.u32 s9;
	s10 =	sor.u32 s6, s10  }
0x2f7: {  	v1 =	vmov s10  }
0x2f8: {  	[tilespmem:s9+$0x0] =	vst v1  }
0x2f9: {  	[tilespmem:s9+$0xFFFFFFF0] =	vst v1  }
0x2fa: {  	s13 =	sld [smem:$0x7D1]  }
0x2fb: {  	[tilespmem:s7+$0xFFFFFFE0] =	vst v1;
	s8 =	simm.s32 $0x80  }
0x2fc: {  	[tilespmem:s7+$0x10] =	vst v1;
	s9 =	simm.s32 $0x100;
	s10 =	simm.s32 $0x8000;
	s14 =	simm.s32 $0x2  }
0x2fd: {  	[hbm4b:s13+s8] =	stream.strided.scatter [tilespmem:s10], [sflag:$0x2], $0x4000, s9, s8, $0x38;
	[tilespmem:$0xC000] =	vst v63  }
0x2fe: {  	_ =	swait.ge [sflag:s14], $0x4000  }
0x2ff: {  	[sflag:s14] =	ssyncset.done $0x0  }
0x300: {  	[sflag:s14] =	ssyncadd.s32 $0xFFFFC000  }
0x301: {  	_ =	swait.ge [sflag:s14], $0x4000  }
0x302: {  	[sflag:s14] =	ssyncset.done $0x0  }
0x303: {  	s15 =	simm.s32 $0x1;
	[sflag:s14] =	ssyncadd.s32 $0xFFFFC000  }
0x304: {  	_ =	swait.ge [sflag:s15], $0x4000  }
0x305: {  	[sflag:s15] =	ssyncset.done $0x0  }
0x306: {  	[sflag:s15] =	ssyncadd.s32 $0xFFFFC000  }
0x307: {  	_ =	swait.ge [sflag:s15], $0x4000  }
0x308: {  	[sflag:s15] =	ssyncset.done $0x0  }
0x309: {  	[sflag:s15] =	ssyncadd.s32 $0xFFFFC000  }
0x30a: {  	_ =	swait.ge [sflag:s15], $0x4000  }
0x30b: {  	[sflag:s15] =	ssyncset.done $0x0  }
0x30c: {  	[sflag:s15] =	ssyncadd.s32 $0xFFFFC000  }
0x30d: {  	_ =	swait.ge [sflag:s15], $0x4000  }
0x30e: {  	[sflag:s15] =	ssyncset.done $0x0  }
0x30f: {  	[sflag:s15] =	ssyncadd.s32 $0xFFFFC000  }
0x310: {  	_ =	swait.ge [sflag:s15], $0x4000  }
0x311: {  	[sflag:s15] =	ssyncset.done $0x0  }
0x312: {  	[sflag:s15] =	ssyncadd.s32 $0xFFFFC000  }
0x313: {  	_ =	swait.ge [sflag:s15], $0x4000  }
0x314: {  	[sflag:s15] =	ssyncset.done $0x0  }
0x315: {  	[sflag:s15] =	ssyncadd.s32 $0xFFFFC000  }
0x316: {  	_ =	swait.ge [sflag:s15], $0x4000  }
0x317: {  	[sflag:s15] =	ssyncset.done $0x0  }
0x318: {  	[sflag:s15] =	ssyncadd.s32 $0xFFFFC000  }
0x319: {  	_ =	swait.ge [sflag:s15], $0x4000  }
0x31a: {  	[sflag:s15] =	ssyncset.done $0x0  }
0x31b: {  	[sflag:s15] =	ssyncadd.s32 $0xFFFFC000  }
0x31c: {  	_ =	swait.ge [sflag:s15], $0x4000  }
0x31d: {  	[sflag:s15] =	ssyncset.done $0x0  }
0x31e: {  	[sflag:s15] =	ssyncadd.s32 $0xFFFFC000  }
0x31f: {  	_ =	swait.ge [sflag:s15], $0x4000  }
0x320: {  	[sflag:s15] =	ssyncset.done $0x0  }
0x321: {  	[sflag:s15] =	ssyncadd.s32 $0xFFFFC000  }
0x322: {  	_ =	swait.ge [sflag:s15], $0x4000  }
0x323: {  	[sflag:s15] =	ssyncset.done $0x0  }
0x324: {  	[sflag:s15] =	ssyncadd.s32 $0xFFFFC000  }
0x325: {  	_ =	swait.ge [sflag:s15], $0x4000  }
0x326: {  	[sflag:s15] =	ssyncset.done $0x0  }
0x327: {  	[sflag:s15] =	ssyncadd.s32 $0xFFFFC000  }
0x328: {  	_ =	swait.ge [sflag:s15], $0x4000  }
0x329: {  	[sflag:s15] =	ssyncset.done $0x0  }
0x32a: {  	[sflag:s15] =	ssyncadd.s32 $0xFFFFC000  }
0x32b: {  	_ =	swait.ge [sflag:s15], $0x4000  }
0x32c: {  	[sflag:s15] =	ssyncset.done $0x0  }
0x32d: {  	[sflag:s15] =	ssyncadd.s32 $0xFFFFC000  }
0x32e: {  	_ =	swait.ge [sflag:s15], $0x4000  }
0x32f: {  	[sflag:s15] =	ssyncset.done $0x0  }
0x330: {  	[sflag:s15] =	ssyncadd.s32 $0xFFFFC000  }
0x331: {  	_ =	swait.ge [sflag:s15], $0x4000  }
0x332: {  	[sflag:s15] =	ssyncset.done $0x0  }
0x333: {  	[sflag:s15] =	ssyncadd.s32 $0xFFFFC000  }
0x334: {  	_ =	swait.ge [sflag:s15], $0x4000  }
0x335: {  	[sflag:s15] =	ssyncset.done $0x0  }
0x336: {  	[sflag:s15] =	ssyncadd.s32 $0xFFFFC000  }
0x337: {  	_ =	swait.ge [sflag:s15], $0x4000  }
0x338: {  	[sflag:s15] =	ssyncset.done $0x0  }
0x339: {  	[sflag:s15] =	ssyncadd.s32 $0xFFFFC000  }
0x33a: {  	_ =	swait.ge [sflag:s15], $0x4000  }
0x33b: {  	[sflag:s15] =	ssyncset.done $0x0  }
0x33c: {  	[sflag:s15] =	ssyncadd.s32 $0xFFFFC000  }
0x33d: {  	_ =	swait.ge [sflag:s15], $0x4000  }
0x33e: {  	[sflag:s15] =	ssyncset.done $0x0  }
0x33f: {  	[sflag:s15] =	ssyncadd.s32 $0xFFFFC000  }
0x340: {  	_ =	swait.ge [sflag:s15], $0x4000  }
0x341: {  	[sflag:s15] =	ssyncset.done $0x0  }
0x342: {  	[sflag:s15] =	ssyncadd.s32 $0xFFFFC000  }
0x343: {  	_ =	swait.ge [sflag:s15], $0x4000  }
0x344: {  	[sflag:s15] =	ssyncset.done $0x0  }
0x345: {  	[sflag:s15] =	ssyncadd.s32 $0xFFFFC000  }
0x346: {  	_ =	swait.ge [sflag:s15], $0x4000  }
0x347: {  	[sflag:s15] =	ssyncset.done $0x0  }
0x348: {  	[sflag:s15] =	ssyncadd.s32 $0xFFFFC000  }
0x349: {  	_ =	swait.ge [sflag:s15], $0x4000  }
0x34a: {  	[sflag:s15] =	ssyncset.done $0x0  }
0x34b: {  	[sflag:s15] =	ssyncadd.s32 $0xFFFFC000  }
0x34c: {  	_ =	swait.ge [sflag:s15], $0x4000  }
0x34d: {  	[sflag:s15] =	ssyncset.done $0x0  }
0x34e: {  	[sflag:s15] =	ssyncadd.s32 $0xFFFFC000  }
0x34f: {  	_ =	swait.ge [sflag:s15], $0x4000  }
0x350: {  	[sflag:s15] =	ssyncset.done $0x0  }
0x351: {  	[sflag:s15] =	ssyncadd.s32 $0xFFFFC000  }
0x352: {  	_ =	swait.ge [sflag:s15], $0x4000  }
0x353: {  	[sflag:s15] =	ssyncset.done $0x0  }
0x354: {  	[sflag:s15] =	ssyncadd.s32 $0xFFFFC000  }
0x355: {  	_ =	swait.ge [sflag:s15], $0x4000  }
0x356: {  	[sflag:s15] =	ssyncset.done $0x0  }
0x357: {  	[sflag:s15] =	ssyncadd.s32 $0xFFFFC000  }
0x358: {  	_ =	swait.ge [sflag:s15], $0x4000  }
0x359: {  	[sflag:s15] =	ssyncset.done $0x0  }
0x35a: {  	[sflag:s15] =	ssyncadd.s32 $0xFFFFC000  }
0x35b: {  	_ =	swait.ge [sflag:s15], $0x4000  }
0x35c: {  	[sflag:s15] =	ssyncset.done $0x0  }
0x35d: {  	[sflag:s15] =	ssyncadd.s32 $0xFFFFC000  }
0x35e: {  	_ =	swait.ge [sflag:s15], $0x4000  }
0x35f: {  	[sflag:s15] =	ssyncset.done $0x0  }
0x360: {  	[sflag:s15] =	ssyncadd.s32 $0xFFFFC000  }
0x361: {  	_ =	swait.ge [sflag:s15], $0x4000  }
0x362: {  	s16 =	sld [smem:$0x7A9]  }
0x363: {  	s17 =	sld [smem:$0x7F6];
	_ =	sdelay $0x1  }
0x364: {  	s9 =	sadd.s32 $0x1, s16  }
0x365: {  	p0 =	sne.s32 s9, s17  }
.Ltmp33:
0x366: {  	_ = 	snop;
	(pc) =	sbr.rel @p0 .LBB2_1-.Ltmp33, $3  }
0x367: {  	_ =	sdelay $0x1  }
0x368: {  	[sflag:s15] =	ssyncset.done $0x0  }
0x369: {  	[sflag:s15] =	ssyncadd.s32 $0xFFFFC000  }
0x36a: {  	_ =	sfence.sel $0x180000  }
0x36b: {  	[bflag:$0x0] =	sbarrier.arrive $0xFFFF  }
0x36c: {  	_ =	strace $0x90000047  }
0x36d: {  	s0 =	stileid.u32;
	[bflag:$0x2] =	sbarrier.arrive $0xFFFF  }
0x36e: {  	p0 =	sne.s32 s0, $0x0;
	s0 =	rddreg [dreg:$0x1]  }
0x36f: {  	s0 =	sadd.s32 @!p0 $0x100000, s0  }
0x370: {  	[sflag:s0] =	ssyncadd.tile.s32 @!p0 $0x1;
	_ =	shalt  }
.Lfunc_end2:
_tile_overlayer_lowered:
.L_overlay_start_2:
0x371: {  	(tag) =	ssettag $0x2  }
0x372: {  	s0 =	rddreg [dreg:$0x0];
	s2 =	stileid.u32  }
0x373: {  	s1 =	rddreg [dreg:$0x1];
	p0 =	sne.s32 s2, $0x0  }
0x374: {  	s3 =	rddreg [dreg:$0x2];
	[bflag:$0x3] =	sbarrier.arrive $0xFFFF;
	s2 =	simm.s32 @!p0 $0x1C03  }
0x375: {  	[timem:s3], [sflag:s2] =	dma.local @!p0 [hbm:s0], s1  }
0x376: {  	s0 =	simm.s32 @!p0 $0x3  }
0x377: {  	_ =	swait.ge @!p0 [sflag:s0], s1  }
0x378: {  	s1 =	ssub.s32 @!p0 $0x0, s1;
	[sflag:s0] =	ssyncset.done @!p0 $0x0  }
0x379: {  	[sflag:s0] =	ssyncadd.s32 @!p0 s1  }
0x37a: {  	[bflag:$0x3] =	sbarrier.arrive $0xFFFF  }
0x37b: {  	_ =	shalt  }

</sc_bundles>
